<compile_context>
chip_gen: v7x
topology: tpu7x:2x2x1
jax: 0.10.2.dev20260603
libtpu: 0.0.44.dev20260713+nightly
codegen_flags: <defaults>
</compile_context>

<pallas_src>
import functools

import jax
import jax.numpy as jnp
from jax import lax
from jax.experimental import pallas as pl
from jax.experimental.pallas import tpu as pltpu
from jax.experimental.pallas import tpu_sc as plsc

N = 10000
D = 128
E = 320000

NC = 2
NS = 16
L = 16
NW = NC * NS

CH = 128
CPW = 80
EPW = CPW * CH
CPP = 2 * CPW
CPW0 = 80
BI = 16
NBMAX = max(CPW0, CPP - CPW0) // BI
N_ACC = N + 16
RPW = 632


def _seg_body(z_hbm, src_hbm, dst_hbm, out_hbm,
              sidx, didx, rows0, rows1, acc, sem0, sem1, semi):
    cid = lax.axis_index("c")
    sid = lax.axis_index("s")
    wid = sid * NC + cid

    crow = sid * CPP + cid * CPW0
    pltpu.async_copy(src_hbm.at[pl.ds(crow, BI)], sidx.at[0], semi)
    pltpu.async_copy(dst_hbm.at[pl.ds(crow, BI)], didx.at[0], semi)

    zero = jnp.zeros((L,), jnp.float32)

    def zbody(i, _):
        r = i // (D // L)
        c = i % (D // L)
        rows0[r, pl.ds(c * L, L)] = zero
        return 0

    lax.fori_loop(0, CH * (D // L), zbody, 0)

    rbase = sid * RPW
    for k in range(4):
        pltpu.sync_copy(rows0, acc.at[pl.ds(rbase + k * CH, CH)])

    @pl.when(sid < NS - 1)
    def _():
        pltpu.sync_copy(rows0.at[pl.ds(0, 120)],
                        acc.at[pl.ds(rbase + 4 * CH, 120)])

    @pl.when(sid == NS - 1)
    def _():
        pltpu.sync_copy(rows0.at[pl.ds(0, 8)],
                        acc.at[pl.ds(rbase + 4 * CH, 8)])

    plsc.subcore_barrier()

    nb = jnp.where(cid == 0, CPW0 // BI, (CPP - CPW0) // BI)

    def wait_gather(rbuf, sem):
        pltpu.make_async_copy(z_hbm.at[pl.ds(0, CH)], rbuf, sem).wait()

    def start_gather(sx, j, rbuf, sem):
        pltpu.async_copy(z_hbm.at[sx.at[j]], rbuf, sem)

    pltpu.make_async_copy(src_hbm.at[pl.ds(0, BI)], sidx.at[0], semi).wait()
    pltpu.make_async_copy(dst_hbm.at[pl.ds(0, BI)], didx.at[0], semi).wait()

    for b in range(NBMAX):
        s = b % 2
        sx, dx = sidx.at[s], didx.at[s]

        @pl.when(b < nb)
        def _():
            @pl.when(b + 1 < nb)
            def _():
                nrow = crow + (b + 1) * BI
                pltpu.async_copy(src_hbm.at[pl.ds(nrow, BI)],
                                 sidx.at[1 - s], semi)
                pltpu.async_copy(dst_hbm.at[pl.ds(nrow, BI)],
                                 didx.at[1 - s], semi)

            start_gather(sx, 0, rows0, sem0)

            def body(g, _):
                j0 = 2 * g
                start_gather(sx, j0 + 1, rows1, sem1)
                wait_gather(rows0, sem0)
                pltpu.sync_copy(rows0, acc.at[dx.at[j0]], add=True)

                @pl.when(j0 + 2 < BI)
                def _():
                    start_gather(sx, j0 + 2, rows0, sem0)

                wait_gather(rows1, sem1)
                pltpu.sync_copy(rows1, acc.at[dx.at[j0 + 1]], add=True)
                return 0

            lax.fori_loop(0, BI // 2, body, 0)

            @pl.when(b + 1 < nb)
            def _():
                pltpu.make_async_copy(src_hbm.at[pl.ds(0, BI)],
                                      sidx.at[1 - s], semi).wait()
                pltpu.make_async_copy(dst_hbm.at[pl.ds(0, BI)],
                                      didx.at[1 - s], semi).wait()

    plsc.subcore_barrier()

    for k in range(4):
        pltpu.sync_copy(acc.at[pl.ds(rbase + k * CH, CH)],
                        out_hbm.at[cid, pl.ds(rbase + k * CH, CH)])

    @pl.when(sid < NS - 1)
    def _():
        pltpu.sync_copy(acc.at[pl.ds(rbase + 4 * CH, 120)],
                        out_hbm.at[cid, pl.ds(rbase + 4 * CH, 120)])

    @pl.when(sid == NS - 1)
    def _():
        pltpu.sync_copy(acc.at[pl.ds(rbase + 4 * CH, 8)],
                        out_hbm.at[cid, pl.ds(rbase + 4 * CH, 8)])


def _sc_segsum():
    return pl.kernel(
        _seg_body,
        out_type=jax.ShapeDtypeStruct((NC, N, D), jnp.float32),
        mesh=plsc.VectorSubcoreMesh(core_axis_name="c", subcore_axis_name="s",
                                    num_cores=NC, num_subcores=NS),
        scratch_types=[
            pltpu.VMEM((2, BI, CH), jnp.int32),
            pltpu.VMEM((2, BI, CH), jnp.int32),
            pltpu.VMEM((CH, D), jnp.float32),
            pltpu.VMEM((CH, D), jnp.float32),
            pltpu.VMEM_SHARED((N_ACC, D), jnp.float32),
            pltpu.SemaphoreType.DMA,
            pltpu.SemaphoreType.DMA,
            pltpu.SemaphoreType.DMA,
        ],
    )


def _mm_body(x_ref, w_ref, o_ref):
    o_ref[...] = jnp.dot(x_ref[...], w_ref[...],
                         preferred_element_type=jnp.float32)


def _comb_body(pa_ref, pb_ref, b_ref, w_ref, o_ref):
    h = jnp.maximum(pa_ref[0] + pb_ref[0] + b_ref[...], 0.0)
    o_ref[...] = jnp.dot(h, w_ref[...], preferred_element_type=jnp.float32)


def _comb_final_body(pa_ref, pb_ref, b_ref, w_ref, bf_ref, o_ref):
    h = jnp.maximum(pa_ref[0] + pb_ref[0] + b_ref[...], 0.0)
    o_ref[...] = jnp.dot(h, w_ref[...],
                         preferred_element_type=jnp.float32) + bf_ref[...]


_BLK = 1000
_GRID = N // _BLK


def _tc_matmul(x, w):
    return pl.pallas_call(
        _mm_body,
        grid=(_GRID,),
        in_specs=[pl.BlockSpec((_BLK, D), lambda i: (i, 0)),
                  pl.BlockSpec((D, D), lambda i: (0, 0))],
        out_specs=pl.BlockSpec((_BLK, D), lambda i: (i, 0)),
        out_shape=jax.ShapeDtypeStruct((N, D), jnp.float32),
    )(x, w)


def _tc_combine_matmul(parts, b, w):
    return pl.pallas_call(
        _comb_body,
        grid=(_GRID,),
        in_specs=[pl.BlockSpec((1, _BLK, D), lambda i: (0, i, 0)),
                  pl.BlockSpec((1, _BLK, D), lambda i: (1, i, 0)),
                  pl.BlockSpec((1, D), lambda i: (0, 0)),
                  pl.BlockSpec((D, D), lambda i: (0, 0))],
        out_specs=pl.BlockSpec((_BLK, D), lambda i: (i, 0)),
        out_shape=jax.ShapeDtypeStruct((N, D), jnp.float32),
    )(parts, parts, b.reshape(1, D), w)


def _tc_combine_matmul_final(parts, b, w, bf):
    return pl.pallas_call(
        _comb_final_body,
        grid=(_GRID,),
        in_specs=[pl.BlockSpec((1, _BLK, D), lambda i: (0, i, 0)),
                  pl.BlockSpec((1, _BLK, D), lambda i: (1, i, 0)),
                  pl.BlockSpec((1, D), lambda i: (0, 0)),
                  pl.BlockSpec((D, D), lambda i: (0, 0)),
                  pl.BlockSpec((1, D), lambda i: (0, 0))],
        out_specs=pl.BlockSpec((_BLK, D), lambda i: (i, 0)),
        out_shape=jax.ShapeDtypeStruct((N, D), jnp.float32),
    )(parts, parts, b.reshape(1, D), w, bf.reshape(1, D))


def kernel(features, edge_index, W1, b1, W2, b2, Wf, bf):
    epw_real = E // NW
    npad = EPW - epw_real
    src = edge_index[0].astype(jnp.int32).reshape(NW, epw_real)
    dst = edge_index[1].astype(jnp.int32).reshape(NW, epw_real)
    pad_src = jnp.zeros((NW, npad), jnp.int32)
    pad_dst = jnp.broadcast_to(N + (jnp.arange(npad, dtype=jnp.int32) % 16),
                               (NW, npad))
    src = jnp.concatenate([src, pad_src], axis=1).reshape(NW * CPW, CH)
    dst = jnp.concatenate([dst, pad_dst], axis=1).reshape(NW * CPW, CH)

    z1 = _tc_matmul(features, W1)
    parts1 = _sc_segsum()(z1, src, dst)
    z2 = _tc_combine_matmul(parts1, b1, W2)
    parts2 = _sc_segsum()(z2, src, dst)
    return _tc_combine_matmul_final(parts2, b2, Wf, bf)

# --- scband reference (transcript-rebuilt; emitter-appended) ---
"""Pipeline reference for scband-gcn-35021163331781 (READ-ONLY COPY).

The authoritative reference and input builder live on the scoring server;
editing this copy changes nothing except your own understanding.
"""

import jax, jax.numpy as jnp
import numpy as np

N_NODES = 10000
N_EDGES = 320000
IN_DIM = 128
HIDDEN_DIM = 128
OUT_DIM = 128
NUM_HOPS = 2


def setup_inputs(seed: int = 0) -> dict:
    key = jax.random.key(seed)
    k_feat, k_edge, k1, k2, k3, k4, k5, k6 = jax.random.split(key, 8)
    features = jax.random.normal(k_feat, (N_NODES, IN_DIM), dtype=jnp.float32)
    edge_index = jax.random.randint(k_edge, (2, N_EDGES), 0, N_NODES, dtype=jnp.int64)
    # Layer 0 linear: in_dim -> hidden_dim
    W1 = jax.random.normal(k1, (IN_DIM, HIDDEN_DIM), dtype=jnp.float32) * (1.0 / np.sqrt(IN_DIM))
    b1 = jax.random.normal(k2, (HIDDEN_DIM,), dtype=jnp.float32) * 0.01
    # Layer 1 linear: hidden_dim -> hidden_dim
    W2 = jax.random.normal(k3, (HIDDEN_DIM, HIDDEN_DIM), dtype=jnp.float32) * (1.0 / np.sqrt(HIDDEN_DIM))
    b2 = jax.random.normal(k4, (HIDDEN_DIM,), dtype=jnp.float32) * 0.01
    # Final fc: hidden_dim -> out_dim
    Wf = jax.random.normal(k5, (HIDDEN_DIM, OUT_DIM), dtype=jnp.float32) * (1.0 / np.sqrt(HIDDEN_DIM))
    bf = jax.random.normal(k6, (OUT_DIM,), dtype=jnp.float32) * 0.01
    return {"features": features, "edge_index": edge_index,
            "W1": W1, "b1": b1, "W2": W2, "b2": b2, "Wf": Wf, "bf": bf}


def _gcn_layer(x, src, dst, W, b):
    # DGL: copy_src messages then sum-reduce by destination, then linear
    msgs = jnp.take(x, src, axis=0)                      # gather: [E, d]
    agg = jax.ops.segment_sum(msgs, dst, num_segments=N_NODES)  # scatter-add
    return agg @ W + b


def reference(features, edge_index, W1, b1, W2, b2, Wf, bf):
    src = edge_index[0]
    dst = edge_index[1]
    x = features
    x = jax.nn.relu(_gcn_layer(x, src, dst, W1, b1))
    x = jax.nn.relu(_gcn_layer(x, src, dst, W2, b2))
    logits = x @ Wf + bf
    return logits

if __name__ == "__main__":
    import jax
    _d = setup_inputs()
    print(jax.jit(kernel)(*tuple(_d.values())))

</pallas_src>

<mosaic_0001>
#map = affine_map<(d0, d1) -> (0, 0)>
#map1 = affine_map<(d0, d1) -> (0, 0, 0)>
module attributes {stable_mosaic.version = 14 : i64} {
  func.func @_seg_body(%arg0: i32, %arg1: i32, %arg2: memref<10000x128xf32, #tpu.memory_space<hbm>>, %arg3: memref<2560x128xi32, #tpu.memory_space<hbm>>, %arg4: memref<2560x128xi32, #tpu.memory_space<hbm>>, %arg5: memref<2x10000x128xf32, #tpu.memory_space<hbm>>, %arg6: memref<2x16x128xi32, #tpu.memory_space<vmem>>, %arg7: memref<2x16x128xi32, #tpu.memory_space<vmem>>, %arg8: memref<128x128xf32, #tpu.memory_space<vmem>>, %arg9: memref<128x128xf32, #tpu.memory_space<vmem>>, %arg10: memref<10016x128xf32, #tpu.memory_space<vmem_shared>>, %arg11: memref<!tpu.dma_semaphore, #tpu.memory_space<semaphore_mem>>, %arg12: memref<!tpu.dma_semaphore, #tpu.memory_space<semaphore_mem>>, %arg13: memref<!tpu.dma_semaphore, #tpu.memory_space<semaphore_mem>>) attributes {dimension_semantics = [#tpu.dimension_semantics<core_parallel>, #tpu.dimension_semantics<subcore_parallel>], iteration_bounds = array<i64: 2, 16>, scalar_prefetch = 0 : i64, scratch_operands = 8 : i64, tpu.core_type = #tpu.core_type<sc_vector_subcore>, window_params = [{transform_indices = #map}, {transform_indices = #map}, {transform_indices = #map}, {transform_indices = #map1}]} {
    %mul3A = arith.constant 2 : i32
    %mul3A_0 = arith.muli %arg1, %mul3A : i32
    %add3A = arith.addi %mul3A_0, %arg0 : i32
    %mul3A_1 = arith.constant 160 : i32
    %mul3A_2 = arith.muli %arg1, %mul3A_1 : i32
    %mul3A_3 = arith.constant 80 : i32
    %mul3A_4 = arith.muli %arg0, %mul3A_3 : i32
    %add3A_5 = arith.addi %mul3A_2, %mul3A_4 : i32
    %dma_start3A = arith.constant 0 : i32
    %dma_start3A_6 = arith.constant 0 : i32
    %dma_start3A_7 = arith.constant 0 : i32
    %dma_start3A_8 = tpu.memref_slice %arg6[%dma_start3A, %dma_start3A_6, %dma_start3A_7] : memref<2x16x128xi32, #tpu.memory_space<vmem>> -> memref<1x16x128xi32, #tpu.memory_space<vmem>>
    %dma_start3A_9 = tpu.memref_squeeze %dma_start3A_8 : memref<1x16x128xi32, #tpu.memory_space<vmem>> -> memref<16x128xi32, #tpu.memory_space<vmem>>
    %dma_start3A_10 = arith.constant 0 : i32
    %dma_start3A_11 = tpu.memref_slice %arg3[%add3A_5, %dma_start3A_10] : memref<2560x128xi32, #tpu.memory_space<hbm>> -> memref<16x128xi32, #tpu.memory_space<hbm>>
    %dma_start3A_12 = arith.constant 0 : i32
    %dma_start3A_13 = arith.constant 0 : i32
    %dma_start3A_14 = tpu.memref_slice %arg6[%dma_start3A, %dma_start3A_12, %dma_start3A_13] : memref<2x16x128xi32, #tpu.memory_space<vmem>> -> memref<1x16x128xi32, #tpu.memory_space<vmem>>
    %dma_start3A_15 = tpu.memref_squeeze %dma_start3A_14 : memref<1x16x128xi32, #tpu.memory_space<vmem>> -> memref<16x128xi32, #tpu.memory_space<vmem>>
    %dma_start3A_16 = arith.constant 0 : i32
    %dma_start3A_17 = tpu.memref_slice %arg3[%add3A_5, %dma_start3A_16] : memref<2560x128xi32, #tpu.memory_space<hbm>> -> memref<16x128xi32, #tpu.memory_space<hbm>>
    tpu.enqueue_dma source(%dma_start3A_17 : memref<16x128xi32, #tpu.memory_space<hbm>>) target(%dma_start3A_15 : memref<16x128xi32, #tpu.memory_space<vmem>>) target_semaphore(%arg13 : memref<!tpu.dma_semaphore, #tpu.memory_space<semaphore_mem>>)
    %dma_start3A_18 = arith.constant 0 : i32
    %dma_start3A_19 = arith.constant 0 : i32
    %dma_start3A_20 = arith.constant 0 : i32
    %dma_start3A_21 = tpu.memref_slice %arg7[%dma_start3A_18, %dma_start3A_19, %dma_start3A_20] : memref<2x16x128xi32, #tpu.memory_space<vmem>> -> memref<1x16x128xi32, #tpu.memory_space<vmem>>
    %dma_start3A_22 = tpu.memref_squeeze %dma_start3A_21 : memref<1x16x128xi32, #tpu.memory_space<vmem>> -> memref<16x128xi32, #tpu.memory_space<vmem>>
    %dma_start3A_23 = arith.constant 0 : i32
    %dma_start3A_24 = tpu.memref_slice %arg4[%add3A_5, %dma_start3A_23] : memref<2560x128xi32, #tpu.memory_space<hbm>> -> memref<16x128xi32, #tpu.memory_space<hbm>>
    %dma_start3A_25 = arith.constant 0 : i32
    %dma_start3A_26 = arith.constant 0 : i32
    %dma_start3A_27 = tpu.memref_slice %arg7[%dma_start3A_18, %dma_start3A_25, %dma_start3A_26] : memref<2x16x128xi32, #tpu.memory_space<vmem>> -> memref<1x16x128xi32, #tpu.memory_space<vmem>>
    %dma_start3A_28 = tpu.memref_squeeze %dma_start3A_27 : memref<1x16x128xi32, #tpu.memory_space<vmem>> -> memref<16x128xi32, #tpu.memory_space<vmem>>
    %dma_start3A_29 = arith.constant 0 : i32
    %dma_start3A_30 = tpu.memref_slice %arg4[%add3A_5, %dma_start3A_29] : memref<2560x128xi32, #tpu.memory_space<hbm>> -> memref<16x128xi32, #tpu.memory_space<hbm>>
    tpu.enqueue_dma source(%dma_start3A_30 : memref<16x128xi32, #tpu.memory_space<hbm>>) target(%dma_start3A_28 : memref<16x128xi32, #tpu.memory_space<vmem>>) target_semaphore(%arg13 : memref<!tpu.dma_semaphore, #tpu.memory_space<semaphore_mem>>)
    %broadcast_in_dim3A = arith.constant 0.000000e+00 : f32
    %broadcast_in_dim3A_31 = vector.broadcast %broadcast_in_dim3A : f32 to vector<16xf32>
    %scan3A = arith.constant 0 : i32
    %scan3A_32 = arith.constant 0 : i32
    %scan3A_33 = arith.constant 1024 : i32
    %scan3A_34 = arith.addi %scan3A_32, %scan3A_33 : i32
    %scan3A_35 = arith.constant 1 : i32
    %scan3A_36 = scf.for %scan3A_147 = %scan3A_32 to %scan3A_34 step %scan3A_35 iter_args(%scan3A_148 = %scan3A) -> (i32)  : i32 {
      %jit3A_149 = arith.constant 8 : i32
      %div3A = arith.divsi %scan3A_147, %jit3A_149 : i32
      %sign3A = arith.constant 0 : i32
      %sign3A_150 = arith.cmpi sgt, %scan3A_147, %sign3A : i32
      %sign3A_151 = arith.extui %sign3A_150 : i1 to i32
      %sign3A_152 = arith.constant 0 : i32
      %sign3A_153 = arith.cmpi slt, %scan3A_147, %sign3A_152 : i32
      %sign3A_154 = arith.extui %sign3A_153 : i1 to i32
      %sign3A_155 = arith.subi %sign3A_151, %sign3A_154 : i32
      %sign3A_156 = arith.constant 0 : i32
      %sign3A_157 = arith.cmpi sgt, %jit3A_149, %sign3A_156 : i32
      %sign3A_158 = arith.extui %sign3A_157 : i1 to i32
      %sign3A_159 = arith.constant 0 : i32
      %sign3A_160 = arith.cmpi slt, %jit3A_149, %sign3A_159 : i32
      %sign3A_161 = arith.extui %sign3A_160 : i1 to i32
      %sign3A_162 = arith.subi %sign3A_158, %sign3A_161 : i32
      %ne3A = arith.cmpi ne, %sign3A_155, %sign3A_162 : i32
      %rem3A = arith.remsi %scan3A_147, %jit3A_149 : i32
      %ne3A_163 = arith.constant 0 : i32
      %ne3A_164 = arith.cmpi ne, %rem3A, %ne3A_163 : i32
      %and3A = arith.andi %ne3A, %ne3A_164 : i1
      %sub3A = arith.constant 1 : i32
      %sub3A_165 = arith.subi %div3A, %sub3A : i32
      %select_n3A_166 = arith.select %and3A, %sub3A_165, %div3A : i32
      %jit3A_167 = arith.constant 8 : i32
      %eq3A_168 = arith.constant 0 : i32
      %eq3A_169 = arith.cmpi eq, %jit3A_167, %eq3A_168 : i32
      %jit3A_170 = arith.constant 1 : i32
      %select_n3A_171 = arith.select %eq3A_169, %jit3A_170, %jit3A_167 : i32
      %rem3A_172 = arith.remsi %scan3A_147, %select_n3A_171 : i32
      %ne3A_173 = arith.constant 0 : i32
      %ne3A_174 = arith.cmpi ne, %rem3A_172, %ne3A_173 : i32
      %lt3A_175 = arith.constant 0 : i32
      %lt3A_176 = arith.cmpi slt, %rem3A_172, %lt3A_175 : i32
      %lt3A_177 = arith.constant 0 : i32
      %lt3A_178 = arith.cmpi slt, %select_n3A_171, %lt3A_177 : i32
      %ne3A_179 = arith.xori %lt3A_176, %lt3A_178 : i1
      %and3A_180 = arith.andi %ne3A_179, %ne3A_174 : i1
      %add3A_181 = arith.addi %rem3A_172, %select_n3A_171 : i32
      %select_n3A_182 = arith.select %and3A_180, %add3A_181, %rem3A_172 : i32
      %mul3A_183 = arith.constant 16 : i32
      %mul3A_184 = arith.muli %select_n3A_182, %mul3A_183 : i32
      %swap3A = arith.index_cast %select_n3A_166 : i32 to index
      %swap3A_185 = arith.index_cast %mul3A_184 : i32 to index
      %swap3A_186 = tpu.vector_load %arg8[%swap3A, %swap3A_185] {strides = array<i32>} : memref<128x128xf32, #tpu.memory_space<vmem>>, vector<1x16xf32>,
      %swap3A_187 = vector.shape_cast %swap3A_186 : vector<1x16xf32> to vector<16xf32>
      %swap3A_188 = vector.shape_cast %broadcast_in_dim3A_31 : vector<16xf32> to vector<1x16xf32>
      tpu.vector_store %arg8[%swap3A, %swap3A_185], %swap3A_188 {strides = array<i32>} : memref<128x128xf32, #tpu.memory_space<vmem>>, vector<1x16xf32>,
      %scan3A_189 = arith.constant 0 : i32
      scf.yield %scan3A_189 : i32
    }
    %scan3A_37 = arith.constant 1024 : i32
    %mul3A_38 = arith.constant 632 : i32
    %mul3A_39 = arith.muli %arg1, %mul3A_38 : i32
    %add3A_40 = arith.constant 0 : i32
    %add3A_41 = arith.addi %mul3A_39, %add3A_40 : i32
    "tpu.region"() ({
      %run_scoped3A = tpu.sem_alloc : memref<!tpu.dma_semaphore, #tpu.memory_space<semaphore_mem>>
      %dma_start3A_147 = arith.constant 0 : i32
      %dma_start3A_148 = tpu.memref_slice %arg10[%add3A_41, %dma_start3A_147] : memref<10016x128xf32, #tpu.memory_space<vmem_shared>> -> memref<128x128xf32, #tpu.memory_space<vmem_shared>>
      %dma_start3A_149 = arith.constant 0 : i32
      %dma_start3A_150 = tpu.memref_slice %arg10[%add3A_41, %dma_start3A_149] : memref<10016x128xf32, #tpu.memory_space<vmem_shared>> -> memref<128x128xf32, #tpu.memory_space<vmem_shared>>
      tpu.enqueue_dma source(%arg8 : memref<128x128xf32, #tpu.memory_space<vmem>>) target(%dma_start3A_150 : memref<128x128xf32, #tpu.memory_space<vmem_shared>>) target_semaphore(%run_scoped3A : memref<!tpu.dma_semaphore, #tpu.memory_space<semaphore_mem>>)
      %dma_wait3A_151 = arith.constant 0 : i32
      %dma_wait3A_152 = tpu.memref_slice %arg10[%add3A_41, %dma_wait3A_151] : memref<10016x128xf32, #tpu.memory_space<vmem_shared>> -> memref<128x128xf32, #tpu.memory_space<vmem_shared>>
      %dma_wait3A_153 = arith.constant 0 : i32
      %dma_wait3A_154 = tpu.memref_slice %arg10[%add3A_41, %dma_wait3A_153] : memref<10016x128xf32, #tpu.memory_space<vmem_shared>> -> memref<128x128xf32, #tpu.memory_space<vmem_shared>>
      tpu.wait_dma2 semaphore(%run_scoped3A : memref<!tpu.dma_semaphore, #tpu.memory_space<semaphore_mem>>) src(%arg8 : memref<128x128xf32, #tpu.memory_space<vmem>>) dst(%dma_wait3A_154 : memref<128x128xf32, #tpu.memory_space<vmem_shared>>)
      tpu.yield
    }) : () -> ()
    %add3A_42 = arith.constant 128 : i32
    %add3A_43 = arith.addi %mul3A_39, %add3A_42 : i32
    "tpu.region"() ({
      %run_scoped3A = tpu.sem_alloc : memref<!tpu.dma_semaphore, #tpu.memory_space<semaphore_mem>>
      %dma_start3A_147 = arith.constant 0 : i32
      %dma_start3A_148 = tpu.memref_slice %arg10[%add3A_43, %dma_start3A_147] : memref<10016x128xf32, #tpu.memory_space<vmem_shared>> -> memref<128x128xf32, #tpu.memory_space<vmem_shared>>
      %dma_start3A_149 = arith.constant 0 : i32
      %dma_start3A_150 = tpu.memref_slice %arg10[%add3A_43, %dma_start3A_149] : memref<10016x128xf32, #tpu.memory_space<vmem_shared>> -> memref<128x128xf32, #tpu.memory_space<vmem_shared>>
      tpu.enqueue_dma source(%arg8 : memref<128x128xf32, #tpu.memory_space<vmem>>) target(%dma_start3A_150 : memref<128x128xf32, #tpu.memory_space<vmem_shared>>) target_semaphore(%run_scoped3A : memref<!tpu.dma_semaphore, #tpu.memory_space<semaphore_mem>>)
      %dma_wait3A_151 = arith.constant 0 : i32
      %dma_wait3A_152 = tpu.memref_slice %arg10[%add3A_43, %dma_wait3A_151] : memref<10016x128xf32, #tpu.memory_space<vmem_shared>> -> memref<128x128xf32, #tpu.memory_space<vmem_shared>>
      %dma_wait3A_153 = arith.constant 0 : i32
      %dma_wait3A_154 = tpu.memref_slice %arg10[%add3A_43, %dma_wait3A_153] : memref<10016x128xf32, #tpu.memory_space<vmem_shared>> -> memref<128x128xf32, #tpu.memory_space<vmem_shared>>
      tpu.wait_dma2 semaphore(%run_scoped3A : memref<!tpu.dma_semaphore, #tpu.memory_space<semaphore_mem>>) src(%arg8 : memref<128x128xf32, #tpu.memory_space<vmem>>) dst(%dma_wait3A_154 : memref<128x128xf32, #tpu.memory_space<vmem_shared>>)
      tpu.yield
    }) : () -> ()
    %add3A_44 = arith.constant 256 : i32
    %add3A_45 = arith.addi %mul3A_39, %add3A_44 : i32
    "tpu.region"() ({
      %run_scoped3A = tpu.sem_alloc : memref<!tpu.dma_semaphore, #tpu.memory_space<semaphore_mem>>
      %dma_start3A_147 = arith.constant 0 : i32
      %dma_start3A_148 = tpu.memref_slice %arg10[%add3A_45, %dma_start3A_147] : memref<10016x128xf32, #tpu.memory_space<vmem_shared>> -> memref<128x128xf32, #tpu.memory_space<vmem_shared>>
      %dma_start3A_149 = arith.constant 0 : i32
      %dma_start3A_150 = tpu.memref_slice %arg10[%add3A_45, %dma_start3A_149] : memref<10016x128xf32, #tpu.memory_space<vmem_shared>> -> memref<128x128xf32, #tpu.memory_space<vmem_shared>>
      tpu.enqueue_dma source(%arg8 : memref<128x128xf32, #tpu.memory_space<vmem>>) target(%dma_start3A_150 : memref<128x128xf32, #tpu.memory_space<vmem_shared>>) target_semaphore(%run_scoped3A : memref<!tpu.dma_semaphore, #tpu.memory_space<semaphore_mem>>)
      %dma_wait3A_151 = arith.constant 0 : i32
      %dma_wait3A_152 = tpu.memref_slice %arg10[%add3A_45, %dma_wait3A_151] : memref<10016x128xf32, #tpu.memory_space<vmem_shared>> -> memref<128x128xf32, #tpu.memory_space<vmem_shared>>
      %dma_wait3A_153 = arith.constant 0 : i32
      %dma_wait3A_154 = tpu.memref_slice %arg10[%add3A_45, %dma_wait3A_153] : memref<10016x128xf32, #tpu.memory_space<vmem_shared>> -> memref<128x128xf32, #tpu.memory_space<vmem_shared>>
      tpu.wait_dma2 semaphore(%run_scoped3A : memref<!tpu.dma_semaphore, #tpu.memory_space<semaphore_mem>>) src(%arg8 : memref<128x128xf32, #tpu.memory_space<vmem>>) dst(%dma_wait3A_154 : memref<128x128xf32, #tpu.memory_space<vmem_shared>>)
      tpu.yield
    }) : () -> ()
    %add3A_46 = arith.constant 384 : i32
    %add3A_47 = arith.addi %mul3A_39, %add3A_46 : i32
    "tpu.region"() ({
      %run_scoped3A = tpu.sem_alloc : memref<!tpu.dma_semaphore, #tpu.memory_space<semaphore_mem>>
      %dma_start3A_147 = arith.constant 0 : i32
      %dma_start3A_148 = tpu.memref_slice %arg10[%add3A_47, %dma_start3A_147] : memref<10016x128xf32, #tpu.memory_space<vmem_shared>> -> memref<128x128xf32, #tpu.memory_space<vmem_shared>>
      %dma_start3A_149 = arith.constant 0 : i32
      %dma_start3A_150 = tpu.memref_slice %arg10[%add3A_47, %dma_start3A_149] : memref<10016x128xf32, #tpu.memory_space<vmem_shared>> -> memref<128x128xf32, #tpu.memory_space<vmem_shared>>
      tpu.enqueue_dma source(%arg8 : memref<128x128xf32, #tpu.memory_space<vmem>>) target(%dma_start3A_150 : memref<128x128xf32, #tpu.memory_space<vmem_shared>>) target_semaphore(%run_scoped3A : memref<!tpu.dma_semaphore, #tpu.memory_space<semaphore_mem>>)
      %dma_wait3A_151 = arith.constant 0 : i32
      %dma_wait3A_152 = tpu.memref_slice %arg10[%add3A_47, %dma_wait3A_151] : memref<10016x128xf32, #tpu.memory_space<vmem_shared>> -> memref<128x128xf32, #tpu.memory_space<vmem_shared>>
      %dma_wait3A_153 = arith.constant 0 : i32
      %dma_wait3A_154 = tpu.memref_slice %arg10[%add3A_47, %dma_wait3A_153] : memref<10016x128xf32, #tpu.memory_space<vmem_shared>> -> memref<128x128xf32, #tpu.memory_space<vmem_shared>>
      tpu.wait_dma2 semaphore(%run_scoped3A : memref<!tpu.dma_semaphore, #tpu.memory_space<semaphore_mem>>) src(%arg8 : memref<128x128xf32, #tpu.memory_space<vmem>>) dst(%dma_wait3A_154 : memref<128x128xf32, #tpu.memory_space<vmem_shared>>)
      tpu.yield
    }) : () -> ()
    %lt3A = arith.constant 15 : i32
    %lt3A_48 = arith.cmpi slt, %arg1, %lt3A : i32
    %convert_element_type3A = arith.extui %lt3A_48 : i1 to i32
    %cond3A = arith.constant 0 : i32
    %cond3A_49 = arith.cmpi ne, %convert_element_type3A, %cond3A : i32
    scf.if %cond3A_49 {
      %add3A_147 = arith.constant 512 : i32
      %add3A_148 = arith.addi %mul3A_39, %add3A_147 : i32
      "tpu.region"() ({
        %run_scoped3A = tpu.sem_alloc : memref<!tpu.dma_semaphore, #tpu.memory_space<semaphore_mem>>
        %dma_start3A_149 = arith.constant 0 : i32
        %dma_start3A_150 = arith.constant 0 : i32
        %dma_start3A_151 = tpu.memref_slice %arg8[%dma_start3A_149, %dma_start3A_150] : memref<128x128xf32, #tpu.memory_space<vmem>> -> memref<120x128xf32, #tpu.memory_space<vmem>>
        %dma_start3A_152 = arith.constant 0 : i32
        %dma_start3A_153 = tpu.memref_slice %arg10[%add3A_148, %dma_start3A_152] : memref<10016x128xf32, #tpu.memory_space<vmem_shared>> -> memref<120x128xf32, #tpu.memory_space<vmem_shared>>
        %dma_start3A_154 = arith.constant 0 : i32
        %dma_start3A_155 = tpu.memref_slice %arg10[%add3A_148, %dma_start3A_154] : memref<10016x128xf32, #tpu.memory_space<vmem_shared>> -> memref<120x128xf32, #tpu.memory_space<vmem_shared>>
        %dma_start3A_156 = arith.constant 0 : i32
        %dma_start3A_157 = arith.constant 0 : i32
        %dma_start3A_158 = tpu.memref_slice %arg8[%dma_start3A_156, %dma_start3A_157] : memref<128x128xf32, #tpu.memory_space<vmem>> -> memref<120x128xf32, #tpu.memory_space<vmem>>
        tpu.enqueue_dma source(%dma_start3A_158 : memref<120x128xf32, #tpu.memory_space<vmem>>) target(%dma_start3A_155 : memref<120x128xf32, #tpu.memory_space<vmem_shared>>) target_semaphore(%run_scoped3A : memref<!tpu.dma_semaphore, #tpu.memory_space<semaphore_mem>>)
        %dma_wait3A_159 = arith.constant 0 : i32
        %dma_wait3A_160 = arith.constant 0 : i32
        %dma_wait3A_161 = tpu.memref_slice %arg8[%dma_wait3A_159, %dma_wait3A_160] : memref<128x128xf32, #tpu.memory_space<vmem>> -> memref<120x128xf32, #tpu.memory_space<vmem>>
        %dma_wait3A_162 = arith.constant 0 : i32
        %dma_wait3A_163 = tpu.memref_slice %arg10[%add3A_148, %dma_wait3A_162] : memref<10016x128xf32, #tpu.memory_space<vmem_shared>> -> memref<120x128xf32, #tpu.memory_space<vmem_shared>>
        %dma_wait3A_164 = arith.constant 0 : i32
        %dma_wait3A_165 = tpu.memref_slice %arg10[%add3A_148, %dma_wait3A_164] : memref<10016x128xf32, #tpu.memory_space<vmem_shared>> -> memref<120x128xf32, #tpu.memory_space<vmem_shared>>
        %dma_wait3A_166 = arith.constant 0 : i32
        %dma_wait3A_167 = arith.constant 0 : i32
        %dma_wait3A_168 = tpu.memref_slice %arg8[%dma_wait3A_166, %dma_wait3A_167] : memref<128x128xf32, #tpu.memory_space<vmem>> -> memref<120x128xf32, #tpu.memory_space<vmem>>
        tpu.wait_dma2 semaphore(%run_scoped3A : memref<!tpu.dma_semaphore, #tpu.memory_space<semaphore_mem>>) src(%dma_wait3A_168 : memref<120x128xf32, #tpu.memory_space<vmem>>) dst(%dma_wait3A_165 : memref<120x128xf32, #tpu.memory_space<vmem_shared>>)
        tpu.yield
      }) : () -> ()
    } else {
    }
    %eq3A = arith.constant 15 : i32
    %eq3A_50 = arith.cmpi eq, %arg1, %eq3A : i32
    %convert_element_type3A_51 = arith.extui %eq3A_50 : i1 to i32
    %cond3A_52 = arith.constant 0 : i32
    %cond3A_53 = arith.cmpi ne, %convert_element_type3A_51, %cond3A_52 : i32
    scf.if %cond3A_53 {
      %add3A_147 = arith.constant 512 : i32
      %add3A_148 = arith.addi %mul3A_39, %add3A_147 : i32
      "tpu.region"() ({
        %run_scoped3A = tpu.sem_alloc : memref<!tpu.dma_semaphore, #tpu.memory_space<semaphore_mem>>
        %dma_start3A_149 = arith.constant 0 : i32
        %dma_start3A_150 = arith.constant 0 : i32
        %dma_start3A_151 = tpu.memref_slice %arg8[%dma_start3A_149, %dma_start3A_150] : memref<128x128xf32, #tpu.memory_space<vmem>> -> memref<8x128xf32, #tpu.memory_space<vmem>>
        %dma_start3A_152 = arith.constant 0 : i32
        %dma_start3A_153 = tpu.memref_slice %arg10[%add3A_148, %dma_start3A_152] : memref<10016x128xf32, #tpu.memory_space<vmem_shared>> -> memref<8x128xf32, #tpu.memory_space<vmem_shared>>
        %dma_start3A_154 = arith.constant 0 : i32
        %dma_start3A_155 = tpu.memref_slice %arg10[%add3A_148, %dma_start3A_154] : memref<10016x128xf32, #tpu.memory_space<vmem_shared>> -> memref<8x128xf32, #tpu.memory_space<vmem_shared>>
        %dma_start3A_156 = arith.constant 0 : i32
        %dma_start3A_157 = arith.constant 0 : i32
        %dma_start3A_158 = tpu.memref_slice %arg8[%dma_start3A_156, %dma_start3A_157] : memref<128x128xf32, #tpu.memory_space<vmem>> -> memref<8x128xf32, #tpu.memory_space<vmem>>
        tpu.enqueue_dma source(%dma_start3A_158 : memref<8x128xf32, #tpu.memory_space<vmem>>) target(%dma_start3A_155 : memref<8x128xf32, #tpu.memory_space<vmem_shared>>) target_semaphore(%run_scoped3A : memref<!tpu.dma_semaphore, #tpu.memory_space<semaphore_mem>>)
        %dma_wait3A_159 = arith.constant 0 : i32
        %dma_wait3A_160 = arith.constant 0 : i32
        %dma_wait3A_161 = tpu.memref_slice %arg8[%dma_wait3A_159, %dma_wait3A_160] : memref<128x128xf32, #tpu.memory_space<vmem>> -> memref<8x128xf32, #tpu.memory_space<vmem>>
        %dma_wait3A_162 = arith.constant 0 : i32
        %dma_wait3A_163 = tpu.memref_slice %arg10[%add3A_148, %dma_wait3A_162] : memref<10016x128xf32, #tpu.memory_space<vmem_shared>> -> memref<8x128xf32, #tpu.memory_space<vmem_shared>>
        %dma_wait3A_164 = arith.constant 0 : i32
        %dma_wait3A_165 = tpu.memref_slice %arg10[%add3A_148, %dma_wait3A_164] : memref<10016x128xf32, #tpu.memory_space<vmem_shared>> -> memref<8x128xf32, #tpu.memory_space<vmem_shared>>
        %dma_wait3A_166 = arith.constant 0 : i32
        %dma_wait3A_167 = arith.constant 0 : i32
        %dma_wait3A_168 = tpu.memref_slice %arg8[%dma_wait3A_166, %dma_wait3A_167] : memref<128x128xf32, #tpu.memory_space<vmem>> -> memref<8x128xf32, #tpu.memory_space<vmem>>
        tpu.wait_dma2 semaphore(%run_scoped3A : memref<!tpu.dma_semaphore, #tpu.memory_space<semaphore_mem>>) src(%dma_wait3A_168 : memref<8x128xf32, #tpu.memory_space<vmem>>) dst(%dma_wait3A_165 : memref<8x128xf32, #tpu.memory_space<vmem_shared>>)
        tpu.yield
      }) : () -> ()
    } else {
    }
    %barrier3A = arith.constant 0 : index
    tpu.barrier barrier_id(%barrier3A)
    %eq3A_54 = arith.constant 0 : i32
    %eq3A_55 = arith.cmpi eq, %arg0, %eq3A_54 : i32
    %jit3A = arith.constant 5 : i32
    %jit3A_56 = arith.constant 5 : i32
    %select_n3A = arith.select %eq3A_55, %jit3A, %jit3A_56 : i32
    %dma_wait3A = arith.constant 0 : i32
    %dma_wait3A_57 = arith.constant 0 : i32
    %dma_wait3A_58 = arith.constant 0 : i32
    %dma_wait3A_59 = tpu.memref_slice %arg6[%dma_wait3A, %dma_wait3A_57, %dma_wait3A_58] : memref<2x16x128xi32, #tpu.memory_space<vmem>> -> memref<1x16x128xi32, #tpu.memory_space<vmem>>
    %dma_wait3A_60 = tpu.memref_squeeze %dma_wait3A_59 : memref<1x16x128xi32, #tpu.memory_space<vmem>> -> memref<16x128xi32, #tpu.memory_space<vmem>>
    %dma_wait3A_61 = arith.constant 0 : i32
    %dma_wait3A_62 = arith.constant 0 : i32
    %dma_wait3A_63 = tpu.memref_slice %arg3[%dma_wait3A_61, %dma_wait3A_62] : memref<2560x128xi32, #tpu.memory_space<hbm>> -> memref<16x128xi32, #tpu.memory_space<hbm>>
    %dma_wait3A_64 = arith.constant 0 : i32
    %dma_wait3A_65 = arith.constant 0 : i32
    %dma_wait3A_66 = tpu.memref_slice %arg6[%dma_wait3A, %dma_wait3A_64, %dma_wait3A_65] : memref<2x16x128xi32, #tpu.memory_space<vmem>> -> memref<1x16x128xi32, #tpu.memory_space<vmem>>
    %dma_wait3A_67 = tpu.memref_squeeze %dma_wait3A_66 : memref<1x16x128xi32, #tpu.memory_space<vmem>> -> memref<16x128xi32, #tpu.memory_space<vmem>>
    %dma_wait3A_68 = arith.constant 0 : i32
    %dma_wait3A_69 = arith.constant 0 : i32
    %dma_wait3A_70 = tpu.memref_slice %arg3[%dma_wait3A_68, %dma_wait3A_69] : memref<2560x128xi32, #tpu.memory_space<hbm>> -> memref<16x128xi32, #tpu.memory_space<hbm>>
    tpu.wait_dma2 semaphore(%arg13 : memref<!tpu.dma_semaphore, #tpu.memory_space<semaphore_mem>>) src(%dma_wait3A_70 : memref<16x128xi32, #tpu.memory_space<hbm>>) dst(%dma_wait3A_67 : memref<16x128xi32, #tpu.memory_space<vmem>>)
    %dma_wait3A_71 = arith.constant 0 : i32
    %dma_wait3A_72 = arith.constant 0 : i32
    %dma_wait3A_73 = arith.constant 0 : i32
    %dma_wait3A_74 = tpu.memref_slice %arg7[%dma_wait3A_71, %dma_wait3A_72, %dma_wait3A_73] : memref<2x16x128xi32, #tpu.memory_space<vmem>> -> memref<1x16x128xi32, #tpu.memory_space<vmem>>
    %dma_wait3A_75 = tpu.memref_squeeze %dma_wait3A_74 : memref<1x16x128xi32, #tpu.memory_space<vmem>> -> memref<16x128xi32, #tpu.memory_space<vmem>>
    %dma_wait3A_76 = arith.constant 0 : i32
    %dma_wait3A_77 = arith.constant 0 : i32
    %dma_wait3A_78 = tpu.memref_slice %arg4[%dma_wait3A_76, %dma_wait3A_77] : memref<2560x128xi32, #tpu.memory_space<hbm>> -> memref<16x128xi32, #tpu.memory_space<hbm>>
    %dma_wait3A_79 = arith.constant 0 : i32
    %dma_wait3A_80 = arith.constant 0 : i32
    %dma_wait3A_81 = tpu.memref_slice %arg7[%dma_wait3A_71, %dma_wait3A_79, %dma_wait3A_80] : memref<2x16x128xi32, #tpu.memory_space<vmem>> -> memref<1x16x128xi32, #tpu.memory_space<vmem>>
    %dma_wait3A_82 = tpu.memref_squeeze %dma_wait3A_81 : memref<1x16x128xi32, #tpu.memory_space<vmem>> -> memref<16x128xi32, #tpu.memory_space<vmem>>
    %dma_wait3A_83 = arith.constant 0 : i32
    %dma_wait3A_84 = arith.constant 0 : i32
    %dma_wait3A_85 = tpu.memref_slice %arg4[%dma_wait3A_83, %dma_wait3A_84] : memref<2560x128xi32, #tpu.memory_space<hbm>> -> memref<16x128xi32, #tpu.memory_space<hbm>>
    tpu.wait_dma2 semaphore(%arg13 : memref<!tpu.dma_semaphore, #tpu.memory_space<semaphore_mem>>) src(%dma_wait3A_85 : memref<16x128xi32, #tpu.memory_space<hbm>>) dst(%dma_wait3A_82 : memref<16x128xi32, #tpu.memory_space<vmem>>)
    %gt3A = arith.constant 0 : i32
    %gt3A_86 = arith.cmpi sgt, %select_n3A, %gt3A : i32
    %convert_element_type3A_87 = arith.extui %gt3A_86 : i1 to i32
    %cond3A_88 = arith.constant 0 : i32
    %cond3A_89 = arith.constant 0 : i32
    %cond3A_90 = arith.constant 0 : i32
    %cond3A_91 = arith.cmpi ne, %convert_element_type3A_87, %cond3A_90 : i32
    scf.if %cond3A_91 {
      %gt3A_147 = arith.constant 1 : i32
      %gt3A_148 = arith.cmpi sgt, %select_n3A, %gt3A_147 : i32
      %convert_element_type3A_149 = arith.extui %gt3A_148 : i1 to i32
      %cond3A_150 = arith.constant 0 : i32
      %cond3A_151 = arith.cmpi ne, %convert_element_type3A_149, %cond3A_150 : i32
      scf.if %cond3A_151 {
        %add3A_175 = arith.constant 16 : i32
        %add3A_176 = arith.addi %add3A_5, %add3A_175 : i32
        %dma_start3A_177 = arith.constant 1 : i32
        %dma_start3A_178 = arith.constant 0 : i32
        %dma_start3A_179 = arith.constant 0 : i32
        %dma_start3A_180 = tpu.memref_slice %arg6[%dma_start3A_177, %dma_start3A_178, %dma_start3A_179] : memref<2x16x128xi32, #tpu.memory_space<vmem>> -> memref<1x16x128xi32, #tpu.memory_space<vmem>>
        %dma_start3A_181 = tpu.memref_squeeze %dma_start3A_180 : memref<1x16x128xi32, #tpu.memory_space<vmem>> -> memref<16x128xi32, #tpu.memory_space<vmem>>
        %dma_start3A_182 = arith.constant 0 : i32
        %dma_start3A_183 = tpu.memref_slice %arg3[%add3A_176, %dma_start3A_182] : memref<2560x128xi32, #tpu.memory_space<hbm>> -> memref<16x128xi32, #tpu.memory_space<hbm>>
        %dma_start3A_184 = arith.constant 0 : i32
        %dma_start3A_185 = arith.constant 0 : i32
        %dma_start3A_186 = tpu.memref_slice %arg6[%dma_start3A_177, %dma_start3A_184, %dma_start3A_185] : memref<2x16x128xi32, #tpu.memory_space<vmem>> -> memref<1x16x128xi32, #tpu.memory_space<vmem>>
        %dma_start3A_187 = tpu.memref_squeeze %dma_start3A_186 : memref<1x16x128xi32, #tpu.memory_space<vmem>> -> memref<16x128xi32, #tpu.memory_space<vmem>>
        %dma_start3A_188 = arith.constant 0 : i32
        %dma_start3A_189 = tpu.memref_slice %arg3[%add3A_176, %dma_start3A_188] : memref<2560x128xi32, #tpu.memory_space<hbm>> -> memref<16x128xi32, #tpu.memory_space<hbm>>
        tpu.enqueue_dma source(%dma_start3A_189 : memref<16x128xi32, #tpu.memory_space<hbm>>) target(%dma_start3A_187 : memref<16x128xi32, #tpu.memory_space<vmem>>) target_semaphore(%arg13 : memref<!tpu.dma_semaphore, #tpu.memory_space<semaphore_mem>>)
        %dma_start3A_190 = arith.constant 1 : i32
        %dma_start3A_191 = arith.constant 0 : i32
        %dma_start3A_192 = arith.constant 0 : i32
        %dma_start3A_193 = tpu.memref_slice %arg7[%dma_start3A_190, %dma_start3A_191, %dma_start3A_192] : memref<2x16x128xi32, #tpu.memory_space<vmem>> -> memref<1x16x128xi32, #tpu.memory_space<vmem>>
        %dma_start3A_194 = tpu.memref_squeeze %dma_start3A_193 : memref<1x16x128xi32, #tpu.memory_space<vmem>> -> memref<16x128xi32, #tpu.memory_space<vmem>>
        %dma_start3A_195 = arith.constant 0 : i32
        %dma_start3A_196 = tpu.memref_slice %arg4[%add3A_176, %dma_start3A_195] : memref<2560x128xi32, #tpu.memory_space<hbm>> -> memref<16x128xi32, #tpu.memory_space<hbm>>
        %dma_start3A_197 = arith.constant 0 : i32
        %dma_start3A_198 = arith.constant 0 : i32
        %dma_start3A_199 = tpu.memref_slice %arg7[%dma_start3A_190, %dma_start3A_197, %dma_start3A_198] : memref<2x16x128xi32, #tpu.memory_space<vmem>> -> memref<1x16x128xi32, #tpu.memory_space<vmem>>
        %dma_start3A_200 = tpu.memref_squeeze %dma_start3A_199 : memref<1x16x128xi32, #tpu.memory_space<vmem>> -> memref<16x128xi32, #tpu.memory_space<vmem>>
        %dma_start3A_201 = arith.constant 0 : i32
        %dma_start3A_202 = tpu.memref_slice %arg4[%add3A_176, %dma_start3A_201] : memref<2560x128xi32, #tpu.memory_space<hbm>> -> memref<16x128xi32, #tpu.memory_space<hbm>>
        tpu.enqueue_dma source(%dma_start3A_202 : memref<16x128xi32, #tpu.memory_space<hbm>>) target(%dma_start3A_200 : memref<16x128xi32, #tpu.memory_space<vmem>>) target_semaphore(%arg13 : memref<!tpu.dma_semaphore, #tpu.memory_space<semaphore_mem>>)
      } else {
      }
      %dma_start3A_152 = arith.constant 0 : i32
      %dma_start3A_153 = arith.constant 0 : i32
      %dma_start3A_154 = arith.constant 0 : i32
      %dma_start3A_155 = tpu.memref_slice %arg6[%cond3A_88, %dma_start3A_153, %dma_start3A_154] : memref<2x16x128xi32, #tpu.memory_space<vmem>> -> memref<1x16x128xi32, #tpu.memory_space<vmem>>
      %dma_start3A_156 = tpu.memref_squeeze %dma_start3A_155 : memref<1x16x128xi32, #tpu.memory_space<vmem>> -> memref<16x128xi32, #tpu.memory_space<vmem>>
      %dma_start3A_157 = arith.constant 0 : i32
      %dma_start3A_158 = tpu.memref_slice %dma_start3A_156[%dma_start3A_152, %dma_start3A_157] : memref<16x128xi32, #tpu.memory_space<vmem>> -> memref<1x128xi32, #tpu.memory_space<vmem>>
      %dma_start3A_159 = tpu.memref_squeeze %dma_start3A_158 : memref<1x128xi32, #tpu.memory_space<vmem>> -> memref<128xi32, #tpu.memory_space<vmem>>
      %dma_start3A_160 = arith.constant 0 : i32
      %dma_start3A_161 = arith.constant 0 : i32
      %dma_start3A_162 = tpu.memref_slice %arg2[%dma_start3A_160, %dma_start3A_161] : memref<10000x128xf32, #tpu.memory_space<hbm>> -> memref<10000x128xf32, #tpu.memory_space<hbm>>
      tpu.enqueue_indirect_dma source(%dma_start3A_162 : memref<10000x128xf32, #tpu.memory_space<hbm>>) target(%arg8 : memref<128x128xf32, #tpu.memory_space<vmem>>) offsets(%dma_start3A_159 : memref<128xi32, #tpu.memory_space<vmem>>) semaphore(%arg11 : memref<!tpu.dma_semaphore, #tpu.memory_space<semaphore_mem>>)
      %scan3A_163 = arith.constant 0 : i32
      %scan3A_164 = arith.constant 0 : i32
      %scan3A_165 = arith.constant 8 : i32
      %scan3A_166 = arith.addi %scan3A_164, %scan3A_165 : i32
      %scan3A_167 = arith.constant 1 : i32
      %scan3A_168 = scf.for %scan3A_175 = %scan3A_164 to %scan3A_166 step %scan3A_167 iter_args(%scan3A_176 = %scan3A_163) -> (i32)  : i32 {
        %mul3A_177 = arith.constant 2 : i32
        %mul3A_178 = arith.muli %mul3A_177, %scan3A_175 : i32
        %add3A_179 = arith.constant 1 : i32
        %add3A_180 = arith.addi %mul3A_178, %add3A_179 : i32
        %dma_start3A_181 = arith.constant 0 : i32
        %dma_start3A_182 = arith.constant 0 : i32
        %dma_start3A_183 = tpu.memref_slice %arg6[%cond3A_88, %dma_start3A_181, %dma_start3A_182] : memref<2x16x128xi32, #tpu.memory_space<vmem>> -> memref<1x16x128xi32, #tpu.memory_space<vmem>>
        %dma_start3A_184 = tpu.memref_squeeze %dma_start3A_183 : memref<1x16x128xi32, #tpu.memory_space<vmem>> -> memref<16x128xi32, #tpu.memory_space<vmem>>
        %dma_start3A_185 = arith.constant 0 : i32
        %dma_start3A_186 = tpu.memref_slice %dma_start3A_184[%add3A_180, %dma_start3A_185] : memref<16x128xi32, #tpu.memory_space<vmem>> -> memref<1x128xi32, #tpu.memory_space<vmem>>
        %dma_start3A_187 = tpu.memref_squeeze %dma_start3A_186 : memref<1x128xi32, #tpu.memory_space<vmem>> -> memref<128xi32, #tpu.memory_space<vmem>>
        %dma_start3A_188 = arith.constant 0 : i32
        %dma_start3A_189 = arith.constant 0 : i32
        %dma_start3A_190 = tpu.memref_slice %arg2[%dma_start3A_188, %dma_start3A_189] : memref<10000x128xf32, #tpu.memory_space<hbm>> -> memref<10000x128xf32, #tpu.memory_space<hbm>>
        tpu.enqueue_indirect_dma source(%dma_start3A_190 : memref<10000x128xf32, #tpu.memory_space<hbm>>) target(%arg9 : memref<128x128xf32, #tpu.memory_space<vmem>>) offsets(%dma_start3A_187 : memref<128xi32, #tpu.memory_space<vmem>>) semaphore(%arg12 : memref<!tpu.dma_semaphore, #tpu.memory_space<semaphore_mem>>)
        %dma_wait3A_191 = arith.constant 0 : i32
        %dma_wait3A_192 = arith.constant 0 : i32
        %dma_wait3A_193 = tpu.memref_slice %arg2[%dma_wait3A_191, %dma_wait3A_192] : memref<10000x128xf32, #tpu.memory_space<hbm>> -> memref<128x128xf32, #tpu.memory_space<hbm>>
        %dma_wait3A_194 = arith.constant 0 : i32
        %dma_wait3A_195 = arith.constant 0 : i32
        %dma_wait3A_196 = tpu.memref_slice %arg2[%dma_wait3A_194, %dma_wait3A_195] : memref<10000x128xf32, #tpu.memory_space<hbm>> -> memref<128x128xf32, #tpu.memory_space<hbm>>
        tpu.wait_dma2 semaphore(%arg11 : memref<!tpu.dma_semaphore, #tpu.memory_space<semaphore_mem>>) src(%dma_wait3A_196 : memref<128x128xf32, #tpu.memory_space<hbm>>) dst(%arg8 : memref<128x128xf32, #tpu.memory_space<vmem>>)
        "tpu.region"() ({
          %run_scoped3A = tpu.sem_alloc : memref<!tpu.dma_semaphore, #tpu.memory_space<semaphore_mem>>
          %dma_start3A_213 = arith.constant 0 : i32
          %dma_start3A_214 = arith.constant 0 : i32
          %dma_start3A_215 = tpu.memref_slice %arg7[%cond3A_89, %dma_start3A_213, %dma_start3A_214] : memref<2x16x128xi32, #tpu.memory_space<vmem>> -> memref<1x16x128xi32, #tpu.memory_space<vmem>>
          %dma_start3A_216 = tpu.memref_squeeze %dma_start3A_215 : memref<1x16x128xi32, #tpu.memory_space<vmem>> -> memref<16x128xi32, #tpu.memory_space<vmem>>
          %dma_start3A_217 = arith.constant 0 : i32
          %dma_start3A_218 = tpu.memref_slice %dma_start3A_216[%mul3A_178, %dma_start3A_217] : memref<16x128xi32, #tpu.memory_space<vmem>> -> memref<1x128xi32, #tpu.memory_space<vmem>>
          %dma_start3A_219 = tpu.memref_squeeze %dma_start3A_218 : memref<1x128xi32, #tpu.memory_space<vmem>> -> memref<128xi32, #tpu.memory_space<vmem>>
          %dma_start3A_220 = arith.constant 0 : i32
          %dma_start3A_221 = arith.constant 0 : i32
          %dma_start3A_222 = tpu.memref_slice %arg10[%dma_start3A_220, %dma_start3A_221] : memref<10016x128xf32, #tpu.memory_space<vmem_shared>> -> memref<10016x128xf32, #tpu.memory_space<vmem_shared>>
          tpu.enqueue_indirect_dma source(%arg8 : memref<128x128xf32, #tpu.memory_space<vmem>>) target(%dma_start3A_222 : memref<10016x128xf32, #tpu.memory_space<vmem_shared>>) offsets(%dma_start3A_219 : memref<128xi32, #tpu.memory_space<vmem>>) semaphore(%run_scoped3A : memref<!tpu.dma_semaphore, #tpu.memory_space<semaphore_mem>>) {add = true}
          %dma_wait3A_223 = arith.constant 0 : i32
          %dma_wait3A_224 = arith.constant 0 : i32
          %dma_wait3A_225 = tpu.memref_slice %arg7[%cond3A_89, %dma_wait3A_223, %dma_wait3A_224] : memref<2x16x128xi32, #tpu.memory_space<vmem>> -> memref<1x16x128xi32, #tpu.memory_space<vmem>>
          %dma_wait3A_226 = tpu.memref_squeeze %dma_wait3A_225 : memref<1x16x128xi32, #tpu.memory_space<vmem>> -> memref<16x128xi32, #tpu.memory_space<vmem>>
          %dma_wait3A_227 = arith.constant 0 : i32
          %dma_wait3A_228 = tpu.memref_slice %dma_wait3A_226[%mul3A_178, %dma_wait3A_227] : memref<16x128xi32, #tpu.memory_space<vmem>> -> memref<1x128xi32, #tpu.memory_space<vmem>>
          %dma_wait3A_229 = tpu.memref_squeeze %dma_wait3A_228 : memref<1x128xi32, #tpu.memory_space<vmem>> -> memref<128xi32, #tpu.memory_space<vmem>>
          %dma_wait3A_230 = arith.constant 0 : i32
          %dma_wait3A_231 = arith.constant 0 : i32
          %dma_wait3A_232 = tpu.memref_slice %arg10[%dma_wait3A_230, %dma_wait3A_231] : memref<10016x128xf32, #tpu.memory_space<vmem_shared>> -> memref<10016x128xf32, #tpu.memory_space<vmem_shared>>
          tpu.wait_indirect_dma semaphore(%run_scoped3A : memref<!tpu.dma_semaphore, #tpu.memory_space<semaphore_mem>>) src(%arg8 : memref<128x128xf32, #tpu.memory_space<vmem>>) dst(%dma_wait3A_232 : memref<10016x128xf32, #tpu.memory_space<vmem_shared>>)
          tpu.yield
        }) : () -> ()
        %add3A_197 = arith.constant 2 : i32
        %add3A_198 = arith.addi %mul3A_178, %add3A_197 : i32
        %lt3A_199 = arith.constant 16 : i32
        %lt3A_200 = arith.cmpi slt, %add3A_198, %lt3A_199 : i32
        %convert_element_type3A_201 = arith.extui %lt3A_200 : i1 to i32
        %cond3A_202 = arith.constant 0 : i32
        %cond3A_203 = arith.cmpi ne, %convert_element_type3A_201, %cond3A_202 : i32
        scf.if %cond3A_203 {
          %add3A_213 = arith.constant 2 : i32
          %add3A_214 = arith.addi %mul3A_178, %add3A_213 : i32
          %dma_start3A_215 = arith.constant 0 : i32
          %dma_start3A_216 = arith.constant 0 : i32
          %dma_start3A_217 = tpu.memref_slice %arg6[%cond3A_88, %dma_start3A_215, %dma_start3A_216] : memref<2x16x128xi32, #tpu.memory_space<vmem>> -> memref<1x16x128xi32, #tpu.memory_space<vmem>>
          %dma_start3A_218 = tpu.memref_squeeze %dma_start3A_217 : memref<1x16x128xi32, #tpu.memory_space<vmem>> -> memref<16x128xi32, #tpu.memory_space<vmem>>
          %dma_start3A_219 = arith.constant 0 : i32
          %dma_start3A_220 = tpu.memref_slice %dma_start3A_218[%add3A_214, %dma_start3A_219] : memref<16x128xi32, #tpu.memory_space<vmem>> -> memref<1x128xi32, #tpu.memory_space<vmem>>
          %dma_start3A_221 = tpu.memref_squeeze %dma_start3A_220 : memref<1x128xi32, #tpu.memory_space<vmem>> -> memref<128xi32, #tpu.memory_space<vmem>>
          %dma_start3A_222 = arith.constant 0 : i32
          %dma_start3A_223 = arith.constant 0 : i32
          %dma_start3A_224 = tpu.memref_slice %arg2[%dma_start3A_222, %dma_start3A_223] : memref<10000x128xf32, #tpu.memory_space<hbm>> -> memref<10000x128xf32, #tpu.memory_space<hbm>>
          tpu.enqueue_indirect_dma source(%dma_start3A_224 : memref<10000x128xf32, #tpu.memory_space<hbm>>) target(%arg8 : memref<128x128xf32, #tpu.memory_space<vmem>>) offsets(%dma_start3A_221 : memref<128xi32, #tpu.memory_space<vmem>>) semaphore(%arg11 : memref<!tpu.dma_semaphore, #tpu.memory_space<semaphore_mem>>)
        } else {
        }
        %dma_wait3A_204 = arith.constant 0 : i32
        %dma_wait3A_205 = arith.constant 0 : i32
        %dma_wait3A_206 = tpu.memref_slice %arg2[%dma_wait3A_204, %dma_wait3A_205] : memref<10000x128xf32, #tpu.memory_space<hbm>> -> memref<128x128xf32, #tpu.memory_space<hbm>>
        %dma_wait3A_207 = arith.constant 0 : i32
        %dma_wait3A_208 = arith.constant 0 : i32
        %dma_wait3A_209 = tpu.memref_slice %arg2[%dma_wait3A_207, %dma_wait3A_208] : memref<10000x128xf32, #tpu.memory_space<hbm>> -> memref<128x128xf32, #tpu.memory_space<hbm>>
        tpu.wait_dma2 semaphore(%arg12 : memref<!tpu.dma_semaphore, #tpu.memory_space<semaphore_mem>>) src(%dma_wait3A_209 : memref<128x128xf32, #tpu.memory_space<hbm>>) dst(%arg9 : memref<128x128xf32, #tpu.memory_space<vmem>>)
        %add3A_210 = arith.constant 1 : i32
        %add3A_211 = arith.addi %mul3A_178, %add3A_210 : i32
        "tpu.region"() ({
          %run_scoped3A = tpu.sem_alloc : memref<!tpu.dma_semaphore, #tpu.memory_space<semaphore_mem>>
          %dma_start3A_213 = arith.constant 0 : i32
          %dma_start3A_214 = arith.constant 0 : i32
          %dma_start3A_215 = tpu.memref_slice %arg7[%cond3A_89, %dma_start3A_213, %dma_start3A_214] : memref<2x16x128xi32, #tpu.memory_space<vmem>> -> memref<1x16x128xi32, #tpu.memory_space<vmem>>
          %dma_start3A_216 = tpu.memref_squeeze %dma_start3A_215 : memref<1x16x128xi32, #tpu.memory_space<vmem>> -> memref<16x128xi32, #tpu.memory_space<vmem>>
          %dma_start3A_217 = arith.constant 0 : i32
          %dma_start3A_218 = tpu.memref_slice %dma_start3A_216[%add3A_211, %dma_start3A_217] : memref<16x128xi32, #tpu.memory_space<vmem>> -> memref<1x128xi32, #tpu.memory_space<vmem>>
          %dma_start3A_219 = tpu.memref_squeeze %dma_start3A_218 : memref<1x128xi32, #tpu.memory_space<vmem>> -> memref<128xi32, #tpu.memory_space<vmem>>
          %dma_start3A_220 = arith.constant 0 : i32
          %dma_start3A_221 = arith.constant 0 : i32
          %dma_start3A_222 = tpu.memref_slice %arg10[%dma_start3A_220, %dma_start3A_221] : memref<10016x128xf32, #tpu.memory_space<vmem_shared>> -> memref<10016x128xf32, #tpu.memory_space<vmem_shared>>
          tpu.enqueue_indirect_dma source(%arg9 : memref<128x128xf32, #tpu.memory_space<vmem>>) target(%dma_start3A_222 : memref<10016x128xf32, #tpu.memory_space<vmem_shared>>) offsets(%dma_start3A_219 : memref<128xi32, #tpu.memory_space<vmem>>) semaphore(%run_scoped3A : memref<!tpu.dma_semaphore, #tpu.memory_space<semaphore_mem>>) {add = true}
          %dma_wait3A_223 = arith.constant 0 : i32
          %dma_wait3A_224 = arith.constant 0 : i32
          %dma_wait3A_225 = tpu.memref_slice %arg7[%cond3A_89, %dma_wait3A_223, %dma_wait3A_224] : memref<2x16x128xi32, #tpu.memory_space<vmem>> -> memref<1x16x128xi32, #tpu.memory_space<vmem>>
          %dma_wait3A_226 = tpu.memref_squeeze %dma_wait3A_225 : memref<1x16x128xi32, #tpu.memory_space<vmem>> -> memref<16x128xi32, #tpu.memory_space<vmem>>
          %dma_wait3A_227 = arith.constant 0 : i32
          %dma_wait3A_228 = tpu.memref_slice %dma_wait3A_226[%add3A_211, %dma_wait3A_227] : memref<16x128xi32, #tpu.memory_space<vmem>> -> memref<1x128xi32, #tpu.memory_space<vmem>>
          %dma_wait3A_229 = tpu.memref_squeeze %dma_wait3A_228 : memref<1x128xi32, #tpu.memory_space<vmem>> -> memref<128xi32, #tpu.memory_space<vmem>>
          %dma_wait3A_230 = arith.constant 0 : i32
          %dma_wait3A_231 = arith.constant 0 : i32
          %dma_wait3A_232 = tpu.memref_slice %arg10[%dma_wait3A_230, %dma_wait3A_231] : memref<10016x128xf32, #tpu.memory_space<vmem_shared>> -> memref<10016x128xf32, #tpu.memory_space<vmem_shared>>
          tpu.wait_indirect_dma semaphore(%run_scoped3A : memref<!tpu.dma_semaphore, #tpu.memory_space<semaphore_mem>>) src(%arg9 : memref<128x128xf32, #tpu.memory_space<vmem>>) dst(%dma_wait3A_232 : memref<10016x128xf32, #tpu.memory_space<vmem_shared>>)
          tpu.yield
        }) : () -> ()
        %scan3A_212 = arith.constant 0 : i32
        scf.yield %scan3A_212 : i32
      }
      %scan3A_169 = arith.constant 8 : i32
      %gt3A_170 = arith.constant 1 : i32
      %gt3A_171 = arith.cmpi sgt, %select_n3A, %gt3A_170 : i32
      %convert_element_type3A_172 = arith.extui %gt3A_171 : i1 to i32
      %cond3A_173 = arith.constant 0 : i32
      %cond3A_174 = arith.cmpi ne, %convert_element_type3A_172, %cond3A_173 : i32
      scf.if %cond3A_174 {
        %dma_wait3A_175 = arith.constant 1 : i32
        %dma_wait3A_176 = arith.constant 0 : i32
        %dma_wait3A_177 = arith.constant 0 : i32
        %dma_wait3A_178 = tpu.memref_slice %arg6[%dma_wait3A_175, %dma_wait3A_176, %dma_wait3A_177] : memref<2x16x128xi32, #tpu.memory_space<vmem>> -> memref<1x16x128xi32, #tpu.memory_space<vmem>>
        %dma_wait3A_179 = tpu.memref_squeeze %dma_wait3A_178 : memref<1x16x128xi32, #tpu.memory_space<vmem>> -> memref<16x128xi32, #tpu.memory_space<vmem>>
        %dma_wait3A_180 = arith.constant 0 : i32
        %dma_wait3A_181 = arith.constant 0 : i32
        %dma_wait3A_182 = tpu.memref_slice %arg3[%dma_wait3A_180, %dma_wait3A_181] : memref<2560x128xi32, #tpu.memory_space<hbm>> -> memref<16x128xi32, #tpu.memory_space<hbm>>
        %dma_wait3A_183 = arith.constant 0 : i32
        %dma_wait3A_184 = arith.constant 0 : i32
        %dma_wait3A_185 = tpu.memref_slice %arg6[%dma_wait3A_175, %dma_wait3A_183, %dma_wait3A_184] : memref<2x16x128xi32, #tpu.memory_space<vmem>> -> memref<1x16x128xi32, #tpu.memory_space<vmem>>
        %dma_wait3A_186 = tpu.memref_squeeze %dma_wait3A_185 : memref<1x16x128xi32, #tpu.memory_space<vmem>> -> memref<16x128xi32, #tpu.memory_space<vmem>>
        %dma_wait3A_187 = arith.constant 0 : i32
        %dma_wait3A_188 = arith.constant 0 : i32
        %dma_wait3A_189 = tpu.memref_slice %arg3[%dma_wait3A_187, %dma_wait3A_188] : memref<2560x128xi32, #tpu.memory_space<hbm>> -> memref<16x128xi32, #tpu.memory_space<hbm>>
        tpu.wait_dma2 semaphore(%arg13 : memref<!tpu.dma_semaphore, #tpu.memory_space<semaphore_mem>>) src(%dma_wait3A_189 : memref<16x128xi32, #tpu.memory_space<hbm>>) dst(%dma_wait3A_186 : memref<16x128xi32, #tpu.memory_space<vmem>>)
        %dma_wait3A_190 = arith.constant 1 : i32
        %dma_wait3A_191 = arith.constant 0 : i32
        %dma_wait3A_192 = arith.constant 0 : i32
        %dma_wait3A_193 = tpu.memref_slice %arg7[%dma_wait3A_190, %dma_wait3A_191, %dma_wait3A_192] : memref<2x16x128xi32, #tpu.memory_space<vmem>> -> memref<1x16x128xi32, #tpu.memory_space<vmem>>
        %dma_wait3A_194 = tpu.memref_squeeze %dma_wait3A_193 : memref<1x16x128xi32, #tpu.memory_space<vmem>> -> memref<16x128xi32, #tpu.memory_space<vmem>>
        %dma_wait3A_195 = arith.constant 0 : i32
        %dma_wait3A_196 = arith.constant 0 : i32
        %dma_wait3A_197 = tpu.memref_slice %arg4[%dma_wait3A_195, %dma_wait3A_196] : memref<2560x128xi32, #tpu.memory_space<hbm>> -> memref<16x128xi32, #tpu.memory_space<hbm>>
        %dma_wait3A_198 = arith.constant 0 : i32
        %dma_wait3A_199 = arith.constant 0 : i32
        %dma_wait3A_200 = tpu.memref_slice %arg7[%dma_wait3A_190, %dma_wait3A_198, %dma_wait3A_199] : memref<2x16x128xi32, #tpu.memory_space<vmem>> -> memref<1x16x128xi32, #tpu.memory_space<vmem>>
        %dma_wait3A_201 = tpu.memref_squeeze %dma_wait3A_200 : memref<1x16x128xi32, #tpu.memory_space<vmem>> -> memref<16x128xi32, #tpu.memory_space<vmem>>
        %dma_wait3A_202 = arith.constant 0 : i32
        %dma_wait3A_203 = arith.constant 0 : i32
        %dma_wait3A_204 = tpu.memref_slice %arg4[%dma_wait3A_202, %dma_wait3A_203] : memref<2560x128xi32, #tpu.memory_space<hbm>> -> memref<16x128xi32, #tpu.memory_space<hbm>>
        tpu.wait_dma2 semaphore(%arg13 : memref<!tpu.dma_semaphore, #tpu.memory_space<semaphore_mem>>) src(%dma_wait3A_204 : memref<16x128xi32, #tpu.memory_space<hbm>>) dst(%dma_wait3A_201 : memref<16x128xi32, #tpu.memory_space<vmem>>)
      } else {
      }
    } else {
    }
    %gt3A_92 = arith.constant 1 : i32
    %gt3A_93 = arith.cmpi sgt, %select_n3A, %gt3A_92 : i32
    %convert_element_type3A_94 = arith.extui %gt3A_93 : i1 to i32
    %cond3A_95 = arith.constant 1 : i32
    %cond3A_96 = arith.constant 1 : i32
    %cond3A_97 = arith.constant 0 : i32
    %cond3A_98 = arith.cmpi ne, %convert_element_type3A_94, %cond3A_97 : i32
    scf.if %cond3A_98 {
      %gt3A_147 = arith.constant 2 : i32
      %gt3A_148 = arith.cmpi sgt, %select_n3A, %gt3A_147 : i32
      %convert_element_type3A_149 = arith.extui %gt3A_148 : i1 to i32
      %cond3A_150 = arith.constant 0 : i32
      %cond3A_151 = arith.cmpi ne, %convert_element_type3A_149, %cond3A_150 : i32
      scf.if %cond3A_151 {
        %add3A_175 = arith.constant 32 : i32
        %add3A_176 = arith.addi %add3A_5, %add3A_175 : i32
        %dma_start3A_177 = arith.constant 0 : i32
        %dma_start3A_178 = arith.constant 0 : i32
        %dma_start3A_179 = arith.constant 0 : i32
        %dma_start3A_180 = tpu.memref_slice %arg6[%dma_start3A_177, %dma_start3A_178, %dma_start3A_179] : memref<2x16x128xi32, #tpu.memory_space<vmem>> -> memref<1x16x128xi32, #tpu.memory_space<vmem>>
        %dma_start3A_181 = tpu.memref_squeeze %dma_start3A_180 : memref<1x16x128xi32, #tpu.memory_space<vmem>> -> memref<16x128xi32, #tpu.memory_space<vmem>>
        %dma_start3A_182 = arith.constant 0 : i32
        %dma_start3A_183 = tpu.memref_slice %arg3[%add3A_176, %dma_start3A_182] : memref<2560x128xi32, #tpu.memory_space<hbm>> -> memref<16x128xi32, #tpu.memory_space<hbm>>
        %dma_start3A_184 = arith.constant 0 : i32
        %dma_start3A_185 = arith.constant 0 : i32
        %dma_start3A_186 = tpu.memref_slice %arg6[%dma_start3A_177, %dma_start3A_184, %dma_start3A_185] : memref<2x16x128xi32, #tpu.memory_space<vmem>> -> memref<1x16x128xi32, #tpu.memory_space<vmem>>
        %dma_start3A_187 = tpu.memref_squeeze %dma_start3A_186 : memref<1x16x128xi32, #tpu.memory_space<vmem>> -> memref<16x128xi32, #tpu.memory_space<vmem>>
        %dma_start3A_188 = arith.constant 0 : i32
        %dma_start3A_189 = tpu.memref_slice %arg3[%add3A_176, %dma_start3A_188] : memref<2560x128xi32, #tpu.memory_space<hbm>> -> memref<16x128xi32, #tpu.memory_space<hbm>>
        tpu.enqueue_dma source(%dma_start3A_189 : memref<16x128xi32, #tpu.memory_space<hbm>>) target(%dma_start3A_187 : memref<16x128xi32, #tpu.memory_space<vmem>>) target_semaphore(%arg13 : memref<!tpu.dma_semaphore, #tpu.memory_space<semaphore_mem>>)
        %dma_start3A_190 = arith.constant 0 : i32
        %dma_start3A_191 = arith.constant 0 : i32
        %dma_start3A_192 = arith.constant 0 : i32
        %dma_start3A_193 = tpu.memref_slice %arg7[%dma_start3A_190, %dma_start3A_191, %dma_start3A_192] : memref<2x16x128xi32, #tpu.memory_space<vmem>> -> memref<1x16x128xi32, #tpu.memory_space<vmem>>
        %dma_start3A_194 = tpu.memref_squeeze %dma_start3A_193 : memref<1x16x128xi32, #tpu.memory_space<vmem>> -> memref<16x128xi32, #tpu.memory_space<vmem>>
        %dma_start3A_195 = arith.constant 0 : i32
        %dma_start3A_196 = tpu.memref_slice %arg4[%add3A_176, %dma_start3A_195] : memref<2560x128xi32, #tpu.memory_space<hbm>> -> memref<16x128xi32, #tpu.memory_space<hbm>>
        %dma_start3A_197 = arith.constant 0 : i32
        %dma_start3A_198 = arith.constant 0 : i32
        %dma_start3A_199 = tpu.memref_slice %arg7[%dma_start3A_190, %dma_start3A_197, %dma_start3A_198] : memref<2x16x128xi32, #tpu.memory_space<vmem>> -> memref<1x16x128xi32, #tpu.memory_space<vmem>>
        %dma_start3A_200 = tpu.memref_squeeze %dma_start3A_199 : memref<1x16x128xi32, #tpu.memory_space<vmem>> -> memref<16x128xi32, #tpu.memory_space<vmem>>
        %dma_start3A_201 = arith.constant 0 : i32
        %dma_start3A_202 = tpu.memref_slice %arg4[%add3A_176, %dma_start3A_201] : memref<2560x128xi32, #tpu.memory_space<hbm>> -> memref<16x128xi32, #tpu.memory_space<hbm>>
        tpu.enqueue_dma source(%dma_start3A_202 : memref<16x128xi32, #tpu.memory_space<hbm>>) target(%dma_start3A_200 : memref<16x128xi32, #tpu.memory_space<vmem>>) target_semaphore(%arg13 : memref<!tpu.dma_semaphore, #tpu.memory_space<semaphore_mem>>)
      } else {
      }
      %dma_start3A_152 = arith.constant 0 : i32
      %dma_start3A_153 = arith.constant 0 : i32
      %dma_start3A_154 = arith.constant 0 : i32
      %dma_start3A_155 = tpu.memref_slice %arg6[%cond3A_95, %dma_start3A_153, %dma_start3A_154] : memref<2x16x128xi32, #tpu.memory_space<vmem>> -> memref<1x16x128xi32, #tpu.memory_space<vmem>>
      %dma_start3A_156 = tpu.memref_squeeze %dma_start3A_155 : memref<1x16x128xi32, #tpu.memory_space<vmem>> -> memref<16x128xi32, #tpu.memory_space<vmem>>
      %dma_start3A_157 = arith.constant 0 : i32
      %dma_start3A_158 = tpu.memref_slice %dma_start3A_156[%dma_start3A_152, %dma_start3A_157] : memref<16x128xi32, #tpu.memory_space<vmem>> -> memref<1x128xi32, #tpu.memory_space<vmem>>
      %dma_start3A_159 = tpu.memref_squeeze %dma_start3A_158 : memref<1x128xi32, #tpu.memory_space<vmem>> -> memref<128xi32, #tpu.memory_space<vmem>>
      %dma_start3A_160 = arith.constant 0 : i32
      %dma_start3A_161 = arith.constant 0 : i32
      %dma_start3A_162 = tpu.memref_slice %arg2[%dma_start3A_160, %dma_start3A_161] : memref<10000x128xf32, #tpu.memory_space<hbm>> -> memref<10000x128xf32, #tpu.memory_space<hbm>>
      tpu.enqueue_indirect_dma source(%dma_start3A_162 : memref<10000x128xf32, #tpu.memory_space<hbm>>) target(%arg8 : memref<128x128xf32, #tpu.memory_space<vmem>>) offsets(%dma_start3A_159 : memref<128xi32, #tpu.memory_space<vmem>>) semaphore(%arg11 : memref<!tpu.dma_semaphore, #tpu.memory_space<semaphore_mem>>)
      %scan3A_163 = arith.constant 0 : i32
      %scan3A_164 = arith.constant 0 : i32
      %scan3A_165 = arith.constant 8 : i32
      %scan3A_166 = arith.addi %scan3A_164, %scan3A_165 : i32
      %scan3A_167 = arith.constant 1 : i32
      %scan3A_168 = scf.for %scan3A_175 = %scan3A_164 to %scan3A_166 step %scan3A_167 iter_args(%scan3A_176 = %scan3A_163) -> (i32)  : i32 {
        %mul3A_177 = arith.constant 2 : i32
        %mul3A_178 = arith.muli %mul3A_177, %scan3A_175 : i32
        %add3A_179 = arith.constant 1 : i32
        %add3A_180 = arith.addi %mul3A_178, %add3A_179 : i32
        %dma_start3A_181 = arith.constant 0 : i32
        %dma_start3A_182 = arith.constant 0 : i32
        %dma_start3A_183 = tpu.memref_slice %arg6[%cond3A_95, %dma_start3A_181, %dma_start3A_182] : memref<2x16x128xi32, #tpu.memory_space<vmem>> -> memref<1x16x128xi32, #tpu.memory_space<vmem>>
        %dma_start3A_184 = tpu.memref_squeeze %dma_start3A_183 : memref<1x16x128xi32, #tpu.memory_space<vmem>> -> memref<16x128xi32, #tpu.memory_space<vmem>>
        %dma_start3A_185 = arith.constant 0 : i32
        %dma_start3A_186 = tpu.memref_slice %dma_start3A_184[%add3A_180, %dma_start3A_185] : memref<16x128xi32, #tpu.memory_space<vmem>> -> memref<1x128xi32, #tpu.memory_space<vmem>>
        %dma_start3A_187 = tpu.memref_squeeze %dma_start3A_186 : memref<1x128xi32, #tpu.memory_space<vmem>> -> memref<128xi32, #tpu.memory_space<vmem>>
        %dma_start3A_188 = arith.constant 0 : i32
        %dma_start3A_189 = arith.constant 0 : i32
        %dma_start3A_190 = tpu.memref_slice %arg2[%dma_start3A_188, %dma_start3A_189] : memref<10000x128xf32, #tpu.memory_space<hbm>> -> memref<10000x128xf32, #tpu.memory_space<hbm>>
        tpu.enqueue_indirect_dma source(%dma_start3A_190 : memref<10000x128xf32, #tpu.memory_space<hbm>>) target(%arg9 : memref<128x128xf32, #tpu.memory_space<vmem>>) offsets(%dma_start3A_187 : memref<128xi32, #tpu.memory_space<vmem>>) semaphore(%arg12 : memref<!tpu.dma_semaphore, #tpu.memory_space<semaphore_mem>>)
        %dma_wait3A_191 = arith.constant 0 : i32
        %dma_wait3A_192 = arith.constant 0 : i32
        %dma_wait3A_193 = tpu.memref_slice %arg2[%dma_wait3A_191, %dma_wait3A_192] : memref<10000x128xf32, #tpu.memory_space<hbm>> -> memref<128x128xf32, #tpu.memory_space<hbm>>
        %dma_wait3A_194 = arith.constant 0 : i32
        %dma_wait3A_195 = arith.constant 0 : i32
        %dma_wait3A_196 = tpu.memref_slice %arg2[%dma_wait3A_194, %dma_wait3A_195] : memref<10000x128xf32, #tpu.memory_space<hbm>> -> memref<128x128xf32, #tpu.memory_space<hbm>>
        tpu.wait_dma2 semaphore(%arg11 : memref<!tpu.dma_semaphore, #tpu.memory_space<semaphore_mem>>) src(%dma_wait3A_196 : memref<128x128xf32, #tpu.memory_space<hbm>>) dst(%arg8 : memref<128x128xf32, #tpu.memory_space<vmem>>)
        "tpu.region"() ({
          %run_scoped3A = tpu.sem_alloc : memref<!tpu.dma_semaphore, #tpu.memory_space<semaphore_mem>>
          %dma_start3A_213 = arith.constant 0 : i32
          %dma_start3A_214 = arith.constant 0 : i32
          %dma_start3A_215 = tpu.memref_slice %arg7[%cond3A_96, %dma_start3A_213, %dma_start3A_214] : memref<2x16x128xi32, #tpu.memory_space<vmem>> -> memref<1x16x128xi32, #tpu.memory_space<vmem>>
          %dma_start3A_216 = tpu.memref_squeeze %dma_start3A_215 : memref<1x16x128xi32, #tpu.memory_space<vmem>> -> memref<16x128xi32, #tpu.memory_space<vmem>>
          %dma_start3A_217 = arith.constant 0 : i32
          %dma_start3A_218 = tpu.memref_slice %dma_start3A_216[%mul3A_178, %dma_start3A_217] : memref<16x128xi32, #tpu.memory_space<vmem>> -> memref<1x128xi32, #tpu.memory_space<vmem>>
          %dma_start3A_219 = tpu.memref_squeeze %dma_start3A_218 : memref<1x128xi32, #tpu.memory_space<vmem>> -> memref<128xi32, #tpu.memory_space<vmem>>
          %dma_start3A_220 = arith.constant 0 : i32
          %dma_start3A_221 = arith.constant 0 : i32
          %dma_start3A_222 = tpu.memref_slice %arg10[%dma_start3A_220, %dma_start3A_221] : memref<10016x128xf32, #tpu.memory_space<vmem_shared>> -> memref<10016x128xf32, #tpu.memory_space<vmem_shared>>
          tpu.enqueue_indirect_dma source(%arg8 : memref<128x128xf32, #tpu.memory_space<vmem>>) target(%dma_start3A_222 : memref<10016x128xf32, #tpu.memory_space<vmem_shared>>) offsets(%dma_start3A_219 : memref<128xi32, #tpu.memory_space<vmem>>) semaphore(%run_scoped3A : memref<!tpu.dma_semaphore, #tpu.memory_space<semaphore_mem>>) {add = true}
          %dma_wait3A_223 = arith.constant 0 : i32
          %dma_wait3A_224 = arith.constant 0 : i32
          %dma_wait3A_225 = tpu.memref_slice %arg7[%cond3A_96, %dma_wait3A_223, %dma_wait3A_224] : memref<2x16x128xi32, #tpu.memory_space<vmem>> -> memref<1x16x128xi32, #tpu.memory_space<vmem>>
          %dma_wait3A_226 = tpu.memref_squeeze %dma_wait3A_225 : memref<1x16x128xi32, #tpu.memory_space<vmem>> -> memref<16x128xi32, #tpu.memory_space<vmem>>
          %dma_wait3A_227 = arith.constant 0 : i32
          %dma_wait3A_228 = tpu.memref_slice %dma_wait3A_226[%mul3A_178, %dma_wait3A_227] : memref<16x128xi32, #tpu.memory_space<vmem>> -> memref<1x128xi32, #tpu.memory_space<vmem>>
          %dma_wait3A_229 = tpu.memref_squeeze %dma_wait3A_228 : memref<1x128xi32, #tpu.memory_space<vmem>> -> memref<128xi32, #tpu.memory_space<vmem>>
          %dma_wait3A_230 = arith.constant 0 : i32
          %dma_wait3A_231 = arith.constant 0 : i32
          %dma_wait3A_232 = tpu.memref_slice %arg10[%dma_wait3A_230, %dma_wait3A_231] : memref<10016x128xf32, #tpu.memory_space<vmem_shared>> -> memref<10016x128xf32, #tpu.memory_space<vmem_shared>>
          tpu.wait_indirect_dma semaphore(%run_scoped3A : memref<!tpu.dma_semaphore, #tpu.memory_space<semaphore_mem>>) src(%arg8 : memref<128x128xf32, #tpu.memory_space<vmem>>) dst(%dma_wait3A_232 : memref<10016x128xf32, #tpu.memory_space<vmem_shared>>)
          tpu.yield
        }) : () -> ()
        %add3A_197 = arith.constant 2 : i32
        %add3A_198 = arith.addi %mul3A_178, %add3A_197 : i32
        %lt3A_199 = arith.constant 16 : i32
        %lt3A_200 = arith.cmpi slt, %add3A_198, %lt3A_199 : i32
        %convert_element_type3A_201 = arith.extui %lt3A_200 : i1 to i32
        %cond3A_202 = arith.constant 0 : i32
        %cond3A_203 = arith.cmpi ne, %convert_element_type3A_201, %cond3A_202 : i32
        scf.if %cond3A_203 {
          %add3A_213 = arith.constant 2 : i32
          %add3A_214 = arith.addi %mul3A_178, %add3A_213 : i32
          %dma_start3A_215 = arith.constant 0 : i32
          %dma_start3A_216 = arith.constant 0 : i32
          %dma_start3A_217 = tpu.memref_slice %arg6[%cond3A_95, %dma_start3A_215, %dma_start3A_216] : memref<2x16x128xi32, #tpu.memory_space<vmem>> -> memref<1x16x128xi32, #tpu.memory_space<vmem>>
          %dma_start3A_218 = tpu.memref_squeeze %dma_start3A_217 : memref<1x16x128xi32, #tpu.memory_space<vmem>> -> memref<16x128xi32, #tpu.memory_space<vmem>>
          %dma_start3A_219 = arith.constant 0 : i32
          %dma_start3A_220 = tpu.memref_slice %dma_start3A_218[%add3A_214, %dma_start3A_219] : memref<16x128xi32, #tpu.memory_space<vmem>> -> memref<1x128xi32, #tpu.memory_space<vmem>>
          %dma_start3A_221 = tpu.memref_squeeze %dma_start3A_220 : memref<1x128xi32, #tpu.memory_space<vmem>> -> memref<128xi32, #tpu.memory_space<vmem>>
          %dma_start3A_222 = arith.constant 0 : i32
          %dma_start3A_223 = arith.constant 0 : i32
          %dma_start3A_224 = tpu.memref_slice %arg2[%dma_start3A_222, %dma_start3A_223] : memref<10000x128xf32, #tpu.memory_space<hbm>> -> memref<10000x128xf32, #tpu.memory_space<hbm>>
          tpu.enqueue_indirect_dma source(%dma_start3A_224 : memref<10000x128xf32, #tpu.memory_space<hbm>>) target(%arg8 : memref<128x128xf32, #tpu.memory_space<vmem>>) offsets(%dma_start3A_221 : memref<128xi32, #tpu.memory_space<vmem>>) semaphore(%arg11 : memref<!tpu.dma_semaphore, #tpu.memory_space<semaphore_mem>>)
        } else {
        }
        %dma_wait3A_204 = arith.constant 0 : i32
        %dma_wait3A_205 = arith.constant 0 : i32
        %dma_wait3A_206 = tpu.memref_slice %arg2[%dma_wait3A_204, %dma_wait3A_205] : memref<10000x128xf32, #tpu.memory_space<hbm>> -> memref<128x128xf32, #tpu.memory_space<hbm>>
        %dma_wait3A_207 = arith.constant 0 : i32
        %dma_wait3A_208 = arith.constant 0 : i32
        %dma_wait3A_209 = tpu.memref_slice %arg2[%dma_wait3A_207, %dma_wait3A_208] : memref<10000x128xf32, #tpu.memory_space<hbm>> -> memref<128x128xf32, #tpu.memory_space<hbm>>
        tpu.wait_dma2 semaphore(%arg12 : memref<!tpu.dma_semaphore, #tpu.memory_space<semaphore_mem>>) src(%dma_wait3A_209 : memref<128x128xf32, #tpu.memory_space<hbm>>) dst(%arg9 : memref<128x128xf32, #tpu.memory_space<vmem>>)
        %add3A_210 = arith.constant 1 : i32
        %add3A_211 = arith.addi %mul3A_178, %add3A_210 : i32
        "tpu.region"() ({
          %run_scoped3A = tpu.sem_alloc : memref<!tpu.dma_semaphore, #tpu.memory_space<semaphore_mem>>
          %dma_start3A_213 = arith.constant 0 : i32
          %dma_start3A_214 = arith.constant 0 : i32
          %dma_start3A_215 = tpu.memref_slice %arg7[%cond3A_96, %dma_start3A_213, %dma_start3A_214] : memref<2x16x128xi32, #tpu.memory_space<vmem>> -> memref<1x16x128xi32, #tpu.memory_space<vmem>>
          %dma_start3A_216 = tpu.memref_squeeze %dma_start3A_215 : memref<1x16x128xi32, #tpu.memory_space<vmem>> -> memref<16x128xi32, #tpu.memory_space<vmem>>
          %dma_start3A_217 = arith.constant 0 : i32
          %dma_start3A_218 = tpu.memref_slice %dma_start3A_216[%add3A_211, %dma_start3A_217] : memref<16x128xi32, #tpu.memory_space<vmem>> -> memref<1x128xi32, #tpu.memory_space<vmem>>
          %dma_start3A_219 = tpu.memref_squeeze %dma_start3A_218 : memref<1x128xi32, #tpu.memory_space<vmem>> -> memref<128xi32, #tpu.memory_space<vmem>>
          %dma_start3A_220 = arith.constant 0 : i32
          %dma_start3A_221 = arith.constant 0 : i32
          %dma_start3A_222 = tpu.memref_slice %arg10[%dma_start3A_220, %dma_start3A_221] : memref<10016x128xf32, #tpu.memory_space<vmem_shared>> -> memref<10016x128xf32, #tpu.memory_space<vmem_shared>>
          tpu.enqueue_indirect_dma source(%arg9 : memref<128x128xf32, #tpu.memory_space<vmem>>) target(%dma_start3A_222 : memref<10016x128xf32, #tpu.memory_space<vmem_shared>>) offsets(%dma_start3A_219 : memref<128xi32, #tpu.memory_space<vmem>>) semaphore(%run_scoped3A : memref<!tpu.dma_semaphore, #tpu.memory_space<semaphore_mem>>) {add = true}
          %dma_wait3A_223 = arith.constant 0 : i32
          %dma_wait3A_224 = arith.constant 0 : i32
          %dma_wait3A_225 = tpu.memref_slice %arg7[%cond3A_96, %dma_wait3A_223, %dma_wait3A_224] : memref<2x16x128xi32, #tpu.memory_space<vmem>> -> memref<1x16x128xi32, #tpu.memory_space<vmem>>
          %dma_wait3A_226 = tpu.memref_squeeze %dma_wait3A_225 : memref<1x16x128xi32, #tpu.memory_space<vmem>> -> memref<16x128xi32, #tpu.memory_space<vmem>>
          %dma_wait3A_227 = arith.constant 0 : i32
          %dma_wait3A_228 = tpu.memref_slice %dma_wait3A_226[%add3A_211, %dma_wait3A_227] : memref<16x128xi32, #tpu.memory_space<vmem>> -> memref<1x128xi32, #tpu.memory_space<vmem>>
          %dma_wait3A_229 = tpu.memref_squeeze %dma_wait3A_228 : memref<1x128xi32, #tpu.memory_space<vmem>> -> memref<128xi32, #tpu.memory_space<vmem>>
          %dma_wait3A_230 = arith.constant 0 : i32
          %dma_wait3A_231 = arith.constant 0 : i32
          %dma_wait3A_232 = tpu.memref_slice %arg10[%dma_wait3A_230, %dma_wait3A_231] : memref<10016x128xf32, #tpu.memory_space<vmem_shared>> -> memref<10016x128xf32, #tpu.memory_space<vmem_shared>>
          tpu.wait_indirect_dma semaphore(%run_scoped3A : memref<!tpu.dma_semaphore, #tpu.memory_space<semaphore_mem>>) src(%arg9 : memref<128x128xf32, #tpu.memory_space<vmem>>) dst(%dma_wait3A_232 : memref<10016x128xf32, #tpu.memory_space<vmem_shared>>)
          tpu.yield
        }) : () -> ()
        %scan3A_212 = arith.constant 0 : i32
        scf.yield %scan3A_212 : i32
      }
      %scan3A_169 = arith.constant 8 : i32
      %gt3A_170 = arith.constant 2 : i32
      %gt3A_171 = arith.cmpi sgt, %select_n3A, %gt3A_170 : i32
      %convert_element_type3A_172 = arith.extui %gt3A_171 : i1 to i32
      %cond3A_173 = arith.constant 0 : i32
      %cond3A_174 = arith.cmpi ne, %convert_element_type3A_172, %cond3A_173 : i32
      scf.if %cond3A_174 {
        %dma_wait3A_175 = arith.constant 0 : i32
        %dma_wait3A_176 = arith.constant 0 : i32
        %dma_wait3A_177 = arith.constant 0 : i32
        %dma_wait3A_178 = tpu.memref_slice %arg6[%dma_wait3A_175, %dma_wait3A_176, %dma_wait3A_177] : memref<2x16x128xi32, #tpu.memory_space<vmem>> -> memref<1x16x128xi32, #tpu.memory_space<vmem>>
        %dma_wait3A_179 = tpu.memref_squeeze %dma_wait3A_178 : memref<1x16x128xi32, #tpu.memory_space<vmem>> -> memref<16x128xi32, #tpu.memory_space<vmem>>
        %dma_wait3A_180 = arith.constant 0 : i32
        %dma_wait3A_181 = arith.constant 0 : i32
        %dma_wait3A_182 = tpu.memref_slice %arg3[%dma_wait3A_180, %dma_wait3A_181] : memref<2560x128xi32, #tpu.memory_space<hbm>> -> memref<16x128xi32, #tpu.memory_space<hbm>>
        %dma_wait3A_183 = arith.constant 0 : i32
        %dma_wait3A_184 = arith.constant 0 : i32
        %dma_wait3A_185 = tpu.memref_slice %arg6[%dma_wait3A_175, %dma_wait3A_183, %dma_wait3A_184] : memref<2x16x128xi32, #tpu.memory_space<vmem>> -> memref<1x16x128xi32, #tpu.memory_space<vmem>>
        %dma_wait3A_186 = tpu.memref_squeeze %dma_wait3A_185 : memref<1x16x128xi32, #tpu.memory_space<vmem>> -> memref<16x128xi32, #tpu.memory_space<vmem>>
        %dma_wait3A_187 = arith.constant 0 : i32
        %dma_wait3A_188 = arith.constant 0 : i32
        %dma_wait3A_189 = tpu.memref_slice %arg3[%dma_wait3A_187, %dma_wait3A_188] : memref<2560x128xi32, #tpu.memory_space<hbm>> -> memref<16x128xi32, #tpu.memory_space<hbm>>
        tpu.wait_dma2 semaphore(%arg13 : memref<!tpu.dma_semaphore, #tpu.memory_space<semaphore_mem>>) src(%dma_wait3A_189 : memref<16x128xi32, #tpu.memory_space<hbm>>) dst(%dma_wait3A_186 : memref<16x128xi32, #tpu.memory_space<vmem>>)
        %dma_wait3A_190 = arith.constant 0 : i32
        %dma_wait3A_191 = arith.constant 0 : i32
        %dma_wait3A_192 = arith.constant 0 : i32
        %dma_wait3A_193 = tpu.memref_slice %arg7[%dma_wait3A_190, %dma_wait3A_191, %dma_wait3A_192] : memref<2x16x128xi32, #tpu.memory_space<vmem>> -> memref<1x16x128xi32, #tpu.memory_space<vmem>>
        %dma_wait3A_194 = tpu.memref_squeeze %dma_wait3A_193 : memref<1x16x128xi32, #tpu.memory_space<vmem>> -> memref<16x128xi32, #tpu.memory_space<vmem>>
        %dma_wait3A_195 = arith.constant 0 : i32
        %dma_wait3A_196 = arith.constant 0 : i32
        %dma_wait3A_197 = tpu.memref_slice %arg4[%dma_wait3A_195, %dma_wait3A_196] : memref<2560x128xi32, #tpu.memory_space<hbm>> -> memref<16x128xi32, #tpu.memory_space<hbm>>
        %dma_wait3A_198 = arith.constant 0 : i32
        %dma_wait3A_199 = arith.constant 0 : i32
        %dma_wait3A_200 = tpu.memref_slice %arg7[%dma_wait3A_190, %dma_wait3A_198, %dma_wait3A_199] : memref<2x16x128xi32, #tpu.memory_space<vmem>> -> memref<1x16x128xi32, #tpu.memory_space<vmem>>
        %dma_wait3A_201 = tpu.memref_squeeze %dma_wait3A_200 : memref<1x16x128xi32, #tpu.memory_space<vmem>> -> memref<16x128xi32, #tpu.memory_space<vmem>>
        %dma_wait3A_202 = arith.constant 0 : i32
        %dma_wait3A_203 = arith.constant 0 : i32
        %dma_wait3A_204 = tpu.memref_slice %arg4[%dma_wait3A_202, %dma_wait3A_203] : memref<2560x128xi32, #tpu.memory_space<hbm>> -> memref<16x128xi32, #tpu.memory_space<hbm>>
        tpu.wait_dma2 semaphore(%arg13 : memref<!tpu.dma_semaphore, #tpu.memory_space<semaphore_mem>>) src(%dma_wait3A_204 : memref<16x128xi32, #tpu.memory_space<hbm>>) dst(%dma_wait3A_201 : memref<16x128xi32, #tpu.memory_space<vmem>>)
      } else {
      }
    } else {
    }
    %gt3A_99 = arith.constant 2 : i32
    %gt3A_100 = arith.cmpi sgt, %select_n3A, %gt3A_99 : i32
    %convert_element_type3A_101 = arith.extui %gt3A_100 : i1 to i32
    %cond3A_102 = arith.constant 0 : i32
    %cond3A_103 = arith.constant 0 : i32
    %cond3A_104 = arith.constant 0 : i32
    %cond3A_105 = arith.cmpi ne, %convert_element_type3A_101, %cond3A_104 : i32
    scf.if %cond3A_105 {
      %gt3A_147 = arith.constant 3 : i32
      %gt3A_148 = arith.cmpi sgt, %select_n3A, %gt3A_147 : i32
      %convert_element_type3A_149 = arith.extui %gt3A_148 : i1 to i32
      %cond3A_150 = arith.constant 0 : i32
      %cond3A_151 = arith.cmpi ne, %convert_element_type3A_149, %cond3A_150 : i32
      scf.if %cond3A_151 {
        %add3A_175 = arith.constant 48 : i32
        %add3A_176 = arith.addi %add3A_5, %add3A_175 : i32
        %dma_start3A_177 = arith.constant 1 : i32
        %dma_start3A_178 = arith.constant 0 : i32
        %dma_start3A_179 = arith.constant 0 : i32
        %dma_start3A_180 = tpu.memref_slice %arg6[%dma_start3A_177, %dma_start3A_178, %dma_start3A_179] : memref<2x16x128xi32, #tpu.memory_space<vmem>> -> memref<1x16x128xi32, #tpu.memory_space<vmem>>
        %dma_start3A_181 = tpu.memref_squeeze %dma_start3A_180 : memref<1x16x128xi32, #tpu.memory_space<vmem>> -> memref<16x128xi32, #tpu.memory_space<vmem>>
        %dma_start3A_182 = arith.constant 0 : i32
        %dma_start3A_183 = tpu.memref_slice %arg3[%add3A_176, %dma_start3A_182] : memref<2560x128xi32, #tpu.memory_space<hbm>> -> memref<16x128xi32, #tpu.memory_space<hbm>>
        %dma_start3A_184 = arith.constant 0 : i32
        %dma_start3A_185 = arith.constant 0 : i32
        %dma_start3A_186 = tpu.memref_slice %arg6[%dma_start3A_177, %dma_start3A_184, %dma_start3A_185] : memref<2x16x128xi32, #tpu.memory_space<vmem>> -> memref<1x16x128xi32, #tpu.memory_space<vmem>>
        %dma_start3A_187 = tpu.memref_squeeze %dma_start3A_186 : memref<1x16x128xi32, #tpu.memory_space<vmem>> -> memref<16x128xi32, #tpu.memory_space<vmem>>
        %dma_start3A_188 = arith.constant 0 : i32
        %dma_start3A_189 = tpu.memref_slice %arg3[%add3A_176, %dma_start3A_188] : memref<2560x128xi32, #tpu.memory_space<hbm>> -> memref<16x128xi32, #tpu.memory_space<hbm>>
        tpu.enqueue_dma source(%dma_start3A_189 : memref<16x128xi32, #tpu.memory_space<hbm>>) target(%dma_start3A_187 : memref<16x128xi32, #tpu.memory_space<vmem>>) target_semaphore(%arg13 : memref<!tpu.dma_semaphore, #tpu.memory_space<semaphore_mem>>)
        %dma_start3A_190 = arith.constant 1 : i32
        %dma_start3A_191 = arith.constant 0 : i32
        %dma_start3A_192 = arith.constant 0 : i32
        %dma_start3A_193 = tpu.memref_slice %arg7[%dma_start3A_190, %dma_start3A_191, %dma_start3A_192] : memref<2x16x128xi32, #tpu.memory_space<vmem>> -> memref<1x16x128xi32, #tpu.memory_space<vmem>>
        %dma_start3A_194 = tpu.memref_squeeze %dma_start3A_193 : memref<1x16x128xi32, #tpu.memory_space<vmem>> -> memref<16x128xi32, #tpu.memory_space<vmem>>
        %dma_start3A_195 = arith.constant 0 : i32
        %dma_start3A_196 = tpu.memref_slice %arg4[%add3A_176, %dma_start3A_195] : memref<2560x128xi32, #tpu.memory_space<hbm>> -> memref<16x128xi32, #tpu.memory_space<hbm>>
        %dma_start3A_197 = arith.constant 0 : i32
        %dma_start3A_198 = arith.constant 0 : i32
        %dma_start3A_199 = tpu.memref_slice %arg7[%dma_start3A_190, %dma_start3A_197, %dma_start3A_198] : memref<2x16x128xi32, #tpu.memory_space<vmem>> -> memref<1x16x128xi32, #tpu.memory_space<vmem>>
        %dma_start3A_200 = tpu.memref_squeeze %dma_start3A_199 : memref<1x16x128xi32, #tpu.memory_space<vmem>> -> memref<16x128xi32, #tpu.memory_space<vmem>>
        %dma_start3A_201 = arith.constant 0 : i32
        %dma_start3A_202 = tpu.memref_slice %arg4[%add3A_176, %dma_start3A_201] : memref<2560x128xi32, #tpu.memory_space<hbm>> -> memref<16x128xi32, #tpu.memory_space<hbm>>
        tpu.enqueue_dma source(%dma_start3A_202 : memref<16x128xi32, #tpu.memory_space<hbm>>) target(%dma_start3A_200 : memref<16x128xi32, #tpu.memory_space<vmem>>) target_semaphore(%arg13 : memref<!tpu.dma_semaphore, #tpu.memory_space<semaphore_mem>>)
      } else {
      }
      %dma_start3A_152 = arith.constant 0 : i32
      %dma_start3A_153 = arith.constant 0 : i32
      %dma_start3A_154 = arith.constant 0 : i32
      %dma_start3A_155 = tpu.memref_slice %arg6[%cond3A_102, %dma_start3A_153, %dma_start3A_154] : memref<2x16x128xi32, #tpu.memory_space<vmem>> -> memref<1x16x128xi32, #tpu.memory_space<vmem>>
      %dma_start3A_156 = tpu.memref_squeeze %dma_start3A_155 : memref<1x16x128xi32, #tpu.memory_space<vmem>> -> memref<16x128xi32, #tpu.memory_space<vmem>>
      %dma_start3A_157 = arith.constant 0 : i32
      %dma_start3A_158 = tpu.memref_slice %dma_start3A_156[%dma_start3A_152, %dma_start3A_157] : memref<16x128xi32, #tpu.memory_space<vmem>> -> memref<1x128xi32, #tpu.memory_space<vmem>>
      %dma_start3A_159 = tpu.memref_squeeze %dma_start3A_158 : memref<1x128xi32, #tpu.memory_space<vmem>> -> memref<128xi32, #tpu.memory_space<vmem>>
      %dma_start3A_160 = arith.constant 0 : i32
      %dma_start3A_161 = arith.constant 0 : i32
      %dma_start3A_162 = tpu.memref_slice %arg2[%dma_start3A_160, %dma_start3A_161] : memref<10000x128xf32, #tpu.memory_space<hbm>> -> memref<10000x128xf32, #tpu.memory_space<hbm>>
      tpu.enqueue_indirect_dma source(%dma_start3A_162 : memref<10000x128xf32, #tpu.memory_space<hbm>>) target(%arg8 : memref<128x128xf32, #tpu.memory_space<vmem>>) offsets(%dma_start3A_159 : memref<128xi32, #tpu.memory_space<vmem>>) semaphore(%arg11 : memref<!tpu.dma_semaphore, #tpu.memory_space<semaphore_mem>>)
      %scan3A_163 = arith.constant 0 : i32
      %scan3A_164 = arith.constant 0 : i32
      %scan3A_165 = arith.constant 8 : i32
      %scan3A_166 = arith.addi %scan3A_164, %scan3A_165 : i32
      %scan3A_167 = arith.constant 1 : i32
      %scan3A_168 = scf.for %scan3A_175 = %scan3A_164 to %scan3A_166 step %scan3A_167 iter_args(%scan3A_176 = %scan3A_163) -> (i32)  : i32 {
        %mul3A_177 = arith.constant 2 : i32
        %mul3A_178 = arith.muli %mul3A_177, %scan3A_175 : i32
        %add3A_179 = arith.constant 1 : i32
        %add3A_180 = arith.addi %mul3A_178, %add3A_179 : i32
        %dma_start3A_181 = arith.constant 0 : i32
        %dma_start3A_182 = arith.constant 0 : i32
        %dma_start3A_183 = tpu.memref_slice %arg6[%cond3A_102, %dma_start3A_181, %dma_start3A_182] : memref<2x16x128xi32, #tpu.memory_space<vmem>> -> memref<1x16x128xi32, #tpu.memory_space<vmem>>
        %dma_start3A_184 = tpu.memref_squeeze %dma_start3A_183 : memref<1x16x128xi32, #tpu.memory_space<vmem>> -> memref<16x128xi32, #tpu.memory_space<vmem>>
        %dma_start3A_185 = arith.constant 0 : i32
        %dma_start3A_186 = tpu.memref_slice %dma_start3A_184[%add3A_180, %dma_start3A_185] : memref<16x128xi32, #tpu.memory_space<vmem>> -> memref<1x128xi32, #tpu.memory_space<vmem>>
        %dma_start3A_187 = tpu.memref_squeeze %dma_start3A_186 : memref<1x128xi32, #tpu.memory_space<vmem>> -> memref<128xi32, #tpu.memory_space<vmem>>
        %dma_start3A_188 = arith.constant 0 : i32
        %dma_start3A_189 = arith.constant 0 : i32
        %dma_start3A_190 = tpu.memref_slice %arg2[%dma_start3A_188, %dma_start3A_189] : memref<10000x128xf32, #tpu.memory_space<hbm>> -> memref<10000x128xf32, #tpu.memory_space<hbm>>
        tpu.enqueue_indirect_dma source(%dma_start3A_190 : memref<10000x128xf32, #tpu.memory_space<hbm>>) target(%arg9 : memref<128x128xf32, #tpu.memory_space<vmem>>) offsets(%dma_start3A_187 : memref<128xi32, #tpu.memory_space<vmem>>) semaphore(%arg12 : memref<!tpu.dma_semaphore, #tpu.memory_space<semaphore_mem>>)
        %dma_wait3A_191 = arith.constant 0 : i32
        %dma_wait3A_192 = arith.constant 0 : i32
        %dma_wait3A_193 = tpu.memref_slice %arg2[%dma_wait3A_191, %dma_wait3A_192] : memref<10000x128xf32, #tpu.memory_space<hbm>> -> memref<128x128xf32, #tpu.memory_space<hbm>>
        %dma_wait3A_194 = arith.constant 0 : i32
        %dma_wait3A_195 = arith.constant 0 : i32
        %dma_wait3A_196 = tpu.memref_slice %arg2[%dma_wait3A_194, %dma_wait3A_195] : memref<10000x128xf32, #tpu.memory_space<hbm>> -> memref<128x128xf32, #tpu.memory_space<hbm>>
        tpu.wait_dma2 semaphore(%arg11 : memref<!tpu.dma_semaphore, #tpu.memory_space<semaphore_mem>>) src(%dma_wait3A_196 : memref<128x128xf32, #tpu.memory_space<hbm>>) dst(%arg8 : memref<128x128xf32, #tpu.memory_space<vmem>>)
        "tpu.region"() ({
          %run_scoped3A = tpu.sem_alloc : memref<!tpu.dma_semaphore, #tpu.memory_space<semaphore_mem>>
          %dma_start3A_213 = arith.constant 0 : i32
          %dma_start3A_214 = arith.constant 0 : i32
          %dma_start3A_215 = tpu.memref_slice %arg7[%cond3A_103, %dma_start3A_213, %dma_start3A_214] : memref<2x16x128xi32, #tpu.memory_space<vmem>> -> memref<1x16x128xi32, #tpu.memory_space<vmem>>
          %dma_start3A_216 = tpu.memref_squeeze %dma_start3A_215 : memref<1x16x128xi32, #tpu.memory_space<vmem>> -> memref<16x128xi32, #tpu.memory_space<vmem>>
          %dma_start3A_217 = arith.constant 0 : i32
          %dma_start3A_218 = tpu.memref_slice %dma_start3A_216[%mul3A_178, %dma_start3A_217] : memref<16x128xi32, #tpu.memory_space<vmem>> -> memref<1x128xi32, #tpu.memory_space<vmem>>
          %dma_start3A_219 = tpu.memref_squeeze %dma_start3A_218 : memref<1x128xi32, #tpu.memory_space<vmem>> -> memref<128xi32, #tpu.memory_space<vmem>>
          %dma_start3A_220 = arith.constant 0 : i32
          %dma_start3A_221 = arith.constant 0 : i32
          %dma_start3A_222 = tpu.memref_slice %arg10[%dma_start3A_220, %dma_start3A_221] : memref<10016x128xf32, #tpu.memory_space<vmem_shared>> -> memref<10016x128xf32, #tpu.memory_space<vmem_shared>>
          tpu.enqueue_indirect_dma source(%arg8 : memref<128x128xf32, #tpu.memory_space<vmem>>) target(%dma_start3A_222 : memref<10016x128xf32, #tpu.memory_space<vmem_shared>>) offsets(%dma_start3A_219 : memref<128xi32, #tpu.memory_space<vmem>>) semaphore(%run_scoped3A : memref<!tpu.dma_semaphore, #tpu.memory_space<semaphore_mem>>) {add = true}
          %dma_wait3A_223 = arith.constant 0 : i32
          %dma_wait3A_224 = arith.constant 0 : i32
          %dma_wait3A_225 = tpu.memref_slice %arg7[%cond3A_103, %dma_wait3A_223, %dma_wait3A_224] : memref<2x16x128xi32, #tpu.memory_space<vmem>> -> memref<1x16x128xi32, #tpu.memory_space<vmem>>
          %dma_wait3A_226 = tpu.memref_squeeze %dma_wait3A_225 : memref<1x16x128xi32, #tpu.memory_space<vmem>> -> memref<16x128xi32, #tpu.memory_space<vmem>>
          %dma_wait3A_227 = arith.constant 0 : i32
          %dma_wait3A_228 = tpu.memref_slice %dma_wait3A_226[%mul3A_178, %dma_wait3A_227] : memref<16x128xi32, #tpu.memory_space<vmem>> -> memref<1x128xi32, #tpu.memory_space<vmem>>
          %dma_wait3A_229 = tpu.memref_squeeze %dma_wait3A_228 : memref<1x128xi32, #tpu.memory_space<vmem>> -> memref<128xi32, #tpu.memory_space<vmem>>
          %dma_wait3A_230 = arith.constant 0 : i32
          %dma_wait3A_231 = arith.constant 0 : i32
          %dma_wait3A_232 = tpu.memref_slice %arg10[%dma_wait3A_230, %dma_wait3A_231] : memref<10016x128xf32, #tpu.memory_space<vmem_shared>> -> memref<10016x128xf32, #tpu.memory_space<vmem_shared>>
          tpu.wait_indirect_dma semaphore(%run_scoped3A : memref<!tpu.dma_semaphore, #tpu.memory_space<semaphore_mem>>) src(%arg8 : memref<128x128xf32, #tpu.memory_space<vmem>>) dst(%dma_wait3A_232 : memref<10016x128xf32, #tpu.memory_space<vmem_shared>>)
          tpu.yield
        }) : () -> ()
        %add3A_197 = arith.constant 2 : i32
        %add3A_198 = arith.addi %mul3A_178, %add3A_197 : i32
        %lt3A_199 = arith.constant 16 : i32
        %lt3A_200 = arith.cmpi slt, %add3A_198, %lt3A_199 : i32
        %convert_element_type3A_201 = arith.extui %lt3A_200 : i1 to i32
        %cond3A_202 = arith.constant 0 : i32
        %cond3A_203 = arith.cmpi ne, %convert_element_type3A_201, %cond3A_202 : i32
        scf.if %cond3A_203 {
          %add3A_213 = arith.constant 2 : i32
          %add3A_214 = arith.addi %mul3A_178, %add3A_213 : i32
          %dma_start3A_215 = arith.constant 0 : i32
          %dma_start3A_216 = arith.constant 0 : i32
          %dma_start3A_217 = tpu.memref_slice %arg6[%cond3A_102, %dma_start3A_215, %dma_start3A_216] : memref<2x16x128xi32, #tpu.memory_space<vmem>> -> memref<1x16x128xi32, #tpu.memory_space<vmem>>
          %dma_start3A_218 = tpu.memref_squeeze %dma_start3A_217 : memref<1x16x128xi32, #tpu.memory_space<vmem>> -> memref<16x128xi32, #tpu.memory_space<vmem>>
          %dma_start3A_219 = arith.constant 0 : i32
          %dma_start3A_220 = tpu.memref_slice %dma_start3A_218[%add3A_214, %dma_start3A_219] : memref<16x128xi32, #tpu.memory_space<vmem>> -> memref<1x128xi32, #tpu.memory_space<vmem>>
          %dma_start3A_221 = tpu.memref_squeeze %dma_start3A_220 : memref<1x128xi32, #tpu.memory_space<vmem>> -> memref<128xi32, #tpu.memory_space<vmem>>
          %dma_start3A_222 = arith.constant 0 : i32
          %dma_start3A_223 = arith.constant 0 : i32
          %dma_start3A_224 = tpu.memref_slice %arg2[%dma_start3A_222, %dma_start3A_223] : memref<10000x128xf32, #tpu.memory_space<hbm>> -> memref<10000x128xf32, #tpu.memory_space<hbm>>
          tpu.enqueue_indirect_dma source(%dma_start3A_224 : memref<10000x128xf32, #tpu.memory_space<hbm>>) target(%arg8 : memref<128x128xf32, #tpu.memory_space<vmem>>) offsets(%dma_start3A_221 : memref<128xi32, #tpu.memory_space<vmem>>) semaphore(%arg11 : memref<!tpu.dma_semaphore, #tpu.memory_space<semaphore_mem>>)
        } else {
        }
        %dma_wait3A_204 = arith.constant 0 : i32
        %dma_wait3A_205 = arith.constant 0 : i32
        %dma_wait3A_206 = tpu.memref_slice %arg2[%dma_wait3A_204, %dma_wait3A_205] : memref<10000x128xf32, #tpu.memory_space<hbm>> -> memref<128x128xf32, #tpu.memory_space<hbm>>
        %dma_wait3A_207 = arith.constant 0 : i32
        %dma_wait3A_208 = arith.constant 0 : i32
        %dma_wait3A_209 = tpu.memref_slice %arg2[%dma_wait3A_207, %dma_wait3A_208] : memref<10000x128xf32, #tpu.memory_space<hbm>> -> memref<128x128xf32, #tpu.memory_space<hbm>>
        tpu.wait_dma2 semaphore(%arg12 : memref<!tpu.dma_semaphore, #tpu.memory_space<semaphore_mem>>) src(%dma_wait3A_209 : memref<128x128xf32, #tpu.memory_space<hbm>>) dst(%arg9 : memref<128x128xf32, #tpu.memory_space<vmem>>)
        %add3A_210 = arith.constant 1 : i32
        %add3A_211 = arith.addi %mul3A_178, %add3A_210 : i32
        "tpu.region"() ({
          %run_scoped3A = tpu.sem_alloc : memref<!tpu.dma_semaphore, #tpu.memory_space<semaphore_mem>>
          %dma_start3A_213 = arith.constant 0 : i32
          %dma_start3A_214 = arith.constant 0 : i32
          %dma_start3A_215 = tpu.memref_slice %arg7[%cond3A_103, %dma_start3A_213, %dma_start3A_214] : memref<2x16x128xi32, #tpu.memory_space<vmem>> -> memref<1x16x128xi32, #tpu.memory_space<vmem>>
          %dma_start3A_216 = tpu.memref_squeeze %dma_start3A_215 : memref<1x16x128xi32, #tpu.memory_space<vmem>> -> memref<16x128xi32, #tpu.memory_space<vmem>>
          %dma_start3A_217 = arith.constant 0 : i32
          %dma_start3A_218 = tpu.memref_slice %dma_start3A_216[%add3A_211, %dma_start3A_217] : memref<16x128xi32, #tpu.memory_space<vmem>> -> memref<1x128xi32, #tpu.memory_space<vmem>>
          %dma_start3A_219 = tpu.memref_squeeze %dma_start3A_218 : memref<1x128xi32, #tpu.memory_space<vmem>> -> memref<128xi32, #tpu.memory_space<vmem>>
          %dma_start3A_220 = arith.constant 0 : i32
          %dma_start3A_221 = arith.constant 0 : i32
          %dma_start3A_222 = tpu.memref_slice %arg10[%dma_start3A_220, %dma_start3A_221] : memref<10016x128xf32, #tpu.memory_space<vmem_shared>> -> memref<10016x128xf32, #tpu.memory_space<vmem_shared>>
          tpu.enqueue_indirect_dma source(%arg9 : memref<128x128xf32, #tpu.memory_space<vmem>>) target(%dma_start3A_222 : memref<10016x128xf32, #tpu.memory_space<vmem_shared>>) offsets(%dma_start3A_219 : memref<128xi32, #tpu.memory_space<vmem>>) semaphore(%run_scoped3A : memref<!tpu.dma_semaphore, #tpu.memory_space<semaphore_mem>>) {add = true}
          %dma_wait3A_223 = arith.constant 0 : i32
          %dma_wait3A_224 = arith.constant 0 : i32
          %dma_wait3A_225 = tpu.memref_slice %arg7[%cond3A_103, %dma_wait3A_223, %dma_wait3A_224] : memref<2x16x128xi32, #tpu.memory_space<vmem>> -> memref<1x16x128xi32, #tpu.memory_space<vmem>>
          %dma_wait3A_226 = tpu.memref_squeeze %dma_wait3A_225 : memref<1x16x128xi32, #tpu.memory_space<vmem>> -> memref<16x128xi32, #tpu.memory_space<vmem>>
          %dma_wait3A_227 = arith.constant 0 : i32
          %dma_wait3A_228 = tpu.memref_slice %dma_wait3A_226[%add3A_211, %dma_wait3A_227] : memref<16x128xi32, #tpu.memory_space<vmem>> -> memref<1x128xi32, #tpu.memory_space<vmem>>
          %dma_wait3A_229 = tpu.memref_squeeze %dma_wait3A_228 : memref<1x128xi32, #tpu.memory_space<vmem>> -> memref<128xi32, #tpu.memory_space<vmem>>
          %dma_wait3A_230 = arith.constant 0 : i32
          %dma_wait3A_231 = arith.constant 0 : i32
          %dma_wait3A_232 = tpu.memref_slice %arg10[%dma_wait3A_230, %dma_wait3A_231] : memref<10016x128xf32, #tpu.memory_space<vmem_shared>> -> memref<10016x128xf32, #tpu.memory_space<vmem_shared>>
          tpu.wait_indirect_dma semaphore(%run_scoped3A : memref<!tpu.dma_semaphore, #tpu.memory_space<semaphore_mem>>) src(%arg9 : memref<128x128xf32, #tpu.memory_space<vmem>>) dst(%dma_wait3A_232 : memref<10016x128xf32, #tpu.memory_space<vmem_shared>>)
          tpu.yield
        }) : () -> ()
        %scan3A_212 = arith.constant 0 : i32
        scf.yield %scan3A_212 : i32
      }
      %scan3A_169 = arith.constant 8 : i32
      %gt3A_170 = arith.constant 3 : i32
      %gt3A_171 = arith.cmpi sgt, %select_n3A, %gt3A_170 : i32
      %convert_element_type3A_172 = arith.extui %gt3A_171 : i1 to i32
      %cond3A_173 = arith.constant 0 : i32
      %cond3A_174 = arith.cmpi ne, %convert_element_type3A_172, %cond3A_173 : i32
      scf.if %cond3A_174 {
        %dma_wait3A_175 = arith.constant 1 : i32
        %dma_wait3A_176 = arith.constant 0 : i32
        %dma_wait3A_177 = arith.constant 0 : i32
        %dma_wait3A_178 = tpu.memref_slice %arg6[%dma_wait3A_175, %dma_wait3A_176, %dma_wait3A_177] : memref<2x16x128xi32, #tpu.memory_space<vmem>> -> memref<1x16x128xi32, #tpu.memory_space<vmem>>
        %dma_wait3A_179 = tpu.memref_squeeze %dma_wait3A_178 : memref<1x16x128xi32, #tpu.memory_space<vmem>> -> memref<16x128xi32, #tpu.memory_space<vmem>>
        %dma_wait3A_180 = arith.constant 0 : i32
        %dma_wait3A_181 = arith.constant 0 : i32
        %dma_wait3A_182 = tpu.memref_slice %arg3[%dma_wait3A_180, %dma_wait3A_181] : memref<2560x128xi32, #tpu.memory_space<hbm>> -> memref<16x128xi32, #tpu.memory_space<hbm>>
        %dma_wait3A_183 = arith.constant 0 : i32
        %dma_wait3A_184 = arith.constant 0 : i32
        %dma_wait3A_185 = tpu.memref_slice %arg6[%dma_wait3A_175, %dma_wait3A_183, %dma_wait3A_184] : memref<2x16x128xi32, #tpu.memory_space<vmem>> -> memref<1x16x128xi32, #tpu.memory_space<vmem>>
        %dma_wait3A_186 = tpu.memref_squeeze %dma_wait3A_185 : memref<1x16x128xi32, #tpu.memory_space<vmem>> -> memref<16x128xi32, #tpu.memory_space<vmem>>
        %dma_wait3A_187 = arith.constant 0 : i32
        %dma_wait3A_188 = arith.constant 0 : i32
        %dma_wait3A_189 = tpu.memref_slice %arg3[%dma_wait3A_187, %dma_wait3A_188] : memref<2560x128xi32, #tpu.memory_space<hbm>> -> memref<16x128xi32, #tpu.memory_space<hbm>>
        tpu.wait_dma2 semaphore(%arg13 : memref<!tpu.dma_semaphore, #tpu.memory_space<semaphore_mem>>) src(%dma_wait3A_189 : memref<16x128xi32, #tpu.memory_space<hbm>>) dst(%dma_wait3A_186 : memref<16x128xi32, #tpu.memory_space<vmem>>)
        %dma_wait3A_190 = arith.constant 1 : i32
        %dma_wait3A_191 = arith.constant 0 : i32
        %dma_wait3A_192 = arith.constant 0 : i32
        %dma_wait3A_193 = tpu.memref_slice %arg7[%dma_wait3A_190, %dma_wait3A_191, %dma_wait3A_192] : memref<2x16x128xi32, #tpu.memory_space<vmem>> -> memref<1x16x128xi32, #tpu.memory_space<vmem>>
        %dma_wait3A_194 = tpu.memref_squeeze %dma_wait3A_193 : memref<1x16x128xi32, #tpu.memory_space<vmem>> -> memref<16x128xi32, #tpu.memory_space<vmem>>
        %dma_wait3A_195 = arith.constant 0 : i32
        %dma_wait3A_196 = arith.constant 0 : i32
        %dma_wait3A_197 = tpu.memref_slice %arg4[%dma_wait3A_195, %dma_wait3A_196] : memref<2560x128xi32, #tpu.memory_space<hbm>> -> memref<16x128xi32, #tpu.memory_space<hbm>>
        %dma_wait3A_198 = arith.constant 0 : i32
        %dma_wait3A_199 = arith.constant 0 : i32
        %dma_wait3A_200 = tpu.memref_slice %arg7[%dma_wait3A_190, %dma_wait3A_198, %dma_wait3A_199] : memref<2x16x128xi32, #tpu.memory_space<vmem>> -> memref<1x16x128xi32, #tpu.memory_space<vmem>>
        %dma_wait3A_201 = tpu.memref_squeeze %dma_wait3A_200 : memref<1x16x128xi32, #tpu.memory_space<vmem>> -> memref<16x128xi32, #tpu.memory_space<vmem>>
        %dma_wait3A_202 = arith.constant 0 : i32
        %dma_wait3A_203 = arith.constant 0 : i32
        %dma_wait3A_204 = tpu.memref_slice %arg4[%dma_wait3A_202, %dma_wait3A_203] : memref<2560x128xi32, #tpu.memory_space<hbm>> -> memref<16x128xi32, #tpu.memory_space<hbm>>
        tpu.wait_dma2 semaphore(%arg13 : memref<!tpu.dma_semaphore, #tpu.memory_space<semaphore_mem>>) src(%dma_wait3A_204 : memref<16x128xi32, #tpu.memory_space<hbm>>) dst(%dma_wait3A_201 : memref<16x128xi32, #tpu.memory_space<vmem>>)
      } else {
      }
    } else {
    }
    %gt3A_106 = arith.constant 3 : i32
    %gt3A_107 = arith.cmpi sgt, %select_n3A, %gt3A_106 : i32
    %convert_element_type3A_108 = arith.extui %gt3A_107 : i1 to i32
    %cond3A_109 = arith.constant 1 : i32
    %cond3A_110 = arith.constant 1 : i32
    %cond3A_111 = arith.constant 0 : i32
    %cond3A_112 = arith.cmpi ne, %convert_element_type3A_108, %cond3A_111 : i32
    scf.if %cond3A_112 {
      %gt3A_147 = arith.constant 4 : i32
      %gt3A_148 = arith.cmpi sgt, %select_n3A, %gt3A_147 : i32
      %convert_element_type3A_149 = arith.extui %gt3A_148 : i1 to i32
      %cond3A_150 = arith.constant 0 : i32
      %cond3A_151 = arith.cmpi ne, %convert_element_type3A_149, %cond3A_150 : i32
      scf.if %cond3A_151 {
        %add3A_175 = arith.constant 64 : i32
        %add3A_176 = arith.addi %add3A_5, %add3A_175 : i32
        %dma_start3A_177 = arith.constant 0 : i32
        %dma_start3A_178 = arith.constant 0 : i32
        %dma_start3A_179 = arith.constant 0 : i32
        %dma_start3A_180 = tpu.memref_slice %arg6[%dma_start3A_177, %dma_start3A_178, %dma_start3A_179] : memref<2x16x128xi32, #tpu.memory_space<vmem>> -> memref<1x16x128xi32, #tpu.memory_space<vmem>>
        %dma_start3A_181 = tpu.memref_squeeze %dma_start3A_180 : memref<1x16x128xi32, #tpu.memory_space<vmem>> -> memref<16x128xi32, #tpu.memory_space<vmem>>
        %dma_start3A_182 = arith.constant 0 : i32
        %dma_start3A_183 = tpu.memref_slice %arg3[%add3A_176, %dma_start3A_182] : memref<2560x128xi32, #tpu.memory_space<hbm>> -> memref<16x128xi32, #tpu.memory_space<hbm>>
        %dma_start3A_184 = arith.constant 0 : i32
        %dma_start3A_185 = arith.constant 0 : i32
        %dma_start3A_186 = tpu.memref_slice %arg6[%dma_start3A_177, %dma_start3A_184, %dma_start3A_185] : memref<2x16x128xi32, #tpu.memory_space<vmem>> -> memref<1x16x128xi32, #tpu.memory_space<vmem>>
        %dma_start3A_187 = tpu.memref_squeeze %dma_start3A_186 : memref<1x16x128xi32, #tpu.memory_space<vmem>> -> memref<16x128xi32, #tpu.memory_space<vmem>>
        %dma_start3A_188 = arith.constant 0 : i32
        %dma_start3A_189 = tpu.memref_slice %arg3[%add3A_176, %dma_start3A_188] : memref<2560x128xi32, #tpu.memory_space<hbm>> -> memref<16x128xi32, #tpu.memory_space<hbm>>
        tpu.enqueue_dma source(%dma_start3A_189 : memref<16x128xi32, #tpu.memory_space<hbm>>) target(%dma_start3A_187 : memref<16x128xi32, #tpu.memory_space<vmem>>) target_semaphore(%arg13 : memref<!tpu.dma_semaphore, #tpu.memory_space<semaphore_mem>>)
        %dma_start3A_190 = arith.constant 0 : i32
        %dma_start3A_191 = arith.constant 0 : i32
        %dma_start3A_192 = arith.constant 0 : i32
        %dma_start3A_193 = tpu.memref_slice %arg7[%dma_start3A_190, %dma_start3A_191, %dma_start3A_192] : memref<2x16x128xi32, #tpu.memory_space<vmem>> -> memref<1x16x128xi32, #tpu.memory_space<vmem>>
        %dma_start3A_194 = tpu.memref_squeeze %dma_start3A_193 : memref<1x16x128xi32, #tpu.memory_space<vmem>> -> memref<16x128xi32, #tpu.memory_space<vmem>>
        %dma_start3A_195 = arith.constant 0 : i32
        %dma_start3A_196 = tpu.memref_slice %arg4[%add3A_176, %dma_start3A_195] : memref<2560x128xi32, #tpu.memory_space<hbm>> -> memref<16x128xi32, #tpu.memory_space<hbm>>
        %dma_start3A_197 = arith.constant 0 : i32
        %dma_start3A_198 = arith.constant 0 : i32
        %dma_start3A_199 = tpu.memref_slice %arg7[%dma_start3A_190, %dma_start3A_197, %dma_start3A_198] : memref<2x16x128xi32, #tpu.memory_space<vmem>> -> memref<1x16x128xi32, #tpu.memory_space<vmem>>
        %dma_start3A_200 = tpu.memref_squeeze %dma_start3A_199 : memref<1x16x128xi32, #tpu.memory_space<vmem>> -> memref<16x128xi32, #tpu.memory_space<vmem>>
        %dma_start3A_201 = arith.constant 0 : i32
        %dma_start3A_202 = tpu.memref_slice %arg4[%add3A_176, %dma_start3A_201] : memref<2560x128xi32, #tpu.memory_space<hbm>> -> memref<16x128xi32, #tpu.memory_space<hbm>>
        tpu.enqueue_dma source(%dma_start3A_202 : memref<16x128xi32, #tpu.memory_space<hbm>>) target(%dma_start3A_200 : memref<16x128xi32, #tpu.memory_space<vmem>>) target_semaphore(%arg13 : memref<!tpu.dma_semaphore, #tpu.memory_space<semaphore_mem>>)
      } else {
      }
      %dma_start3A_152 = arith.constant 0 : i32
      %dma_start3A_153 = arith.constant 0 : i32
      %dma_start3A_154 = arith.constant 0 : i32
      %dma_start3A_155 = tpu.memref_slice %arg6[%cond3A_109, %dma_start3A_153, %dma_start3A_154] : memref<2x16x128xi32, #tpu.memory_space<vmem>> -> memref<1x16x128xi32, #tpu.memory_space<vmem>>
      %dma_start3A_156 = tpu.memref_squeeze %dma_start3A_155 : memref<1x16x128xi32, #tpu.memory_space<vmem>> -> memref<16x128xi32, #tpu.memory_space<vmem>>
      %dma_start3A_157 = arith.constant 0 : i32
      %dma_start3A_158 = tpu.memref_slice %dma_start3A_156[%dma_start3A_152, %dma_start3A_157] : memref<16x128xi32, #tpu.memory_space<vmem>> -> memref<1x128xi32, #tpu.memory_space<vmem>>
      %dma_start3A_159 = tpu.memref_squeeze %dma_start3A_158 : memref<1x128xi32, #tpu.memory_space<vmem>> -> memref<128xi32, #tpu.memory_space<vmem>>
      %dma_start3A_160 = arith.constant 0 : i32
      %dma_start3A_161 = arith.constant 0 : i32
      %dma_start3A_162 = tpu.memref_slice %arg2[%dma_start3A_160, %dma_start3A_161] : memref<10000x128xf32, #tpu.memory_space<hbm>> -> memref<10000x128xf32, #tpu.memory_space<hbm>>
      tpu.enqueue_indirect_dma source(%dma_start3A_162 : memref<10000x128xf32, #tpu.memory_space<hbm>>) target(%arg8 : memref<128x128xf32, #tpu.memory_space<vmem>>) offsets(%dma_start3A_159 : memref<128xi32, #tpu.memory_space<vmem>>) semaphore(%arg11 : memref<!tpu.dma_semaphore, #tpu.memory_space<semaphore_mem>>)
      %scan3A_163 = arith.constant 0 : i32
      %scan3A_164 = arith.constant 0 : i32
      %scan3A_165 = arith.constant 8 : i32
      %scan3A_166 = arith.addi %scan3A_164, %scan3A_165 : i32
      %scan3A_167 = arith.constant 1 : i32
      %scan3A_168 = scf.for %scan3A_175 = %scan3A_164 to %scan3A_166 step %scan3A_167 iter_args(%scan3A_176 = %scan3A_163) -> (i32)  : i32 {
        %mul3A_177 = arith.constant 2 : i32
        %mul3A_178 = arith.muli %mul3A_177, %scan3A_175 : i32
        %add3A_179 = arith.constant 1 : i32
        %add3A_180 = arith.addi %mul3A_178, %add3A_179 : i32
        %dma_start3A_181 = arith.constant 0 : i32
        %dma_start3A_182 = arith.constant 0 : i32
        %dma_start3A_183 = tpu.memref_slice %arg6[%cond3A_109, %dma_start3A_181, %dma_start3A_182] : memref<2x16x128xi32, #tpu.memory_space<vmem>> -> memref<1x16x128xi32, #tpu.memory_space<vmem>>
        %dma_start3A_184 = tpu.memref_squeeze %dma_start3A_183 : memref<1x16x128xi32, #tpu.memory_space<vmem>> -> memref<16x128xi32, #tpu.memory_space<vmem>>
        %dma_start3A_185 = arith.constant 0 : i32
        %dma_start3A_186 = tpu.memref_slice %dma_start3A_184[%add3A_180, %dma_start3A_185] : memref<16x128xi32, #tpu.memory_space<vmem>> -> memref<1x128xi32, #tpu.memory_space<vmem>>
        %dma_start3A_187 = tpu.memref_squeeze %dma_start3A_186 : memref<1x128xi32, #tpu.memory_space<vmem>> -> memref<128xi32, #tpu.memory_space<vmem>>
        %dma_start3A_188 = arith.constant 0 : i32
        %dma_start3A_189 = arith.constant 0 : i32
        %dma_start3A_190 = tpu.memref_slice %arg2[%dma_start3A_188, %dma_start3A_189] : memref<10000x128xf32, #tpu.memory_space<hbm>> -> memref<10000x128xf32, #tpu.memory_space<hbm>>
        tpu.enqueue_indirect_dma source(%dma_start3A_190 : memref<10000x128xf32, #tpu.memory_space<hbm>>) target(%arg9 : memref<128x128xf32, #tpu.memory_space<vmem>>) offsets(%dma_start3A_187 : memref<128xi32, #tpu.memory_space<vmem>>) semaphore(%arg12 : memref<!tpu.dma_semaphore, #tpu.memory_space<semaphore_mem>>)
        %dma_wait3A_191 = arith.constant 0 : i32
        %dma_wait3A_192 = arith.constant 0 : i32
        %dma_wait3A_193 = tpu.memref_slice %arg2[%dma_wait3A_191, %dma_wait3A_192] : memref<10000x128xf32, #tpu.memory_space<hbm>> -> memref<128x128xf32, #tpu.memory_space<hbm>>
        %dma_wait3A_194 = arith.constant 0 : i32
        %dma_wait3A_195 = arith.constant 0 : i32
        %dma_wait3A_196 = tpu.memref_slice %arg2[%dma_wait3A_194, %dma_wait3A_195] : memref<10000x128xf32, #tpu.memory_space<hbm>> -> memref<128x128xf32, #tpu.memory_space<hbm>>
        tpu.wait_dma2 semaphore(%arg11 : memref<!tpu.dma_semaphore, #tpu.memory_space<semaphore_mem>>) src(%dma_wait3A_196 : memref<128x128xf32, #tpu.memory_space<hbm>>) dst(%arg8 : memref<128x128xf32, #tpu.memory_space<vmem>>)
        "tpu.region"() ({
          %run_scoped3A = tpu.sem_alloc : memref<!tpu.dma_semaphore, #tpu.memory_space<semaphore_mem>>
          %dma_start3A_213 = arith.constant 0 : i32
          %dma_start3A_214 = arith.constant 0 : i32
          %dma_start3A_215 = tpu.memref_slice %arg7[%cond3A_110, %dma_start3A_213, %dma_start3A_214] : memref<2x16x128xi32, #tpu.memory_space<vmem>> -> memref<1x16x128xi32, #tpu.memory_space<vmem>>
          %dma_start3A_216 = tpu.memref_squeeze %dma_start3A_215 : memref<1x16x128xi32, #tpu.memory_space<vmem>> -> memref<16x128xi32, #tpu.memory_space<vmem>>
          %dma_start3A_217 = arith.constant 0 : i32
          %dma_start3A_218 = tpu.memref_slice %dma_start3A_216[%mul3A_178, %dma_start3A_217] : memref<16x128xi32, #tpu.memory_space<vmem>> -> memref<1x128xi32, #tpu.memory_space<vmem>>
          %dma_start3A_219 = tpu.memref_squeeze %dma_start3A_218 : memref<1x128xi32, #tpu.memory_space<vmem>> -> memref<128xi32, #tpu.memory_space<vmem>>
          %dma_start3A_220 = arith.constant 0 : i32
          %dma_start3A_221 = arith.constant 0 : i32
          %dma_start3A_222 = tpu.memref_slice %arg10[%dma_start3A_220, %dma_start3A_221] : memref<10016x128xf32, #tpu.memory_space<vmem_shared>> -> memref<10016x128xf32, #tpu.memory_space<vmem_shared>>
          tpu.enqueue_indirect_dma source(%arg8 : memref<128x128xf32, #tpu.memory_space<vmem>>) target(%dma_start3A_222 : memref<10016x128xf32, #tpu.memory_space<vmem_shared>>) offsets(%dma_start3A_219 : memref<128xi32, #tpu.memory_space<vmem>>) semaphore(%run_scoped3A : memref<!tpu.dma_semaphore, #tpu.memory_space<semaphore_mem>>) {add = true}
          %dma_wait3A_223 = arith.constant 0 : i32
          %dma_wait3A_224 = arith.constant 0 : i32
          %dma_wait3A_225 = tpu.memref_slice %arg7[%cond3A_110, %dma_wait3A_223, %dma_wait3A_224] : memref<2x16x128xi32, #tpu.memory_space<vmem>> -> memref<1x16x128xi32, #tpu.memory_space<vmem>>
          %dma_wait3A_226 = tpu.memref_squeeze %dma_wait3A_225 : memref<1x16x128xi32, #tpu.memory_space<vmem>> -> memref<16x128xi32, #tpu.memory_space<vmem>>
          %dma_wait3A_227 = arith.constant 0 : i32
          %dma_wait3A_228 = tpu.memref_slice %dma_wait3A_226[%mul3A_178, %dma_wait3A_227] : memref<16x128xi32, #tpu.memory_space<vmem>> -> memref<1x128xi32, #tpu.memory_space<vmem>>
          %dma_wait3A_229 = tpu.memref_squeeze %dma_wait3A_228 : memref<1x128xi32, #tpu.memory_space<vmem>> -> memref<128xi32, #tpu.memory_space<vmem>>
          %dma_wait3A_230 = arith.constant 0 : i32
          %dma_wait3A_231 = arith.constant 0 : i32
          %dma_wait3A_232 = tpu.memref_slice %arg10[%dma_wait3A_230, %dma_wait3A_231] : memref<10016x128xf32, #tpu.memory_space<vmem_shared>> -> memref<10016x128xf32, #tpu.memory_space<vmem_shared>>
          tpu.wait_indirect_dma semaphore(%run_scoped3A : memref<!tpu.dma_semaphore, #tpu.memory_space<semaphore_mem>>) src(%arg8 : memref<128x128xf32, #tpu.memory_space<vmem>>) dst(%dma_wait3A_232 : memref<10016x128xf32, #tpu.memory_space<vmem_shared>>)
          tpu.yield
        }) : () -> ()
        %add3A_197 = arith.constant 2 : i32
        %add3A_198 = arith.addi %mul3A_178, %add3A_197 : i32
        %lt3A_199 = arith.constant 16 : i32
        %lt3A_200 = arith.cmpi slt, %add3A_198, %lt3A_199 : i32
        %convert_element_type3A_201 = arith.extui %lt3A_200 : i1 to i32
        %cond3A_202 = arith.constant 0 : i32
        %cond3A_203 = arith.cmpi ne, %convert_element_type3A_201, %cond3A_202 : i32
        scf.if %cond3A_203 {
          %add3A_213 = arith.constant 2 : i32
          %add3A_214 = arith.addi %mul3A_178, %add3A_213 : i32
          %dma_start3A_215 = arith.constant 0 : i32
          %dma_start3A_216 = arith.constant 0 : i32
          %dma_start3A_217 = tpu.memref_slice %arg6[%cond3A_109, %dma_start3A_215, %dma_start3A_216] : memref<2x16x128xi32, #tpu.memory_space<vmem>> -> memref<1x16x128xi32, #tpu.memory_space<vmem>>
          %dma_start3A_218 = tpu.memref_squeeze %dma_start3A_217 : memref<1x16x128xi32, #tpu.memory_space<vmem>> -> memref<16x128xi32, #tpu.memory_space<vmem>>
          %dma_start3A_219 = arith.constant 0 : i32
          %dma_start3A_220 = tpu.memref_slice %dma_start3A_218[%add3A_214, %dma_start3A_219] : memref<16x128xi32, #tpu.memory_space<vmem>> -> memref<1x128xi32, #tpu.memory_space<vmem>>
          %dma_start3A_221 = tpu.memref_squeeze %dma_start3A_220 : memref<1x128xi32, #tpu.memory_space<vmem>> -> memref<128xi32, #tpu.memory_space<vmem>>
          %dma_start3A_222 = arith.constant 0 : i32
          %dma_start3A_223 = arith.constant 0 : i32
          %dma_start3A_224 = tpu.memref_slice %arg2[%dma_start3A_222, %dma_start3A_223] : memref<10000x128xf32, #tpu.memory_space<hbm>> -> memref<10000x128xf32, #tpu.memory_space<hbm>>
          tpu.enqueue_indirect_dma source(%dma_start3A_224 : memref<10000x128xf32, #tpu.memory_space<hbm>>) target(%arg8 : memref<128x128xf32, #tpu.memory_space<vmem>>) offsets(%dma_start3A_221 : memref<128xi32, #tpu.memory_space<vmem>>) semaphore(%arg11 : memref<!tpu.dma_semaphore, #tpu.memory_space<semaphore_mem>>)
        } else {
        }
        %dma_wait3A_204 = arith.constant 0 : i32
        %dma_wait3A_205 = arith.constant 0 : i32
        %dma_wait3A_206 = tpu.memref_slice %arg2[%dma_wait3A_204, %dma_wait3A_205] : memref<10000x128xf32, #tpu.memory_space<hbm>> -> memref<128x128xf32, #tpu.memory_space<hbm>>
        %dma_wait3A_207 = arith.constant 0 : i32
        %dma_wait3A_208 = arith.constant 0 : i32
        %dma_wait3A_209 = tpu.memref_slice %arg2[%dma_wait3A_207, %dma_wait3A_208] : memref<10000x128xf32, #tpu.memory_space<hbm>> -> memref<128x128xf32, #tpu.memory_space<hbm>>
        tpu.wait_dma2 semaphore(%arg12 : memref<!tpu.dma_semaphore, #tpu.memory_space<semaphore_mem>>) src(%dma_wait3A_209 : memref<128x128xf32, #tpu.memory_space<hbm>>) dst(%arg9 : memref<128x128xf32, #tpu.memory_space<vmem>>)
        %add3A_210 = arith.constant 1 : i32
        %add3A_211 = arith.addi %mul3A_178, %add3A_210 : i32
        "tpu.region"() ({
          %run_scoped3A = tpu.sem_alloc : memref<!tpu.dma_semaphore, #tpu.memory_space<semaphore_mem>>
          %dma_start3A_213 = arith.constant 0 : i32
          %dma_start3A_214 = arith.constant 0 : i32
          %dma_start3A_215 = tpu.memref_slice %arg7[%cond3A_110, %dma_start3A_213, %dma_start3A_214] : memref<2x16x128xi32, #tpu.memory_space<vmem>> -> memref<1x16x128xi32, #tpu.memory_space<vmem>>
          %dma_start3A_216 = tpu.memref_squeeze %dma_start3A_215 : memref<1x16x128xi32, #tpu.memory_space<vmem>> -> memref<16x128xi32, #tpu.memory_space<vmem>>
          %dma_start3A_217 = arith.constant 0 : i32
          %dma_start3A_218 = tpu.memref_slice %dma_start3A_216[%add3A_211, %dma_start3A_217] : memref<16x128xi32, #tpu.memory_space<vmem>> -> memref<1x128xi32, #tpu.memory_space<vmem>>
          %dma_start3A_219 = tpu.memref_squeeze %dma_start3A_218 : memref<1x128xi32, #tpu.memory_space<vmem>> -> memref<128xi32, #tpu.memory_space<vmem>>
          %dma_start3A_220 = arith.constant 0 : i32
          %dma_start3A_221 = arith.constant 0 : i32
          %dma_start3A_222 = tpu.memref_slice %arg10[%dma_start3A_220, %dma_start3A_221] : memref<10016x128xf32, #tpu.memory_space<vmem_shared>> -> memref<10016x128xf32, #tpu.memory_space<vmem_shared>>
          tpu.enqueue_indirect_dma source(%arg9 : memref<128x128xf32, #tpu.memory_space<vmem>>) target(%dma_start3A_222 : memref<10016x128xf32, #tpu.memory_space<vmem_shared>>) offsets(%dma_start3A_219 : memref<128xi32, #tpu.memory_space<vmem>>) semaphore(%run_scoped3A : memref<!tpu.dma_semaphore, #tpu.memory_space<semaphore_mem>>) {add = true}
          %dma_wait3A_223 = arith.constant 0 : i32
          %dma_wait3A_224 = arith.constant 0 : i32
          %dma_wait3A_225 = tpu.memref_slice %arg7[%cond3A_110, %dma_wait3A_223, %dma_wait3A_224] : memref<2x16x128xi32, #tpu.memory_space<vmem>> -> memref<1x16x128xi32, #tpu.memory_space<vmem>>
          %dma_wait3A_226 = tpu.memref_squeeze %dma_wait3A_225 : memref<1x16x128xi32, #tpu.memory_space<vmem>> -> memref<16x128xi32, #tpu.memory_space<vmem>>
          %dma_wait3A_227 = arith.constant 0 : i32
          %dma_wait3A_228 = tpu.memref_slice %dma_wait3A_226[%add3A_211, %dma_wait3A_227] : memref<16x128xi32, #tpu.memory_space<vmem>> -> memref<1x128xi32, #tpu.memory_space<vmem>>
          %dma_wait3A_229 = tpu.memref_squeeze %dma_wait3A_228 : memref<1x128xi32, #tpu.memory_space<vmem>> -> memref<128xi32, #tpu.memory_space<vmem>>
          %dma_wait3A_230 = arith.constant 0 : i32
          %dma_wait3A_231 = arith.constant 0 : i32
          %dma_wait3A_232 = tpu.memref_slice %arg10[%dma_wait3A_230, %dma_wait3A_231] : memref<10016x128xf32, #tpu.memory_space<vmem_shared>> -> memref<10016x128xf32, #tpu.memory_space<vmem_shared>>
          tpu.wait_indirect_dma semaphore(%run_scoped3A : memref<!tpu.dma_semaphore, #tpu.memory_space<semaphore_mem>>) src(%arg9 : memref<128x128xf32, #tpu.memory_space<vmem>>) dst(%dma_wait3A_232 : memref<10016x128xf32, #tpu.memory_space<vmem_shared>>)
          tpu.yield
        }) : () -> ()
        %scan3A_212 = arith.constant 0 : i32
        scf.yield %scan3A_212 : i32
      }
      %scan3A_169 = arith.constant 8 : i32
      %gt3A_170 = arith.constant 4 : i32
      %gt3A_171 = arith.cmpi sgt, %select_n3A, %gt3A_170 : i32
      %convert_element_type3A_172 = arith.extui %gt3A_171 : i1 to i32
      %cond3A_173 = arith.constant 0 : i32
      %cond3A_174 = arith.cmpi ne, %convert_element_type3A_172, %cond3A_173 : i32
      scf.if %cond3A_174 {
        %dma_wait3A_175 = arith.constant 0 : i32
        %dma_wait3A_176 = arith.constant 0 : i32
        %dma_wait3A_177 = arith.constant 0 : i32
        %dma_wait3A_178 = tpu.memref_slice %arg6[%dma_wait3A_175, %dma_wait3A_176, %dma_wait3A_177] : memref<2x16x128xi32, #tpu.memory_space<vmem>> -> memref<1x16x128xi32, #tpu.memory_space<vmem>>
        %dma_wait3A_179 = tpu.memref_squeeze %dma_wait3A_178 : memref<1x16x128xi32, #tpu.memory_space<vmem>> -> memref<16x128xi32, #tpu.memory_space<vmem>>
        %dma_wait3A_180 = arith.constant 0 : i32
        %dma_wait3A_181 = arith.constant 0 : i32
        %dma_wait3A_182 = tpu.memref_slice %arg3[%dma_wait3A_180, %dma_wait3A_181] : memref<2560x128xi32, #tpu.memory_space<hbm>> -> memref<16x128xi32, #tpu.memory_space<hbm>>
        %dma_wait3A_183 = arith.constant 0 : i32
        %dma_wait3A_184 = arith.constant 0 : i32
        %dma_wait3A_185 = tpu.memref_slice %arg6[%dma_wait3A_175, %dma_wait3A_183, %dma_wait3A_184] : memref<2x16x128xi32, #tpu.memory_space<vmem>> -> memref<1x16x128xi32, #tpu.memory_space<vmem>>
        %dma_wait3A_186 = tpu.memref_squeeze %dma_wait3A_185 : memref<1x16x128xi32, #tpu.memory_space<vmem>> -> memref<16x128xi32, #tpu.memory_space<vmem>>
        %dma_wait3A_187 = arith.constant 0 : i32
        %dma_wait3A_188 = arith.constant 0 : i32
        %dma_wait3A_189 = tpu.memref_slice %arg3[%dma_wait3A_187, %dma_wait3A_188] : memref<2560x128xi32, #tpu.memory_space<hbm>> -> memref<16x128xi32, #tpu.memory_space<hbm>>
        tpu.wait_dma2 semaphore(%arg13 : memref<!tpu.dma_semaphore, #tpu.memory_space<semaphore_mem>>) src(%dma_wait3A_189 : memref<16x128xi32, #tpu.memory_space<hbm>>) dst(%dma_wait3A_186 : memref<16x128xi32, #tpu.memory_space<vmem>>)
        %dma_wait3A_190 = arith.constant 0 : i32
        %dma_wait3A_191 = arith.constant 0 : i32
        %dma_wait3A_192 = arith.constant 0 : i32
        %dma_wait3A_193 = tpu.memref_slice %arg7[%dma_wait3A_190, %dma_wait3A_191, %dma_wait3A_192] : memref<2x16x128xi32, #tpu.memory_space<vmem>> -> memref<1x16x128xi32, #tpu.memory_space<vmem>>
        %dma_wait3A_194 = tpu.memref_squeeze %dma_wait3A_193 : memref<1x16x128xi32, #tpu.memory_space<vmem>> -> memref<16x128xi32, #tpu.memory_space<vmem>>
        %dma_wait3A_195 = arith.constant 0 : i32
        %dma_wait3A_196 = arith.constant 0 : i32
        %dma_wait3A_197 = tpu.memref_slice %arg4[%dma_wait3A_195, %dma_wait3A_196] : memref<2560x128xi32, #tpu.memory_space<hbm>> -> memref<16x128xi32, #tpu.memory_space<hbm>>
        %dma_wait3A_198 = arith.constant 0 : i32
        %dma_wait3A_199 = arith.constant 0 : i32
        %dma_wait3A_200 = tpu.memref_slice %arg7[%dma_wait3A_190, %dma_wait3A_198, %dma_wait3A_199] : memref<2x16x128xi32, #tpu.memory_space<vmem>> -> memref<1x16x128xi32, #tpu.memory_space<vmem>>
        %dma_wait3A_201 = tpu.memref_squeeze %dma_wait3A_200 : memref<1x16x128xi32, #tpu.memory_space<vmem>> -> memref<16x128xi32, #tpu.memory_space<vmem>>
        %dma_wait3A_202 = arith.constant 0 : i32
        %dma_wait3A_203 = arith.constant 0 : i32
        %dma_wait3A_204 = tpu.memref_slice %arg4[%dma_wait3A_202, %dma_wait3A_203] : memref<2560x128xi32, #tpu.memory_space<hbm>> -> memref<16x128xi32, #tpu.memory_space<hbm>>
        tpu.wait_dma2 semaphore(%arg13 : memref<!tpu.dma_semaphore, #tpu.memory_space<semaphore_mem>>) src(%dma_wait3A_204 : memref<16x128xi32, #tpu.memory_space<hbm>>) dst(%dma_wait3A_201 : memref<16x128xi32, #tpu.memory_space<vmem>>)
      } else {
      }
    } else {
    }
    %gt3A_113 = arith.constant 4 : i32
    %gt3A_114 = arith.cmpi sgt, %select_n3A, %gt3A_113 : i32
    %convert_element_type3A_115 = arith.extui %gt3A_114 : i1 to i32
    %cond3A_116 = arith.constant 0 : i32
    %cond3A_117 = arith.constant 0 : i32
    %cond3A_118 = arith.constant 0 : i32
    %cond3A_119 = arith.cmpi ne, %convert_element_type3A_115, %cond3A_118 : i32
    scf.if %cond3A_119 {
      %gt3A_147 = arith.constant 5 : i32
      %gt3A_148 = arith.cmpi sgt, %select_n3A, %gt3A_147 : i32
      %convert_element_type3A_149 = arith.extui %gt3A_148 : i1 to i32
      %cond3A_150 = arith.constant 0 : i32
      %cond3A_151 = arith.cmpi ne, %convert_element_type3A_149, %cond3A_150 : i32
      scf.if %cond3A_151 {
        %add3A_175 = arith.constant 80 : i32
        %add3A_176 = arith.addi %add3A_5, %add3A_175 : i32
        %dma_start3A_177 = arith.constant 1 : i32
        %dma_start3A_178 = arith.constant 0 : i32
        %dma_start3A_179 = arith.constant 0 : i32
        %dma_start3A_180 = tpu.memref_slice %arg6[%dma_start3A_177, %dma_start3A_178, %dma_start3A_179] : memref<2x16x128xi32, #tpu.memory_space<vmem>> -> memref<1x16x128xi32, #tpu.memory_space<vmem>>
        %dma_start3A_181 = tpu.memref_squeeze %dma_start3A_180 : memref<1x16x128xi32, #tpu.memory_space<vmem>> -> memref<16x128xi32, #tpu.memory_space<vmem>>
        %dma_start3A_182 = arith.constant 0 : i32
        %dma_start3A_183 = tpu.memref_slice %arg3[%add3A_176, %dma_start3A_182] : memref<2560x128xi32, #tpu.memory_space<hbm>> -> memref<16x128xi32, #tpu.memory_space<hbm>>
        %dma_start3A_184 = arith.constant 0 : i32
        %dma_start3A_185 = arith.constant 0 : i32
        %dma_start3A_186 = tpu.memref_slice %arg6[%dma_start3A_177, %dma_start3A_184, %dma_start3A_185] : memref<2x16x128xi32, #tpu.memory_space<vmem>> -> memref<1x16x128xi32, #tpu.memory_space<vmem>>
        %dma_start3A_187 = tpu.memref_squeeze %dma_start3A_186 : memref<1x16x128xi32, #tpu.memory_space<vmem>> -> memref<16x128xi32, #tpu.memory_space<vmem>>
        %dma_start3A_188 = arith.constant 0 : i32
        %dma_start3A_189 = tpu.memref_slice %arg3[%add3A_176, %dma_start3A_188] : memref<2560x128xi32, #tpu.memory_space<hbm>> -> memref<16x128xi32, #tpu.memory_space<hbm>>
        tpu.enqueue_dma source(%dma_start3A_189 : memref<16x128xi32, #tpu.memory_space<hbm>>) target(%dma_start3A_187 : memref<16x128xi32, #tpu.memory_space<vmem>>) target_semaphore(%arg13 : memref<!tpu.dma_semaphore, #tpu.memory_space<semaphore_mem>>)
        %dma_start3A_190 = arith.constant 1 : i32
        %dma_start3A_191 = arith.constant 0 : i32
        %dma_start3A_192 = arith.constant 0 : i32
        %dma_start3A_193 = tpu.memref_slice %arg7[%dma_start3A_190, %dma_start3A_191, %dma_start3A_192] : memref<2x16x128xi32, #tpu.memory_space<vmem>> -> memref<1x16x128xi32, #tpu.memory_space<vmem>>
        %dma_start3A_194 = tpu.memref_squeeze %dma_start3A_193 : memref<1x16x128xi32, #tpu.memory_space<vmem>> -> memref<16x128xi32, #tpu.memory_space<vmem>>
        %dma_start3A_195 = arith.constant 0 : i32
        %dma_start3A_196 = tpu.memref_slice %arg4[%add3A_176, %dma_start3A_195] : memref<2560x128xi32, #tpu.memory_space<hbm>> -> memref<16x128xi32, #tpu.memory_space<hbm>>
        %dma_start3A_197 = arith.constant 0 : i32
        %dma_start3A_198 = arith.constant 0 : i32
        %dma_start3A_199 = tpu.memref_slice %arg7[%dma_start3A_190, %dma_start3A_197, %dma_start3A_198] : memref<2x16x128xi32, #tpu.memory_space<vmem>> -> memref<1x16x128xi32, #tpu.memory_space<vmem>>
        %dma_start3A_200 = tpu.memref_squeeze %dma_start3A_199 : memref<1x16x128xi32, #tpu.memory_space<vmem>> -> memref<16x128xi32, #tpu.memory_space<vmem>>
        %dma_start3A_201 = arith.constant 0 : i32
        %dma_start3A_202 = tpu.memref_slice %arg4[%add3A_176, %dma_start3A_201] : memref<2560x128xi32, #tpu.memory_space<hbm>> -> memref<16x128xi32, #tpu.memory_space<hbm>>
        tpu.enqueue_dma source(%dma_start3A_202 : memref<16x128xi32, #tpu.memory_space<hbm>>) target(%dma_start3A_200 : memref<16x128xi32, #tpu.memory_space<vmem>>) target_semaphore(%arg13 : memref<!tpu.dma_semaphore, #tpu.memory_space<semaphore_mem>>)
      } else {
      }
      %dma_start3A_152 = arith.constant 0 : i32
      %dma_start3A_153 = arith.constant 0 : i32
      %dma_start3A_154 = arith.constant 0 : i32
      %dma_start3A_155 = tpu.memref_slice %arg6[%cond3A_116, %dma_start3A_153, %dma_start3A_154] : memref<2x16x128xi32, #tpu.memory_space<vmem>> -> memref<1x16x128xi32, #tpu.memory_space<vmem>>
      %dma_start3A_156 = tpu.memref_squeeze %dma_start3A_155 : memref<1x16x128xi32, #tpu.memory_space<vmem>> -> memref<16x128xi32, #tpu.memory_space<vmem>>
      %dma_start3A_157 = arith.constant 0 : i32
      %dma_start3A_158 = tpu.memref_slice %dma_start3A_156[%dma_start3A_152, %dma_start3A_157] : memref<16x128xi32, #tpu.memory_space<vmem>> -> memref<1x128xi32, #tpu.memory_space<vmem>>
      %dma_start3A_159 = tpu.memref_squeeze %dma_start3A_158 : memref<1x128xi32, #tpu.memory_space<vmem>> -> memref<128xi32, #tpu.memory_space<vmem>>
      %dma_start3A_160 = arith.constant 0 : i32
      %dma_start3A_161 = arith.constant 0 : i32
      %dma_start3A_162 = tpu.memref_slice %arg2[%dma_start3A_160, %dma_start3A_161] : memref<10000x128xf32, #tpu.memory_space<hbm>> -> memref<10000x128xf32, #tpu.memory_space<hbm>>
      tpu.enqueue_indirect_dma source(%dma_start3A_162 : memref<10000x128xf32, #tpu.memory_space<hbm>>) target(%arg8 : memref<128x128xf32, #tpu.memory_space<vmem>>) offsets(%dma_start3A_159 : memref<128xi32, #tpu.memory_space<vmem>>) semaphore(%arg11 : memref<!tpu.dma_semaphore, #tpu.memory_space<semaphore_mem>>)
      %scan3A_163 = arith.constant 0 : i32
      %scan3A_164 = arith.constant 0 : i32
      %scan3A_165 = arith.constant 8 : i32
      %scan3A_166 = arith.addi %scan3A_164, %scan3A_165 : i32
      %scan3A_167 = arith.constant 1 : i32
      %scan3A_168 = scf.for %scan3A_175 = %scan3A_164 to %scan3A_166 step %scan3A_167 iter_args(%scan3A_176 = %scan3A_163) -> (i32)  : i32 {
        %mul3A_177 = arith.constant 2 : i32
        %mul3A_178 = arith.muli %mul3A_177, %scan3A_175 : i32
        %add3A_179 = arith.constant 1 : i32
        %add3A_180 = arith.addi %mul3A_178, %add3A_179 : i32
        %dma_start3A_181 = arith.constant 0 : i32
        %dma_start3A_182 = arith.constant 0 : i32
        %dma_start3A_183 = tpu.memref_slice %arg6[%cond3A_116, %dma_start3A_181, %dma_start3A_182] : memref<2x16x128xi32, #tpu.memory_space<vmem>> -> memref<1x16x128xi32, #tpu.memory_space<vmem>>
        %dma_start3A_184 = tpu.memref_squeeze %dma_start3A_183 : memref<1x16x128xi32, #tpu.memory_space<vmem>> -> memref<16x128xi32, #tpu.memory_space<vmem>>
        %dma_start3A_185 = arith.constant 0 : i32
        %dma_start3A_186 = tpu.memref_slice %dma_start3A_184[%add3A_180, %dma_start3A_185] : memref<16x128xi32, #tpu.memory_space<vmem>> -> memref<1x128xi32, #tpu.memory_space<vmem>>
        %dma_start3A_187 = tpu.memref_squeeze %dma_start3A_186 : memref<1x128xi32, #tpu.memory_space<vmem>> -> memref<128xi32, #tpu.memory_space<vmem>>
        %dma_start3A_188 = arith.constant 0 : i32
        %dma_start3A_189 = arith.constant 0 : i32
        %dma_start3A_190 = tpu.memref_slice %arg2[%dma_start3A_188, %dma_start3A_189] : memref<10000x128xf32, #tpu.memory_space<hbm>> -> memref<10000x128xf32, #tpu.memory_space<hbm>>
        tpu.enqueue_indirect_dma source(%dma_start3A_190 : memref<10000x128xf32, #tpu.memory_space<hbm>>) target(%arg9 : memref<128x128xf32, #tpu.memory_space<vmem>>) offsets(%dma_start3A_187 : memref<128xi32, #tpu.memory_space<vmem>>) semaphore(%arg12 : memref<!tpu.dma_semaphore, #tpu.memory_space<semaphore_mem>>)
        %dma_wait3A_191 = arith.constant 0 : i32
        %dma_wait3A_192 = arith.constant 0 : i32
        %dma_wait3A_193 = tpu.memref_slice %arg2[%dma_wait3A_191, %dma_wait3A_192] : memref<10000x128xf32, #tpu.memory_space<hbm>> -> memref<128x128xf32, #tpu.memory_space<hbm>>
        %dma_wait3A_194 = arith.constant 0 : i32
        %dma_wait3A_195 = arith.constant 0 : i32
        %dma_wait3A_196 = tpu.memref_slice %arg2[%dma_wait3A_194, %dma_wait3A_195] : memref<10000x128xf32, #tpu.memory_space<hbm>> -> memref<128x128xf32, #tpu.memory_space<hbm>>
        tpu.wait_dma2 semaphore(%arg11 : memref<!tpu.dma_semaphore, #tpu.memory_space<semaphore_mem>>) src(%dma_wait3A_196 : memref<128x128xf32, #tpu.memory_space<hbm>>) dst(%arg8 : memref<128x128xf32, #tpu.memory_space<vmem>>)
        "tpu.region"() ({
          %run_scoped3A = tpu.sem_alloc : memref<!tpu.dma_semaphore, #tpu.memory_space<semaphore_mem>>
          %dma_start3A_213 = arith.constant 0 : i32
          %dma_start3A_214 = arith.constant 0 : i32
          %dma_start3A_215 = tpu.memref_slice %arg7[%cond3A_117, %dma_start3A_213, %dma_start3A_214] : memref<2x16x128xi32, #tpu.memory_space<vmem>> -> memref<1x16x128xi32, #tpu.memory_space<vmem>>
          %dma_start3A_216 = tpu.memref_squeeze %dma_start3A_215 : memref<1x16x128xi32, #tpu.memory_space<vmem>> -> memref<16x128xi32, #tpu.memory_space<vmem>>
          %dma_start3A_217 = arith.constant 0 : i32
          %dma_start3A_218 = tpu.memref_slice %dma_start3A_216[%mul3A_178, %dma_start3A_217] : memref<16x128xi32, #tpu.memory_space<vmem>> -> memref<1x128xi32, #tpu.memory_space<vmem>>
          %dma_start3A_219 = tpu.memref_squeeze %dma_start3A_218 : memref<1x128xi32, #tpu.memory_space<vmem>> -> memref<128xi32, #tpu.memory_space<vmem>>
          %dma_start3A_220 = arith.constant 0 : i32
          %dma_start3A_221 = arith.constant 0 : i32
          %dma_start3A_222 = tpu.memref_slice %arg10[%dma_start3A_220, %dma_start3A_221] : memref<10016x128xf32, #tpu.memory_space<vmem_shared>> -> memref<10016x128xf32, #tpu.memory_space<vmem_shared>>
          tpu.enqueue_indirect_dma source(%arg8 : memref<128x128xf32, #tpu.memory_space<vmem>>) target(%dma_start3A_222 : memref<10016x128xf32, #tpu.memory_space<vmem_shared>>) offsets(%dma_start3A_219 : memref<128xi32, #tpu.memory_space<vmem>>) semaphore(%run_scoped3A : memref<!tpu.dma_semaphore, #tpu.memory_space<semaphore_mem>>) {add = true}
          %dma_wait3A_223 = arith.constant 0 : i32
          %dma_wait3A_224 = arith.constant 0 : i32
          %dma_wait3A_225 = tpu.memref_slice %arg7[%cond3A_117, %dma_wait3A_223, %dma_wait3A_224] : memref<2x16x128xi32, #tpu.memory_space<vmem>> -> memref<1x16x128xi32, #tpu.memory_space<vmem>>
          %dma_wait3A_226 = tpu.memref_squeeze %dma_wait3A_225 : memref<1x16x128xi32, #tpu.memory_space<vmem>> -> memref<16x128xi32, #tpu.memory_space<vmem>>
          %dma_wait3A_227 = arith.constant 0 : i32
          %dma_wait3A_228 = tpu.memref_slice %dma_wait3A_226[%mul3A_178, %dma_wait3A_227] : memref<16x128xi32, #tpu.memory_space<vmem>> -> memref<1x128xi32, #tpu.memory_space<vmem>>
          %dma_wait3A_229 = tpu.memref_squeeze %dma_wait3A_228 : memref<1x128xi32, #tpu.memory_space<vmem>> -> memref<128xi32, #tpu.memory_space<vmem>>
          %dma_wait3A_230 = arith.constant 0 : i32
          %dma_wait3A_231 = arith.constant 0 : i32
          %dma_wait3A_232 = tpu.memref_slice %arg10[%dma_wait3A_230, %dma_wait3A_231] : memref<10016x128xf32, #tpu.memory_space<vmem_shared>> -> memref<10016x128xf32, #tpu.memory_space<vmem_shared>>
          tpu.wait_indirect_dma semaphore(%run_scoped3A : memref<!tpu.dma_semaphore, #tpu.memory_space<semaphore_mem>>) src(%arg8 : memref<128x128xf32, #tpu.memory_space<vmem>>) dst(%dma_wait3A_232 : memref<10016x128xf32, #tpu.memory_space<vmem_shared>>)
          tpu.yield
        }) : () -> ()
        %add3A_197 = arith.constant 2 : i32
        %add3A_198 = arith.addi %mul3A_178, %add3A_197 : i32
        %lt3A_199 = arith.constant 16 : i32
        %lt3A_200 = arith.cmpi slt, %add3A_198, %lt3A_199 : i32
        %convert_element_type3A_201 = arith.extui %lt3A_200 : i1 to i32
        %cond3A_202 = arith.constant 0 : i32
        %cond3A_203 = arith.cmpi ne, %convert_element_type3A_201, %cond3A_202 : i32
        scf.if %cond3A_203 {
          %add3A_213 = arith.constant 2 : i32
          %add3A_214 = arith.addi %mul3A_178, %add3A_213 : i32
          %dma_start3A_215 = arith.constant 0 : i32
          %dma_start3A_216 = arith.constant 0 : i32
          %dma_start3A_217 = tpu.memref_slice %arg6[%cond3A_116, %dma_start3A_215, %dma_start3A_216] : memref<2x16x128xi32, #tpu.memory_space<vmem>> -> memref<1x16x128xi32, #tpu.memory_space<vmem>>
          %dma_start3A_218 = tpu.memref_squeeze %dma_start3A_217 : memref<1x16x128xi32, #tpu.memory_space<vmem>> -> memref<16x128xi32, #tpu.memory_space<vmem>>
          %dma_start3A_219 = arith.constant 0 : i32
          %dma_start3A_220 = tpu.memref_slice %dma_start3A_218[%add3A_214, %dma_start3A_219] : memref<16x128xi32, #tpu.memory_space<vmem>> -> memref<1x128xi32, #tpu.memory_space<vmem>>
          %dma_start3A_221 = tpu.memref_squeeze %dma_start3A_220 : memref<1x128xi32, #tpu.memory_space<vmem>> -> memref<128xi32, #tpu.memory_space<vmem>>
          %dma_start3A_222 = arith.constant 0 : i32
          %dma_start3A_223 = arith.constant 0 : i32
          %dma_start3A_224 = tpu.memref_slice %arg2[%dma_start3A_222, %dma_start3A_223] : memref<10000x128xf32, #tpu.memory_space<hbm>> -> memref<10000x128xf32, #tpu.memory_space<hbm>>
          tpu.enqueue_indirect_dma source(%dma_start3A_224 : memref<10000x128xf32, #tpu.memory_space<hbm>>) target(%arg8 : memref<128x128xf32, #tpu.memory_space<vmem>>) offsets(%dma_start3A_221 : memref<128xi32, #tpu.memory_space<vmem>>) semaphore(%arg11 : memref<!tpu.dma_semaphore, #tpu.memory_space<semaphore_mem>>)
        } else {
        }
        %dma_wait3A_204 = arith.constant 0 : i32
        %dma_wait3A_205 = arith.constant 0 : i32
        %dma_wait3A_206 = tpu.memref_slice %arg2[%dma_wait3A_204, %dma_wait3A_205] : memref<10000x128xf32, #tpu.memory_space<hbm>> -> memref<128x128xf32, #tpu.memory_space<hbm>>
        %dma_wait3A_207 = arith.constant 0 : i32
        %dma_wait3A_208 = arith.constant 0 : i32
        %dma_wait3A_209 = tpu.memref_slice %arg2[%dma_wait3A_207, %dma_wait3A_208] : memref<10000x128xf32, #tpu.memory_space<hbm>> -> memref<128x128xf32, #tpu.memory_space<hbm>>
        tpu.wait_dma2 semaphore(%arg12 : memref<!tpu.dma_semaphore, #tpu.memory_space<semaphore_mem>>) src(%dma_wait3A_209 : memref<128x128xf32, #tpu.memory_space<hbm>>) dst(%arg9 : memref<128x128xf32, #tpu.memory_space<vmem>>)
        %add3A_210 = arith.constant 1 : i32
        %add3A_211 = arith.addi %mul3A_178, %add3A_210 : i32
        "tpu.region"() ({
          %run_scoped3A = tpu.sem_alloc : memref<!tpu.dma_semaphore, #tpu.memory_space<semaphore_mem>>
          %dma_start3A_213 = arith.constant 0 : i32
          %dma_start3A_214 = arith.constant 0 : i32
          %dma_start3A_215 = tpu.memref_slice %arg7[%cond3A_117, %dma_start3A_213, %dma_start3A_214] : memref<2x16x128xi32, #tpu.memory_space<vmem>> -> memref<1x16x128xi32, #tpu.memory_space<vmem>>
          %dma_start3A_216 = tpu.memref_squeeze %dma_start3A_215 : memref<1x16x128xi32, #tpu.memory_space<vmem>> -> memref<16x128xi32, #tpu.memory_space<vmem>>
          %dma_start3A_217 = arith.constant 0 : i32
          %dma_start3A_218 = tpu.memref_slice %dma_start3A_216[%add3A_211, %dma_start3A_217] : memref<16x128xi32, #tpu.memory_space<vmem>> -> memref<1x128xi32, #tpu.memory_space<vmem>>
          %dma_start3A_219 = tpu.memref_squeeze %dma_start3A_218 : memref<1x128xi32, #tpu.memory_space<vmem>> -> memref<128xi32, #tpu.memory_space<vmem>>
          %dma_start3A_220 = arith.constant 0 : i32
          %dma_start3A_221 = arith.constant 0 : i32
          %dma_start3A_222 = tpu.memref_slice %arg10[%dma_start3A_220, %dma_start3A_221] : memref<10016x128xf32, #tpu.memory_space<vmem_shared>> -> memref<10016x128xf32, #tpu.memory_space<vmem_shared>>
          tpu.enqueue_indirect_dma source(%arg9 : memref<128x128xf32, #tpu.memory_space<vmem>>) target(%dma_start3A_222 : memref<10016x128xf32, #tpu.memory_space<vmem_shared>>) offsets(%dma_start3A_219 : memref<128xi32, #tpu.memory_space<vmem>>) semaphore(%run_scoped3A : memref<!tpu.dma_semaphore, #tpu.memory_space<semaphore_mem>>) {add = true}
          %dma_wait3A_223 = arith.constant 0 : i32
          %dma_wait3A_224 = arith.constant 0 : i32
          %dma_wait3A_225 = tpu.memref_slice %arg7[%cond3A_117, %dma_wait3A_223, %dma_wait3A_224] : memref<2x16x128xi32, #tpu.memory_space<vmem>> -> memref<1x16x128xi32, #tpu.memory_space<vmem>>
          %dma_wait3A_226 = tpu.memref_squeeze %dma_wait3A_225 : memref<1x16x128xi32, #tpu.memory_space<vmem>> -> memref<16x128xi32, #tpu.memory_space<vmem>>
          %dma_wait3A_227 = arith.constant 0 : i32
          %dma_wait3A_228 = tpu.memref_slice %dma_wait3A_226[%add3A_211, %dma_wait3A_227] : memref<16x128xi32, #tpu.memory_space<vmem>> -> memref<1x128xi32, #tpu.memory_space<vmem>>
          %dma_wait3A_229 = tpu.memref_squeeze %dma_wait3A_228 : memref<1x128xi32, #tpu.memory_space<vmem>> -> memref<128xi32, #tpu.memory_space<vmem>>
          %dma_wait3A_230 = arith.constant 0 : i32
          %dma_wait3A_231 = arith.constant 0 : i32
          %dma_wait3A_232 = tpu.memref_slice %arg10[%dma_wait3A_230, %dma_wait3A_231] : memref<10016x128xf32, #tpu.memory_space<vmem_shared>> -> memref<10016x128xf32, #tpu.memory_space<vmem_shared>>
          tpu.wait_indirect_dma semaphore(%run_scoped3A : memref<!tpu.dma_semaphore, #tpu.memory_space<semaphore_mem>>) src(%arg9 : memref<128x128xf32, #tpu.memory_space<vmem>>) dst(%dma_wait3A_232 : memref<10016x128xf32, #tpu.memory_space<vmem_shared>>)
          tpu.yield
        }) : () -> ()
        %scan3A_212 = arith.constant 0 : i32
        scf.yield %scan3A_212 : i32
      }
      %scan3A_169 = arith.constant 8 : i32
      %gt3A_170 = arith.constant 5 : i32
      %gt3A_171 = arith.cmpi sgt, %select_n3A, %gt3A_170 : i32
      %convert_element_type3A_172 = arith.extui %gt3A_171 : i1 to i32
      %cond3A_173 = arith.constant 0 : i32
      %cond3A_174 = arith.cmpi ne, %convert_element_type3A_172, %cond3A_173 : i32
      scf.if %cond3A_174 {
        %dma_wait3A_175 = arith.constant 1 : i32
        %dma_wait3A_176 = arith.constant 0 : i32
        %dma_wait3A_177 = arith.constant 0 : i32
        %dma_wait3A_178 = tpu.memref_slice %arg6[%dma_wait3A_175, %dma_wait3A_176, %dma_wait3A_177] : memref<2x16x128xi32, #tpu.memory_space<vmem>> -> memref<1x16x128xi32, #tpu.memory_space<vmem>>
        %dma_wait3A_179 = tpu.memref_squeeze %dma_wait3A_178 : memref<1x16x128xi32, #tpu.memory_space<vmem>> -> memref<16x128xi32, #tpu.memory_space<vmem>>
        %dma_wait3A_180 = arith.constant 0 : i32
        %dma_wait3A_181 = arith.constant 0 : i32
        %dma_wait3A_182 = tpu.memref_slice %arg3[%dma_wait3A_180, %dma_wait3A_181] : memref<2560x128xi32, #tpu.memory_space<hbm>> -> memref<16x128xi32, #tpu.memory_space<hbm>>
        %dma_wait3A_183 = arith.constant 0 : i32
        %dma_wait3A_184 = arith.constant 0 : i32
        %dma_wait3A_185 = tpu.memref_slice %arg6[%dma_wait3A_175, %dma_wait3A_183, %dma_wait3A_184] : memref<2x16x128xi32, #tpu.memory_space<vmem>> -> memref<1x16x128xi32, #tpu.memory_space<vmem>>
        %dma_wait3A_186 = tpu.memref_squeeze %dma_wait3A_185 : memref<1x16x128xi32, #tpu.memory_space<vmem>> -> memref<16x128xi32, #tpu.memory_space<vmem>>
        %dma_wait3A_187 = arith.constant 0 : i32
        %dma_wait3A_188 = arith.constant 0 : i32
        %dma_wait3A_189 = tpu.memref_slice %arg3[%dma_wait3A_187, %dma_wait3A_188] : memref<2560x128xi32, #tpu.memory_space<hbm>> -> memref<16x128xi32, #tpu.memory_space<hbm>>
        tpu.wait_dma2 semaphore(%arg13 : memref<!tpu.dma_semaphore, #tpu.memory_space<semaphore_mem>>) src(%dma_wait3A_189 : memref<16x128xi32, #tpu.memory_space<hbm>>) dst(%dma_wait3A_186 : memref<16x128xi32, #tpu.memory_space<vmem>>)
        %dma_wait3A_190 = arith.constant 1 : i32
        %dma_wait3A_191 = arith.constant 0 : i32
        %dma_wait3A_192 = arith.constant 0 : i32
        %dma_wait3A_193 = tpu.memref_slice %arg7[%dma_wait3A_190, %dma_wait3A_191, %dma_wait3A_192] : memref<2x16x128xi32, #tpu.memory_space<vmem>> -> memref<1x16x128xi32, #tpu.memory_space<vmem>>
        %dma_wait3A_194 = tpu.memref_squeeze %dma_wait3A_193 : memref<1x16x128xi32, #tpu.memory_space<vmem>> -> memref<16x128xi32, #tpu.memory_space<vmem>>
        %dma_wait3A_195 = arith.constant 0 : i32
        %dma_wait3A_196 = arith.constant 0 : i32
        %dma_wait3A_197 = tpu.memref_slice %arg4[%dma_wait3A_195, %dma_wait3A_196] : memref<2560x128xi32, #tpu.memory_space<hbm>> -> memref<16x128xi32, #tpu.memory_space<hbm>>
        %dma_wait3A_198 = arith.constant 0 : i32
        %dma_wait3A_199 = arith.constant 0 : i32
        %dma_wait3A_200 = tpu.memref_slice %arg7[%dma_wait3A_190, %dma_wait3A_198, %dma_wait3A_199] : memref<2x16x128xi32, #tpu.memory_space<vmem>> -> memref<1x16x128xi32, #tpu.memory_space<vmem>>
        %dma_wait3A_201 = tpu.memref_squeeze %dma_wait3A_200 : memref<1x16x128xi32, #tpu.memory_space<vmem>> -> memref<16x128xi32, #tpu.memory_space<vmem>>
        %dma_wait3A_202 = arith.constant 0 : i32
        %dma_wait3A_203 = arith.constant 0 : i32
        %dma_wait3A_204 = tpu.memref_slice %arg4[%dma_wait3A_202, %dma_wait3A_203] : memref<2560x128xi32, #tpu.memory_space<hbm>> -> memref<16x128xi32, #tpu.memory_space<hbm>>
        tpu.wait_dma2 semaphore(%arg13 : memref<!tpu.dma_semaphore, #tpu.memory_space<semaphore_mem>>) src(%dma_wait3A_204 : memref<16x128xi32, #tpu.memory_space<hbm>>) dst(%dma_wait3A_201 : memref<16x128xi32, #tpu.memory_space<vmem>>)
      } else {
      }
    } else {
    }
    %barrier3A_120 = arith.constant 0 : index
    tpu.barrier barrier_id(%barrier3A_120)
    %add3A_121 = arith.constant 0 : i32
    %add3A_122 = arith.addi %mul3A_39, %add3A_121 : i32
    %add3A_123 = arith.constant 0 : i32
    %add3A_124 = arith.addi %mul3A_39, %add3A_123 : i32
    "tpu.region"() ({
      %run_scoped3A = tpu.sem_alloc : memref<!tpu.dma_semaphore, #tpu.memory_space<semaphore_mem>>
      %dma_start3A_147 = arith.constant 0 : i32
      %dma_start3A_148 = tpu.memref_slice %arg5[%arg0, %add3A_124, %dma_start3A_147] : memref<2x10000x128xf32, #tpu.memory_space<hbm>> -> memref<1x128x128xf32, #tpu.memory_space<hbm>>
      %dma_start3A_149 = tpu.memref_squeeze %dma_start3A_148 : memref<1x128x128xf32, #tpu.memory_space<hbm>> -> memref<128x128xf32, #tpu.memory_space<hbm>>
      %dma_start3A_150 = arith.constant 0 : i32
      %dma_start3A_151 = tpu.memref_slice %arg10[%add3A_122, %dma_start3A_150] : memref<10016x128xf32, #tpu.memory_space<vmem_shared>> -> memref<128x128xf32, #tpu.memory_space<vmem_shared>>
      tpu.enqueue_dma source(%dma_start3A_151 : memref<128x128xf32, #tpu.memory_space<vmem_shared>>) target(%dma_start3A_149 : memref<128x128xf32, #tpu.memory_space<hbm>>) target_semaphore(%run_scoped3A : memref<!tpu.dma_semaphore, #tpu.memory_space<semaphore_mem>>)
      %dma_wait3A_152 = arith.constant 0 : i32
      %dma_wait3A_153 = tpu.memref_slice %arg5[%arg0, %add3A_124, %dma_wait3A_152] : memref<2x10000x128xf32, #tpu.memory_space<hbm>> -> memref<1x128x128xf32, #tpu.memory_space<hbm>>
      %dma_wait3A_154 = tpu.memref_squeeze %dma_wait3A_153 : memref<1x128x128xf32, #tpu.memory_space<hbm>> -> memref<128x128xf32, #tpu.memory_space<hbm>>
      %dma_wait3A_155 = arith.constant 0 : i32
      %dma_wait3A_156 = tpu.memref_slice %arg10[%add3A_122, %dma_wait3A_155] : memref<10016x128xf32, #tpu.memory_space<vmem_shared>> -> memref<128x128xf32, #tpu.memory_space<vmem_shared>>
      tpu.wait_dma2 semaphore(%run_scoped3A : memref<!tpu.dma_semaphore, #tpu.memory_space<semaphore_mem>>) src(%dma_wait3A_156 : memref<128x128xf32, #tpu.memory_space<vmem_shared>>) dst(%dma_wait3A_154 : memref<128x128xf32, #tpu.memory_space<hbm>>)
      tpu.yield
    }) : () -> ()
    %add3A_125 = arith.constant 128 : i32
    %add3A_126 = arith.addi %mul3A_39, %add3A_125 : i32
    %add3A_127 = arith.constant 128 : i32
    %add3A_128 = arith.addi %mul3A_39, %add3A_127 : i32
    "tpu.region"() ({
      %run_scoped3A = tpu.sem_alloc : memref<!tpu.dma_semaphore, #tpu.memory_space<semaphore_mem>>
      %dma_start3A_147 = arith.constant 0 : i32
      %dma_start3A_148 = tpu.memref_slice %arg5[%arg0, %add3A_128, %dma_start3A_147] : memref<2x10000x128xf32, #tpu.memory_space<hbm>> -> memref<1x128x128xf32, #tpu.memory_space<hbm>>
      %dma_start3A_149 = tpu.memref_squeeze %dma_start3A_148 : memref<1x128x128xf32, #tpu.memory_space<hbm>> -> memref<128x128xf32, #tpu.memory_space<hbm>>
      %dma_start3A_150 = arith.constant 0 : i32
      %dma_start3A_151 = tpu.memref_slice %arg10[%add3A_126, %dma_start3A_150] : memref<10016x128xf32, #tpu.memory_space<vmem_shared>> -> memref<128x128xf32, #tpu.memory_space<vmem_shared>>
      tpu.enqueue_dma source(%dma_start3A_151 : memref<128x128xf32, #tpu.memory_space<vmem_shared>>) target(%dma_start3A_149 : memref<128x128xf32, #tpu.memory_space<hbm>>) target_semaphore(%run_scoped3A : memref<!tpu.dma_semaphore, #tpu.memory_space<semaphore_mem>>)
      %dma_wait3A_152 = arith.constant 0 : i32
      %dma_wait3A_153 = tpu.memref_slice %arg5[%arg0, %add3A_128, %dma_wait3A_152] : memref<2x10000x128xf32, #tpu.memory_space<hbm>> -> memref<1x128x128xf32, #tpu.memory_space<hbm>>
      %dma_wait3A_154 = tpu.memref_squeeze %dma_wait3A_153 : memref<1x128x128xf32, #tpu.memory_space<hbm>> -> memref<128x128xf32, #tpu.memory_space<hbm>>
      %dma_wait3A_155 = arith.constant 0 : i32
      %dma_wait3A_156 = tpu.memref_slice %arg10[%add3A_126, %dma_wait3A_155] : memref<10016x128xf32, #tpu.memory_space<vmem_shared>> -> memref<128x128xf32, #tpu.memory_space<vmem_shared>>
      tpu.wait_dma2 semaphore(%run_scoped3A : memref<!tpu.dma_semaphore, #tpu.memory_space<semaphore_mem>>) src(%dma_wait3A_156 : memref<128x128xf32, #tpu.memory_space<vmem_shared>>) dst(%dma_wait3A_154 : memref<128x128xf32, #tpu.memory_space<hbm>>)
      tpu.yield
    }) : () -> ()
    %add3A_129 = arith.constant 256 : i32
    %add3A_130 = arith.addi %mul3A_39, %add3A_129 : i32
    %add3A_131 = arith.constant 256 : i32
    %add3A_132 = arith.addi %mul3A_39, %add3A_131 : i32
    "tpu.region"() ({
      %run_scoped3A = tpu.sem_alloc : memref<!tpu.dma_semaphore, #tpu.memory_space<semaphore_mem>>
      %dma_start3A_147 = arith.constant 0 : i32
      %dma_start3A_148 = tpu.memref_slice %arg5[%arg0, %add3A_132, %dma_start3A_147] : memref<2x10000x128xf32, #tpu.memory_space<hbm>> -> memref<1x128x128xf32, #tpu.memory_space<hbm>>
      %dma_start3A_149 = tpu.memref_squeeze %dma_start3A_148 : memref<1x128x128xf32, #tpu.memory_space<hbm>> -> memref<128x128xf32, #tpu.memory_space<hbm>>
      %dma_start3A_150 = arith.constant 0 : i32
      %dma_start3A_151 = tpu.memref_slice %arg10[%add3A_130, %dma_start3A_150] : memref<10016x128xf32, #tpu.memory_space<vmem_shared>> -> memref<128x128xf32, #tpu.memory_space<vmem_shared>>
      tpu.enqueue_dma source(%dma_start3A_151 : memref<128x128xf32, #tpu.memory_space<vmem_shared>>) target(%dma_start3A_149 : memref<128x128xf32, #tpu.memory_space<hbm>>) target_semaphore(%run_scoped3A : memref<!tpu.dma_semaphore, #tpu.memory_space<semaphore_mem>>)
      %dma_wait3A_152 = arith.constant 0 : i32
      %dma_wait3A_153 = tpu.memref_slice %arg5[%arg0, %add3A_132, %dma_wait3A_152] : memref<2x10000x128xf32, #tpu.memory_space<hbm>> -> memref<1x128x128xf32, #tpu.memory_space<hbm>>
      %dma_wait3A_154 = tpu.memref_squeeze %dma_wait3A_153 : memref<1x128x128xf32, #tpu.memory_space<hbm>> -> memref<128x128xf32, #tpu.memory_space<hbm>>
      %dma_wait3A_155 = arith.constant 0 : i32
      %dma_wait3A_156 = tpu.memref_slice %arg10[%add3A_130, %dma_wait3A_155] : memref<10016x128xf32, #tpu.memory_space<vmem_shared>> -> memref<128x128xf32, #tpu.memory_space<vmem_shared>>
      tpu.wait_dma2 semaphore(%run_scoped3A : memref<!tpu.dma_semaphore, #tpu.memory_space<semaphore_mem>>) src(%dma_wait3A_156 : memref<128x128xf32, #tpu.memory_space<vmem_shared>>) dst(%dma_wait3A_154 : memref<128x128xf32, #tpu.memory_space<hbm>>)
      tpu.yield
    }) : () -> ()
    %add3A_133 = arith.constant 384 : i32
    %add3A_134 = arith.addi %mul3A_39, %add3A_133 : i32
    %add3A_135 = arith.constant 384 : i32
    %add3A_136 = arith.addi %mul3A_39, %add3A_135 : i32
    "tpu.region"() ({
      %run_scoped3A = tpu.sem_alloc : memref<!tpu.dma_semaphore, #tpu.memory_space<semaphore_mem>>
      %dma_start3A_147 = arith.constant 0 : i32
      %dma_start3A_148 = tpu.memref_slice %arg5[%arg0, %add3A_136, %dma_start3A_147] : memref<2x10000x128xf32, #tpu.memory_space<hbm>> -> memref<1x128x128xf32, #tpu.memory_space<hbm>>
      %dma_start3A_149 = tpu.memref_squeeze %dma_start3A_148 : memref<1x128x128xf32, #tpu.memory_space<hbm>> -> memref<128x128xf32, #tpu.memory_space<hbm>>
      %dma_start3A_150 = arith.constant 0 : i32
      %dma_start3A_151 = tpu.memref_slice %arg10[%add3A_134, %dma_start3A_150] : memref<10016x128xf32, #tpu.memory_space<vmem_shared>> -> memref<128x128xf32, #tpu.memory_space<vmem_shared>>
      tpu.enqueue_dma source(%dma_start3A_151 : memref<128x128xf32, #tpu.memory_space<vmem_shared>>) target(%dma_start3A_149 : memref<128x128xf32, #tpu.memory_space<hbm>>) target_semaphore(%run_scoped3A : memref<!tpu.dma_semaphore, #tpu.memory_space<semaphore_mem>>)
      %dma_wait3A_152 = arith.constant 0 : i32
      %dma_wait3A_153 = tpu.memref_slice %arg5[%arg0, %add3A_136, %dma_wait3A_152] : memref<2x10000x128xf32, #tpu.memory_space<hbm>> -> memref<1x128x128xf32, #tpu.memory_space<hbm>>
      %dma_wait3A_154 = tpu.memref_squeeze %dma_wait3A_153 : memref<1x128x128xf32, #tpu.memory_space<hbm>> -> memref<128x128xf32, #tpu.memory_space<hbm>>
      %dma_wait3A_155 = arith.constant 0 : i32
      %dma_wait3A_156 = tpu.memref_slice %arg10[%add3A_134, %dma_wait3A_155] : memref<10016x128xf32, #tpu.memory_space<vmem_shared>> -> memref<128x128xf32, #tpu.memory_space<vmem_shared>>
      tpu.wait_dma2 semaphore(%run_scoped3A : memref<!tpu.dma_semaphore, #tpu.memory_space<semaphore_mem>>) src(%dma_wait3A_156 : memref<128x128xf32, #tpu.memory_space<vmem_shared>>) dst(%dma_wait3A_154 : memref<128x128xf32, #tpu.memory_space<hbm>>)
      tpu.yield
    }) : () -> ()
    %lt3A_137 = arith.constant 15 : i32
    %lt3A_138 = arith.cmpi slt, %arg1, %lt3A_137 : i32
    %convert_element_type3A_139 = arith.extui %lt3A_138 : i1 to i32
    %cond3A_140 = arith.constant 0 : i32
    %cond3A_141 = arith.cmpi ne, %convert_element_type3A_139, %cond3A_140 : i32
    scf.if %cond3A_141 {
      %add3A_147 = arith.constant 512 : i32
      %add3A_148 = arith.addi %mul3A_39, %add3A_147 : i32
      %add3A_149 = arith.constant 512 : i32
      %add3A_150 = arith.addi %mul3A_39, %add3A_149 : i32
      "tpu.region"() ({
        %run_scoped3A = tpu.sem_alloc : memref<!tpu.dma_semaphore, #tpu.memory_space<semaphore_mem>>
        %dma_start3A_151 = arith.constant 0 : i32
        %dma_start3A_152 = tpu.memref_slice %arg5[%arg0, %add3A_150, %dma_start3A_151] : memref<2x10000x128xf32, #tpu.memory_space<hbm>> -> memref<1x120x128xf32, #tpu.memory_space<hbm>>
        %dma_start3A_153 = tpu.memref_squeeze %dma_start3A_152 : memref<1x120x128xf32, #tpu.memory_space<hbm>> -> memref<120x128xf32, #tpu.memory_space<hbm>>
        %dma_start3A_154 = arith.constant 0 : i32
        %dma_start3A_155 = tpu.memref_slice %arg10[%add3A_148, %dma_start3A_154] : memref<10016x128xf32, #tpu.memory_space<vmem_shared>> -> memref<120x128xf32, #tpu.memory_space<vmem_shared>>
        tpu.enqueue_dma source(%dma_start3A_155 : memref<120x128xf32, #tpu.memory_space<vmem_shared>>) target(%dma_start3A_153 : memref<120x128xf32, #tpu.memory_space<hbm>>) target_semaphore(%run_scoped3A : memref<!tpu.dma_semaphore, #tpu.memory_space<semaphore_mem>>)
        %dma_wait3A_156 = arith.constant 0 : i32
        %dma_wait3A_157 = tpu.memref_slice %arg5[%arg0, %add3A_150, %dma_wait3A_156] : memref<2x10000x128xf32, #tpu.memory_space<hbm>> -> memref<1x120x128xf32, #tpu.memory_space<hbm>>
        %dma_wait3A_158 = tpu.memref_squeeze %dma_wait3A_157 : memref<1x120x128xf32, #tpu.memory_space<hbm>> -> memref<120x128xf32, #tpu.memory_space<hbm>>
        %dma_wait3A_159 = arith.constant 0 : i32
        %dma_wait3A_160 = tpu.memref_slice %arg10[%add3A_148, %dma_wait3A_159] : memref<10016x128xf32, #tpu.memory_space<vmem_shared>> -> memref<120x128xf32, #tpu.memory_space<vmem_shared>>
        tpu.wait_dma2 semaphore(%run_scoped3A : memref<!tpu.dma_semaphore, #tpu.memory_space<semaphore_mem>>) src(%dma_wait3A_160 : memref<120x128xf32, #tpu.memory_space<vmem_shared>>) dst(%dma_wait3A_158 : memref<120x128xf32, #tpu.memory_space<hbm>>)
        tpu.yield
      }) : () -> ()
    } else {
    }
    %eq3A_142 = arith.constant 15 : i32
    %eq3A_143 = arith.cmpi eq, %arg1, %eq3A_142 : i32
    %convert_element_type3A_144 = arith.extui %eq3A_143 : i1 to i32
    %cond3A_145 = arith.constant 0 : i32
    %cond3A_146 = arith.cmpi ne, %convert_element_type3A_144, %cond3A_145 : i32
    scf.if %cond3A_146 {
      %add3A_147 = arith.constant 512 : i32
      %add3A_148 = arith.addi %mul3A_39, %add3A_147 : i32
      %add3A_149 = arith.constant 512 : i32
      %add3A_150 = arith.addi %mul3A_39, %add3A_149 : i32
      "tpu.region"() ({
        %run_scoped3A = tpu.sem_alloc : memref<!tpu.dma_semaphore, #tpu.memory_space<semaphore_mem>>
        %dma_start3A_151 = arith.constant 0 : i32
        %dma_start3A_152 = tpu.memref_slice %arg5[%arg0, %add3A_150, %dma_start3A_151] : memref<2x10000x128xf32, #tpu.memory_space<hbm>> -> memref<1x8x128xf32, #tpu.memory_space<hbm>>
        %dma_start3A_153 = tpu.memref_squeeze %dma_start3A_152 : memref<1x8x128xf32, #tpu.memory_space<hbm>> -> memref<8x128xf32, #tpu.memory_space<hbm>>
        %dma_start3A_154 = arith.constant 0 : i32
        %dma_start3A_155 = tpu.memref_slice %arg10[%add3A_148, %dma_start3A_154] : memref<10016x128xf32, #tpu.memory_space<vmem_shared>> -> memref<8x128xf32, #tpu.memory_space<vmem_shared>>
        tpu.enqueue_dma source(%dma_start3A_155 : memref<8x128xf32, #tpu.memory_space<vmem_shared>>) target(%dma_start3A_153 : memref<8x128xf32, #tpu.memory_space<hbm>>) target_semaphore(%run_scoped3A : memref<!tpu.dma_semaphore, #tpu.memory_space<semaphore_mem>>)
        %dma_wait3A_156 = arith.constant 0 : i32
        %dma_wait3A_157 = tpu.memref_slice %arg5[%arg0, %add3A_150, %dma_wait3A_156] : memref<2x10000x128xf32, #tpu.memory_space<hbm>> -> memref<1x8x128xf32, #tpu.memory_space<hbm>>
        %dma_wait3A_158 = tpu.memref_squeeze %dma_wait3A_157 : memref<1x8x128xf32, #tpu.memory_space<hbm>> -> memref<8x128xf32, #tpu.memory_space<hbm>>
        %dma_wait3A_159 = arith.constant 0 : i32
        %dma_wait3A_160 = tpu.memref_slice %arg10[%add3A_148, %dma_wait3A_159] : memref<10016x128xf32, #tpu.memory_space<vmem_shared>> -> memref<8x128xf32, #tpu.memory_space<vmem_shared>>
        tpu.wait_dma2 semaphore(%run_scoped3A : memref<!tpu.dma_semaphore, #tpu.memory_space<semaphore_mem>>) src(%dma_wait3A_160 : memref<8x128xf32, #tpu.memory_space<vmem_shared>>) dst(%dma_wait3A_158 : memref<8x128xf32, #tpu.memory_space<hbm>>)
        tpu.yield
      }) : () -> ()
    } else {
    }
    return
  }
}

#map = affine_map<(d0, d1) -> (0, 0)>
#map1 = affine_map<(d0, d1) -> (0, 0, 0)>
module attributes {stable_mosaic.version = 14 : i64} {
  func.func @_seg_body(%arg0: i32, %arg1: i32, %arg2: memref<10000x128xf32, #tpu.memory_space<hbm>>, %arg3: memref<2560x128xi32, #tpu.memory_space<hbm>>, %arg4: memref<2560x128xi32, #tpu.memory_space<hbm>>, %arg5: memref<2x10000x128xf32, #tpu.memory_space<hbm>>, %arg6: memref<2x16x128xi32, #tpu.memory_space<vmem>>, %arg7: memref<2x16x128xi32, #tpu.memory_space<vmem>>, %arg8: memref<128x128xf32, #tpu.memory_space<vmem>>, %arg9: memref<128x128xf32, #tpu.memory_space<vmem>>, %arg10: memref<10016x128xf32, #tpu.memory_space<vmem_shared>>, %arg11: memref<!tpu.dma_semaphore, #tpu.memory_space<semaphore_mem>>, %arg12: memref<!tpu.dma_semaphore, #tpu.memory_space<semaphore_mem>>, %arg13: memref<!tpu.dma_semaphore, #tpu.memory_space<semaphore_mem>>) attributes {dimension_semantics = [#tpu.dimension_semantics<core_parallel>, #tpu.dimension_semantics<subcore_parallel>], iteration_bounds = array<i64: 2, 16>, scalar_prefetch = 0 : i64, scratch_operands = 8 : i64, tpu.core_type = #tpu.core_type<sc_vector_subcore>, window_params = [{transform_indices = #map}, {transform_indices = #map}, {transform_indices = #map}, {transform_indices = #map1}]} {
    %mul3A = arith.constant 2 : i32
    %mul3A_0 = arith.muli %arg1, %mul3A : i32
    %add3A = arith.addi %mul3A_0, %arg0 : i32
    %mul3A_1 = arith.constant 160 : i32
    %mul3A_2 = arith.muli %arg1, %mul3A_1 : i32
    %mul3A_3 = arith.constant 80 : i32
    %mul3A_4 = arith.muli %arg0, %mul3A_3 : i32
    %add3A_5 = arith.addi %mul3A_2, %mul3A_4 : i32
    %dma_start3A = arith.constant 0 : i32
    %dma_start3A_6 = arith.constant 0 : i32
    %dma_start3A_7 = arith.constant 0 : i32
    %dma_start3A_8 = tpu.memref_slice %arg6[%dma_start3A, %dma_start3A_6, %dma_start3A_7] : memref<2x16x128xi32, #tpu.memory_space<vmem>> -> memref<1x16x128xi32, #tpu.memory_space<vmem>>
    %dma_start3A_9 = tpu.memref_squeeze %dma_start3A_8 : memref<1x16x128xi32, #tpu.memory_space<vmem>> -> memref<16x128xi32, #tpu.memory_space<vmem>>
    %dma_start3A_10 = arith.constant 0 : i32
    %dma_start3A_11 = tpu.memref_slice %arg3[%add3A_5, %dma_start3A_10] : memref<2560x128xi32, #tpu.memory_space<hbm>> -> memref<16x128xi32, #tpu.memory_space<hbm>>
    %dma_start3A_12 = arith.constant 0 : i32
    %dma_start3A_13 = arith.constant 0 : i32
    %dma_start3A_14 = tpu.memref_slice %arg6[%dma_start3A, %dma_start3A_12, %dma_start3A_13] : memref<2x16x128xi32, #tpu.memory_space<vmem>> -> memref<1x16x128xi32, #tpu.memory_space<vmem>>
    %dma_start3A_15 = tpu.memref_squeeze %dma_start3A_14 : memref<1x16x128xi32, #tpu.memory_space<vmem>> -> memref<16x128xi32, #tpu.memory_space<vmem>>
    %dma_start3A_16 = arith.constant 0 : i32
    %dma_start3A_17 = tpu.memref_slice %arg3[%add3A_5, %dma_start3A_16] : memref<2560x128xi32, #tpu.memory_space<hbm>> -> memref<16x128xi32, #tpu.memory_space<hbm>>
    tpu.enqueue_dma source(%dma_start3A_17 : memref<16x128xi32, #tpu.memory_space<hbm>>) target(%dma_start3A_15 : memref<16x128xi32, #tpu.memory_space<vmem>>) target_semaphore(%arg13 : memref<!tpu.dma_semaphore, #tpu.memory_space<semaphore_mem>>)
    %dma_start3A_18 = arith.constant 0 : i32
    %dma_start3A_19 = arith.constant 0 : i32
    %dma_start3A_20 = arith.constant 0 : i32
    %dma_start3A_21 = tpu.memref_slice %arg7[%dma_start3A_18, %dma_start3A_19, %dma_start3A_20] : memref<2x16x128xi32, #tpu.memory_space<vmem>> -> memref<1x16x128xi32, #tpu.memory_space<vmem>>
    %dma_start3A_22 = tpu.memref_squeeze %dma_start3A_21 : memref<1x16x128xi32, #tpu.memory_space<vmem>> -> memref<16x128xi32, #tpu.memory_space<vmem>>
    %dma_start3A_23 = arith.constant 0 : i32
    %dma_start3A_24 = tpu.memref_slice %arg4[%add3A_5, %dma_start3A_23] : memref<2560x128xi32, #tpu.memory_space<hbm>> -> memref<16x128xi32, #tpu.memory_space<hbm>>
    %dma_start3A_25 = arith.constant 0 : i32
    %dma_start3A_26 = arith.constant 0 : i32
    %dma_start3A_27 = tpu.memref_slice %arg7[%dma_start3A_18, %dma_start3A_25, %dma_start3A_26] : memref<2x16x128xi32, #tpu.memory_space<vmem>> -> memref<1x16x128xi32, #tpu.memory_space<vmem>>
    %dma_start3A_28 = tpu.memref_squeeze %dma_start3A_27 : memref<1x16x128xi32, #tpu.memory_space<vmem>> -> memref<16x128xi32, #tpu.memory_space<vmem>>
    %dma_start3A_29 = arith.constant 0 : i32
    %dma_start3A_30 = tpu.memref_slice %arg4[%add3A_5, %dma_start3A_29] : memref<2560x128xi32, #tpu.memory_space<hbm>> -> memref<16x128xi32, #tpu.memory_space<hbm>>
    tpu.enqueue_dma source(%dma_start3A_30 : memref<16x128xi32, #tpu.memory_space<hbm>>) target(%dma_start3A_28 : memref<16x128xi32, #tpu.memory_space<vmem>>) target_semaphore(%arg13 : memref<!tpu.dma_semaphore, #tpu.memory_space<semaphore_mem>>)
    %broadcast_in_dim3A = arith.constant 0.000000e+00 : f32
    %broadcast_in_dim3A_31 = vector.broadcast %broadcast_in_dim3A : f32 to vector<16xf32>
    %scan3A = arith.constant 0 : i32
    %scan3A_32 = arith.constant 0 : i32
    %scan3A_33 = arith.constant 1024 : i32
    %scan3A_34 = arith.addi %scan3A_32, %scan3A_33 : i32
    %scan3A_35 = arith.constant 1 : i32
    %scan3A_36 = scf.for %scan3A_147 = %scan3A_32 to %scan3A_34 step %scan3A_35 iter_args(%scan3A_148 = %scan3A) -> (i32)  : i32 {
      %jit3A_149 = arith.constant 8 : i32
      %div3A = arith.divsi %scan3A_147, %jit3A_149 : i32
      %sign3A = arith.constant 0 : i32
      %sign3A_150 = arith.cmpi sgt, %scan3A_147, %sign3A : i32
      %sign3A_151 = arith.extui %sign3A_150 : i1 to i32
      %sign3A_152 = arith.constant 0 : i32
      %sign3A_153 = arith.cmpi slt, %scan3A_147, %sign3A_152 : i32
      %sign3A_154 = arith.extui %sign3A_153 : i1 to i32
      %sign3A_155 = arith.subi %sign3A_151, %sign3A_154 : i32
      %sign3A_156 = arith.constant 0 : i32
      %sign3A_157 = arith.cmpi sgt, %jit3A_149, %sign3A_156 : i32
      %sign3A_158 = arith.extui %sign3A_157 : i1 to i32
      %sign3A_159 = arith.constant 0 : i32
      %sign3A_160 = arith.cmpi slt, %jit3A_149, %sign3A_159 : i32
      %sign3A_161 = arith.extui %sign3A_160 : i1 to i32
      %sign3A_162 = arith.subi %sign3A_158, %sign3A_161 : i32
      %ne3A = arith.cmpi ne, %sign3A_155, %sign3A_162 : i32
      %rem3A = arith.remsi %scan3A_147, %jit3A_149 : i32
      %ne3A_163 = arith.constant 0 : i32
      %ne3A_164 = arith.cmpi ne, %rem3A, %ne3A_163 : i32
      %and3A = arith.andi %ne3A, %ne3A_164 : i1
      %sub3A = arith.constant 1 : i32
      %sub3A_165 = arith.subi %div3A, %sub3A : i32
      %select_n3A_166 = arith.select %and3A, %sub3A_165, %div3A : i32
      %jit3A_167 = arith.constant 8 : i32
      %eq3A_168 = arith.constant 0 : i32
      %eq3A_169 = arith.cmpi eq, %jit3A_167, %eq3A_168 : i32
      %jit3A_170 = arith.constant 1 : i32
      %select_n3A_171 = arith.select %eq3A_169, %jit3A_170, %jit3A_167 : i32
      %rem3A_172 = arith.remsi %scan3A_147, %select_n3A_171 : i32
      %ne3A_173 = arith.constant 0 : i32
      %ne3A_174 = arith.cmpi ne, %rem3A_172, %ne3A_173 : i32
      %lt3A_175 = arith.constant 0 : i32
      %lt3A_176 = arith.cmpi slt, %rem3A_172, %lt3A_175 : i32
      %lt3A_177 = arith.constant 0 : i32
      %lt3A_178 = arith.cmpi slt, %select_n3A_171, %lt3A_177 : i32
      %ne3A_179 = arith.xori %lt3A_176, %lt3A_178 : i1
      %and3A_180 = arith.andi %ne3A_179, %ne3A_174 : i1
      %add3A_181 = arith.addi %rem3A_172, %select_n3A_171 : i32
      %select_n3A_182 = arith.select %and3A_180, %add3A_181, %rem3A_172 : i32
      %mul3A_183 = arith.constant 16 : i32
      %mul3A_184 = arith.muli %select_n3A_182, %mul3A_183 : i32
      %swap3A = arith.index_cast %select_n3A_166 : i32 to index
      %swap3A_185 = arith.index_cast %mul3A_184 : i32 to index
      %swap3A_186 = tpu.vector_load %arg8[%swap3A, %swap3A_185] {strides = array<i32>} : memref<128x128xf32, #tpu.memory_space<vmem>>, vector<1x16xf32>,
      %swap3A_187 = vector.shape_cast %swap3A_186 : vector<1x16xf32> to vector<16xf32>
      %swap3A_188 = vector.shape_cast %broadcast_in_dim3A_31 : vector<16xf32> to vector<1x16xf32>
      tpu.vector_store %arg8[%swap3A, %swap3A_185], %swap3A_188 {strides = array<i32>} : memref<128x128xf32, #tpu.memory_space<vmem>>, vector<1x16xf32>,
      %scan3A_189 = arith.constant 0 : i32
      scf.yield %scan3A_189 : i32
    }
    %scan3A_37 = arith.constant 1024 : i32
    %mul3A_38 = arith.constant 632 : i32
    %mul3A_39 = arith.muli %arg1, %mul3A_38 : i32
    %add3A_40 = arith.constant 0 : i32
    %add3A_41 = arith.addi %mul3A_39, %add3A_40 : i32
    "tpu.region"() ({
      %run_scoped3A = tpu.sem_alloc : memref<!tpu.dma_semaphore, #tpu.memory_space<semaphore_mem>>
      %dma_start3A_147 = arith.constant 0 : i32
      %dma_start3A_148 = tpu.memref_slice %arg10[%add3A_41, %dma_start3A_147] : memref<10016x128xf32, #tpu.memory_space<vmem_shared>> -> memref<128x128xf32, #tpu.memory_space<vmem_shared>>
      %dma_start3A_149 = arith.constant 0 : i32
      %dma_start3A_150 = tpu.memref_slice %arg10[%add3A_41, %dma_start3A_149] : memref<10016x128xf32, #tpu.memory_space<vmem_shared>> -> memref<128x128xf32, #tpu.memory_space<vmem_shared>>
      tpu.enqueue_dma source(%arg8 : memref<128x128xf32, #tpu.memory_space<vmem>>) target(%dma_start3A_150 : memref<128x128xf32, #tpu.memory_space<vmem_shared>>) target_semaphore(%run_scoped3A : memref<!tpu.dma_semaphore, #tpu.memory_space<semaphore_mem>>)
      %dma_wait3A_151 = arith.constant 0 : i32
      %dma_wait3A_152 = tpu.memref_slice %arg10[%add3A_41, %dma_wait3A_151] : memref<10016x128xf32, #tpu.memory_space<vmem_shared>> -> memref<128x128xf32, #tpu.memory_space<vmem_shared>>
      %dma_wait3A_153 = arith.constant 0 : i32
      %dma_wait3A_154 = tpu.memref_slice %arg10[%add3A_41, %dma_wait3A_153] : memref<10016x128xf32, #tpu.memory_space<vmem_shared>> -> memref<128x128xf32, #tpu.memory_space<vmem_shared>>
      tpu.wait_dma2 semaphore(%run_scoped3A : memref<!tpu.dma_semaphore, #tpu.memory_space<semaphore_mem>>) src(%arg8 : memref<128x128xf32, #tpu.memory_space<vmem>>) dst(%dma_wait3A_154 : memref<128x128xf32, #tpu.memory_space<vmem_shared>>)
      tpu.yield
    }) : () -> ()
    %add3A_42 = arith.constant 128 : i32
    %add3A_43 = arith.addi %mul3A_39, %add3A_42 : i32
    "tpu.region"() ({
      %run_scoped3A = tpu.sem_alloc : memref<!tpu.dma_semaphore, #tpu.memory_space<semaphore_mem>>
      %dma_start3A_147 = arith.constant 0 : i32
      %dma_start3A_148 = tpu.memref_slice %arg10[%add3A_43, %dma_start3A_147] : memref<10016x128xf32, #tpu.memory_space<vmem_shared>> -> memref<128x128xf32, #tpu.memory_space<vmem_shared>>
      %dma_start3A_149 = arith.constant 0 : i32
      %dma_start3A_150 = tpu.memref_slice %arg10[%add3A_43, %dma_start3A_149] : memref<10016x128xf32, #tpu.memory_space<vmem_shared>> -> memref<128x128xf32, #tpu.memory_space<vmem_shared>>
      tpu.enqueue_dma source(%arg8 : memref<128x128xf32, #tpu.memory_space<vmem>>) target(%dma_start3A_150 : memref<128x128xf32, #tpu.memory_space<vmem_shared>>) target_semaphore(%run_scoped3A : memref<!tpu.dma_semaphore, #tpu.memory_space<semaphore_mem>>)
      %dma_wait3A_151 = arith.constant 0 : i32
      %dma_wait3A_152 = tpu.memref_slice %arg10[%add3A_43, %dma_wait3A_151] : memref<10016x128xf32, #tpu.memory_space<vmem_shared>> -> memref<128x128xf32, #tpu.memory_space<vmem_shared>>
      %dma_wait3A_153 = arith.constant 0 : i32
      %dma_wait3A_154 = tpu.memref_slice %arg10[%add3A_43, %dma_wait3A_153] : memref<10016x128xf32, #tpu.memory_space<vmem_shared>> -> memref<128x128xf32, #tpu.memory_space<vmem_shared>>
      tpu.wait_dma2 semaphore(%run_scoped3A : memref<!tpu.dma_semaphore, #tpu.memory_space<semaphore_mem>>) src(%arg8 : memref<128x128xf32, #tpu.memory_space<vmem>>) dst(%dma_wait3A_154 : memref<128x128xf32, #tpu.memory_space<vmem_shared>>)
      tpu.yield
    }) : () -> ()
    %add3A_44 = arith.constant 256 : i32
    %add3A_45 = arith.addi %mul3A_39, %add3A_44 : i32
    "tpu.region"() ({
      %run_scoped3A = tpu.sem_alloc : memref<!tpu.dma_semaphore, #tpu.memory_space<semaphore_mem>>
      %dma_start3A_147 = arith.constant 0 : i32
      %dma_start3A_148 = tpu.memref_slice %arg10[%add3A_45, %dma_start3A_147] : memref<10016x128xf32, #tpu.memory_space<vmem_shared>> -> memref<128x128xf32, #tpu.memory_space<vmem_shared>>
      %dma_start3A_149 = arith.constant 0 : i32
      %dma_start3A_150 = tpu.memref_slice %arg10[%add3A_45, %dma_start3A_149] : memref<10016x128xf32, #tpu.memory_space<vmem_shared>> -> memref<128x128xf32, #tpu.memory_space<vmem_shared>>
      tpu.enqueue_dma source(%arg8 : memref<128x128xf32, #tpu.memory_space<vmem>>) target(%dma_start3A_150 : memref<128x128xf32, #tpu.memory_space<vmem_shared>>) target_semaphore(%run_scoped3A : memref<!tpu.dma_semaphore, #tpu.memory_space<semaphore_mem>>)
      %dma_wait3A_151 = arith.constant 0 : i32
      %dma_wait3A_152 = tpu.memref_slice %arg10[%add3A_45, %dma_wait3A_151] : memref<10016x128xf32, #tpu.memory_space<vmem_shared>> -> memref<128x128xf32, #tpu.memory_space<vmem_shared>>
      %dma_wait3A_153 = arith.constant 0 : i32
      %dma_wait3A_154 = tpu.memref_slice %arg10[%add3A_45, %dma_wait3A_153] : memref<10016x128xf32, #tpu.memory_space<vmem_shared>> -> memref<128x128xf32, #tpu.memory_space<vmem_shared>>
      tpu.wait_dma2 semaphore(%run_scoped3A : memref<!tpu.dma_semaphore, #tpu.memory_space<semaphore_mem>>) src(%arg8 : memref<128x128xf32, #tpu.memory_space<vmem>>) dst(%dma_wait3A_154 : memref<128x128xf32, #tpu.memory_space<vmem_shared>>)
      tpu.yield
    }) : () -> ()
    %add3A_46 = arith.constant 384 : i32
    %add3A_47 = arith.addi %mul3A_39, %add3A_46 : i32
    "tpu.region"() ({
      %run_scoped3A = tpu.sem_alloc : memref<!tpu.dma_semaphore, #tpu.memory_space<semaphore_mem>>
      %dma_start3A_147 = arith.constant 0 : i32
      %dma_start3A_148 = tpu.memref_slice %arg10[%add3A_47, %dma_start3A_147] : memref<10016x128xf32, #tpu.memory_space<vmem_shared>> -> memref<128x128xf32, #tpu.memory_space<vmem_shared>>
      %dma_start3A_149 = arith.constant 0 : i32
      %dma_start3A_150 = tpu.memref_slice %arg10[%add3A_47, %dma_start3A_149] : memref<10016x128xf32, #tpu.memory_space<vmem_shared>> -> memref<128x128xf32, #tpu.memory_space<vmem_shared>>
      tpu.enqueue_dma source(%arg8 : memref<128x128xf32, #tpu.memory_space<vmem>>) target(%dma_start3A_150 : memref<128x128xf32, #tpu.memory_space<vmem_shared>>) target_semaphore(%run_scoped3A : memref<!tpu.dma_semaphore, #tpu.memory_space<semaphore_mem>>)
      %dma_wait3A_151 = arith.constant 0 : i32
      %dma_wait3A_152 = tpu.memref_slice %arg10[%add3A_47, %dma_wait3A_151] : memref<10016x128xf32, #tpu.memory_space<vmem_shared>> -> memref<128x128xf32, #tpu.memory_space<vmem_shared>>
      %dma_wait3A_153 = arith.constant 0 : i32
      %dma_wait3A_154 = tpu.memref_slice %arg10[%add3A_47, %dma_wait3A_153] : memref<10016x128xf32, #tpu.memory_space<vmem_shared>> -> memref<128x128xf32, #tpu.memory_space<vmem_shared>>
      tpu.wait_dma2 semaphore(%run_scoped3A : memref<!tpu.dma_semaphore, #tpu.memory_space<semaphore_mem>>) src(%arg8 : memref<128x128xf32, #tpu.memory_space<vmem>>) dst(%dma_wait3A_154 : memref<128x128xf32, #tpu.memory_space<vmem_shared>>)
      tpu.yield
    }) : () -> ()
    %lt3A = arith.constant 15 : i32
    %lt3A_48 = arith.cmpi slt, %arg1, %lt3A : i32
    %convert_element_type3A = arith.extui %lt3A_48 : i1 to i32
    %cond3A = arith.constant 0 : i32
    %cond3A_49 = arith.cmpi ne, %convert_element_type3A, %cond3A : i32
    scf.if %cond3A_49 {
      %add3A_147 = arith.constant 512 : i32
      %add3A_148 = arith.addi %mul3A_39, %add3A_147 : i32
      "tpu.region"() ({
        %run_scoped3A = tpu.sem_alloc : memref<!tpu.dma_semaphore, #tpu.memory_space<semaphore_mem>>
        %dma_start3A_149 = arith.constant 0 : i32
        %dma_start3A_150 = arith.constant 0 : i32
        %dma_start3A_151 = tpu.memref_slice %arg8[%dma_start3A_149, %dma_start3A_150] : memref<128x128xf32, #tpu.memory_space<vmem>> -> memref<120x128xf32, #tpu.memory_space<vmem>>
        %dma_start3A_152 = arith.constant 0 : i32
        %dma_start3A_153 = tpu.memref_slice %arg10[%add3A_148, %dma_start3A_152] : memref<10016x128xf32, #tpu.memory_space<vmem_shared>> -> memref<120x128xf32, #tpu.memory_space<vmem_shared>>
        %dma_start3A_154 = arith.constant 0 : i32
        %dma_start3A_155 = tpu.memref_slice %arg10[%add3A_148, %dma_start3A_154] : memref<10016x128xf32, #tpu.memory_space<vmem_shared>> -> memref<120x128xf32, #tpu.memory_space<vmem_shared>>
        %dma_start3A_156 = arith.constant 0 : i32
        %dma_start3A_157 = arith.constant 0 : i32
        %dma_start3A_158 = tpu.memref_slice %arg8[%dma_start3A_156, %dma_start3A_157] : memref<128x128xf32, #tpu.memory_space<vmem>> -> memref<120x128xf32, #tpu.memory_space<vmem>>
        tpu.enqueue_dma source(%dma_start3A_158 : memref<120x128xf32, #tpu.memory_space<vmem>>) target(%dma_start3A_155 : memref<120x128xf32, #tpu.memory_space<vmem_shared>>) target_semaphore(%run_scoped3A : memref<!tpu.dma_semaphore, #tpu.memory_space<semaphore_mem>>)
        %dma_wait3A_159 = arith.constant 0 : i32
        %dma_wait3A_160 = arith.constant 0 : i32
        %dma_wait3A_161 = tpu.memref_slice %arg8[%dma_wait3A_159, %dma_wait3A_160] : memref<128x128xf32, #tpu.memory_space<vmem>> -> memref<120x128xf32, #tpu.memory_space<vmem>>
        %dma_wait3A_162 = arith.constant 0 : i32
        %dma_wait3A_163 = tpu.memref_slice %arg10[%add3A_148, %dma_wait3A_162] : memref<10016x128xf32, #tpu.memory_space<vmem_shared>> -> memref<120x128xf32, #tpu.memory_space<vmem_shared>>
        %dma_wait3A_164 = arith.constant 0 : i32
        %dma_wait3A_165 = tpu.memref_slice %arg10[%add3A_148, %dma_wait3A_164] : memref<10016x128xf32, #tpu.memory_space<vmem_shared>> -> memref<120x128xf32, #tpu.memory_space<vmem_shared>>
        %dma_wait3A_166 = arith.constant 0 : i32
        %dma_wait3A_167 = arith.constant 0 : i32
        %dma_wait3A_168 = tpu.memref_slice %arg8[%dma_wait3A_166, %dma_wait3A_167] : memref<128x128xf32, #tpu.memory_space<vmem>> -> memref<120x128xf32, #tpu.memory_space<vmem>>
        tpu.wait_dma2 semaphore(%run_scoped3A : memref<!tpu.dma_semaphore, #tpu.memory_space<semaphore_mem>>) src(%dma_wait3A_168 : memref<120x128xf32, #tpu.memory_space<vmem>>) dst(%dma_wait3A_165 : memref<120x128xf32, #tpu.memory_space<vmem_shared>>)
        tpu.yield
      }) : () -> ()
    } else {
    }
    %eq3A = arith.constant 15 : i32
    %eq3A_50 = arith.cmpi eq, %arg1, %eq3A : i32
    %convert_element_type3A_51 = arith.extui %eq3A_50 : i1 to i32
    %cond3A_52 = arith.constant 0 : i32
    %cond3A_53 = arith.cmpi ne, %convert_element_type3A_51, %cond3A_52 : i32
    scf.if %cond3A_53 {
      %add3A_147 = arith.constant 512 : i32
      %add3A_148 = arith.addi %mul3A_39, %add3A_147 : i32
      "tpu.region"() ({
        %run_scoped3A = tpu.sem_alloc : memref<!tpu.dma_semaphore, #tpu.memory_space<semaphore_mem>>
        %dma_start3A_149 = arith.constant 0 : i32
        %dma_start3A_150 = arith.constant 0 : i32
        %dma_start3A_151 = tpu.memref_slice %arg8[%dma_start3A_149, %dma_start3A_150] : memref<128x128xf32, #tpu.memory_space<vmem>> -> memref<8x128xf32, #tpu.memory_space<vmem>>
        %dma_start3A_152 = arith.constant 0 : i32
        %dma_start3A_153 = tpu.memref_slice %arg10[%add3A_148, %dma_start3A_152] : memref<10016x128xf32, #tpu.memory_space<vmem_shared>> -> memref<8x128xf32, #tpu.memory_space<vmem_shared>>
        %dma_start3A_154 = arith.constant 0 : i32
        %dma_start3A_155 = tpu.memref_slice %arg10[%add3A_148, %dma_start3A_154] : memref<10016x128xf32, #tpu.memory_space<vmem_shared>> -> memref<8x128xf32, #tpu.memory_space<vmem_shared>>
        %dma_start3A_156 = arith.constant 0 : i32
        %dma_start3A_157 = arith.constant 0 : i32
        %dma_start3A_158 = tpu.memref_slice %arg8[%dma_start3A_156, %dma_start3A_157] : memref<128x128xf32, #tpu.memory_space<vmem>> -> memref<8x128xf32, #tpu.memory_space<vmem>>
        tpu.enqueue_dma source(%dma_start3A_158 : memref<8x128xf32, #tpu.memory_space<vmem>>) target(%dma_start3A_155 : memref<8x128xf32, #tpu.memory_space<vmem_shared>>) target_semaphore(%run_scoped3A : memref<!tpu.dma_semaphore, #tpu.memory_space<semaphore_mem>>)
        %dma_wait3A_159 = arith.constant 0 : i32
        %dma_wait3A_160 = arith.constant 0 : i32
        %dma_wait3A_161 = tpu.memref_slice %arg8[%dma_wait3A_159, %dma_wait3A_160] : memref<128x128xf32, #tpu.memory_space<vmem>> -> memref<8x128xf32, #tpu.memory_space<vmem>>
        %dma_wait3A_162 = arith.constant 0 : i32
        %dma_wait3A_163 = tpu.memref_slice %arg10[%add3A_148, %dma_wait3A_162] : memref<10016x128xf32, #tpu.memory_space<vmem_shared>> -> memref<8x128xf32, #tpu.memory_space<vmem_shared>>
        %dma_wait3A_164 = arith.constant 0 : i32
        %dma_wait3A_165 = tpu.memref_slice %arg10[%add3A_148, %dma_wait3A_164] : memref<10016x128xf32, #tpu.memory_space<vmem_shared>> -> memref<8x128xf32, #tpu.memory_space<vmem_shared>>
        %dma_wait3A_166 = arith.constant 0 : i32
        %dma_wait3A_167 = arith.constant 0 : i32
        %dma_wait3A_168 = tpu.memref_slice %arg8[%dma_wait3A_166, %dma_wait3A_167] : memref<128x128xf32, #tpu.memory_space<vmem>> -> memref<8x128xf32, #tpu.memory_space<vmem>>
        tpu.wait_dma2 semaphore(%run_scoped3A : memref<!tpu.dma_semaphore, #tpu.memory_space<semaphore_mem>>) src(%dma_wait3A_168 : memref<8x128xf32, #tpu.memory_space<vmem>>) dst(%dma_wait3A_165 : memref<8x128xf32, #tpu.memory_space<vmem_shared>>)
        tpu.yield
      }) : () -> ()
    } else {
    }
    %barrier3A = arith.constant 0 : index
    tpu.barrier barrier_id(%barrier3A)
    %eq3A_54 = arith.constant 0 : i32
    %eq3A_55 = arith.cmpi eq, %arg0, %eq3A_54 : i32
    %jit3A = arith.constant 5 : i32
    %jit3A_56 = arith.constant 5 : i32
    %select_n3A = arith.select %eq3A_55, %jit3A, %jit3A_56 : i32
    %dma_wait3A = arith.constant 0 : i32
    %dma_wait3A_57 = arith.constant 0 : i32
    %dma_wait3A_58 = arith.constant 0 : i32
    %dma_wait3A_59 = tpu.memref_slice %arg6[%dma_wait3A, %dma_wait3A_57, %dma_wait3A_58] : memref<2x16x128xi32, #tpu.memory_space<vmem>> -> memref<1x16x128xi32, #tpu.memory_space<vmem>>
    %dma_wait3A_60 = tpu.memref_squeeze %dma_wait3A_59 : memref<1x16x128xi32, #tpu.memory_space<vmem>> -> memref<16x128xi32, #tpu.memory_space<vmem>>
    %dma_wait3A_61 = arith.constant 0 : i32
    %dma_wait3A_62 = arith.constant 0 : i32
    %dma_wait3A_63 = tpu.memref_slice %arg3[%dma_wait3A_61, %dma_wait3A_62] : memref<2560x128xi32, #tpu.memory_space<hbm>> -> memref<16x128xi32, #tpu.memory_space<hbm>>
    %dma_wait3A_64 = arith.constant 0 : i32
    %dma_wait3A_65 = arith.constant 0 : i32
    %dma_wait3A_66 = tpu.memref_slice %arg6[%dma_wait3A, %dma_wait3A_64, %dma_wait3A_65] : memref<2x16x128xi32, #tpu.memory_space<vmem>> -> memref<1x16x128xi32, #tpu.memory_space<vmem>>
    %dma_wait3A_67 = tpu.memref_squeeze %dma_wait3A_66 : memref<1x16x128xi32, #tpu.memory_space<vmem>> -> memref<16x128xi32, #tpu.memory_space<vmem>>
    %dma_wait3A_68 = arith.constant 0 : i32
    %dma_wait3A_69 = arith.constant 0 : i32
    %dma_wait3A_70 = tpu.memref_slice %arg3[%dma_wait3A_68, %dma_wait3A_69] : memref<2560x128xi32, #tpu.memory_space<hbm>> -> memref<16x128xi32, #tpu.memory_space<hbm>>
    tpu.wait_dma2 semaphore(%arg13 : memref<!tpu.dma_semaphore, #tpu.memory_space<semaphore_mem>>) src(%dma_wait3A_70 : memref<16x128xi32, #tpu.memory_space<hbm>>) dst(%dma_wait3A_67 : memref<16x128xi32, #tpu.memory_space<vmem>>)
    %dma_wait3A_71 = arith.constant 0 : i32
    %dma_wait3A_72 = arith.constant 0 : i32
    %dma_wait3A_73 = arith.constant 0 : i32
    %dma_wait3A_74 = tpu.memref_slice %arg7[%dma_wait3A_71, %dma_wait3A_72, %dma_wait3A_73] : memref<2x16x128xi32, #tpu.memory_space<vmem>> -> memref<1x16x128xi32, #tpu.memory_space<vmem>>
    %dma_wait3A_75 = tpu.memref_squeeze %dma_wait3A_74 : memref<1x16x128xi32, #tpu.memory_space<vmem>> -> memref<16x128xi32, #tpu.memory_space<vmem>>
    %dma_wait3A_76 = arith.constant 0 : i32
    %dma_wait3A_77 = arith.constant 0 : i32
    %dma_wait3A_78 = tpu.memref_slice %arg4[%dma_wait3A_76, %dma_wait3A_77] : memref<2560x128xi32, #tpu.memory_space<hbm>> -> memref<16x128xi32, #tpu.memory_space<hbm>>
    %dma_wait3A_79 = arith.constant 0 : i32
    %dma_wait3A_80 = arith.constant 0 : i32
    %dma_wait3A_81 = tpu.memref_slice %arg7[%dma_wait3A_71, %dma_wait3A_79, %dma_wait3A_80] : memref<2x16x128xi32, #tpu.memory_space<vmem>> -> memref<1x16x128xi32, #tpu.memory_space<vmem>>
    %dma_wait3A_82 = tpu.memref_squeeze %dma_wait3A_81 : memref<1x16x128xi32, #tpu.memory_space<vmem>> -> memref<16x128xi32, #tpu.memory_space<vmem>>
    %dma_wait3A_83 = arith.constant 0 : i32
    %dma_wait3A_84 = arith.constant 0 : i32
    %dma_wait3A_85 = tpu.memref_slice %arg4[%dma_wait3A_83, %dma_wait3A_84] : memref<2560x128xi32, #tpu.memory_space<hbm>> -> memref<16x128xi32, #tpu.memory_space<hbm>>
    tpu.wait_dma2 semaphore(%arg13 : memref<!tpu.dma_semaphore, #tpu.memory_space<semaphore_mem>>) src(%dma_wait3A_85 : memref<16x128xi32, #tpu.memory_space<hbm>>) dst(%dma_wait3A_82 : memref<16x128xi32, #tpu.memory_space<vmem>>)
    %gt3A = arith.constant 0 : i32
    %gt3A_86 = arith.cmpi sgt, %select_n3A, %gt3A : i32
    %convert_element_type3A_87 = arith.extui %gt3A_86 : i1 to i32
    %cond3A_88 = arith.constant 0 : i32
    %cond3A_89 = arith.constant 0 : i32
    %cond3A_90 = arith.constant 0 : i32
    %cond3A_91 = arith.cmpi ne, %convert_element_type3A_87, %cond3A_90 : i32
    scf.if %cond3A_91 {
      %gt3A_147 = arith.constant 1 : i32
      %gt3A_148 = arith.cmpi sgt, %select_n3A, %gt3A_147 : i32
      %convert_element_type3A_149 = arith.extui %gt3A_148 : i1 to i32
      %cond3A_150 = arith.constant 0 : i32
      %cond3A_151 = arith.cmpi ne, %convert_element_type3A_149, %cond3A_150 : i32
      scf.if %cond3A_151 {
        %add3A_175 = arith.constant 16 : i32
        %add3A_176 = arith.addi %add3A_5, %add3A_175 : i32
        %dma_start3A_177 = arith.constant 1 : i32
        %dma_start3A_178 = arith.constant 0 : i32
        %dma_start3A_179 = arith.constant 0 : i32
        %dma_start3A_180 = tpu.memref_slice %arg6[%dma_start3A_177, %dma_start3A_178, %dma_start3A_179] : memref<2x16x128xi32, #tpu.memory_space<vmem>> -> memref<1x16x128xi32, #tpu.memory_space<vmem>>
        %dma_start3A_181 = tpu.memref_squeeze %dma_start3A_180 : memref<1x16x128xi32, #tpu.memory_space<vmem>> -> memref<16x128xi32, #tpu.memory_space<vmem>>
        %dma_start3A_182 = arith.constant 0 : i32
        %dma_start3A_183 = tpu.memref_slice %arg3[%add3A_176, %dma_start3A_182] : memref<2560x128xi32, #tpu.memory_space<hbm>> -> memref<16x128xi32, #tpu.memory_space<hbm>>
        %dma_start3A_184 = arith.constant 0 : i32
        %dma_start3A_185 = arith.constant 0 : i32
        %dma_start3A_186 = tpu.memref_slice %arg6[%dma_start3A_177, %dma_start3A_184, %dma_start3A_185] : memref<2x16x128xi32, #tpu.memory_space<vmem>> -> memref<1x16x128xi32, #tpu.memory_space<vmem>>
        %dma_start3A_187 = tpu.memref_squeeze %dma_start3A_186 : memref<1x16x128xi32, #tpu.memory_space<vmem>> -> memref<16x128xi32, #tpu.memory_space<vmem>>
        %dma_start3A_188 = arith.constant 0 : i32
        %dma_start3A_189 = tpu.memref_slice %arg3[%add3A_176, %dma_start3A_188] : memref<2560x128xi32, #tpu.memory_space<hbm>> -> memref<16x128xi32, #tpu.memory_space<hbm>>
        tpu.enqueue_dma source(%dma_start3A_189 : memref<16x128xi32, #tpu.memory_space<hbm>>) target(%dma_start3A_187 : memref<16x128xi32, #tpu.memory_space<vmem>>) target_semaphore(%arg13 : memref<!tpu.dma_semaphore, #tpu.memory_space<semaphore_mem>>)
        %dma_start3A_190 = arith.constant 1 : i32
        %dma_start3A_191 = arith.constant 0 : i32
        %dma_start3A_192 = arith.constant 0 : i32
        %dma_start3A_193 = tpu.memref_slice %arg7[%dma_start3A_190, %dma_start3A_191, %dma_start3A_192] : memref<2x16x128xi32, #tpu.memory_space<vmem>> -> memref<1x16x128xi32, #tpu.memory_space<vmem>>
        %dma_start3A_194 = tpu.memref_squeeze %dma_start3A_193 : memref<1x16x128xi32, #tpu.memory_space<vmem>> -> memref<16x128xi32, #tpu.memory_space<vmem>>
        %dma_start3A_195 = arith.constant 0 : i32
        %dma_start3A_196 = tpu.memref_slice %arg4[%add3A_176, %dma_start3A_195] : memref<2560x128xi32, #tpu.memory_space<hbm>> -> memref<16x128xi32, #tpu.memory_space<hbm>>
        %dma_start3A_197 = arith.constant 0 : i32
        %dma_start3A_198 = arith.constant 0 : i32
        %dma_start3A_199 = tpu.memref_slice %arg7[%dma_start3A_190, %dma_start3A_197, %dma_start3A_198] : memref<2x16x128xi32, #tpu.memory_space<vmem>> -> memref<1x16x128xi32, #tpu.memory_space<vmem>>
        %dma_start3A_200 = tpu.memref_squeeze %dma_start3A_199 : memref<1x16x128xi32, #tpu.memory_space<vmem>> -> memref<16x128xi32, #tpu.memory_space<vmem>>
        %dma_start3A_201 = arith.constant 0 : i32
        %dma_start3A_202 = tpu.memref_slice %arg4[%add3A_176, %dma_start3A_201] : memref<2560x128xi32, #tpu.memory_space<hbm>> -> memref<16x128xi32, #tpu.memory_space<hbm>>
        tpu.enqueue_dma source(%dma_start3A_202 : memref<16x128xi32, #tpu.memory_space<hbm>>) target(%dma_start3A_200 : memref<16x128xi32, #tpu.memory_space<vmem>>) target_semaphore(%arg13 : memref<!tpu.dma_semaphore, #tpu.memory_space<semaphore_mem>>)
      } else {
      }
      %dma_start3A_152 = arith.constant 0 : i32
      %dma_start3A_153 = arith.constant 0 : i32
      %dma_start3A_154 = arith.constant 0 : i32
      %dma_start3A_155 = tpu.memref_slice %arg6[%cond3A_88, %dma_start3A_153, %dma_start3A_154] : memref<2x16x128xi32, #tpu.memory_space<vmem>> -> memref<1x16x128xi32, #tpu.memory_space<vmem>>
      %dma_start3A_156 = tpu.memref_squeeze %dma_start3A_155 : memref<1x16x128xi32, #tpu.memory_space<vmem>> -> memref<16x128xi32, #tpu.memory_space<vmem>>
      %dma_start3A_157 = arith.constant 0 : i32
      %dma_start3A_158 = tpu.memref_slice %dma_start3A_156[%dma_start3A_152, %dma_start3A_157] : memref<16x128xi32, #tpu.memory_space<vmem>> -> memref<1x128xi32, #tpu.memory_space<vmem>>
      %dma_start3A_159 = tpu.memref_squeeze %dma_start3A_158 : memref<1x128xi32, #tpu.memory_space<vmem>> -> memref<128xi32, #tpu.memory_space<vmem>>
      %dma_start3A_160 = arith.constant 0 : i32
      %dma_start3A_161 = arith.constant 0 : i32
      %dma_start3A_162 = tpu.memref_slice %arg2[%dma_start3A_160, %dma_start3A_161] : memref<10000x128xf32, #tpu.memory_space<hbm>> -> memref<10000x128xf32, #tpu.memory_space<hbm>>
      tpu.enqueue_indirect_dma source(%dma_start3A_162 : memref<10000x128xf32, #tpu.memory_space<hbm>>) target(%arg8 : memref<128x128xf32, #tpu.memory_space<vmem>>) offsets(%dma_start3A_159 : memref<128xi32, #tpu.memory_space<vmem>>) semaphore(%arg11 : memref<!tpu.dma_semaphore, #tpu.memory_space<semaphore_mem>>)
      %scan3A_163 = arith.constant 0 : i32
      %scan3A_164 = arith.constant 0 : i32
      %scan3A_165 = arith.constant 8 : i32
      %scan3A_166 = arith.addi %scan3A_164, %scan3A_165 : i32
      %scan3A_167 = arith.constant 1 : i32
      %scan3A_168 = scf.for %scan3A_175 = %scan3A_164 to %scan3A_166 step %scan3A_167 iter_args(%scan3A_176 = %scan3A_163) -> (i32)  : i32 {
        %mul3A_177 = arith.constant 2 : i32
        %mul3A_178 = arith.muli %mul3A_177, %scan3A_175 : i32
        %add3A_179 = arith.constant 1 : i32
        %add3A_180 = arith.addi %mul3A_178, %add3A_179 : i32
        %dma_start3A_181 = arith.constant 0 : i32
        %dma_start3A_182 = arith.constant 0 : i32
        %dma_start3A_183 = tpu.memref_slice %arg6[%cond3A_88, %dma_start3A_181, %dma_start3A_182] : memref<2x16x128xi32, #tpu.memory_space<vmem>> -> memref<1x16x128xi32, #tpu.memory_space<vmem>>
        %dma_start3A_184 = tpu.memref_squeeze %dma_start3A_183 : memref<1x16x128xi32, #tpu.memory_space<vmem>> -> memref<16x128xi32, #tpu.memory_space<vmem>>
        %dma_start3A_185 = arith.constant 0 : i32
        %dma_start3A_186 = tpu.memref_slice %dma_start3A_184[%add3A_180, %dma_start3A_185] : memref<16x128xi32, #tpu.memory_space<vmem>> -> memref<1x128xi32, #tpu.memory_space<vmem>>
        %dma_start3A_187 = tpu.memref_squeeze %dma_start3A_186 : memref<1x128xi32, #tpu.memory_space<vmem>> -> memref<128xi32, #tpu.memory_space<vmem>>
        %dma_start3A_188 = arith.constant 0 : i32
        %dma_start3A_189 = arith.constant 0 : i32
        %dma_start3A_190 = tpu.memref_slice %arg2[%dma_start3A_188, %dma_start3A_189] : memref<10000x128xf32, #tpu.memory_space<hbm>> -> memref<10000x128xf32, #tpu.memory_space<hbm>>
        tpu.enqueue_indirect_dma source(%dma_start3A_190 : memref<10000x128xf32, #tpu.memory_space<hbm>>) target(%arg9 : memref<128x128xf32, #tpu.memory_space<vmem>>) offsets(%dma_start3A_187 : memref<128xi32, #tpu.memory_space<vmem>>) semaphore(%arg12 : memref<!tpu.dma_semaphore, #tpu.memory_space<semaphore_mem>>)
        %dma_wait3A_191 = arith.constant 0 : i32
        %dma_wait3A_192 = arith.constant 0 : i32
        %dma_wait3A_193 = tpu.memref_slice %arg2[%dma_wait3A_191, %dma_wait3A_192] : memref<10000x128xf32, #tpu.memory_space<hbm>> -> memref<128x128xf32, #tpu.memory_space<hbm>>
        %dma_wait3A_194 = arith.constant 0 : i32
        %dma_wait3A_195 = arith.constant 0 : i32
        %dma_wait3A_196 = tpu.memref_slice %arg2[%dma_wait3A_194, %dma_wait3A_195] : memref<10000x128xf32, #tpu.memory_space<hbm>> -> memref<128x128xf32, #tpu.memory_space<hbm>>
        tpu.wait_dma2 semaphore(%arg11 : memref<!tpu.dma_semaphore, #tpu.memory_space<semaphore_mem>>) src(%dma_wait3A_196 : memref<128x128xf32, #tpu.memory_space<hbm>>) dst(%arg8 : memref<128x128xf32, #tpu.memory_space<vmem>>)
        "tpu.region"() ({
          %run_scoped3A = tpu.sem_alloc : memref<!tpu.dma_semaphore, #tpu.memory_space<semaphore_mem>>
          %dma_start3A_213 = arith.constant 0 : i32
          %dma_start3A_214 = arith.constant 0 : i32
          %dma_start3A_215 = tpu.memref_slice %arg7[%cond3A_89, %dma_start3A_213, %dma_start3A_214] : memref<2x16x128xi32, #tpu.memory_space<vmem>> -> memref<1x16x128xi32, #tpu.memory_space<vmem>>
          %dma_start3A_216 = tpu.memref_squeeze %dma_start3A_215 : memref<1x16x128xi32, #tpu.memory_space<vmem>> -> memref<16x128xi32, #tpu.memory_space<vmem>>
          %dma_start3A_217 = arith.constant 0 : i32
          %dma_start3A_218 = tpu.memref_slice %dma_start3A_216[%mul3A_178, %dma_start3A_217] : memref<16x128xi32, #tpu.memory_space<vmem>> -> memref<1x128xi32, #tpu.memory_space<vmem>>
          %dma_start3A_219 = tpu.memref_squeeze %dma_start3A_218 : memref<1x128xi32, #tpu.memory_space<vmem>> -> memref<128xi32, #tpu.memory_space<vmem>>
          %dma_start3A_220 = arith.constant 0 : i32
          %dma_start3A_221 = arith.constant 0 : i32
          %dma_start3A_222 = tpu.memref_slice %arg10[%dma_start3A_220, %dma_start3A_221] : memref<10016x128xf32, #tpu.memory_space<vmem_shared>> -> memref<10016x128xf32, #tpu.memory_space<vmem_shared>>
          tpu.enqueue_indirect_dma source(%arg8 : memref<128x128xf32, #tpu.memory_space<vmem>>) target(%dma_start3A_222 : memref<10016x128xf32, #tpu.memory_space<vmem_shared>>) offsets(%dma_start3A_219 : memref<128xi32, #tpu.memory_space<vmem>>) semaphore(%run_scoped3A : memref<!tpu.dma_semaphore, #tpu.memory_space<semaphore_mem>>) {add = true}
          %dma_wait3A_223 = arith.constant 0 : i32
          %dma_wait3A_224 = arith.constant 0 : i32
          %dma_wait3A_225 = tpu.memref_slice %arg7[%cond3A_89, %dma_wait3A_223, %dma_wait3A_224] : memref<2x16x128xi32, #tpu.memory_space<vmem>> -> memref<1x16x128xi32, #tpu.memory_space<vmem>>
          %dma_wait3A_226 = tpu.memref_squeeze %dma_wait3A_225 : memref<1x16x128xi32, #tpu.memory_space<vmem>> -> memref<16x128xi32, #tpu.memory_space<vmem>>
          %dma_wait3A_227 = arith.constant 0 : i32
          %dma_wait3A_228 = tpu.memref_slice %dma_wait3A_226[%mul3A_178, %dma_wait3A_227] : memref<16x128xi32, #tpu.memory_space<vmem>> -> memref<1x128xi32, #tpu.memory_space<vmem>>
          %dma_wait3A_229 = tpu.memref_squeeze %dma_wait3A_228 : memref<1x128xi32, #tpu.memory_space<vmem>> -> memref<128xi32, #tpu.memory_space<vmem>>
          %dma_wait3A_230 = arith.constant 0 : i32
          %dma_wait3A_231 = arith.constant 0 : i32
          %dma_wait3A_232 = tpu.memref_slice %arg10[%dma_wait3A_230, %dma_wait3A_231] : memref<10016x128xf32, #tpu.memory_space<vmem_shared>> -> memref<10016x128xf32, #tpu.memory_space<vmem_shared>>
          tpu.wait_indirect_dma semaphore(%run_scoped3A : memref<!tpu.dma_semaphore, #tpu.memory_space<semaphore_mem>>) src(%arg8 : memref<128x128xf32, #tpu.memory_space<vmem>>) dst(%dma_wait3A_232 : memref<10016x128xf32, #tpu.memory_space<vmem_shared>>)
          tpu.yield
        }) : () -> ()
        %add3A_197 = arith.constant 2 : i32
        %add3A_198 = arith.addi %mul3A_178, %add3A_197 : i32
        %lt3A_199 = arith.constant 16 : i32
        %lt3A_200 = arith.cmpi slt, %add3A_198, %lt3A_199 : i32
        %convert_element_type3A_201 = arith.extui %lt3A_200 : i1 to i32
        %cond3A_202 = arith.constant 0 : i32
        %cond3A_203 = arith.cmpi ne, %convert_element_type3A_201, %cond3A_202 : i32
        scf.if %cond3A_203 {
          %add3A_213 = arith.constant 2 : i32
          %add3A_214 = arith.addi %mul3A_178, %add3A_213 : i32
          %dma_start3A_215 = arith.constant 0 : i32
          %dma_start3A_216 = arith.constant 0 : i32
          %dma_start3A_217 = tpu.memref_slice %arg6[%cond3A_88, %dma_start3A_215, %dma_start3A_216] : memref<2x16x128xi32, #tpu.memory_space<vmem>> -> memref<1x16x128xi32, #tpu.memory_space<vmem>>
          %dma_start3A_218 = tpu.memref_squeeze %dma_start3A_217 : memref<1x16x128xi32, #tpu.memory_space<vmem>> -> memref<16x128xi32, #tpu.memory_space<vmem>>
          %dma_start3A_219 = arith.constant 0 : i32
          %dma_start3A_220 = tpu.memref_slice %dma_start3A_218[%add3A_214, %dma_start3A_219] : memref<16x128xi32, #tpu.memory_space<vmem>> -> memref<1x128xi32, #tpu.memory_space<vmem>>
          %dma_start3A_221 = tpu.memref_squeeze %dma_start3A_220 : memref<1x128xi32, #tpu.memory_space<vmem>> -> memref<128xi32, #tpu.memory_space<vmem>>
          %dma_start3A_222 = arith.constant 0 : i32
          %dma_start3A_223 = arith.constant 0 : i32
          %dma_start3A_224 = tpu.memref_slice %arg2[%dma_start3A_222, %dma_start3A_223] : memref<10000x128xf32, #tpu.memory_space<hbm>> -> memref<10000x128xf32, #tpu.memory_space<hbm>>
          tpu.enqueue_indirect_dma source(%dma_start3A_224 : memref<10000x128xf32, #tpu.memory_space<hbm>>) target(%arg8 : memref<128x128xf32, #tpu.memory_space<vmem>>) offsets(%dma_start3A_221 : memref<128xi32, #tpu.memory_space<vmem>>) semaphore(%arg11 : memref<!tpu.dma_semaphore, #tpu.memory_space<semaphore_mem>>)
        } else {
        }
        %dma_wait3A_204 = arith.constant 0 : i32
        %dma_wait3A_205 = arith.constant 0 : i32
        %dma_wait3A_206 = tpu.memref_slice %arg2[%dma_wait3A_204, %dma_wait3A_205] : memref<10000x128xf32, #tpu.memory_space<hbm>> -> memref<128x128xf32, #tpu.memory_space<hbm>>
        %dma_wait3A_207 = arith.constant 0 : i32
        %dma_wait3A_208 = arith.constant 0 : i32
        %dma_wait3A_209 = tpu.memref_slice %arg2[%dma_wait3A_207, %dma_wait3A_208] : memref<10000x128xf32, #tpu.memory_space<hbm>> -> memref<128x128xf32, #tpu.memory_space<hbm>>
        tpu.wait_dma2 semaphore(%arg12 : memref<!tpu.dma_semaphore, #tpu.memory_space<semaphore_mem>>) src(%dma_wait3A_209 : memref<128x128xf32, #tpu.memory_space<hbm>>) dst(%arg9 : memref<128x128xf32, #tpu.memory_space<vmem>>)
        %add3A_210 = arith.constant 1 : i32
        %add3A_211 = arith.addi %mul3A_178, %add3A_210 : i32
        "tpu.region"() ({
          %run_scoped3A = tpu.sem_alloc : memref<!tpu.dma_semaphore, #tpu.memory_space<semaphore_mem>>
          %dma_start3A_213 = arith.constant 0 : i32
          %dma_start3A_214 = arith.constant 0 : i32
          %dma_start3A_215 = tpu.memref_slice %arg7[%cond3A_89, %dma_start3A_213, %dma_start3A_214] : memref<2x16x128xi32, #tpu.memory_space<vmem>> -> memref<1x16x128xi32, #tpu.memory_space<vmem>>
          %dma_start3A_216 = tpu.memref_squeeze %dma_start3A_215 : memref<1x16x128xi32, #tpu.memory_space<vmem>> -> memref<16x128xi32, #tpu.memory_space<vmem>>
          %dma_start3A_217 = arith.constant 0 : i32
          %dma_start3A_218 = tpu.memref_slice %dma_start3A_216[%add3A_211, %dma_start3A_217] : memref<16x128xi32, #tpu.memory_space<vmem>> -> memref<1x128xi32, #tpu.memory_space<vmem>>
          %dma_start3A_219 = tpu.memref_squeeze %dma_start3A_218 : memref<1x128xi32, #tpu.memory_space<vmem>> -> memref<128xi32, #tpu.memory_space<vmem>>
          %dma_start3A_220 = arith.constant 0 : i32
          %dma_start3A_221 = arith.constant 0 : i32
          %dma_start3A_222 = tpu.memref_slice %arg10[%dma_start3A_220, %dma_start3A_221] : memref<10016x128xf32, #tpu.memory_space<vmem_shared>> -> memref<10016x128xf32, #tpu.memory_space<vmem_shared>>
          tpu.enqueue_indirect_dma source(%arg9 : memref<128x128xf32, #tpu.memory_space<vmem>>) target(%dma_start3A_222 : memref<10016x128xf32, #tpu.memory_space<vmem_shared>>) offsets(%dma_start3A_219 : memref<128xi32, #tpu.memory_space<vmem>>) semaphore(%run_scoped3A : memref<!tpu.dma_semaphore, #tpu.memory_space<semaphore_mem>>) {add = true}
          %dma_wait3A_223 = arith.constant 0 : i32
          %dma_wait3A_224 = arith.constant 0 : i32
          %dma_wait3A_225 = tpu.memref_slice %arg7[%cond3A_89, %dma_wait3A_223, %dma_wait3A_224] : memref<2x16x128xi32, #tpu.memory_space<vmem>> -> memref<1x16x128xi32, #tpu.memory_space<vmem>>
          %dma_wait3A_226 = tpu.memref_squeeze %dma_wait3A_225 : memref<1x16x128xi32, #tpu.memory_space<vmem>> -> memref<16x128xi32, #tpu.memory_space<vmem>>
          %dma_wait3A_227 = arith.constant 0 : i32
          %dma_wait3A_228 = tpu.memref_slice %dma_wait3A_226[%add3A_211, %dma_wait3A_227] : memref<16x128xi32, #tpu.memory_space<vmem>> -> memref<1x128xi32, #tpu.memory_space<vmem>>
          %dma_wait3A_229 = tpu.memref_squeeze %dma_wait3A_228 : memref<1x128xi32, #tpu.memory_space<vmem>> -> memref<128xi32, #tpu.memory_space<vmem>>
          %dma_wait3A_230 = arith.constant 0 : i32
          %dma_wait3A_231 = arith.constant 0 : i32
          %dma_wait3A_232 = tpu.memref_slice %arg10[%dma_wait3A_230, %dma_wait3A_231] : memref<10016x128xf32, #tpu.memory_space<vmem_shared>> -> memref<10016x128xf32, #tpu.memory_space<vmem_shared>>
          tpu.wait_indirect_dma semaphore(%run_scoped3A : memref<!tpu.dma_semaphore, #tpu.memory_space<semaphore_mem>>) src(%arg9 : memref<128x128xf32, #tpu.memory_space<vmem>>) dst(%dma_wait3A_232 : memref<10016x128xf32, #tpu.memory_space<vmem_shared>>)
          tpu.yield
        }) : () -> ()
        %scan3A_212 = arith.constant 0 : i32
        scf.yield %scan3A_212 : i32
      }
      %scan3A_169 = arith.constant 8 : i32
      %gt3A_170 = arith.constant 1 : i32
      %gt3A_171 = arith.cmpi sgt, %select_n3A, %gt3A_170 : i32
      %convert_element_type3A_172 = arith.extui %gt3A_171 : i1 to i32
      %cond3A_173 = arith.constant 0 : i32
      %cond3A_174 = arith.cmpi ne, %convert_element_type3A_172, %cond3A_173 : i32
      scf.if %cond3A_174 {
        %dma_wait3A_175 = arith.constant 1 : i32
        %dma_wait3A_176 = arith.constant 0 : i32
        %dma_wait3A_177 = arith.constant 0 : i32
        %dma_wait3A_178 = tpu.memref_slice %arg6[%dma_wait3A_175, %dma_wait3A_176, %dma_wait3A_177] : memref<2x16x128xi32, #tpu.memory_space<vmem>> -> memref<1x16x128xi32, #tpu.memory_space<vmem>>
        %dma_wait3A_179 = tpu.memref_squeeze %dma_wait3A_178 : memref<1x16x128xi32, #tpu.memory_space<vmem>> -> memref<16x128xi32, #tpu.memory_space<vmem>>
        %dma_wait3A_180 = arith.constant 0 : i32
        %dma_wait3A_181 = arith.constant 0 : i32
        %dma_wait3A_182 = tpu.memref_slice %arg3[%dma_wait3A_180, %dma_wait3A_181] : memref<2560x128xi32, #tpu.memory_space<hbm>> -> memref<16x128xi32, #tpu.memory_space<hbm>>
        %dma_wait3A_183 = arith.constant 0 : i32
        %dma_wait3A_184 = arith.constant 0 : i32
        %dma_wait3A_185 = tpu.memref_slice %arg6[%dma_wait3A_175, %dma_wait3A_183, %dma_wait3A_184] : memref<2x16x128xi32, #tpu.memory_space<vmem>> -> memref<1x16x128xi32, #tpu.memory_space<vmem>>
        %dma_wait3A_186 = tpu.memref_squeeze %dma_wait3A_185 : memref<1x16x128xi32, #tpu.memory_space<vmem>> -> memref<16x128xi32, #tpu.memory_space<vmem>>
        %dma_wait3A_187 = arith.constant 0 : i32
        %dma_wait3A_188 = arith.constant 0 : i32
        %dma_wait3A_189 = tpu.memref_slice %arg3[%dma_wait3A_187, %dma_wait3A_188] : memref<2560x128xi32, #tpu.memory_space<hbm>> -> memref<16x128xi32, #tpu.memory_space<hbm>>
        tpu.wait_dma2 semaphore(%arg13 : memref<!tpu.dma_semaphore, #tpu.memory_space<semaphore_mem>>) src(%dma_wait3A_189 : memref<16x128xi32, #tpu.memory_space<hbm>>) dst(%dma_wait3A_186 : memref<16x128xi32, #tpu.memory_space<vmem>>)
        %dma_wait3A_190 = arith.constant 1 : i32
        %dma_wait3A_191 = arith.constant 0 : i32
        %dma_wait3A_192 = arith.constant 0 : i32
        %dma_wait3A_193 = tpu.memref_slice %arg7[%dma_wait3A_190, %dma_wait3A_191, %dma_wait3A_192] : memref<2x16x128xi32, #tpu.memory_space<vmem>> -> memref<1x16x128xi32, #tpu.memory_space<vmem>>
        %dma_wait3A_194 = tpu.memref_squeeze %dma_wait3A_193 : memref<1x16x128xi32, #tpu.memory_space<vmem>> -> memref<16x128xi32, #tpu.memory_space<vmem>>
        %dma_wait3A_195 = arith.constant 0 : i32
        %dma_wait3A_196 = arith.constant 0 : i32
        %dma_wait3A_197 = tpu.memref_slice %arg4[%dma_wait3A_195, %dma_wait3A_196] : memref<2560x128xi32, #tpu.memory_space<hbm>> -> memref<16x128xi32, #tpu.memory_space<hbm>>
        %dma_wait3A_198 = arith.constant 0 : i32
        %dma_wait3A_199 = arith.constant 0 : i32
        %dma_wait3A_200 = tpu.memref_slice %arg7[%dma_wait3A_190, %dma_wait3A_198, %dma_wait3A_199] : memref<2x16x128xi32, #tpu.memory_space<vmem>> -> memref<1x16x128xi32, #tpu.memory_space<vmem>>
        %dma_wait3A_201 = tpu.memref_squeeze %dma_wait3A_200 : memref<1x16x128xi32, #tpu.memory_space<vmem>> -> memref<16x128xi32, #tpu.memory_space<vmem>>
        %dma_wait3A_202 = arith.constant 0 : i32
        %dma_wait3A_203 = arith.constant 0 : i32
        %dma_wait3A_204 = tpu.memref_slice %arg4[%dma_wait3A_202, %dma_wait3A_203] : memref<2560x128xi32, #tpu.memory_space<hbm>> -> memref<16x128xi32, #tpu.memory_space<hbm>>
        tpu.wait_dma2 semaphore(%arg13 : memref<!tpu.dma_semaphore, #tpu.memory_space<semaphore_mem>>) src(%dma_wait3A_204 : memref<16x128xi32, #tpu.memory_space<hbm>>) dst(%dma_wait3A_201 : memref<16x128xi32, #tpu.memory_space<vmem>>)
      } else {
      }
    } else {
    }
    %gt3A_92 = arith.constant 1 : i32
    %gt3A_93 = arith.cmpi sgt, %select_n3A, %gt3A_92 : i32
    %convert_element_type3A_94 = arith.extui %gt3A_93 : i1 to i32
    %cond3A_95 = arith.constant 1 : i32
    %cond3A_96 = arith.constant 1 : i32
    %cond3A_97 = arith.constant 0 : i32
    %cond3A_98 = arith.cmpi ne, %convert_element_type3A_94, %cond3A_97 : i32
    scf.if %cond3A_98 {
      %gt3A_147 = arith.constant 2 : i32
      %gt3A_148 = arith.cmpi sgt, %select_n3A, %gt3A_147 : i32
      %convert_element_type3A_149 = arith.extui %gt3A_148 : i1 to i32
      %cond3A_150 = arith.constant 0 : i32
      %cond3A_151 = arith.cmpi ne, %convert_element_type3A_149, %cond3A_150 : i32
      scf.if %cond3A_151 {
        %add3A_175 = arith.constant 32 : i32
        %add3A_176 = arith.addi %add3A_5, %add3A_175 : i32
        %dma_start3A_177 = arith.constant 0 : i32
        %dma_start3A_178 = arith.constant 0 : i32
        %dma_start3A_179 = arith.constant 0 : i32
        %dma_start3A_180 = tpu.memref_slice %arg6[%dma_start3A_177, %dma_start3A_178, %dma_start3A_179] : memref<2x16x128xi32, #tpu.memory_space<vmem>> -> memref<1x16x128xi32, #tpu.memory_space<vmem>>
        %dma_start3A_181 = tpu.memref_squeeze %dma_start3A_180 : memref<1x16x128xi32, #tpu.memory_space<vmem>> -> memref<16x128xi32, #tpu.memory_space<vmem>>
        %dma_start3A_182 = arith.constant 0 : i32
        %dma_start3A_183 = tpu.memref_slice %arg3[%add3A_176, %dma_start3A_182] : memref<2560x128xi32, #tpu.memory_space<hbm>> -> memref<16x128xi32, #tpu.memory_space<hbm>>
        %dma_start3A_184 = arith.constant 0 : i32
        %dma_start3A_185 = arith.constant 0 : i32
        %dma_start3A_186 = tpu.memref_slice %arg6[%dma_start3A_177, %dma_start3A_184, %dma_start3A_185] : memref<2x16x128xi32, #tpu.memory_space<vmem>> -> memref<1x16x128xi32, #tpu.memory_space<vmem>>
        %dma_start3A_187 = tpu.memref_squeeze %dma_start3A_186 : memref<1x16x128xi32, #tpu.memory_space<vmem>> -> memref<16x128xi32, #tpu.memory_space<vmem>>
        %dma_start3A_188 = arith.constant 0 : i32
        %dma_start3A_189 = tpu.memref_slice %arg3[%add3A_176, %dma_start3A_188] : memref<2560x128xi32, #tpu.memory_space<hbm>> -> memref<16x128xi32, #tpu.memory_space<hbm>>
        tpu.enqueue_dma source(%dma_start3A_189 : memref<16x128xi32, #tpu.memory_space<hbm>>) target(%dma_start3A_187 : memref<16x128xi32, #tpu.memory_space<vmem>>) target_semaphore(%arg13 : memref<!tpu.dma_semaphore, #tpu.memory_space<semaphore_mem>>)
        %dma_start3A_190 = arith.constant 0 : i32
        %dma_start3A_191 = arith.constant 0 : i32
        %dma_start3A_192 = arith.constant 0 : i32
        %dma_start3A_193 = tpu.memref_slice %arg7[%dma_start3A_190, %dma_start3A_191, %dma_start3A_192] : memref<2x16x128xi32, #tpu.memory_space<vmem>> -> memref<1x16x128xi32, #tpu.memory_space<vmem>>
        %dma_start3A_194 = tpu.memref_squeeze %dma_start3A_193 : memref<1x16x128xi32, #tpu.memory_space<vmem>> -> memref<16x128xi32, #tpu.memory_space<vmem>>
        %dma_start3A_195 = arith.constant 0 : i32
        %dma_start3A_196 = tpu.memref_slice %arg4[%add3A_176, %dma_start3A_195] : memref<2560x128xi32, #tpu.memory_space<hbm>> -> memref<16x128xi32, #tpu.memory_space<hbm>>
        %dma_start3A_197 = arith.constant 0 : i32
        %dma_start3A_198 = arith.constant 0 : i32
        %dma_start3A_199 = tpu.memref_slice %arg7[%dma_start3A_190, %dma_start3A_197, %dma_start3A_198] : memref<2x16x128xi32, #tpu.memory_space<vmem>> -> memref<1x16x128xi32, #tpu.memory_space<vmem>>
        %dma_start3A_200 = tpu.memref_squeeze %dma_start3A_199 : memref<1x16x128xi32, #tpu.memory_space<vmem>> -> memref<16x128xi32, #tpu.memory_space<vmem>>
        %dma_start3A_201 = arith.constant 0 : i32
        %dma_start3A_202 = tpu.memref_slice %arg4[%add3A_176, %dma_start3A_201] : memref<2560x128xi32, #tpu.memory_space<hbm>> -> memref<16x128xi32, #tpu.memory_space<hbm>>
        tpu.enqueue_dma source(%dma_start3A_202 : memref<16x128xi32, #tpu.memory_space<hbm>>) target(%dma_start3A_200 : memref<16x128xi32, #tpu.memory_space<vmem>>) target_semaphore(%arg13 : memref<!tpu.dma_semaphore, #tpu.memory_space<semaphore_mem>>)
      } else {
      }
      %dma_start3A_152 = arith.constant 0 : i32
      %dma_start3A_153 = arith.constant 0 : i32
      %dma_start3A_154 = arith.constant 0 : i32
      %dma_start3A_155 = tpu.memref_slice %arg6[%cond3A_95, %dma_start3A_153, %dma_start3A_154] : memref<2x16x128xi32, #tpu.memory_space<vmem>> -> memref<1x16x128xi32, #tpu.memory_space<vmem>>
      %dma_start3A_156 = tpu.memref_squeeze %dma_start3A_155 : memref<1x16x128xi32, #tpu.memory_space<vmem>> -> memref<16x128xi32, #tpu.memory_space<vmem>>
      %dma_start3A_157 = arith.constant 0 : i32
      %dma_start3A_158 = tpu.memref_slice %dma_start3A_156[%dma_start3A_152, %dma_start3A_157] : memref<16x128xi32, #tpu.memory_space<vmem>> -> memref<1x128xi32, #tpu.memory_space<vmem>>
      %dma_start3A_159 = tpu.memref_squeeze %dma_start3A_158 : memref<1x128xi32, #tpu.memory_space<vmem>> -> memref<128xi32, #tpu.memory_space<vmem>>
      %dma_start3A_160 = arith.constant 0 : i32
      %dma_start3A_161 = arith.constant 0 : i32
      %dma_start3A_162 = tpu.memref_slice %arg2[%dma_start3A_160, %dma_start3A_161] : memref<10000x128xf32, #tpu.memory_space<hbm>> -> memref<10000x128xf32, #tpu.memory_space<hbm>>
      tpu.enqueue_indirect_dma source(%dma_start3A_162 : memref<10000x128xf32, #tpu.memory_space<hbm>>) target(%arg8 : memref<128x128xf32, #tpu.memory_space<vmem>>) offsets(%dma_start3A_159 : memref<128xi32, #tpu.memory_space<vmem>>) semaphore(%arg11 : memref<!tpu.dma_semaphore, #tpu.memory_space<semaphore_mem>>)
      %scan3A_163 = arith.constant 0 : i32
      %scan3A_164 = arith.constant 0 : i32
      %scan3A_165 = arith.constant 8 : i32
      %scan3A_166 = arith.addi %scan3A_164, %scan3A_165 : i32
      %scan3A_167 = arith.constant 1 : i32
      %scan3A_168 = scf.for %scan3A_175 = %scan3A_164 to %scan3A_166 step %scan3A_167 iter_args(%scan3A_176 = %scan3A_163) -> (i32)  : i32 {
        %mul3A_177 = arith.constant 2 : i32
        %mul3A_178 = arith.muli %mul3A_177, %scan3A_175 : i32
        %add3A_179 = arith.constant 1 : i32
        %add3A_180 = arith.addi %mul3A_178, %add3A_179 : i32
        %dma_start3A_181 = arith.constant 0 : i32
        %dma_start3A_182 = arith.constant 0 : i32
        %dma_start3A_183 = tpu.memref_slice %arg6[%cond3A_95, %dma_start3A_181, %dma_start3A_182] : memref<2x16x128xi32, #tpu.memory_space<vmem>> -> memref<1x16x128xi32, #tpu.memory_space<vmem>>
        %dma_start3A_184 = tpu.memref_squeeze %dma_start3A_183 : memref<1x16x128xi32, #tpu.memory_space<vmem>> -> memref<16x128xi32, #tpu.memory_space<vmem>>
        %dma_start3A_185 = arith.constant 0 : i32
        %dma_start3A_186 = tpu.memref_slice %dma_start3A_184[%add3A_180, %dma_start3A_185] : memref<16x128xi32, #tpu.memory_space<vmem>> -> memref<1x128xi32, #tpu.memory_space<vmem>>
        %dma_start3A_187 = tpu.memref_squeeze %dma_start3A_186 : memref<1x128xi32, #tpu.memory_space<vmem>> -> memref<128xi32, #tpu.memory_space<vmem>>
        %dma_start3A_188 = arith.constant 0 : i32
        %dma_start3A_189 = arith.constant 0 : i32
        %dma_start3A_190 = tpu.memref_slice %arg2[%dma_start3A_188, %dma_start3A_189] : memref<10000x128xf32, #tpu.memory_space<hbm>> -> memref<10000x128xf32, #tpu.memory_space<hbm>>
        tpu.enqueue_indirect_dma source(%dma_start3A_190 : memref<10000x128xf32, #tpu.memory_space<hbm>>) target(%arg9 : memref<128x128xf32, #tpu.memory_space<vmem>>) offsets(%dma_start3A_187 : memref<128xi32, #tpu.memory_space<vmem>>) semaphore(%arg12 : memref<!tpu.dma_semaphore, #tpu.memory_space<semaphore_mem>>)
        %dma_wait3A_191 = arith.constant 0 : i32
        %dma_wait3A_192 = arith.constant 0 : i32
        %dma_wait3A_193 = tpu.memref_slice %arg2[%dma_wait3A_191, %dma_wait3A_192] : memref<10000x128xf32, #tpu.memory_space<hbm>> -> memref<128x128xf32, #tpu.memory_space<hbm>>
        %dma_wait3A_194 = arith.constant 0 : i32
        %dma_wait3A_195 = arith.constant 0 : i32
        %dma_wait3A_196 = tpu.memref_slice %arg2[%dma_wait3A_194, %dma_wait3A_195] : memref<10000x128xf32, #tpu.memory_space<hbm>> -> memref<128x128xf32, #tpu.memory_space<hbm>>
        tpu.wait_dma2 semaphore(%arg11 : memref<!tpu.dma_semaphore, #tpu.memory_space<semaphore_mem>>) src(%dma_wait3A_196 : memref<128x128xf32, #tpu.memory_space<hbm>>) dst(%arg8 : memref<128x128xf32, #tpu.memory_space<vmem>>)
        "tpu.region"() ({
          %run_scoped3A = tpu.sem_alloc : memref<!tpu.dma_semaphore, #tpu.memory_space<semaphore_mem>>
          %dma_start3A_213 = arith.constant 0 : i32
          %dma_start3A_214 = arith.constant 0 : i32
          %dma_start3A_215 = tpu.memref_slice %arg7[%cond3A_96, %dma_start3A_213, %dma_start3A_214] : memref<2x16x128xi32, #tpu.memory_space<vmem>> -> memref<1x16x128xi32, #tpu.memory_space<vmem>>
          %dma_start3A_216 = tpu.memref_squeeze %dma_start3A_215 : memref<1x16x128xi32, #tpu.memory_space<vmem>> -> memref<16x128xi32, #tpu.memory_space<vmem>>
          %dma_start3A_217 = arith.constant 0 : i32
          %dma_start3A_218 = tpu.memref_slice %dma_start3A_216[%mul3A_178, %dma_start3A_217] : memref<16x128xi32, #tpu.memory_space<vmem>> -> memref<1x128xi32, #tpu.memory_space<vmem>>
          %dma_start3A_219 = tpu.memref_squeeze %dma_start3A_218 : memref<1x128xi32, #tpu.memory_space<vmem>> -> memref<128xi32, #tpu.memory_space<vmem>>
          %dma_start3A_220 = arith.constant 0 : i32
          %dma_start3A_221 = arith.constant 0 : i32
          %dma_start3A_222 = tpu.memref_slice %arg10[%dma_start3A_220, %dma_start3A_221] : memref<10016x128xf32, #tpu.memory_space<vmem_shared>> -> memref<10016x128xf32, #tpu.memory_space<vmem_shared>>
          tpu.enqueue_indirect_dma source(%arg8 : memref<128x128xf32, #tpu.memory_space<vmem>>) target(%dma_start3A_222 : memref<10016x128xf32, #tpu.memory_space<vmem_shared>>) offsets(%dma_start3A_219 : memref<128xi32, #tpu.memory_space<vmem>>) semaphore(%run_scoped3A : memref<!tpu.dma_semaphore, #tpu.memory_space<semaphore_mem>>) {add = true}
          %dma_wait3A_223 = arith.constant 0 : i32
          %dma_wait3A_224 = arith.constant 0 : i32
          %dma_wait3A_225 = tpu.memref_slice %arg7[%cond3A_96, %dma_wait3A_223, %dma_wait3A_224] : memref<2x16x128xi32, #tpu.memory_space<vmem>> -> memref<1x16x128xi32, #tpu.memory_space<vmem>>
          %dma_wait3A_226 = tpu.memref_squeeze %dma_wait3A_225 : memref<1x16x128xi32, #tpu.memory_space<vmem>> -> memref<16x128xi32, #tpu.memory_space<vmem>>
          %dma_wait3A_227 = arith.constant 0 : i32
          %dma_wait3A_228 = tpu.memref_slice %dma_wait3A_226[%mul3A_178, %dma_wait3A_227] : memref<16x128xi32, #tpu.memory_space<vmem>> -> memref<1x128xi32, #tpu.memory_space<vmem>>
          %dma_wait3A_229 = tpu.memref_squeeze %dma_wait3A_228 : memref<1x128xi32, #tpu.memory_space<vmem>> -> memref<128xi32, #tpu.memory_space<vmem>>
          %dma_wait3A_230 = arith.constant 0 : i32
          %dma_wait3A_231 = arith.constant 0 : i32
          %dma_wait3A_232 = tpu.memref_slice %arg10[%dma_wait3A_230, %dma_wait3A_231] : memref<10016x128xf32, #tpu.memory_space<vmem_shared>> -> memref<10016x128xf32, #tpu.memory_space<vmem_shared>>
          tpu.wait_indirect_dma semaphore(%run_scoped3A : memref<!tpu.dma_semaphore, #tpu.memory_space<semaphore_mem>>) src(%arg8 : memref<128x128xf32, #tpu.memory_space<vmem>>) dst(%dma_wait3A_232 : memref<10016x128xf32, #tpu.memory_space<vmem_shared>>)
          tpu.yield
        }) : () -> ()
        %add3A_197 = arith.constant 2 : i32
        %add3A_198 = arith.addi %mul3A_178, %add3A_197 : i32
        %lt3A_199 = arith.constant 16 : i32
        %lt3A_200 = arith.cmpi slt, %add3A_198, %lt3A_199 : i32
        %convert_element_type3A_201 = arith.extui %lt3A_200 : i1 to i32
        %cond3A_202 = arith.constant 0 : i32
        %cond3A_203 = arith.cmpi ne, %convert_element_type3A_201, %cond3A_202 : i32
        scf.if %cond3A_203 {
          %add3A_213 = arith.constant 2 : i32
          %add3A_214 = arith.addi %mul3A_178, %add3A_213 : i32
          %dma_start3A_215 = arith.constant 0 : i32
          %dma_start3A_216 = arith.constant 0 : i32
          %dma_start3A_217 = tpu.memref_slice %arg6[%cond3A_95, %dma_start3A_215, %dma_start3A_216] : memref<2x16x128xi32, #tpu.memory_space<vmem>> -> memref<1x16x128xi32, #tpu.memory_space<vmem>>
          %dma_start3A_218 = tpu.memref_squeeze %dma_start3A_217 : memref<1x16x128xi32, #tpu.memory_space<vmem>> -> memref<16x128xi32, #tpu.memory_space<vmem>>
          %dma_start3A_219 = arith.constant 0 : i32
          %dma_start3A_220 = tpu.memref_slice %dma_start3A_218[%add3A_214, %dma_start3A_219] : memref<16x128xi32, #tpu.memory_space<vmem>> -> memref<1x128xi32, #tpu.memory_space<vmem>>
          %dma_start3A_221 = tpu.memref_squeeze %dma_start3A_220 : memref<1x128xi32, #tpu.memory_space<vmem>> -> memref<128xi32, #tpu.memory_space<vmem>>
          %dma_start3A_222 = arith.constant 0 : i32
          %dma_start3A_223 = arith.constant 0 : i32
          %dma_start3A_224 = tpu.memref_slice %arg2[%dma_start3A_222, %dma_start3A_223] : memref<10000x128xf32, #tpu.memory_space<hbm>> -> memref<10000x128xf32, #tpu.memory_space<hbm>>
          tpu.enqueue_indirect_dma source(%dma_start3A_224 : memref<10000x128xf32, #tpu.memory_space<hbm>>) target(%arg8 : memref<128x128xf32, #tpu.memory_space<vmem>>) offsets(%dma_start3A_221 : memref<128xi32, #tpu.memory_space<vmem>>) semaphore(%arg11 : memref<!tpu.dma_semaphore, #tpu.memory_space<semaphore_mem>>)
        } else {
        }
        %dma_wait3A_204 = arith.constant 0 : i32
        %dma_wait3A_205 = arith.constant 0 : i32
        %dma_wait3A_206 = tpu.memref_slice %arg2[%dma_wait3A_204, %dma_wait3A_205] : memref<10000x128xf32, #tpu.memory_space<hbm>> -> memref<128x128xf32, #tpu.memory_space<hbm>>
        %dma_wait3A_207 = arith.constant 0 : i32
        %dma_wait3A_208 = arith.constant 0 : i32
        %dma_wait3A_209 = tpu.memref_slice %arg2[%dma_wait3A_207, %dma_wait3A_208] : memref<10000x128xf32, #tpu.memory_space<hbm>> -> memref<128x128xf32, #tpu.memory_space<hbm>>
        tpu.wait_dma2 semaphore(%arg12 : memref<!tpu.dma_semaphore, #tpu.memory_space<semaphore_mem>>) src(%dma_wait3A_209 : memref<128x128xf32, #tpu.memory_space<hbm>>) dst(%arg9 : memref<128x128xf32, #tpu.memory_space<vmem>>)
        %add3A_210 = arith.constant 1 : i32
        %add3A_211 = arith.addi %mul3A_178, %add3A_210 : i32
        "tpu.region"() ({
          %run_scoped3A = tpu.sem_alloc : memref<!tpu.dma_semaphore, #tpu.memory_space<semaphore_mem>>
          %dma_start3A_213 = arith.constant 0 : i32
          %dma_start3A_214 = arith.constant 0 : i32
          %dma_start3A_215 = tpu.memref_slice %arg7[%cond3A_96, %dma_start3A_213, %dma_start3A_214] : memref<2x16x128xi32, #tpu.memory_space<vmem>> -> memref<1x16x128xi32, #tpu.memory_space<vmem>>
          %dma_start3A_216 = tpu.memref_squeeze %dma_start3A_215 : memref<1x16x128xi32, #tpu.memory_space<vmem>> -> memref<16x128xi32, #tpu.memory_space<vmem>>
          %dma_start3A_217 = arith.constant 0 : i32
          %dma_start3A_218 = tpu.memref_slice %dma_start3A_216[%add3A_211, %dma_start3A_217] : memref<16x128xi32, #tpu.memory_space<vmem>> -> memref<1x128xi32, #tpu.memory_space<vmem>>
          %dma_start3A_219 = tpu.memref_squeeze %dma_start3A_218 : memref<1x128xi32, #tpu.memory_space<vmem>> -> memref<128xi32, #tpu.memory_space<vmem>>
          %dma_start3A_220 = arith.constant 0 : i32
          %dma_start3A_221 = arith.constant 0 : i32
          %dma_start3A_222 = tpu.memref_slice %arg10[%dma_start3A_220, %dma_start3A_221] : memref<10016x128xf32, #tpu.memory_space<vmem_shared>> -> memref<10016x128xf32, #tpu.memory_space<vmem_shared>>
          tpu.enqueue_indirect_dma source(%arg9 : memref<128x128xf32, #tpu.memory_space<vmem>>) target(%dma_start3A_222 : memref<10016x128xf32, #tpu.memory_space<vmem_shared>>) offsets(%dma_start3A_219 : memref<128xi32, #tpu.memory_space<vmem>>) semaphore(%run_scoped3A : memref<!tpu.dma_semaphore, #tpu.memory_space<semaphore_mem>>) {add = true}
          %dma_wait3A_223 = arith.constant 0 : i32
          %dma_wait3A_224 = arith.constant 0 : i32
          %dma_wait3A_225 = tpu.memref_slice %arg7[%cond3A_96, %dma_wait3A_223, %dma_wait3A_224] : memref<2x16x128xi32, #tpu.memory_space<vmem>> -> memref<1x16x128xi32, #tpu.memory_space<vmem>>
          %dma_wait3A_226 = tpu.memref_squeeze %dma_wait3A_225 : memref<1x16x128xi32, #tpu.memory_space<vmem>> -> memref<16x128xi32, #tpu.memory_space<vmem>>
          %dma_wait3A_227 = arith.constant 0 : i32
          %dma_wait3A_228 = tpu.memref_slice %dma_wait3A_226[%add3A_211, %dma_wait3A_227] : memref<16x128xi32, #tpu.memory_space<vmem>> -> memref<1x128xi32, #tpu.memory_space<vmem>>
          %dma_wait3A_229 = tpu.memref_squeeze %dma_wait3A_228 : memref<1x128xi32, #tpu.memory_space<vmem>> -> memref<128xi32, #tpu.memory_space<vmem>>
          %dma_wait3A_230 = arith.constant 0 : i32
          %dma_wait3A_231 = arith.constant 0 : i32
          %dma_wait3A_232 = tpu.memref_slice %arg10[%dma_wait3A_230, %dma_wait3A_231] : memref<10016x128xf32, #tpu.memory_space<vmem_shared>> -> memref<10016x128xf32, #tpu.memory_space<vmem_shared>>
          tpu.wait_indirect_dma semaphore(%run_scoped3A : memref<!tpu.dma_semaphore, #tpu.memory_space<semaphore_mem>>) src(%arg9 : memref<128x128xf32, #tpu.memory_space<vmem>>) dst(%dma_wait3A_232 : memref<10016x128xf32, #tpu.memory_space<vmem_shared>>)
          tpu.yield
        }) : () -> ()
        %scan3A_212 = arith.constant 0 : i32
        scf.yield %scan3A_212 : i32
      }
      %scan3A_169 = arith.constant 8 : i32
      %gt3A_170 = arith.constant 2 : i32
      %gt3A_171 = arith.cmpi sgt, %select_n3A, %gt3A_170 : i32
      %convert_element_type3A_172 = arith.extui %gt3A_171 : i1 to i32
      %cond3A_173 = arith.constant 0 : i32
      %cond3A_174 = arith.cmpi ne, %convert_element_type3A_172, %cond3A_173 : i32
      scf.if %cond3A_174 {
        %dma_wait3A_175 = arith.constant 0 : i32
        %dma_wait3A_176 = arith.constant 0 : i32
        %dma_wait3A_177 = arith.constant 0 : i32
        %dma_wait3A_178 = tpu.memref_slice %arg6[%dma_wait3A_175, %dma_wait3A_176, %dma_wait3A_177] : memref<2x16x128xi32, #tpu.memory_space<vmem>> -> memref<1x16x128xi32, #tpu.memory_space<vmem>>
        %dma_wait3A_179 = tpu.memref_squeeze %dma_wait3A_178 : memref<1x16x128xi32, #tpu.memory_space<vmem>> -> memref<16x128xi32, #tpu.memory_space<vmem>>
        %dma_wait3A_180 = arith.constant 0 : i32
        %dma_wait3A_181 = arith.constant 0 : i32
        %dma_wait3A_182 = tpu.memref_slice %arg3[%dma_wait3A_180, %dma_wait3A_181] : memref<2560x128xi32, #tpu.memory_space<hbm>> -> memref<16x128xi32, #tpu.memory_space<hbm>>
        %dma_wait3A_183 = arith.constant 0 : i32
        %dma_wait3A_184 = arith.constant 0 : i32
        %dma_wait3A_185 = tpu.memref_slice %arg6[%dma_wait3A_175, %dma_wait3A_183, %dma_wait3A_184] : memref<2x16x128xi32, #tpu.memory_space<vmem>> -> memref<1x16x128xi32, #tpu.memory_space<vmem>>
        %dma_wait3A_186 = tpu.memref_squeeze %dma_wait3A_185 : memref<1x16x128xi32, #tpu.memory_space<vmem>> -> memref<16x128xi32, #tpu.memory_space<vmem>>
        %dma_wait3A_187 = arith.constant 0 : i32
        %dma_wait3A_188 = arith.constant 0 : i32
        %dma_wait3A_189 = tpu.memref_slice %arg3[%dma_wait3A_187, %dma_wait3A_188] : memref<2560x128xi32, #tpu.memory_space<hbm>> -> memref<16x128xi32, #tpu.memory_space<hbm>>
        tpu.wait_dma2 semaphore(%arg13 : memref<!tpu.dma_semaphore, #tpu.memory_space<semaphore_mem>>) src(%dma_wait3A_189 : memref<16x128xi32, #tpu.memory_space<hbm>>) dst(%dma_wait3A_186 : memref<16x128xi32, #tpu.memory_space<vmem>>)
        %dma_wait3A_190 = arith.constant 0 : i32
        %dma_wait3A_191 = arith.constant 0 : i32
        %dma_wait3A_192 = arith.constant 0 : i32
        %dma_wait3A_193 = tpu.memref_slice %arg7[%dma_wait3A_190, %dma_wait3A_191, %dma_wait3A_192] : memref<2x16x128xi32, #tpu.memory_space<vmem>> -> memref<1x16x128xi32, #tpu.memory_space<vmem>>
        %dma_wait3A_194 = tpu.memref_squeeze %dma_wait3A_193 : memref<1x16x128xi32, #tpu.memory_space<vmem>> -> memref<16x128xi32, #tpu.memory_space<vmem>>
        %dma_wait3A_195 = arith.constant 0 : i32
        %dma_wait3A_196 = arith.constant 0 : i32
        %dma_wait3A_197 = tpu.memref_slice %arg4[%dma_wait3A_195, %dma_wait3A_196] : memref<2560x128xi32, #tpu.memory_space<hbm>> -> memref<16x128xi32, #tpu.memory_space<hbm>>
        %dma_wait3A_198 = arith.constant 0 : i32
        %dma_wait3A_199 = arith.constant 0 : i32
        %dma_wait3A_200 = tpu.memref_slice %arg7[%dma_wait3A_190, %dma_wait3A_198, %dma_wait3A_199] : memref<2x16x128xi32, #tpu.memory_space<vmem>> -> memref<1x16x128xi32, #tpu.memory_space<vmem>>
        %dma_wait3A_201 = tpu.memref_squeeze %dma_wait3A_200 : memref<1x16x128xi32, #tpu.memory_space<vmem>> -> memref<16x128xi32, #tpu.memory_space<vmem>>
        %dma_wait3A_202 = arith.constant 0 : i32
        %dma_wait3A_203 = arith.constant 0 : i32
        %dma_wait3A_204 = tpu.memref_slice %arg4[%dma_wait3A_202, %dma_wait3A_203] : memref<2560x128xi32, #tpu.memory_space<hbm>> -> memref<16x128xi32, #tpu.memory_space<hbm>>
        tpu.wait_dma2 semaphore(%arg13 : memref<!tpu.dma_semaphore, #tpu.memory_space<semaphore_mem>>) src(%dma_wait3A_204 : memref<16x128xi32, #tpu.memory_space<hbm>>) dst(%dma_wait3A_201 : memref<16x128xi32, #tpu.memory_space<vmem>>)
      } else {
      }
    } else {
    }
    %gt3A_99 = arith.constant 2 : i32
    %gt3A_100 = arith.cmpi sgt, %select_n3A, %gt3A_99 : i32
    %convert_element_type3A_101 = arith.extui %gt3A_100 : i1 to i32
    %cond3A_102 = arith.constant 0 : i32
    %cond3A_103 = arith.constant 0 : i32
    %cond3A_104 = arith.constant 0 : i32
    %cond3A_105 = arith.cmpi ne, %convert_element_type3A_101, %cond3A_104 : i32
    scf.if %cond3A_105 {
      %gt3A_147 = arith.constant 3 : i32
      %gt3A_148 = arith.cmpi sgt, %select_n3A, %gt3A_147 : i32
      %convert_element_type3A_149 = arith.extui %gt3A_148 : i1 to i32
      %cond3A_150 = arith.constant 0 : i32
      %cond3A_151 = arith.cmpi ne, %convert_element_type3A_149, %cond3A_150 : i32
      scf.if %cond3A_151 {
        %add3A_175 = arith.constant 48 : i32
        %add3A_176 = arith.addi %add3A_5, %add3A_175 : i32
        %dma_start3A_177 = arith.constant 1 : i32
        %dma_start3A_178 = arith.constant 0 : i32
        %dma_start3A_179 = arith.constant 0 : i32
        %dma_start3A_180 = tpu.memref_slice %arg6[%dma_start3A_177, %dma_start3A_178, %dma_start3A_179] : memref<2x16x128xi32, #tpu.memory_space<vmem>> -> memref<1x16x128xi32, #tpu.memory_space<vmem>>
        %dma_start3A_181 = tpu.memref_squeeze %dma_start3A_180 : memref<1x16x128xi32, #tpu.memory_space<vmem>> -> memref<16x128xi32, #tpu.memory_space<vmem>>
        %dma_start3A_182 = arith.constant 0 : i32
        %dma_start3A_183 = tpu.memref_slice %arg3[%add3A_176, %dma_start3A_182] : memref<2560x128xi32, #tpu.memory_space<hbm>> -> memref<16x128xi32, #tpu.memory_space<hbm>>
        %dma_start3A_184 = arith.constant 0 : i32
        %dma_start3A_185 = arith.constant 0 : i32
        %dma_start3A_186 = tpu.memref_slice %arg6[%dma_start3A_177, %dma_start3A_184, %dma_start3A_185] : memref<2x16x128xi32, #tpu.memory_space<vmem>> -> memref<1x16x128xi32, #tpu.memory_space<vmem>>
        %dma_start3A_187 = tpu.memref_squeeze %dma_start3A_186 : memref<1x16x128xi32, #tpu.memory_space<vmem>> -> memref<16x128xi32, #tpu.memory_space<vmem>>
        %dma_start3A_188 = arith.constant 0 : i32
        %dma_start3A_189 = tpu.memref_slice %arg3[%add3A_176, %dma_start3A_188] : memref<2560x128xi32, #tpu.memory_space<hbm>> -> memref<16x128xi32, #tpu.memory_space<hbm>>
        tpu.enqueue_dma source(%dma_start3A_189 : memref<16x128xi32, #tpu.memory_space<hbm>>) target(%dma_start3A_187 : memref<16x128xi32, #tpu.memory_space<vmem>>) target_semaphore(%arg13 : memref<!tpu.dma_semaphore, #tpu.memory_space<semaphore_mem>>)
        %dma_start3A_190 = arith.constant 1 : i32
        %dma_start3A_191 = arith.constant 0 : i32
        %dma_start3A_192 = arith.constant 0 : i32
        %dma_start3A_193 = tpu.memref_slice %arg7[%dma_start3A_190, %dma_start3A_191, %dma_start3A_192] : memref<2x16x128xi32, #tpu.memory_space<vmem>> -> memref<1x16x128xi32, #tpu.memory_space<vmem>>
        %dma_start3A_194 = tpu.memref_squeeze %dma_start3A_193 : memref<1x16x128xi32, #tpu.memory_space<vmem>> -> memref<16x128xi32, #tpu.memory_space<vmem>>
        %dma_start3A_195 = arith.constant 0 : i32
        %dma_start3A_196 = tpu.memref_slice %arg4[%add3A_176, %dma_start3A_195] : memref<2560x128xi32, #tpu.memory_space<hbm>> -> memref<16x128xi32, #tpu.memory_space<hbm>>
        %dma_start3A_197 = arith.constant 0 : i32
        %dma_start3A_198 = arith.constant 0 : i32
        %dma_start3A_199 = tpu.memref_slice %arg7[%dma_start3A_190, %dma_start3A_197, %dma_start3A_198] : memref<2x16x128xi32, #tpu.memory_space<vmem>> -> memref<1x16x128xi32, #tpu.memory_space<vmem>>
        %dma_start3A_200 = tpu.memref_squeeze %dma_start3A_199 : memref<1x16x128xi32, #tpu.memory_space<vmem>> -> memref<16x128xi32, #tpu.memory_space<vmem>>
        %dma_start3A_201 = arith.constant 0 : i32
        %dma_start3A_202 = tpu.memref_slice %arg4[%add3A_176, %dma_start3A_201] : memref<2560x128xi32, #tpu.memory_space<hbm>> -> memref<16x128xi32, #tpu.memory_space<hbm>>
        tpu.enqueue_dma source(%dma_start3A_202 : memref<16x128xi32, #tpu.memory_space<hbm>>) target(%dma_start3A_200 : memref<16x128xi32, #tpu.memory_space<vmem>>) target_semaphore(%arg13 : memref<!tpu.dma_semaphore, #tpu.memory_space<semaphore_mem>>)
      } else {
      }
      %dma_start3A_152 = arith.constant 0 : i32
      %dma_start3A_153 = arith.constant 0 : i32
      %dma_start3A_154 = arith.constant 0 : i32
      %dma_start3A_155 = tpu.memref_slice %arg6[%cond3A_102, %dma_start3A_153, %dma_start3A_154] : memref<2x16x128xi32, #tpu.memory_space<vmem>> -> memref<1x16x128xi32, #tpu.memory_space<vmem>>
      %dma_start3A_156 = tpu.memref_squeeze %dma_start3A_155 : memref<1x16x128xi32, #tpu.memory_space<vmem>> -> memref<16x128xi32, #tpu.memory_space<vmem>>
      %dma_start3A_157 = arith.constant 0 : i32
      %dma_start3A_158 = tpu.memref_slice %dma_start3A_156[%dma_start3A_152, %dma_start3A_157] : memref<16x128xi32, #tpu.memory_space<vmem>> -> memref<1x128xi32, #tpu.memory_space<vmem>>
      %dma_start3A_159 = tpu.memref_squeeze %dma_start3A_158 : memref<1x128xi32, #tpu.memory_space<vmem>> -> memref<128xi32, #tpu.memory_space<vmem>>
      %dma_start3A_160 = arith.constant 0 : i32
      %dma_start3A_161 = arith.constant 0 : i32
      %dma_start3A_162 = tpu.memref_slice %arg2[%dma_start3A_160, %dma_start3A_161] : memref<10000x128xf32, #tpu.memory_space<hbm>> -> memref<10000x128xf32, #tpu.memory_space<hbm>>
      tpu.enqueue_indirect_dma source(%dma_start3A_162 : memref<10000x128xf32, #tpu.memory_space<hbm>>) target(%arg8 : memref<128x128xf32, #tpu.memory_space<vmem>>) offsets(%dma_start3A_159 : memref<128xi32, #tpu.memory_space<vmem>>) semaphore(%arg11 : memref<!tpu.dma_semaphore, #tpu.memory_space<semaphore_mem>>)
      %scan3A_163 = arith.constant 0 : i32
      %scan3A_164 = arith.constant 0 : i32
      %scan3A_165 = arith.constant 8 : i32
      %scan3A_166 = arith.addi %scan3A_164, %scan3A_165 : i32
      %scan3A_167 = arith.constant 1 : i32
      %scan3A_168 = scf.for %scan3A_175 = %scan3A_164 to %scan3A_166 step %scan3A_167 iter_args(%scan3A_176 = %scan3A_163) -> (i32)  : i32 {
        %mul3A_177 = arith.constant 2 : i32
        %mul3A_178 = arith.muli %mul3A_177, %scan3A_175 : i32
        %add3A_179 = arith.constant 1 : i32
        %add3A_180 = arith.addi %mul3A_178, %add3A_179 : i32
        %dma_start3A_181 = arith.constant 0 : i32
        %dma_start3A_182 = arith.constant 0 : i32
        %dma_start3A_183 = tpu.memref_slice %arg6[%cond3A_102, %dma_start3A_181, %dma_start3A_182] : memref<2x16x128xi32, #tpu.memory_space<vmem>> -> memref<1x16x128xi32, #tpu.memory_space<vmem>>
        %dma_start3A_184 = tpu.memref_squeeze %dma_start3A_183 : memref<1x16x128xi32, #tpu.memory_space<vmem>> -> memref<16x128xi32, #tpu.memory_space<vmem>>
        %dma_start3A_185 = arith.constant 0 : i32
        %dma_start3A_186 = tpu.memref_slice %dma_start3A_184[%add3A_180, %dma_start3A_185] : memref<16x128xi32, #tpu.memory_space<vmem>> -> memref<1x128xi32, #tpu.memory_space<vmem>>
        %dma_start3A_187 = tpu.memref_squeeze %dma_start3A_186 : memref<1x128xi32, #tpu.memory_space<vmem>> -> memref<128xi32, #tpu.memory_space<vmem>>
        %dma_start3A_188 = arith.constant 0 : i32
        %dma_start3A_189 = arith.constant 0 : i32
        %dma_start3A_190 = tpu.memref_slice %arg2[%dma_start3A_188, %dma_start3A_189] : memref<10000x128xf32, #tpu.memory_space<hbm>> -> memref<10000x128xf32, #tpu.memory_space<hbm>>
        tpu.enqueue_indirect_dma source(%dma_start3A_190 : memref<10000x128xf32, #tpu.memory_space<hbm>>) target(%arg9 : memref<128x128xf32, #tpu.memory_space<vmem>>) offsets(%dma_start3A_187 : memref<128xi32, #tpu.memory_space<vmem>>) semaphore(%arg12 : memref<!tpu.dma_semaphore, #tpu.memory_space<semaphore_mem>>)
        %dma_wait3A_191 = arith.constant 0 : i32
        %dma_wait3A_192 = arith.constant 0 : i32
        %dma_wait3A_193 = tpu.memref_slice %arg2[%dma_wait3A_191, %dma_wait3A_192] : memref<10000x128xf32, #tpu.memory_space<hbm>> -> memref<128x128xf32, #tpu.memory_space<hbm>>
        %dma_wait3A_194 = arith.constant 0 : i32
        %dma_wait3A_195 = arith.constant 0 : i32
        %dma_wait3A_196 = tpu.memref_slice %arg2[%dma_wait3A_194, %dma_wait3A_195] : memref<10000x128xf32, #tpu.memory_space<hbm>> -> memref<128x128xf32, #tpu.memory_space<hbm>>
        tpu.wait_dma2 semaphore(%arg11 : memref<!tpu.dma_semaphore, #tpu.memory_space<semaphore_mem>>) src(%dma_wait3A_196 : memref<128x128xf32, #tpu.memory_space<hbm>>) dst(%arg8 : memref<128x128xf32, #tpu.memory_space<vmem>>)
        "tpu.region"() ({
          %run_scoped3A = tpu.sem_alloc : memref<!tpu.dma_semaphore, #tpu.memory_space<semaphore_mem>>
          %dma_start3A_213 = arith.constant 0 : i32
          %dma_start3A_214 = arith.constant 0 : i32
          %dma_start3A_215 = tpu.memref_slice %arg7[%cond3A_103, %dma_start3A_213, %dma_start3A_214] : memref<2x16x128xi32, #tpu.memory_space<vmem>> -> memref<1x16x128xi32, #tpu.memory_space<vmem>>
          %dma_start3A_216 = tpu.memref_squeeze %dma_start3A_215 : memref<1x16x128xi32, #tpu.memory_space<vmem>> -> memref<16x128xi32, #tpu.memory_space<vmem>>
          %dma_start3A_217 = arith.constant 0 : i32
          %dma_start3A_218 = tpu.memref_slice %dma_start3A_216[%mul3A_178, %dma_start3A_217] : memref<16x128xi32, #tpu.memory_space<vmem>> -> memref<1x128xi32, #tpu.memory_space<vmem>>
          %dma_start3A_219 = tpu.memref_squeeze %dma_start3A_218 : memref<1x128xi32, #tpu.memory_space<vmem>> -> memref<128xi32, #tpu.memory_space<vmem>>
          %dma_start3A_220 = arith.constant 0 : i32
          %dma_start3A_221 = arith.constant 0 : i32
          %dma_start3A_222 = tpu.memref_slice %arg10[%dma_start3A_220, %dma_start3A_221] : memref<10016x128xf32, #tpu.memory_space<vmem_shared>> -> memref<10016x128xf32, #tpu.memory_space<vmem_shared>>
          tpu.enqueue_indirect_dma source(%arg8 : memref<128x128xf32, #tpu.memory_space<vmem>>) target(%dma_start3A_222 : memref<10016x128xf32, #tpu.memory_space<vmem_shared>>) offsets(%dma_start3A_219 : memref<128xi32, #tpu.memory_space<vmem>>) semaphore(%run_scoped3A : memref<!tpu.dma_semaphore, #tpu.memory_space<semaphore_mem>>) {add = true}
          %dma_wait3A_223 = arith.constant 0 : i32
          %dma_wait3A_224 = arith.constant 0 : i32
          %dma_wait3A_225 = tpu.memref_slice %arg7[%cond3A_103, %dma_wait3A_223, %dma_wait3A_224] : memref<2x16x128xi32, #tpu.memory_space<vmem>> -> memref<1x16x128xi32, #tpu.memory_space<vmem>>
          %dma_wait3A_226 = tpu.memref_squeeze %dma_wait3A_225 : memref<1x16x128xi32, #tpu.memory_space<vmem>> -> memref<16x128xi32, #tpu.memory_space<vmem>>
          %dma_wait3A_227 = arith.constant 0 : i32
          %dma_wait3A_228 = tpu.memref_slice %dma_wait3A_226[%mul3A_178, %dma_wait3A_227] : memref<16x128xi32, #tpu.memory_space<vmem>> -> memref<1x128xi32, #tpu.memory_space<vmem>>
          %dma_wait3A_229 = tpu.memref_squeeze %dma_wait3A_228 : memref<1x128xi32, #tpu.memory_space<vmem>> -> memref<128xi32, #tpu.memory_space<vmem>>
          %dma_wait3A_230 = arith.constant 0 : i32
          %dma_wait3A_231 = arith.constant 0 : i32
          %dma_wait3A_232 = tpu.memref_slice %arg10[%dma_wait3A_230, %dma_wait3A_231] : memref<10016x128xf32, #tpu.memory_space<vmem_shared>> -> memref<10016x128xf32, #tpu.memory_space<vmem_shared>>
          tpu.wait_indirect_dma semaphore(%run_scoped3A : memref<!tpu.dma_semaphore, #tpu.memory_space<semaphore_mem>>) src(%arg8 : memref<128x128xf32, #tpu.memory_space<vmem>>) dst(%dma_wait3A_232 : memref<10016x128xf32, #tpu.memory_space<vmem_shared>>)
          tpu.yield
        }) : () -> ()
        %add3A_197 = arith.constant 2 : i32
        %add3A_198 = arith.addi %mul3A_178, %add3A_197 : i32
        %lt3A_199 = arith.constant 16 : i32
        %lt3A_200 = arith.cmpi slt, %add3A_198, %lt3A_199 : i32
        %convert_element_type3A_201 = arith.extui %lt3A_200 : i1 to i32
        %cond3A_202 = arith.constant 0 : i32
        %cond3A_203 = arith.cmpi ne, %convert_element_type3A_201, %cond3A_202 : i32
        scf.if %cond3A_203 {
          %add3A_213 = arith.constant 2 : i32
          %add3A_214 = arith.addi %mul3A_178, %add3A_213 : i32
          %dma_start3A_215 = arith.constant 0 : i32
          %dma_start3A_216 = arith.constant 0 : i32
          %dma_start3A_217 = tpu.memref_slice %arg6[%cond3A_102, %dma_start3A_215, %dma_start3A_216] : memref<2x16x128xi32, #tpu.memory_space<vmem>> -> memref<1x16x128xi32, #tpu.memory_space<vmem>>
          %dma_start3A_218 = tpu.memref_squeeze %dma_start3A_217 : memref<1x16x128xi32, #tpu.memory_space<vmem>> -> memref<16x128xi32, #tpu.memory_space<vmem>>
          %dma_start3A_219 = arith.constant 0 : i32
          %dma_start3A_220 = tpu.memref_slice %dma_start3A_218[%add3A_214, %dma_start3A_219] : memref<16x128xi32, #tpu.memory_space<vmem>> -> memref<1x128xi32, #tpu.memory_space<vmem>>
          %dma_start3A_221 = tpu.memref_squeeze %dma_start3A_220 : memref<1x128xi32, #tpu.memory_space<vmem>> -> memref<128xi32, #tpu.memory_space<vmem>>
          %dma_start3A_222 = arith.constant 0 : i32
          %dma_start3A_223 = arith.constant 0 : i32
          %dma_start3A_224 = tpu.memref_slice %arg2[%dma_start3A_222, %dma_start3A_223] : memref<10000x128xf32, #tpu.memory_space<hbm>> -> memref<10000x128xf32, #tpu.memory_space<hbm>>
          tpu.enqueue_indirect_dma source(%dma_start3A_224 : memref<10000x128xf32, #tpu.memory_space<hbm>>) target(%arg8 : memref<128x128xf32, #tpu.memory_space<vmem>>) offsets(%dma_start3A_221 : memref<128xi32, #tpu.memory_space<vmem>>) semaphore(%arg11 : memref<!tpu.dma_semaphore, #tpu.memory_space<semaphore_mem>>)
        } else {
        }
        %dma_wait3A_204 = arith.constant 0 : i32
        %dma_wait3A_205 = arith.constant 0 : i32
        %dma_wait3A_206 = tpu.memref_slice %arg2[%dma_wait3A_204, %dma_wait3A_205] : memref<10000x128xf32, #tpu.memory_space<hbm>> -> memref<128x128xf32, #tpu.memory_space<hbm>>
        %dma_wait3A_207 = arith.constant 0 : i32
        %dma_wait3A_208 = arith.constant 0 : i32
        %dma_wait3A_209 = tpu.memref_slice %arg2[%dma_wait3A_207, %dma_wait3A_208] : memref<10000x128xf32, #tpu.memory_space<hbm>> -> memref<128x128xf32, #tpu.memory_space<hbm>>
        tpu.wait_dma2 semaphore(%arg12 : memref<!tpu.dma_semaphore, #tpu.memory_space<semaphore_mem>>) src(%dma_wait3A_209 : memref<128x128xf32, #tpu.memory_space<hbm>>) dst(%arg9 : memref<128x128xf32, #tpu.memory_space<vmem>>)
        %add3A_210 = arith.constant 1 : i32
        %add3A_211 = arith.addi %mul3A_178, %add3A_210 : i32
        "tpu.region"() ({
          %run_scoped3A = tpu.sem_alloc : memref<!tpu.dma_semaphore, #tpu.memory_space<semaphore_mem>>
          %dma_start3A_213 = arith.constant 0 : i32
          %dma_start3A_214 = arith.constant 0 : i32
          %dma_start3A_215 = tpu.memref_slice %arg7[%cond3A_103, %dma_start3A_213, %dma_start3A_214] : memref<2x16x128xi32, #tpu.memory_space<vmem>> -> memref<1x16x128xi32, #tpu.memory_space<vmem>>
          %dma_start3A_216 = tpu.memref_squeeze %dma_start3A_215 : memref<1x16x128xi32, #tpu.memory_space<vmem>> -> memref<16x128xi32, #tpu.memory_space<vmem>>
          %dma_start3A_217 = arith.constant 0 : i32
          %dma_start3A_218 = tpu.memref_slice %dma_start3A_216[%add3A_211, %dma_start3A_217] : memref<16x128xi32, #tpu.memory_space<vmem>> -> memref<1x128xi32, #tpu.memory_space<vmem>>
          %dma_start3A_219 = tpu.memref_squeeze %dma_start3A_218 : memref<1x128xi32, #tpu.memory_space<vmem>> -> memref<128xi32, #tpu.memory_space<vmem>>
          %dma_start3A_220 = arith.constant 0 : i32
          %dma_start3A_221 = arith.constant 0 : i32
          %dma_start3A_222 = tpu.memref_slice %arg10[%dma_start3A_220, %dma_start3A_221] : memref<10016x128xf32, #tpu.memory_space<vmem_shared>> -> memref<10016x128xf32, #tpu.memory_space<vmem_shared>>
          tpu.enqueue_indirect_dma source(%arg9 : memref<128x128xf32, #tpu.memory_space<vmem>>) target(%dma_start3A_222 : memref<10016x128xf32, #tpu.memory_space<vmem_shared>>) offsets(%dma_start3A_219 : memref<128xi32, #tpu.memory_space<vmem>>) semaphore(%run_scoped3A : memref<!tpu.dma_semaphore, #tpu.memory_space<semaphore_mem>>) {add = true}
          %dma_wait3A_223 = arith.constant 0 : i32
          %dma_wait3A_224 = arith.constant 0 : i32
          %dma_wait3A_225 = tpu.memref_slice %arg7[%cond3A_103, %dma_wait3A_223, %dma_wait3A_224] : memref<2x16x128xi32, #tpu.memory_space<vmem>> -> memref<1x16x128xi32, #tpu.memory_space<vmem>>
          %dma_wait3A_226 = tpu.memref_squeeze %dma_wait3A_225 : memref<1x16x128xi32, #tpu.memory_space<vmem>> -> memref<16x128xi32, #tpu.memory_space<vmem>>
          %dma_wait3A_227 = arith.constant 0 : i32
          %dma_wait3A_228 = tpu.memref_slice %dma_wait3A_226[%add3A_211, %dma_wait3A_227] : memref<16x128xi32, #tpu.memory_space<vmem>> -> memref<1x128xi32, #tpu.memory_space<vmem>>
          %dma_wait3A_229 = tpu.memref_squeeze %dma_wait3A_228 : memref<1x128xi32, #tpu.memory_space<vmem>> -> memref<128xi32, #tpu.memory_space<vmem>>
          %dma_wait3A_230 = arith.constant 0 : i32
          %dma_wait3A_231 = arith.constant 0 : i32
          %dma_wait3A_232 = tpu.memref_slice %arg10[%dma_wait3A_230, %dma_wait3A_231] : memref<10016x128xf32, #tpu.memory_space<vmem_shared>> -> memref<10016x128xf32, #tpu.memory_space<vmem_shared>>
          tpu.wait_indirect_dma semaphore(%run_scoped3A : memref<!tpu.dma_semaphore, #tpu.memory_space<semaphore_mem>>) src(%arg9 : memref<128x128xf32, #tpu.memory_space<vmem>>) dst(%dma_wait3A_232 : memref<10016x128xf32, #tpu.memory_space<vmem_shared>>)
          tpu.yield
        }) : () -> ()
        %scan3A_212 = arith.constant 0 : i32
        scf.yield %scan3A_212 : i32
      }
      %scan3A_169 = arith.constant 8 : i32
      %gt3A_170 = arith.constant 3 : i32
      %gt3A_171 = arith.cmpi sgt, %select_n3A, %gt3A_170 : i32
      %convert_element_type3A_172 = arith.extui %gt3A_171 : i1 to i32
      %cond3A_173 = arith.constant 0 : i32
      %cond3A_174 = arith.cmpi ne, %convert_element_type3A_172, %cond3A_173 : i32
      scf.if %cond3A_174 {
        %dma_wait3A_175 = arith.constant 1 : i32
        %dma_wait3A_176 = arith.constant 0 : i32
        %dma_wait3A_177 = arith.constant 0 : i32
        %dma_wait3A_178 = tpu.memref_slice %arg6[%dma_wait3A_175, %dma_wait3A_176, %dma_wait3A_177] : memref<2x16x128xi32, #tpu.memory_space<vmem>> -> memref<1x16x128xi32, #tpu.memory_space<vmem>>
        %dma_wait3A_179 = tpu.memref_squeeze %dma_wait3A_178 : memref<1x16x128xi32, #tpu.memory_space<vmem>> -> memref<16x128xi32, #tpu.memory_space<vmem>>
        %dma_wait3A_180 = arith.constant 0 : i32
        %dma_wait3A_181 = arith.constant 0 : i32
        %dma_wait3A_182 = tpu.memref_slice %arg3[%dma_wait3A_180, %dma_wait3A_181] : memref<2560x128xi32, #tpu.memory_space<hbm>> -> memref<16x128xi32, #tpu.memory_space<hbm>>
        %dma_wait3A_183 = arith.constant 0 : i32
        %dma_wait3A_184 = arith.constant 0 : i32
        %dma_wait3A_185 = tpu.memref_slice %arg6[%dma_wait3A_175, %dma_wait3A_183, %dma_wait3A_184] : memref<2x16x128xi32, #tpu.memory_space<vmem>> -> memref<1x16x128xi32, #tpu.memory_space<vmem>>
        %dma_wait3A_186 = tpu.memref_squeeze %dma_wait3A_185 : memref<1x16x128xi32, #tpu.memory_space<vmem>> -> memref<16x128xi32, #tpu.memory_space<vmem>>
        %dma_wait3A_187 = arith.constant 0 : i32
        %dma_wait3A_188 = arith.constant 0 : i32
        %dma_wait3A_189 = tpu.memref_slice %arg3[%dma_wait3A_187, %dma_wait3A_188] : memref<2560x128xi32, #tpu.memory_space<hbm>> -> memref<16x128xi32, #tpu.memory_space<hbm>>
        tpu.wait_dma2 semaphore(%arg13 : memref<!tpu.dma_semaphore, #tpu.memory_space<semaphore_mem>>) src(%dma_wait3A_189 : memref<16x128xi32, #tpu.memory_space<hbm>>) dst(%dma_wait3A_186 : memref<16x128xi32, #tpu.memory_space<vmem>>)
        %dma_wait3A_190 = arith.constant 1 : i32
        %dma_wait3A_191 = arith.constant 0 : i32
        %dma_wait3A_192 = arith.constant 0 : i32
        %dma_wait3A_193 = tpu.memref_slice %arg7[%dma_wait3A_190, %dma_wait3A_191, %dma_wait3A_192] : memref<2x16x128xi32, #tpu.memory_space<vmem>> -> memref<1x16x128xi32, #tpu.memory_space<vmem>>
        %dma_wait3A_194 = tpu.memref_squeeze %dma_wait3A_193 : memref<1x16x128xi32, #tpu.memory_space<vmem>> -> memref<16x128xi32, #tpu.memory_space<vmem>>
        %dma_wait3A_195 = arith.constant 0 : i32
        %dma_wait3A_196 = arith.constant 0 : i32
        %dma_wait3A_197 = tpu.memref_slice %arg4[%dma_wait3A_195, %dma_wait3A_196] : memref<2560x128xi32, #tpu.memory_space<hbm>> -> memref<16x128xi32, #tpu.memory_space<hbm>>
        %dma_wait3A_198 = arith.constant 0 : i32
        %dma_wait3A_199 = arith.constant 0 : i32
        %dma_wait3A_200 = tpu.memref_slice %arg7[%dma_wait3A_190, %dma_wait3A_198, %dma_wait3A_199] : memref<2x16x128xi32, #tpu.memory_space<vmem>> -> memref<1x16x128xi32, #tpu.memory_space<vmem>>
        %dma_wait3A_201 = tpu.memref_squeeze %dma_wait3A_200 : memref<1x16x128xi32, #tpu.memory_space<vmem>> -> memref<16x128xi32, #tpu.memory_space<vmem>>
        %dma_wait3A_202 = arith.constant 0 : i32
        %dma_wait3A_203 = arith.constant 0 : i32
        %dma_wait3A_204 = tpu.memref_slice %arg4[%dma_wait3A_202, %dma_wait3A_203] : memref<2560x128xi32, #tpu.memory_space<hbm>> -> memref<16x128xi32, #tpu.memory_space<hbm>>
        tpu.wait_dma2 semaphore(%arg13 : memref<!tpu.dma_semaphore, #tpu.memory_space<semaphore_mem>>) src(%dma_wait3A_204 : memref<16x128xi32, #tpu.memory_space<hbm>>) dst(%dma_wait3A_201 : memref<16x128xi32, #tpu.memory_space<vmem>>)
      } else {
      }
    } else {
    }
    %gt3A_106 = arith.constant 3 : i32
    %gt3A_107 = arith.cmpi sgt, %select_n3A, %gt3A_106 : i32
    %convert_element_type3A_108 = arith.extui %gt3A_107 : i1 to i32
    %cond3A_109 = arith.constant 1 : i32
    %cond3A_110 = arith.constant 1 : i32
    %cond3A_111 = arith.constant 0 : i32
    %cond3A_112 = arith.cmpi ne, %convert_element_type3A_108, %cond3A_111 : i32
    scf.if %cond3A_112 {
      %gt3A_147 = arith.constant 4 : i32
      %gt3A_148 = arith.cmpi sgt, %select_n3A, %gt3A_147 : i32
      %convert_element_type3A_149 = arith.extui %gt3A_148 : i1 to i32
      %cond3A_150 = arith.constant 0 : i32
      %cond3A_151 = arith.cmpi ne, %convert_element_type3A_149, %cond3A_150 : i32
      scf.if %cond3A_151 {
        %add3A_175 = arith.constant 64 : i32
        %add3A_176 = arith.addi %add3A_5, %add3A_175 : i32
        %dma_start3A_177 = arith.constant 0 : i32
        %dma_start3A_178 = arith.constant 0 : i32
        %dma_start3A_179 = arith.constant 0 : i32
        %dma_start3A_180 = tpu.memref_slice %arg6[%dma_start3A_177, %dma_start3A_178, %dma_start3A_179] : memref<2x16x128xi32, #tpu.memory_space<vmem>> -> memref<1x16x128xi32, #tpu.memory_space<vmem>>
        %dma_start3A_181 = tpu.memref_squeeze %dma_start3A_180 : memref<1x16x128xi32, #tpu.memory_space<vmem>> -> memref<16x128xi32, #tpu.memory_space<vmem>>
        %dma_start3A_182 = arith.constant 0 : i32
        %dma_start3A_183 = tpu.memref_slice %arg3[%add3A_176, %dma_start3A_182] : memref<2560x128xi32, #tpu.memory_space<hbm>> -> memref<16x128xi32, #tpu.memory_space<hbm>>
        %dma_start3A_184 = arith.constant 0 : i32
        %dma_start3A_185 = arith.constant 0 : i32
        %dma_start3A_186 = tpu.memref_slice %arg6[%dma_start3A_177, %dma_start3A_184, %dma_start3A_185] : memref<2x16x128xi32, #tpu.memory_space<vmem>> -> memref<1x16x128xi32, #tpu.memory_space<vmem>>
        %dma_start3A_187 = tpu.memref_squeeze %dma_start3A_186 : memref<1x16x128xi32, #tpu.memory_space<vmem>> -> memref<16x128xi32, #tpu.memory_space<vmem>>
        %dma_start3A_188 = arith.constant 0 : i32
        %dma_start3A_189 = tpu.memref_slice %arg3[%add3A_176, %dma_start3A_188] : memref<2560x128xi32, #tpu.memory_space<hbm>> -> memref<16x128xi32, #tpu.memory_space<hbm>>
        tpu.enqueue_dma source(%dma_start3A_189 : memref<16x128xi32, #tpu.memory_space<hbm>>) target(%dma_start3A_187 : memref<16x128xi32, #tpu.memory_space<vmem>>) target_semaphore(%arg13 : memref<!tpu.dma_semaphore, #tpu.memory_space<semaphore_mem>>)
        %dma_start3A_190 = arith.constant 0 : i32
        %dma_start3A_191 = arith.constant 0 : i32
        %dma_start3A_192 = arith.constant 0 : i32
        %dma_start3A_193 = tpu.memref_slice %arg7[%dma_start3A_190, %dma_start3A_191, %dma_start3A_192] : memref<2x16x128xi32, #tpu.memory_space<vmem>> -> memref<1x16x128xi32, #tpu.memory_space<vmem>>
        %dma_start3A_194 = tpu.memref_squeeze %dma_start3A_193 : memref<1x16x128xi32, #tpu.memory_space<vmem>> -> memref<16x128xi32, #tpu.memory_space<vmem>>
        %dma_start3A_195 = arith.constant 0 : i32
        %dma_start3A_196 = tpu.memref_slice %arg4[%add3A_176, %dma_start3A_195] : memref<2560x128xi32, #tpu.memory_space<hbm>> -> memref<16x128xi32, #tpu.memory_space<hbm>>
        %dma_start3A_197 = arith.constant 0 : i32
        %dma_start3A_198 = arith.constant 0 : i32
        %dma_start3A_199 = tpu.memref_slice %arg7[%dma_start3A_190, %dma_start3A_197, %dma_start3A_198] : memref<2x16x128xi32, #tpu.memory_space<vmem>> -> memref<1x16x128xi32, #tpu.memory_space<vmem>>
        %dma_start3A_200 = tpu.memref_squeeze %dma_start3A_199 : memref<1x16x128xi32, #tpu.memory_space<vmem>> -> memref<16x128xi32, #tpu.memory_space<vmem>>
        %dma_start3A_201 = arith.constant 0 : i32
        %dma_start3A_202 = tpu.memref_slice %arg4[%add3A_176, %dma_start3A_201] : memref<2560x128xi32, #tpu.memory_space<hbm>> -> memref<16x128xi32, #tpu.memory_space<hbm>>
        tpu.enqueue_dma source(%dma_start3A_202 : memref<16x128xi32, #tpu.memory_space<hbm>>) target(%dma_start3A_200 : memref<16x128xi32, #tpu.memory_space<vmem>>) target_semaphore(%arg13 : memref<!tpu.dma_semaphore, #tpu.memory_space<semaphore_mem>>)
      } else {
      }
      %dma_start3A_152 = arith.constant 0 : i32
      %dma_start3A_153 = arith.constant 0 : i32
      %dma_start3A_154 = arith.constant 0 : i32
      %dma_start3A_155 = tpu.memref_slice %arg6[%cond3A_109, %dma_start3A_153, %dma_start3A_154] : memref<2x16x128xi32, #tpu.memory_space<vmem>> -> memref<1x16x128xi32, #tpu.memory_space<vmem>>
      %dma_start3A_156 = tpu.memref_squeeze %dma_start3A_155 : memref<1x16x128xi32, #tpu.memory_space<vmem>> -> memref<16x128xi32, #tpu.memory_space<vmem>>
      %dma_start3A_157 = arith.constant 0 : i32
      %dma_start3A_158 = tpu.memref_slice %dma_start3A_156[%dma_start3A_152, %dma_start3A_157] : memref<16x128xi32, #tpu.memory_space<vmem>> -> memref<1x128xi32, #tpu.memory_space<vmem>>
      %dma_start3A_159 = tpu.memref_squeeze %dma_start3A_158 : memref<1x128xi32, #tpu.memory_space<vmem>> -> memref<128xi32, #tpu.memory_space<vmem>>
      %dma_start3A_160 = arith.constant 0 : i32
      %dma_start3A_161 = arith.constant 0 : i32
      %dma_start3A_162 = tpu.memref_slice %arg2[%dma_start3A_160, %dma_start3A_161] : memref<10000x128xf32, #tpu.memory_space<hbm>> -> memref<10000x128xf32, #tpu.memory_space<hbm>>
      tpu.enqueue_indirect_dma source(%dma_start3A_162 : memref<10000x128xf32, #tpu.memory_space<hbm>>) target(%arg8 : memref<128x128xf32, #tpu.memory_space<vmem>>) offsets(%dma_start3A_159 : memref<128xi32, #tpu.memory_space<vmem>>) semaphore(%arg11 : memref<!tpu.dma_semaphore, #tpu.memory_space<semaphore_mem>>)
      %scan3A_163 = arith.constant 0 : i32
      %scan3A_164 = arith.constant 0 : i32
      %scan3A_165 = arith.constant 8 : i32
      %scan3A_166 = arith.addi %scan3A_164, %scan3A_165 : i32
      %scan3A_167 = arith.constant 1 : i32
      %scan3A_168 = scf.for %scan3A_175 = %scan3A_164 to %scan3A_166 step %scan3A_167 iter_args(%scan3A_176 = %scan3A_163) -> (i32)  : i32 {
        %mul3A_177 = arith.constant 2 : i32
        %mul3A_178 = arith.muli %mul3A_177, %scan3A_175 : i32
        %add3A_179 = arith.constant 1 : i32
        %add3A_180 = arith.addi %mul3A_178, %add3A_179 : i32
        %dma_start3A_181 = arith.constant 0 : i32
        %dma_start3A_182 = arith.constant 0 : i32
        %dma_start3A_183 = tpu.memref_slice %arg6[%cond3A_109, %dma_start3A_181, %dma_start3A_182] : memref<2x16x128xi32, #tpu.memory_space<vmem>> -> memref<1x16x128xi32, #tpu.memory_space<vmem>>
        %dma_start3A_184 = tpu.memref_squeeze %dma_start3A_183 : memref<1x16x128xi32, #tpu.memory_space<vmem>> -> memref<16x128xi32, #tpu.memory_space<vmem>>
        %dma_start3A_185 = arith.constant 0 : i32
        %dma_start3A_186 = tpu.memref_slice %dma_start3A_184[%add3A_180, %dma_start3A_185] : memref<16x128xi32, #tpu.memory_space<vmem>> -> memref<1x128xi32, #tpu.memory_space<vmem>>
        %dma_start3A_187 = tpu.memref_squeeze %dma_start3A_186 : memref<1x128xi32, #tpu.memory_space<vmem>> -> memref<128xi32, #tpu.memory_space<vmem>>
        %dma_start3A_188 = arith.constant 0 : i32
        %dma_start3A_189 = arith.constant 0 : i32
        %dma_start3A_190 = tpu.memref_slice %arg2[%dma_start3A_188, %dma_start3A_189] : memref<10000x128xf32, #tpu.memory_space<hbm>> -> memref<10000x128xf32, #tpu.memory_space<hbm>>
        tpu.enqueue_indirect_dma source(%dma_start3A_190 : memref<10000x128xf32, #tpu.memory_space<hbm>>) target(%arg9 : memref<128x128xf32, #tpu.memory_space<vmem>>) offsets(%dma_start3A_187 : memref<128xi32, #tpu.memory_space<vmem>>) semaphore(%arg12 : memref<!tpu.dma_semaphore, #tpu.memory_space<semaphore_mem>>)
        %dma_wait3A_191 = arith.constant 0 : i32
        %dma_wait3A_192 = arith.constant 0 : i32
        %dma_wait3A_193 = tpu.memref_slice %arg2[%dma_wait3A_191, %dma_wait3A_192] : memref<10000x128xf32, #tpu.memory_space<hbm>> -> memref<128x128xf32, #tpu.memory_space<hbm>>
        %dma_wait3A_194 = arith.constant 0 : i32
        %dma_wait3A_195 = arith.constant 0 : i32
        %dma_wait3A_196 = tpu.memref_slice %arg2[%dma_wait3A_194, %dma_wait3A_195] : memref<10000x128xf32, #tpu.memory_space<hbm>> -> memref<128x128xf32, #tpu.memory_space<hbm>>
        tpu.wait_dma2 semaphore(%arg11 : memref<!tpu.dma_semaphore, #tpu.memory_space<semaphore_mem>>) src(%dma_wait3A_196 : memref<128x128xf32, #tpu.memory_space<hbm>>) dst(%arg8 : memref<128x128xf32, #tpu.memory_space<vmem>>)
        "tpu.region"() ({
          %run_scoped3A = tpu.sem_alloc : memref<!tpu.dma_semaphore, #tpu.memory_space<semaphore_mem>>
          %dma_start3A_213 = arith.constant 0 : i32
          %dma_start3A_214 = arith.constant 0 : i32
          %dma_start3A_215 = tpu.memref_slice %arg7[%cond3A_110, %dma_start3A_213, %dma_start3A_214] : memref<2x16x128xi32, #tpu.memory_space<vmem>> -> memref<1x16x128xi32, #tpu.memory_space<vmem>>
          %dma_start3A_216 = tpu.memref_squeeze %dma_start3A_215 : memref<1x16x128xi32, #tpu.memory_space<vmem>> -> memref<16x128xi32, #tpu.memory_space<vmem>>
          %dma_start3A_217 = arith.constant 0 : i32
          %dma_start3A_218 = tpu.memref_slice %dma_start3A_216[%mul3A_178, %dma_start3A_217] : memref<16x128xi32, #tpu.memory_space<vmem>> -> memref<1x128xi32, #tpu.memory_space<vmem>>
          %dma_start3A_219 = tpu.memref_squeeze %dma_start3A_218 : memref<1x128xi32, #tpu.memory_space<vmem>> -> memref<128xi32, #tpu.memory_space<vmem>>
          %dma_start3A_220 = arith.constant 0 : i32
          %dma_start3A_221 = arith.constant 0 : i32
          %dma_start3A_222 = tpu.memref_slice %arg10[%dma_start3A_220, %dma_start3A_221] : memref<10016x128xf32, #tpu.memory_space<vmem_shared>> -> memref<10016x128xf32, #tpu.memory_space<vmem_shared>>
          tpu.enqueue_indirect_dma source(%arg8 : memref<128x128xf32, #tpu.memory_space<vmem>>) target(%dma_start3A_222 : memref<10016x128xf32, #tpu.memory_space<vmem_shared>>) offsets(%dma_start3A_219 : memref<128xi32, #tpu.memory_space<vmem>>) semaphore(%run_scoped3A : memref<!tpu.dma_semaphore, #tpu.memory_space<semaphore_mem>>) {add = true}
          %dma_wait3A_223 = arith.constant 0 : i32
          %dma_wait3A_224 = arith.constant 0 : i32
          %dma_wait3A_225 = tpu.memref_slice %arg7[%cond3A_110, %dma_wait3A_223, %dma_wait3A_224] : memref<2x16x128xi32, #tpu.memory_space<vmem>> -> memref<1x16x128xi32, #tpu.memory_space<vmem>>
          %dma_wait3A_226 = tpu.memref_squeeze %dma_wait3A_225 : memref<1x16x128xi32, #tpu.memory_space<vmem>> -> memref<16x128xi32, #tpu.memory_space<vmem>>
          %dma_wait3A_227 = arith.constant 0 : i32
          %dma_wait3A_228 = tpu.memref_slice %dma_wait3A_226[%mul3A_178, %dma_wait3A_227] : memref<16x128xi32, #tpu.memory_space<vmem>> -> memref<1x128xi32, #tpu.memory_space<vmem>>
          %dma_wait3A_229 = tpu.memref_squeeze %dma_wait3A_228 : memref<1x128xi32, #tpu.memory_space<vmem>> -> memref<128xi32, #tpu.memory_space<vmem>>
          %dma_wait3A_230 = arith.constant 0 : i32
          %dma_wait3A_231 = arith.constant 0 : i32
          %dma_wait3A_232 = tpu.memref_slice %arg10[%dma_wait3A_230, %dma_wait3A_231] : memref<10016x128xf32, #tpu.memory_space<vmem_shared>> -> memref<10016x128xf32, #tpu.memory_space<vmem_shared>>
          tpu.wait_indirect_dma semaphore(%run_scoped3A : memref<!tpu.dma_semaphore, #tpu.memory_space<semaphore_mem>>) src(%arg8 : memref<128x128xf32, #tpu.memory_space<vmem>>) dst(%dma_wait3A_232 : memref<10016x128xf32, #tpu.memory_space<vmem_shared>>)
          tpu.yield
        }) : () -> ()
        %add3A_197 = arith.constant 2 : i32
        %add3A_198 = arith.addi %mul3A_178, %add3A_197 : i32
        %lt3A_199 = arith.constant 16 : i32
        %lt3A_200 = arith.cmpi slt, %add3A_198, %lt3A_199 : i32
        %convert_element_type3A_201 = arith.extui %lt3A_200 : i1 to i32
        %cond3A_202 = arith.constant 0 : i32
        %cond3A_203 = arith.cmpi ne, %convert_element_type3A_201, %cond3A_202 : i32
        scf.if %cond3A_203 {
          %add3A_213 = arith.constant 2 : i32
          %add3A_214 = arith.addi %mul3A_178, %add3A_213 : i32
          %dma_start3A_215 = arith.constant 0 : i32
          %dma_start3A_216 = arith.constant 0 : i32
          %dma_start3A_217 = tpu.memref_slice %arg6[%cond3A_109, %dma_start3A_215, %dma_start3A_216] : memref<2x16x128xi32, #tpu.memory_space<vmem>> -> memref<1x16x128xi32, #tpu.memory_space<vmem>>
          %dma_start3A_218 = tpu.memref_squeeze %dma_start3A_217 : memref<1x16x128xi32, #tpu.memory_space<vmem>> -> memref<16x128xi32, #tpu.memory_space<vmem>>
          %dma_start3A_219 = arith.constant 0 : i32
          %dma_start3A_220 = tpu.memref_slice %dma_start3A_218[%add3A_214, %dma_start3A_219] : memref<16x128xi32, #tpu.memory_space<vmem>> -> memref<1x128xi32, #tpu.memory_space<vmem>>
          %dma_start3A_221 = tpu.memref_squeeze %dma_start3A_220 : memref<1x128xi32, #tpu.memory_space<vmem>> -> memref<128xi32, #tpu.memory_space<vmem>>
          %dma_start3A_222 = arith.constant 0 : i32
          %dma_start3A_223 = arith.constant 0 : i32
          %dma_start3A_224 = tpu.memref_slice %arg2[%dma_start3A_222, %dma_start3A_223] : memref<10000x128xf32, #tpu.memory_space<hbm>> -> memref<10000x128xf32, #tpu.memory_space<hbm>>
          tpu.enqueue_indirect_dma source(%dma_start3A_224 : memref<10000x128xf32, #tpu.memory_space<hbm>>) target(%arg8 : memref<128x128xf32, #tpu.memory_space<vmem>>) offsets(%dma_start3A_221 : memref<128xi32, #tpu.memory_space<vmem>>) semaphore(%arg11 : memref<!tpu.dma_semaphore, #tpu.memory_space<semaphore_mem>>)
        } else {
        }
        %dma_wait3A_204 = arith.constant 0 : i32
        %dma_wait3A_205 = arith.constant 0 : i32
        %dma_wait3A_206 = tpu.memref_slice %arg2[%dma_wait3A_204, %dma_wait3A_205] : memref<10000x128xf32, #tpu.memory_space<hbm>> -> memref<128x128xf32, #tpu.memory_space<hbm>>
        %dma_wait3A_207 = arith.constant 0 : i32
        %dma_wait3A_208 = arith.constant 0 : i32
        %dma_wait3A_209 = tpu.memref_slice %arg2[%dma_wait3A_207, %dma_wait3A_208] : memref<10000x128xf32, #tpu.memory_space<hbm>> -> memref<128x128xf32, #tpu.memory_space<hbm>>
        tpu.wait_dma2 semaphore(%arg12 : memref<!tpu.dma_semaphore, #tpu.memory_space<semaphore_mem>>) src(%dma_wait3A_209 : memref<128x128xf32, #tpu.memory_space<hbm>>) dst(%arg9 : memref<128x128xf32, #tpu.memory_space<vmem>>)
        %add3A_210 = arith.constant 1 : i32
        %add3A_211 = arith.addi %mul3A_178, %add3A_210 : i32
        "tpu.region"() ({
          %run_scoped3A = tpu.sem_alloc : memref<!tpu.dma_semaphore, #tpu.memory_space<semaphore_mem>>
          %dma_start3A_213 = arith.constant 0 : i32
          %dma_start3A_214 = arith.constant 0 : i32
          %dma_start3A_215 = tpu.memref_slice %arg7[%cond3A_110, %dma_start3A_213, %dma_start3A_214] : memref<2x16x128xi32, #tpu.memory_space<vmem>> -> memref<1x16x128xi32, #tpu.memory_space<vmem>>
          %dma_start3A_216 = tpu.memref_squeeze %dma_start3A_215 : memref<1x16x128xi32, #tpu.memory_space<vmem>> -> memref<16x128xi32, #tpu.memory_space<vmem>>
          %dma_start3A_217 = arith.constant 0 : i32
          %dma_start3A_218 = tpu.memref_slice %dma_start3A_216[%add3A_211, %dma_start3A_217] : memref<16x128xi32, #tpu.memory_space<vmem>> -> memref<1x128xi32, #tpu.memory_space<vmem>>
          %dma_start3A_219 = tpu.memref_squeeze %dma_start3A_218 : memref<1x128xi32, #tpu.memory_space<vmem>> -> memref<128xi32, #tpu.memory_space<vmem>>
          %dma_start3A_220 = arith.constant 0 : i32
          %dma_start3A_221 = arith.constant 0 : i32
          %dma_start3A_222 = tpu.memref_slice %arg10[%dma_start3A_220, %dma_start3A_221] : memref<10016x128xf32, #tpu.memory_space<vmem_shared>> -> memref<10016x128xf32, #tpu.memory_space<vmem_shared>>
          tpu.enqueue_indirect_dma source(%arg9 : memref<128x128xf32, #tpu.memory_space<vmem>>) target(%dma_start3A_222 : memref<10016x128xf32, #tpu.memory_space<vmem_shared>>) offsets(%dma_start3A_219 : memref<128xi32, #tpu.memory_space<vmem>>) semaphore(%run_scoped3A : memref<!tpu.dma_semaphore, #tpu.memory_space<semaphore_mem>>) {add = true}
          %dma_wait3A_223 = arith.constant 0 : i32
          %dma_wait3A_224 = arith.constant 0 : i32
          %dma_wait3A_225 = tpu.memref_slice %arg7[%cond3A_110, %dma_wait3A_223, %dma_wait3A_224] : memref<2x16x128xi32, #tpu.memory_space<vmem>> -> memref<1x16x128xi32, #tpu.memory_space<vmem>>
          %dma_wait3A_226 = tpu.memref_squeeze %dma_wait3A_225 : memref<1x16x128xi32, #tpu.memory_space<vmem>> -> memref<16x128xi32, #tpu.memory_space<vmem>>
          %dma_wait3A_227 = arith.constant 0 : i32
          %dma_wait3A_228 = tpu.memref_slice %dma_wait3A_226[%add3A_211, %dma_wait3A_227] : memref<16x128xi32, #tpu.memory_space<vmem>> -> memref<1x128xi32, #tpu.memory_space<vmem>>
          %dma_wait3A_229 = tpu.memref_squeeze %dma_wait3A_228 : memref<1x128xi32, #tpu.memory_space<vmem>> -> memref<128xi32, #tpu.memory_space<vmem>>
          %dma_wait3A_230 = arith.constant 0 : i32
          %dma_wait3A_231 = arith.constant 0 : i32
          %dma_wait3A_232 = tpu.memref_slice %arg10[%dma_wait3A_230, %dma_wait3A_231] : memref<10016x128xf32, #tpu.memory_space<vmem_shared>> -> memref<10016x128xf32, #tpu.memory_space<vmem_shared>>
          tpu.wait_indirect_dma semaphore(%run_scoped3A : memref<!tpu.dma_semaphore, #tpu.memory_space<semaphore_mem>>) src(%arg9 : memref<128x128xf32, #tpu.memory_space<vmem>>) dst(%dma_wait3A_232 : memref<10016x128xf32, #tpu.memory_space<vmem_shared>>)
          tpu.yield
        }) : () -> ()
        %scan3A_212 = arith.constant 0 : i32
        scf.yield %scan3A_212 : i32
      }
      %scan3A_169 = arith.constant 8 : i32
      %gt3A_170 = arith.constant 4 : i32
      %gt3A_171 = arith.cmpi sgt, %select_n3A, %gt3A_170 : i32
      %convert_element_type3A_172 = arith.extui %gt3A_171 : i1 to i32
      %cond3A_173 = arith.constant 0 : i32
      %cond3A_174 = arith.cmpi ne, %convert_element_type3A_172, %cond3A_173 : i32
      scf.if %cond3A_174 {
        %dma_wait3A_175 = arith.constant 0 : i32
        %dma_wait3A_176 = arith.constant 0 : i32
        %dma_wait3A_177 = arith.constant 0 : i32
        %dma_wait3A_178 = tpu.memref_slice %arg6[%dma_wait3A_175, %dma_wait3A_176, %dma_wait3A_177] : memref<2x16x128xi32, #tpu.memory_space<vmem>> -> memref<1x16x128xi32, #tpu.memory_space<vmem>>
        %dma_wait3A_179 = tpu.memref_squeeze %dma_wait3A_178 : memref<1x16x128xi32, #tpu.memory_space<vmem>> -> memref<16x128xi32, #tpu.memory_space<vmem>>
        %dma_wait3A_180 = arith.constant 0 : i32
        %dma_wait3A_181 = arith.constant 0 : i32
        %dma_wait3A_182 = tpu.memref_slice %arg3[%dma_wait3A_180, %dma_wait3A_181] : memref<2560x128xi32, #tpu.memory_space<hbm>> -> memref<16x128xi32, #tpu.memory_space<hbm>>
        %dma_wait3A_183 = arith.constant 0 : i32
        %dma_wait3A_184 = arith.constant 0 : i32
        %dma_wait3A_185 = tpu.memref_slice %arg6[%dma_wait3A_175, %dma_wait3A_183, %dma_wait3A_184] : memref<2x16x128xi32, #tpu.memory_space<vmem>> -> memref<1x16x128xi32, #tpu.memory_space<vmem>>
        %dma_wait3A_186 = tpu.memref_squeeze %dma_wait3A_185 : memref<1x16x128xi32, #tpu.memory_space<vmem>> -> memref<16x128xi32, #tpu.memory_space<vmem>>
        %dma_wait3A_187 = arith.constant 0 : i32
        %dma_wait3A_188 = arith.constant 0 : i32
        %dma_wait3A_189 = tpu.memref_slice %arg3[%dma_wait3A_187, %dma_wait3A_188] : memref<2560x128xi32, #tpu.memory_space<hbm>> -> memref<16x128xi32, #tpu.memory_space<hbm>>
        tpu.wait_dma2 semaphore(%arg13 : memref<!tpu.dma_semaphore, #tpu.memory_space<semaphore_mem>>) src(%dma_wait3A_189 : memref<16x128xi32, #tpu.memory_space<hbm>>) dst(%dma_wait3A_186 : memref<16x128xi32, #tpu.memory_space<vmem>>)
        %dma_wait3A_190 = arith.constant 0 : i32
        %dma_wait3A_191 = arith.constant 0 : i32
        %dma_wait3A_192 = arith.constant 0 : i32
        %dma_wait3A_193 = tpu.memref_slice %arg7[%dma_wait3A_190, %dma_wait3A_191, %dma_wait3A_192] : memref<2x16x128xi32, #tpu.memory_space<vmem>> -> memref<1x16x128xi32, #tpu.memory_space<vmem>>
        %dma_wait3A_194 = tpu.memref_squeeze %dma_wait3A_193 : memref<1x16x128xi32, #tpu.memory_space<vmem>> -> memref<16x128xi32, #tpu.memory_space<vmem>>
        %dma_wait3A_195 = arith.constant 0 : i32
        %dma_wait3A_196 = arith.constant 0 : i32
        %dma_wait3A_197 = tpu.memref_slice %arg4[%dma_wait3A_195, %dma_wait3A_196] : memref<2560x128xi32, #tpu.memory_space<hbm>> -> memref<16x128xi32, #tpu.memory_space<hbm>>
        %dma_wait3A_198 = arith.constant 0 : i32
        %dma_wait3A_199 = arith.constant 0 : i32
        %dma_wait3A_200 = tpu.memref_slice %arg7[%dma_wait3A_190, %dma_wait3A_198, %dma_wait3A_199] : memref<2x16x128xi32, #tpu.memory_space<vmem>> -> memref<1x16x128xi32, #tpu.memory_space<vmem>>
        %dma_wait3A_201 = tpu.memref_squeeze %dma_wait3A_200 : memref<1x16x128xi32, #tpu.memory_space<vmem>> -> memref<16x128xi32, #tpu.memory_space<vmem>>
        %dma_wait3A_202 = arith.constant 0 : i32
        %dma_wait3A_203 = arith.constant 0 : i32
        %dma_wait3A_204 = tpu.memref_slice %arg4[%dma_wait3A_202, %dma_wait3A_203] : memref<2560x128xi32, #tpu.memory_space<hbm>> -> memref<16x128xi32, #tpu.memory_space<hbm>>
        tpu.wait_dma2 semaphore(%arg13 : memref<!tpu.dma_semaphore, #tpu.memory_space<semaphore_mem>>) src(%dma_wait3A_204 : memref<16x128xi32, #tpu.memory_space<hbm>>) dst(%dma_wait3A_201 : memref<16x128xi32, #tpu.memory_space<vmem>>)
      } else {
      }
    } else {
    }
    %gt3A_113 = arith.constant 4 : i32
    %gt3A_114 = arith.cmpi sgt, %select_n3A, %gt3A_113 : i32
    %convert_element_type3A_115 = arith.extui %gt3A_114 : i1 to i32
    %cond3A_116 = arith.constant 0 : i32
    %cond3A_117 = arith.constant 0 : i32
    %cond3A_118 = arith.constant 0 : i32
    %cond3A_119 = arith.cmpi ne, %convert_element_type3A_115, %cond3A_118 : i32
    scf.if %cond3A_119 {
      %gt3A_147 = arith.constant 5 : i32
      %gt3A_148 = arith.cmpi sgt, %select_n3A, %gt3A_147 : i32
      %convert_element_type3A_149 = arith.extui %gt3A_148 : i1 to i32
      %cond3A_150 = arith.constant 0 : i32
      %cond3A_151 = arith.cmpi ne, %convert_element_type3A_149, %cond3A_150 : i32
      scf.if %cond3A_151 {
        %add3A_175 = arith.constant 80 : i32
        %add3A_176 = arith.addi %add3A_5, %add3A_175 : i32
        %dma_start3A_177 = arith.constant 1 : i32
        %dma_start3A_178 = arith.constant 0 : i32
        %dma_start3A_179 = arith.constant 0 : i32
        %dma_start3A_180 = tpu.memref_slice %arg6[%dma_start3A_177, %dma_start3A_178, %dma_start3A_179] : memref<2x16x128xi32, #tpu.memory_space<vmem>> -> memref<1x16x128xi32, #tpu.memory_space<vmem>>
        %dma_start3A_181 = tpu.memref_squeeze %dma_start3A_180 : memref<1x16x128xi32, #tpu.memory_space<vmem>> -> memref<16x128xi32, #tpu.memory_space<vmem>>
        %dma_start3A_182 = arith.constant 0 : i32
        %dma_start3A_183 = tpu.memref_slice %arg3[%add3A_176, %dma_start3A_182] : memref<2560x128xi32, #tpu.memory_space<hbm>> -> memref<16x128xi32, #tpu.memory_space<hbm>>
        %dma_start3A_184 = arith.constant 0 : i32
        %dma_start3A_185 = arith.constant 0 : i32
        %dma_start3A_186 = tpu.memref_slice %arg6[%dma_start3A_177, %dma_start3A_184, %dma_start3A_185] : memref<2x16x128xi32, #tpu.memory_space<vmem>> -> memref<1x16x128xi32, #tpu.memory_space<vmem>>
        %dma_start3A_187 = tpu.memref_squeeze %dma_start3A_186 : memref<1x16x128xi32, #tpu.memory_space<vmem>> -> memref<16x128xi32, #tpu.memory_space<vmem>>
        %dma_start3A_188 = arith.constant 0 : i32
        %dma_start3A_189 = tpu.memref_slice %arg3[%add3A_176, %dma_start3A_188] : memref<2560x128xi32, #tpu.memory_space<hbm>> -> memref<16x128xi32, #tpu.memory_space<hbm>>
        tpu.enqueue_dma source(%dma_start3A_189 : memref<16x128xi32, #tpu.memory_space<hbm>>) target(%dma_start3A_187 : memref<16x128xi32, #tpu.memory_space<vmem>>) target_semaphore(%arg13 : memref<!tpu.dma_semaphore, #tpu.memory_space<semaphore_mem>>)
        %dma_start3A_190 = arith.constant 1 : i32
        %dma_start3A_191 = arith.constant 0 : i32
        %dma_start3A_192 = arith.constant 0 : i32
        %dma_start3A_193 = tpu.memref_slice %arg7[%dma_start3A_190, %dma_start3A_191, %dma_start3A_192] : memref<2x16x128xi32, #tpu.memory_space<vmem>> -> memref<1x16x128xi32, #tpu.memory_space<vmem>>
        %dma_start3A_194 = tpu.memref_squeeze %dma_start3A_193 : memref<1x16x128xi32, #tpu.memory_space<vmem>> -> memref<16x128xi32, #tpu.memory_space<vmem>>
        %dma_start3A_195 = arith.constant 0 : i32
        %dma_start3A_196 = tpu.memref_slice %arg4[%add3A_176, %dma_start3A_195] : memref<2560x128xi32, #tpu.memory_space<hbm>> -> memref<16x128xi32, #tpu.memory_space<hbm>>
        %dma_start3A_197 = arith.constant 0 : i32
        %dma_start3A_198 = arith.constant 0 : i32
        %dma_start3A_199 = tpu.memref_slice %arg7[%dma_start3A_190, %dma_start3A_197, %dma_start3A_198] : memref<2x16x128xi32, #tpu.memory_space<vmem>> -> memref<1x16x128xi32, #tpu.memory_space<vmem>>
        %dma_start3A_200 = tpu.memref_squeeze %dma_start3A_199 : memref<1x16x128xi32, #tpu.memory_space<vmem>> -> memref<16x128xi32, #tpu.memory_space<vmem>>
        %dma_start3A_201 = arith.constant 0 : i32
        %dma_start3A_202 = tpu.memref_slice %arg4[%add3A_176, %dma_start3A_201] : memref<2560x128xi32, #tpu.memory_space<hbm>> -> memref<16x128xi32, #tpu.memory_space<hbm>>
        tpu.enqueue_dma source(%dma_start3A_202 : memref<16x128xi32, #tpu.memory_space<hbm>>) target(%dma_start3A_200 : memref<16x128xi32, #tpu.memory_space<vmem>>) target_semaphore(%arg13 : memref<!tpu.dma_semaphore, #tpu.memory_space<semaphore_mem>>)
      } else {
      }
      %dma_start3A_152 = arith.constant 0 : i32
      %dma_start3A_153 = arith.constant 0 : i32
      %dma_start3A_154 = arith.constant 0 : i32
      %dma_start3A_155 = tpu.memref_slice %arg6[%cond3A_116, %dma_start3A_153, %dma_start3A_154] : memref<2x16x128xi32, #tpu.memory_space<vmem>> -> memref<1x16x128xi32, #tpu.memory_space<vmem>>
      %dma_start3A_156 = tpu.memref_squeeze %dma_start3A_155 : memref<1x16x128xi32, #tpu.memory_space<vmem>> -> memref<16x128xi32, #tpu.memory_space<vmem>>
      %dma_start3A_157 = arith.constant 0 : i32
      %dma_start3A_158 = tpu.memref_slice %dma_start3A_156[%dma_start3A_152, %dma_start3A_157] : memref<16x128xi32, #tpu.memory_space<vmem>> -> memref<1x128xi32, #tpu.memory_space<vmem>>
      %dma_start3A_159 = tpu.memref_squeeze %dma_start3A_158 : memref<1x128xi32, #tpu.memory_space<vmem>> -> memref<128xi32, #tpu.memory_space<vmem>>
      %dma_start3A_160 = arith.constant 0 : i32
      %dma_start3A_161 = arith.constant 0 : i32
      %dma_start3A_162 = tpu.memref_slice %arg2[%dma_start3A_160, %dma_start3A_161] : memref<10000x128xf32, #tpu.memory_space<hbm>> -> memref<10000x128xf32, #tpu.memory_space<hbm>>
      tpu.enqueue_indirect_dma source(%dma_start3A_162 : memref<10000x128xf32, #tpu.memory_space<hbm>>) target(%arg8 : memref<128x128xf32, #tpu.memory_space<vmem>>) offsets(%dma_start3A_159 : memref<128xi32, #tpu.memory_space<vmem>>) semaphore(%arg11 : memref<!tpu.dma_semaphore, #tpu.memory_space<semaphore_mem>>)
      %scan3A_163 = arith.constant 0 : i32
      %scan3A_164 = arith.constant 0 : i32
      %scan3A_165 = arith.constant 8 : i32
      %scan3A_166 = arith.addi %scan3A_164, %scan3A_165 : i32
      %scan3A_167 = arith.constant 1 : i32
      %scan3A_168 = scf.for %scan3A_175 = %scan3A_164 to %scan3A_166 step %scan3A_167 iter_args(%scan3A_176 = %scan3A_163) -> (i32)  : i32 {
        %mul3A_177 = arith.constant 2 : i32
        %mul3A_178 = arith.muli %mul3A_177, %scan3A_175 : i32
        %add3A_179 = arith.constant 1 : i32
        %add3A_180 = arith.addi %mul3A_178, %add3A_179 : i32
        %dma_start3A_181 = arith.constant 0 : i32
        %dma_start3A_182 = arith.constant 0 : i32
        %dma_start3A_183 = tpu.memref_slice %arg6[%cond3A_116, %dma_start3A_181, %dma_start3A_182] : memref<2x16x128xi32, #tpu.memory_space<vmem>> -> memref<1x16x128xi32, #tpu.memory_space<vmem>>
        %dma_start3A_184 = tpu.memref_squeeze %dma_start3A_183 : memref<1x16x128xi32, #tpu.memory_space<vmem>> -> memref<16x128xi32, #tpu.memory_space<vmem>>
        %dma_start3A_185 = arith.constant 0 : i32
        %dma_start3A_186 = tpu.memref_slice %dma_start3A_184[%add3A_180, %dma_start3A_185] : memref<16x128xi32, #tpu.memory_space<vmem>> -> memref<1x128xi32, #tpu.memory_space<vmem>>
        %dma_start3A_187 = tpu.memref_squeeze %dma_start3A_186 : memref<1x128xi32, #tpu.memory_space<vmem>> -> memref<128xi32, #tpu.memory_space<vmem>>
        %dma_start3A_188 = arith.constant 0 : i32
        %dma_start3A_189 = arith.constant 0 : i32
        %dma_start3A_190 = tpu.memref_slice %arg2[%dma_start3A_188, %dma_start3A_189] : memref<10000x128xf32, #tpu.memory_space<hbm>> -> memref<10000x128xf32, #tpu.memory_space<hbm>>
        tpu.enqueue_indirect_dma source(%dma_start3A_190 : memref<10000x128xf32, #tpu.memory_space<hbm>>) target(%arg9 : memref<128x128xf32, #tpu.memory_space<vmem>>) offsets(%dma_start3A_187 : memref<128xi32, #tpu.memory_space<vmem>>) semaphore(%arg12 : memref<!tpu.dma_semaphore, #tpu.memory_space<semaphore_mem>>)
        %dma_wait3A_191 = arith.constant 0 : i32
        %dma_wait3A_192 = arith.constant 0 : i32
        %dma_wait3A_193 = tpu.memref_slice %arg2[%dma_wait3A_191, %dma_wait3A_192] : memref<10000x128xf32, #tpu.memory_space<hbm>> -> memref<128x128xf32, #tpu.memory_space<hbm>>
        %dma_wait3A_194 = arith.constant 0 : i32
        %dma_wait3A_195 = arith.constant 0 : i32
        %dma_wait3A_196 = tpu.memref_slice %arg2[%dma_wait3A_194, %dma_wait3A_195] : memref<10000x128xf32, #tpu.memory_space<hbm>> -> memref<128x128xf32, #tpu.memory_space<hbm>>
        tpu.wait_dma2 semaphore(%arg11 : memref<!tpu.dma_semaphore, #tpu.memory_space<semaphore_mem>>) src(%dma_wait3A_196 : memref<128x128xf32, #tpu.memory_space<hbm>>) dst(%arg8 : memref<128x128xf32, #tpu.memory_space<vmem>>)
        "tpu.region"() ({
          %run_scoped3A = tpu.sem_alloc : memref<!tpu.dma_semaphore, #tpu.memory_space<semaphore_mem>>
          %dma_start3A_213 = arith.constant 0 : i32
          %dma_start3A_214 = arith.constant 0 : i32
          %dma_start3A_215 = tpu.memref_slice %arg7[%cond3A_117, %dma_start3A_213, %dma_start3A_214] : memref<2x16x128xi32, #tpu.memory_space<vmem>> -> memref<1x16x128xi32, #tpu.memory_space<vmem>>
          %dma_start3A_216 = tpu.memref_squeeze %dma_start3A_215 : memref<1x16x128xi32, #tpu.memory_space<vmem>> -> memref<16x128xi32, #tpu.memory_space<vmem>>
          %dma_start3A_217 = arith.constant 0 : i32
          %dma_start3A_218 = tpu.memref_slice %dma_start3A_216[%mul3A_178, %dma_start3A_217] : memref<16x128xi32, #tpu.memory_space<vmem>> -> memref<1x128xi32, #tpu.memory_space<vmem>>
          %dma_start3A_219 = tpu.memref_squeeze %dma_start3A_218 : memref<1x128xi32, #tpu.memory_space<vmem>> -> memref<128xi32, #tpu.memory_space<vmem>>
          %dma_start3A_220 = arith.constant 0 : i32
          %dma_start3A_221 = arith.constant 0 : i32
          %dma_start3A_222 = tpu.memref_slice %arg10[%dma_start3A_220, %dma_start3A_221] : memref<10016x128xf32, #tpu.memory_space<vmem_shared>> -> memref<10016x128xf32, #tpu.memory_space<vmem_shared>>
          tpu.enqueue_indirect_dma source(%arg8 : memref<128x128xf32, #tpu.memory_space<vmem>>) target(%dma_start3A_222 : memref<10016x128xf32, #tpu.memory_space<vmem_shared>>) offsets(%dma_start3A_219 : memref<128xi32, #tpu.memory_space<vmem>>) semaphore(%run_scoped3A : memref<!tpu.dma_semaphore, #tpu.memory_space<semaphore_mem>>) {add = true}
          %dma_wait3A_223 = arith.constant 0 : i32
          %dma_wait3A_224 = arith.constant 0 : i32
          %dma_wait3A_225 = tpu.memref_slice %arg7[%cond3A_117, %dma_wait3A_223, %dma_wait3A_224] : memref<2x16x128xi32, #tpu.memory_space<vmem>> -> memref<1x16x128xi32, #tpu.memory_space<vmem>>
          %dma_wait3A_226 = tpu.memref_squeeze %dma_wait3A_225 : memref<1x16x128xi32, #tpu.memory_space<vmem>> -> memref<16x128xi32, #tpu.memory_space<vmem>>
          %dma_wait3A_227 = arith.constant 0 : i32
          %dma_wait3A_228 = tpu.memref_slice %dma_wait3A_226[%mul3A_178, %dma_wait3A_227] : memref<16x128xi32, #tpu.memory_space<vmem>> -> memref<1x128xi32, #tpu.memory_space<vmem>>
          %dma_wait3A_229 = tpu.memref_squeeze %dma_wait3A_228 : memref<1x128xi32, #tpu.memory_space<vmem>> -> memref<128xi32, #tpu.memory_space<vmem>>
          %dma_wait3A_230 = arith.constant 0 : i32
          %dma_wait3A_231 = arith.constant 0 : i32
          %dma_wait3A_232 = tpu.memref_slice %arg10[%dma_wait3A_230, %dma_wait3A_231] : memref<10016x128xf32, #tpu.memory_space<vmem_shared>> -> memref<10016x128xf32, #tpu.memory_space<vmem_shared>>
          tpu.wait_indirect_dma semaphore(%run_scoped3A : memref<!tpu.dma_semaphore, #tpu.memory_space<semaphore_mem>>) src(%arg8 : memref<128x128xf32, #tpu.memory_space<vmem>>) dst(%dma_wait3A_232 : memref<10016x128xf32, #tpu.memory_space<vmem_shared>>)
          tpu.yield
        }) : () -> ()
        %add3A_197 = arith.constant 2 : i32
        %add3A_198 = arith.addi %mul3A_178, %add3A_197 : i32
        %lt3A_199 = arith.constant 16 : i32
        %lt3A_200 = arith.cmpi slt, %add3A_198, %lt3A_199 : i32
        %convert_element_type3A_201 = arith.extui %lt3A_200 : i1 to i32
        %cond3A_202 = arith.constant 0 : i32
        %cond3A_203 = arith.cmpi ne, %convert_element_type3A_201, %cond3A_202 : i32
        scf.if %cond3A_203 {
          %add3A_213 = arith.constant 2 : i32
          %add3A_214 = arith.addi %mul3A_178, %add3A_213 : i32
          %dma_start3A_215 = arith.constant 0 : i32
          %dma_start3A_216 = arith.constant 0 : i32
          %dma_start3A_217 = tpu.memref_slice %arg6[%cond3A_116, %dma_start3A_215, %dma_start3A_216] : memref<2x16x128xi32, #tpu.memory_space<vmem>> -> memref<1x16x128xi32, #tpu.memory_space<vmem>>
          %dma_start3A_218 = tpu.memref_squeeze %dma_start3A_217 : memref<1x16x128xi32, #tpu.memory_space<vmem>> -> memref<16x128xi32, #tpu.memory_space<vmem>>
          %dma_start3A_219 = arith.constant 0 : i32
          %dma_start3A_220 = tpu.memref_slice %dma_start3A_218[%add3A_214, %dma_start3A_219] : memref<16x128xi32, #tpu.memory_space<vmem>> -> memref<1x128xi32, #tpu.memory_space<vmem>>
          %dma_start3A_221 = tpu.memref_squeeze %dma_start3A_220 : memref<1x128xi32, #tpu.memory_space<vmem>> -> memref<128xi32, #tpu.memory_space<vmem>>
          %dma_start3A_222 = arith.constant 0 : i32
          %dma_start3A_223 = arith.constant 0 : i32
          %dma_start3A_224 = tpu.memref_slice %arg2[%dma_start3A_222, %dma_start3A_223] : memref<10000x128xf32, #tpu.memory_space<hbm>> -> memref<10000x128xf32, #tpu.memory_space<hbm>>
          tpu.enqueue_indirect_dma source(%dma_start3A_224 : memref<10000x128xf32, #tpu.memory_space<hbm>>) target(%arg8 : memref<128x128xf32, #tpu.memory_space<vmem>>) offsets(%dma_start3A_221 : memref<128xi32, #tpu.memory_space<vmem>>) semaphore(%arg11 : memref<!tpu.dma_semaphore, #tpu.memory_space<semaphore_mem>>)
        } else {
        }
        %dma_wait3A_204 = arith.constant 0 : i32
        %dma_wait3A_205 = arith.constant 0 : i32
        %dma_wait3A_206 = tpu.memref_slice %arg2[%dma_wait3A_204, %dma_wait3A_205] : memref<10000x128xf32, #tpu.memory_space<hbm>> -> memref<128x128xf32, #tpu.memory_space<hbm>>
        %dma_wait3A_207 = arith.constant 0 : i32
        %dma_wait3A_208 = arith.constant 0 : i32
        %dma_wait3A_209 = tpu.memref_slice %arg2[%dma_wait3A_207, %dma_wait3A_208] : memref<10000x128xf32, #tpu.memory_space<hbm>> -> memref<128x128xf32, #tpu.memory_space<hbm>>
        tpu.wait_dma2 semaphore(%arg12 : memref<!tpu.dma_semaphore, #tpu.memory_space<semaphore_mem>>) src(%dma_wait3A_209 : memref<128x128xf32, #tpu.memory_space<hbm>>) dst(%arg9 : memref<128x128xf32, #tpu.memory_space<vmem>>)
        %add3A_210 = arith.constant 1 : i32
        %add3A_211 = arith.addi %mul3A_178, %add3A_210 : i32
        "tpu.region"() ({
          %run_scoped3A = tpu.sem_alloc : memref<!tpu.dma_semaphore, #tpu.memory_space<semaphore_mem>>
          %dma_start3A_213 = arith.constant 0 : i32
          %dma_start3A_214 = arith.constant 0 : i32
          %dma_start3A_215 = tpu.memref_slice %arg7[%cond3A_117, %dma_start3A_213, %dma_start3A_214] : memref<2x16x128xi32, #tpu.memory_space<vmem>> -> memref<1x16x128xi32, #tpu.memory_space<vmem>>
          %dma_start3A_216 = tpu.memref_squeeze %dma_start3A_215 : memref<1x16x128xi32, #tpu.memory_space<vmem>> -> memref<16x128xi32, #tpu.memory_space<vmem>>
          %dma_start3A_217 = arith.constant 0 : i32
          %dma_start3A_218 = tpu.memref_slice %dma_start3A_216[%add3A_211, %dma_start3A_217] : memref<16x128xi32, #tpu.memory_space<vmem>> -> memref<1x128xi32, #tpu.memory_space<vmem>>
          %dma_start3A_219 = tpu.memref_squeeze %dma_start3A_218 : memref<1x128xi32, #tpu.memory_space<vmem>> -> memref<128xi32, #tpu.memory_space<vmem>>
          %dma_start3A_220 = arith.constant 0 : i32
          %dma_start3A_221 = arith.constant 0 : i32
          %dma_start3A_222 = tpu.memref_slice %arg10[%dma_start3A_220, %dma_start3A_221] : memref<10016x128xf32, #tpu.memory_space<vmem_shared>> -> memref<10016x128xf32, #tpu.memory_space<vmem_shared>>
          tpu.enqueue_indirect_dma source(%arg9 : memref<128x128xf32, #tpu.memory_space<vmem>>) target(%dma_start3A_222 : memref<10016x128xf32, #tpu.memory_space<vmem_shared>>) offsets(%dma_start3A_219 : memref<128xi32, #tpu.memory_space<vmem>>) semaphore(%run_scoped3A : memref<!tpu.dma_semaphore, #tpu.memory_space<semaphore_mem>>) {add = true}
          %dma_wait3A_223 = arith.constant 0 : i32
          %dma_wait3A_224 = arith.constant 0 : i32
          %dma_wait3A_225 = tpu.memref_slice %arg7[%cond3A_117, %dma_wait3A_223, %dma_wait3A_224] : memref<2x16x128xi32, #tpu.memory_space<vmem>> -> memref<1x16x128xi32, #tpu.memory_space<vmem>>
          %dma_wait3A_226 = tpu.memref_squeeze %dma_wait3A_225 : memref<1x16x128xi32, #tpu.memory_space<vmem>> -> memref<16x128xi32, #tpu.memory_space<vmem>>
          %dma_wait3A_227 = arith.constant 0 : i32
          %dma_wait3A_228 = tpu.memref_slice %dma_wait3A_226[%add3A_211, %dma_wait3A_227] : memref<16x128xi32, #tpu.memory_space<vmem>> -> memref<1x128xi32, #tpu.memory_space<vmem>>
          %dma_wait3A_229 = tpu.memref_squeeze %dma_wait3A_228 : memref<1x128xi32, #tpu.memory_space<vmem>> -> memref<128xi32, #tpu.memory_space<vmem>>
          %dma_wait3A_230 = arith.constant 0 : i32
          %dma_wait3A_231 = arith.constant 0 : i32
          %dma_wait3A_232 = tpu.memref_slice %arg10[%dma_wait3A_230, %dma_wait3A_231] : memref<10016x128xf32, #tpu.memory_space<vmem_shared>> -> memref<10016x128xf32, #tpu.memory_space<vmem_shared>>
          tpu.wait_indirect_dma semaphore(%run_scoped3A : memref<!tpu.dma_semaphore, #tpu.memory_space<semaphore_mem>>) src(%arg9 : memref<128x128xf32, #tpu.memory_space<vmem>>) dst(%dma_wait3A_232 : memref<10016x128xf32, #tpu.memory_space<vmem_shared>>)
          tpu.yield
        }) : () -> ()
        %scan3A_212 = arith.constant 0 : i32
        scf.yield %scan3A_212 : i32
      }
      %scan3A_169 = arith.constant 8 : i32
      %gt3A_170 = arith.constant 5 : i32
      %gt3A_171 = arith.cmpi sgt, %select_n3A, %gt3A_170 : i32
      %convert_element_type3A_172 = arith.extui %gt3A_171 : i1 to i32
      %cond3A_173 = arith.constant 0 : i32
      %cond3A_174 = arith.cmpi ne, %convert_element_type3A_172, %cond3A_173 : i32
      scf.if %cond3A_174 {
        %dma_wait3A_175 = arith.constant 1 : i32
        %dma_wait3A_176 = arith.constant 0 : i32
        %dma_wait3A_177 = arith.constant 0 : i32
        %dma_wait3A_178 = tpu.memref_slice %arg6[%dma_wait3A_175, %dma_wait3A_176, %dma_wait3A_177] : memref<2x16x128xi32, #tpu.memory_space<vmem>> -> memref<1x16x128xi32, #tpu.memory_space<vmem>>
        %dma_wait3A_179 = tpu.memref_squeeze %dma_wait3A_178 : memref<1x16x128xi32, #tpu.memory_space<vmem>> -> memref<16x128xi32, #tpu.memory_space<vmem>>
        %dma_wait3A_180 = arith.constant 0 : i32
        %dma_wait3A_181 = arith.constant 0 : i32
        %dma_wait3A_182 = tpu.memref_slice %arg3[%dma_wait3A_180, %dma_wait3A_181] : memref<2560x128xi32, #tpu.memory_space<hbm>> -> memref<16x128xi32, #tpu.memory_space<hbm>>
        %dma_wait3A_183 = arith.constant 0 : i32
        %dma_wait3A_184 = arith.constant 0 : i32
        %dma_wait3A_185 = tpu.memref_slice %arg6[%dma_wait3A_175, %dma_wait3A_183, %dma_wait3A_184] : memref<2x16x128xi32, #tpu.memory_space<vmem>> -> memref<1x16x128xi32, #tpu.memory_space<vmem>>
        %dma_wait3A_186 = tpu.memref_squeeze %dma_wait3A_185 : memref<1x16x128xi32, #tpu.memory_space<vmem>> -> memref<16x128xi32, #tpu.memory_space<vmem>>
        %dma_wait3A_187 = arith.constant 0 : i32
        %dma_wait3A_188 = arith.constant 0 : i32
        %dma_wait3A_189 = tpu.memref_slice %arg3[%dma_wait3A_187, %dma_wait3A_188] : memref<2560x128xi32, #tpu.memory_space<hbm>> -> memref<16x128xi32, #tpu.memory_space<hbm>>
        tpu.wait_dma2 semaphore(%arg13 : memref<!tpu.dma_semaphore, #tpu.memory_space<semaphore_mem>>) src(%dma_wait3A_189 : memref<16x128xi32, #tpu.memory_space<hbm>>) dst(%dma_wait3A_186 : memref<16x128xi32, #tpu.memory_space<vmem>>)
        %dma_wait3A_190 = arith.constant 1 : i32
        %dma_wait3A_191 = arith.constant 0 : i32
        %dma_wait3A_192 = arith.constant 0 : i32
        %dma_wait3A_193 = tpu.memref_slice %arg7[%dma_wait3A_190, %dma_wait3A_191, %dma_wait3A_192] : memref<2x16x128xi32, #tpu.memory_space<vmem>> -> memref<1x16x128xi32, #tpu.memory_space<vmem>>
        %dma_wait3A_194 = tpu.memref_squeeze %dma_wait3A_193 : memref<1x16x128xi32, #tpu.memory_space<vmem>> -> memref<16x128xi32, #tpu.memory_space<vmem>>
        %dma_wait3A_195 = arith.constant 0 : i32
        %dma_wait3A_196 = arith.constant 0 : i32
        %dma_wait3A_197 = tpu.memref_slice %arg4[%dma_wait3A_195, %dma_wait3A_196] : memref<2560x128xi32, #tpu.memory_space<hbm>> -> memref<16x128xi32, #tpu.memory_space<hbm>>
        %dma_wait3A_198 = arith.constant 0 : i32
        %dma_wait3A_199 = arith.constant 0 : i32
        %dma_wait3A_200 = tpu.memref_slice %arg7[%dma_wait3A_190, %dma_wait3A_198, %dma_wait3A_199] : memref<2x16x128xi32, #tpu.memory_space<vmem>> -> memref<1x16x128xi32, #tpu.memory_space<vmem>>
        %dma_wait3A_201 = tpu.memref_squeeze %dma_wait3A_200 : memref<1x16x128xi32, #tpu.memory_space<vmem>> -> memref<16x128xi32, #tpu.memory_space<vmem>>
        %dma_wait3A_202 = arith.constant 0 : i32
        %dma_wait3A_203 = arith.constant 0 : i32
        %dma_wait3A_204 = tpu.memref_slice %arg4[%dma_wait3A_202, %dma_wait3A_203] : memref<2560x128xi32, #tpu.memory_space<hbm>> -> memref<16x128xi32, #tpu.memory_space<hbm>>
        tpu.wait_dma2 semaphore(%arg13 : memref<!tpu.dma_semaphore, #tpu.memory_space<semaphore_mem>>) src(%dma_wait3A_204 : memref<16x128xi32, #tpu.memory_space<hbm>>) dst(%dma_wait3A_201 : memref<16x128xi32, #tpu.memory_space<vmem>>)
      } else {
      }
    } else {
    }
    %barrier3A_120 = arith.constant 0 : index
    tpu.barrier barrier_id(%barrier3A_120)
    %add3A_121 = arith.constant 0 : i32
    %add3A_122 = arith.addi %mul3A_39, %add3A_121 : i32
    %add3A_123 = arith.constant 0 : i32
    %add3A_124 = arith.addi %mul3A_39, %add3A_123 : i32
    "tpu.region"() ({
      %run_scoped3A = tpu.sem_alloc : memref<!tpu.dma_semaphore, #tpu.memory_space<semaphore_mem>>
      %dma_start3A_147 = arith.constant 0 : i32
      %dma_start3A_148 = tpu.memref_slice %arg5[%arg0, %add3A_124, %dma_start3A_147] : memref<2x10000x128xf32, #tpu.memory_space<hbm>> -> memref<1x128x128xf32, #tpu.memory_space<hbm>>
      %dma_start3A_149 = tpu.memref_squeeze %dma_start3A_148 : memref<1x128x128xf32, #tpu.memory_space<hbm>> -> memref<128x128xf32, #tpu.memory_space<hbm>>
      %dma_start3A_150 = arith.constant 0 : i32
      %dma_start3A_151 = tpu.memref_slice %arg10[%add3A_122, %dma_start3A_150] : memref<10016x128xf32, #tpu.memory_space<vmem_shared>> -> memref<128x128xf32, #tpu.memory_space<vmem_shared>>
      tpu.enqueue_dma source(%dma_start3A_151 : memref<128x128xf32, #tpu.memory_space<vmem_shared>>) target(%dma_start3A_149 : memref<128x128xf32, #tpu.memory_space<hbm>>) target_semaphore(%run_scoped3A : memref<!tpu.dma_semaphore, #tpu.memory_space<semaphore_mem>>)
      %dma_wait3A_152 = arith.constant 0 : i32
      %dma_wait3A_153 = tpu.memref_slice %arg5[%arg0, %add3A_124, %dma_wait3A_152] : memref<2x10000x128xf32, #tpu.memory_space<hbm>> -> memref<1x128x128xf32, #tpu.memory_space<hbm>>
      %dma_wait3A_154 = tpu.memref_squeeze %dma_wait3A_153 : memref<1x128x128xf32, #tpu.memory_space<hbm>> -> memref<128x128xf32, #tpu.memory_space<hbm>>
      %dma_wait3A_155 = arith.constant 0 : i32
      %dma_wait3A_156 = tpu.memref_slice %arg10[%add3A_122, %dma_wait3A_155] : memref<10016x128xf32, #tpu.memory_space<vmem_shared>> -> memref<128x128xf32, #tpu.memory_space<vmem_shared>>
      tpu.wait_dma2 semaphore(%run_scoped3A : memref<!tpu.dma_semaphore, #tpu.memory_space<semaphore_mem>>) src(%dma_wait3A_156 : memref<128x128xf32, #tpu.memory_space<vmem_shared>>) dst(%dma_wait3A_154 : memref<128x128xf32, #tpu.memory_space<hbm>>)
      tpu.yield
    }) : () -> ()
    %add3A_125 = arith.constant 128 : i32
    %add3A_126 = arith.addi %mul3A_39, %add3A_125 : i32
    %add3A_127 = arith.constant 128 : i32
    %add3A_128 = arith.addi %mul3A_39, %add3A_127 : i32
    "tpu.region"() ({
      %run_scoped3A = tpu.sem_alloc : memref<!tpu.dma_semaphore, #tpu.memory_space<semaphore_mem>>
      %dma_start3A_147 = arith.constant 0 : i32
      %dma_start3A_148 = tpu.memref_slice %arg5[%arg0, %add3A_128, %dma_start3A_147] : memref<2x10000x128xf32, #tpu.memory_space<hbm>> -> memref<1x128x128xf32, #tpu.memory_space<hbm>>
      %dma_start3A_149 = tpu.memref_squeeze %dma_start3A_148 : memref<1x128x128xf32, #tpu.memory_space<hbm>> -> memref<128x128xf32, #tpu.memory_space<hbm>>
      %dma_start3A_150 = arith.constant 0 : i32
      %dma_start3A_151 = tpu.memref_slice %arg10[%add3A_126, %dma_start3A_150] : memref<10016x128xf32, #tpu.memory_space<vmem_shared>> -> memref<128x128xf32, #tpu.memory_space<vmem_shared>>
      tpu.enqueue_dma source(%dma_start3A_151 : memref<128x128xf32, #tpu.memory_space<vmem_shared>>) target(%dma_start3A_149 : memref<128x128xf32, #tpu.memory_space<hbm>>) target_semaphore(%run_scoped3A : memref<!tpu.dma_semaphore, #tpu.memory_space<semaphore_mem>>)
      %dma_wait3A_152 = arith.constant 0 : i32
      %dma_wait3A_153 = tpu.memref_slice %arg5[%arg0, %add3A_128, %dma_wait3A_152] : memref<2x10000x128xf32, #tpu.memory_space<hbm>> -> memref<1x128x128xf32, #tpu.memory_space<hbm>>
      %dma_wait3A_154 = tpu.memref_squeeze %dma_wait3A_153 : memref<1x128x128xf32, #tpu.memory_space<hbm>> -> memref<128x128xf32, #tpu.memory_space<hbm>>
      %dma_wait3A_155 = arith.constant 0 : i32
      %dma_wait3A_156 = tpu.memref_slice %arg10[%add3A_126, %dma_wait3A_155] : memref<10016x128xf32, #tpu.memory_space<vmem_shared>> -> memref<128x128xf32, #tpu.memory_space<vmem_shared>>
      tpu.wait_dma2 semaphore(%run_scoped3A : memref<!tpu.dma_semaphore, #tpu.memory_space<semaphore_mem>>) src(%dma_wait3A_156 : memref<128x128xf32, #tpu.memory_space<vmem_shared>>) dst(%dma_wait3A_154 : memref<128x128xf32, #tpu.memory_space<hbm>>)
      tpu.yield
    }) : () -> ()
    %add3A_129 = arith.constant 256 : i32
    %add3A_130 = arith.addi %mul3A_39, %add3A_129 : i32
    %add3A_131 = arith.constant 256 : i32
    %add3A_132 = arith.addi %mul3A_39, %add3A_131 : i32
    "tpu.region"() ({
      %run_scoped3A = tpu.sem_alloc : memref<!tpu.dma_semaphore, #tpu.memory_space<semaphore_mem>>
      %dma_start3A_147 = arith.constant 0 : i32
      %dma_start3A_148 = tpu.memref_slice %arg5[%arg0, %add3A_132, %dma_start3A_147] : memref<2x10000x128xf32, #tpu.memory_space<hbm>> -> memref<1x128x128xf32, #tpu.memory_space<hbm>>
      %dma_start3A_149 = tpu.memref_squeeze %dma_start3A_148 : memref<1x128x128xf32, #tpu.memory_space<hbm>> -> memref<128x128xf32, #tpu.memory_space<hbm>>
      %dma_start3A_150 = arith.constant 0 : i32
      %dma_start3A_151 = tpu.memref_slice %arg10[%add3A_130, %dma_start3A_150] : memref<10016x128xf32, #tpu.memory_space<vmem_shared>> -> memref<128x128xf32, #tpu.memory_space<vmem_shared>>
      tpu.enqueue_dma source(%dma_start3A_151 : memref<128x128xf32, #tpu.memory_space<vmem_shared>>) target(%dma_start3A_149 : memref<128x128xf32, #tpu.memory_space<hbm>>) target_semaphore(%run_scoped3A : memref<!tpu.dma_semaphore, #tpu.memory_space<semaphore_mem>>)
      %dma_wait3A_152 = arith.constant 0 : i32
      %dma_wait3A_153 = tpu.memref_slice %arg5[%arg0, %add3A_132, %dma_wait3A_152] : memref<2x10000x128xf32, #tpu.memory_space<hbm>> -> memref<1x128x128xf32, #tpu.memory_space<hbm>>
      %dma_wait3A_154 = tpu.memref_squeeze %dma_wait3A_153 : memref<1x128x128xf32, #tpu.memory_space<hbm>> -> memref<128x128xf32, #tpu.memory_space<hbm>>
      %dma_wait3A_155 = arith.constant 0 : i32
      %dma_wait3A_156 = tpu.memref_slice %arg10[%add3A_130, %dma_wait3A_155] : memref<10016x128xf32, #tpu.memory_space<vmem_shared>> -> memref<128x128xf32, #tpu.memory_space<vmem_shared>>
      tpu.wait_dma2 semaphore(%run_scoped3A : memref<!tpu.dma_semaphore, #tpu.memory_space<semaphore_mem>>) src(%dma_wait3A_156 : memref<128x128xf32, #tpu.memory_space<vmem_shared>>) dst(%dma_wait3A_154 : memref<128x128xf32, #tpu.memory_space<hbm>>)
      tpu.yield
    }) : () -> ()
    %add3A_133 = arith.constant 384 : i32
    %add3A_134 = arith.addi %mul3A_39, %add3A_133 : i32
    %add3A_135 = arith.constant 384 : i32
    %add3A_136 = arith.addi %mul3A_39, %add3A_135 : i32
    "tpu.region"() ({
      %run_scoped3A = tpu.sem_alloc : memref<!tpu.dma_semaphore, #tpu.memory_space<semaphore_mem>>
      %dma_start3A_147 = arith.constant 0 : i32
      %dma_start3A_148 = tpu.memref_slice %arg5[%arg0, %add3A_136, %dma_start3A_147] : memref<2x10000x128xf32, #tpu.memory_space<hbm>> -> memref<1x128x128xf32, #tpu.memory_space<hbm>>
      %dma_start3A_149 = tpu.memref_squeeze %dma_start3A_148 : memref<1x128x128xf32, #tpu.memory_space<hbm>> -> memref<128x128xf32, #tpu.memory_space<hbm>>
      %dma_start3A_150 = arith.constant 0 : i32
      %dma_start3A_151 = tpu.memref_slice %arg10[%add3A_134, %dma_start3A_150] : memref<10016x128xf32, #tpu.memory_space<vmem_shared>> -> memref<128x128xf32, #tpu.memory_space<vmem_shared>>
      tpu.enqueue_dma source(%dma_start3A_151 : memref<128x128xf32, #tpu.memory_space<vmem_shared>>) target(%dma_start3A_149 : memref<128x128xf32, #tpu.memory_space<hbm>>) target_semaphore(%run_scoped3A : memref<!tpu.dma_semaphore, #tpu.memory_space<semaphore_mem>>)
      %dma_wait3A_152 = arith.constant 0 : i32
      %dma_wait3A_153 = tpu.memref_slice %arg5[%arg0, %add3A_136, %dma_wait3A_152] : memref<2x10000x128xf32, #tpu.memory_space<hbm>> -> memref<1x128x128xf32, #tpu.memory_space<hbm>>
      %dma_wait3A_154 = tpu.memref_squeeze %dma_wait3A_153 : memref<1x128x128xf32, #tpu.memory_space<hbm>> -> memref<128x128xf32, #tpu.memory_space<hbm>>
      %dma_wait3A_155 = arith.constant 0 : i32
      %dma_wait3A_156 = tpu.memref_slice %arg10[%add3A_134, %dma_wait3A_155] : memref<10016x128xf32, #tpu.memory_space<vmem_shared>> -> memref<128x128xf32, #tpu.memory_space<vmem_shared>>
      tpu.wait_dma2 semaphore(%run_scoped3A : memref<!tpu.dma_semaphore, #tpu.memory_space<semaphore_mem>>) src(%dma_wait3A_156 : memref<128x128xf32, #tpu.memory_space<vmem_shared>>) dst(%dma_wait3A_154 : memref<128x128xf32, #tpu.memory_space<hbm>>)
      tpu.yield
    }) : () -> ()
    %lt3A_137 = arith.constant 15 : i32
    %lt3A_138 = arith.cmpi slt, %arg1, %lt3A_137 : i32
    %convert_element_type3A_139 = arith.extui %lt3A_138 : i1 to i32
    %cond3A_140 = arith.constant 0 : i32
    %cond3A_141 = arith.cmpi ne, %convert_element_type3A_139, %cond3A_140 : i32
    scf.if %cond3A_141 {
      %add3A_147 = arith.constant 512 : i32
      %add3A_148 = arith.addi %mul3A_39, %add3A_147 : i32
      %add3A_149 = arith.constant 512 : i32
      %add3A_150 = arith.addi %mul3A_39, %add3A_149 : i32
      "tpu.region"() ({
        %run_scoped3A = tpu.sem_alloc : memref<!tpu.dma_semaphore, #tpu.memory_space<semaphore_mem>>
        %dma_start3A_151 = arith.constant 0 : i32
        %dma_start3A_152 = tpu.memref_slice %arg5[%arg0, %add3A_150, %dma_start3A_151] : memref<2x10000x128xf32, #tpu.memory_space<hbm>> -> memref<1x120x128xf32, #tpu.memory_space<hbm>>
        %dma_start3A_153 = tpu.memref_squeeze %dma_start3A_152 : memref<1x120x128xf32, #tpu.memory_space<hbm>> -> memref<120x128xf32, #tpu.memory_space<hbm>>
        %dma_start3A_154 = arith.constant 0 : i32
        %dma_start3A_155 = tpu.memref_slice %arg10[%add3A_148, %dma_start3A_154] : memref<10016x128xf32, #tpu.memory_space<vmem_shared>> -> memref<120x128xf32, #tpu.memory_space<vmem_shared>>
        tpu.enqueue_dma source(%dma_start3A_155 : memref<120x128xf32, #tpu.memory_space<vmem_shared>>) target(%dma_start3A_153 : memref<120x128xf32, #tpu.memory_space<hbm>>) target_semaphore(%run_scoped3A : memref<!tpu.dma_semaphore, #tpu.memory_space<semaphore_mem>>)
        %dma_wait3A_156 = arith.constant 0 : i32
        %dma_wait3A_157 = tpu.memref_slice %arg5[%arg0, %add3A_150, %dma_wait3A_156] : memref<2x10000x128xf32, #tpu.memory_space<hbm>> -> memref<1x120x128xf32, #tpu.memory_space<hbm>>
        %dma_wait3A_158 = tpu.memref_squeeze %dma_wait3A_157 : memref<1x120x128xf32, #tpu.memory_space<hbm>> -> memref<120x128xf32, #tpu.memory_space<hbm>>
        %dma_wait3A_159 = arith.constant 0 : i32
        %dma_wait3A_160 = tpu.memref_slice %arg10[%add3A_148, %dma_wait3A_159] : memref<10016x128xf32, #tpu.memory_space<vmem_shared>> -> memref<120x128xf32, #tpu.memory_space<vmem_shared>>
        tpu.wait_dma2 semaphore(%run_scoped3A : memref<!tpu.dma_semaphore, #tpu.memory_space<semaphore_mem>>) src(%dma_wait3A_160 : memref<120x128xf32, #tpu.memory_space<vmem_shared>>) dst(%dma_wait3A_158 : memref<120x128xf32, #tpu.memory_space<hbm>>)
        tpu.yield
      }) : () -> ()
    } else {
    }
    %eq3A_142 = arith.constant 15 : i32
    %eq3A_143 = arith.cmpi eq, %arg1, %eq3A_142 : i32
    %convert_element_type3A_144 = arith.extui %eq3A_143 : i1 to i32
    %cond3A_145 = arith.constant 0 : i32
    %cond3A_146 = arith.cmpi ne, %convert_element_type3A_144, %cond3A_145 : i32
    scf.if %cond3A_146 {
      %add3A_147 = arith.constant 512 : i32
      %add3A_148 = arith.addi %mul3A_39, %add3A_147 : i32
      %add3A_149 = arith.constant 512 : i32
      %add3A_150 = arith.addi %mul3A_39, %add3A_149 : i32
      "tpu.region"() ({
        %run_scoped3A = tpu.sem_alloc : memref<!tpu.dma_semaphore, #tpu.memory_space<semaphore_mem>>
        %dma_start3A_151 = arith.constant 0 : i32
        %dma_start3A_152 = tpu.memref_slice %arg5[%arg0, %add3A_150, %dma_start3A_151] : memref<2x10000x128xf32, #tpu.memory_space<hbm>> -> memref<1x8x128xf32, #tpu.memory_space<hbm>>
        %dma_start3A_153 = tpu.memref_squeeze %dma_start3A_152 : memref<1x8x128xf32, #tpu.memory_space<hbm>> -> memref<8x128xf32, #tpu.memory_space<hbm>>
        %dma_start3A_154 = arith.constant 0 : i32
        %dma_start3A_155 = tpu.memref_slice %arg10[%add3A_148, %dma_start3A_154] : memref<10016x128xf32, #tpu.memory_space<vmem_shared>> -> memref<8x128xf32, #tpu.memory_space<vmem_shared>>
        tpu.enqueue_dma source(%dma_start3A_155 : memref<8x128xf32, #tpu.memory_space<vmem_shared>>) target(%dma_start3A_153 : memref<8x128xf32, #tpu.memory_space<hbm>>) target_semaphore(%run_scoped3A : memref<!tpu.dma_semaphore, #tpu.memory_space<semaphore_mem>>)
        %dma_wait3A_156 = arith.constant 0 : i32
        %dma_wait3A_157 = tpu.memref_slice %arg5[%arg0, %add3A_150, %dma_wait3A_156] : memref<2x10000x128xf32, #tpu.memory_space<hbm>> -> memref<1x8x128xf32, #tpu.memory_space<hbm>>
        %dma_wait3A_158 = tpu.memref_squeeze %dma_wait3A_157 : memref<1x8x128xf32, #tpu.memory_space<hbm>> -> memref<8x128xf32, #tpu.memory_space<hbm>>
        %dma_wait3A_159 = arith.constant 0 : i32
        %dma_wait3A_160 = tpu.memref_slice %arg10[%add3A_148, %dma_wait3A_159] : memref<10016x128xf32, #tpu.memory_space<vmem_shared>> -> memref<8x128xf32, #tpu.memory_space<vmem_shared>>
        tpu.wait_dma2 semaphore(%run_scoped3A : memref<!tpu.dma_semaphore, #tpu.memory_space<semaphore_mem>>) src(%dma_wait3A_160 : memref<8x128xf32, #tpu.memory_space<vmem_shared>>) dst(%dma_wait3A_158 : memref<8x128xf32, #tpu.memory_space<hbm>>)
        tpu.yield
      }) : () -> ()
    } else {
    }
    return
  }
}

module attributes {stable_mosaic.version = 14 : i64} {
  func.func @_mm_body(%arg0: i32, %arg1: memref<1000x128xf32, #tpu.memory_space<vmem>>, %arg2: memref<128x128xf32, #tpu.memory_space<vmem>>, %arg3: memref<1000x128xf32, #tpu.memory_space<vmem>>) attributes {dimension_semantics = [#tpu.dimension_semantics<arbitrary>], iteration_bounds = array<i64: 10>, scalar_prefetch = 0 : i64, scratch_operands = 0 : i64, tpu.core_type = #tpu.core_type<tc>, window_params = [{transform_indices = @transform_0, window_bounds = array<i64: 1000, 128>}, {pipeline_mode = #tpu.pipeline_mode<synchronous>, transform_indices = @transform_1, window_bounds = array<i64: 128, 128>}, {transform_indices = @transform_2, window_bounds = array<i64: 1000, 128>}]} {
    %get3A = arith.constant 0 : index
    %get3A_0 = arith.constant 0 : index
    %get3A_1 = vector.load %arg1[%get3A, %get3A_0] : memref<1000x128xf32, #tpu.memory_space<vmem>>, vector<1000x128xf32>
    %get3A_2 = arith.constant 0 : index
    %get3A_3 = arith.constant 0 : index
    %get3A_4 = vector.load %arg2[%get3A_2, %get3A_3] : memref<128x128xf32, #tpu.memory_space<vmem>>, vector<128x128xf32>
    %dot_general3A = arith.constant dense<0.000000e+00> : vector<1000x128xf32>
    %dot_general3A_5 = tpu.matmul %get3A_1, %get3A_4, %dot_general3A {dimension_numbers = #tpu.dot_dimension_numbers<[1], [0], [0], [1], [0, 0, 1, 1], [], []>, transpose_lhs_hint = false} : vector<1000x128xf32>, vector<128x128xf32>, vector<1000x128xf32> -> vector<1000x128xf32>
    %swap3A = arith.constant 0 : index
    %swap3A_6 = arith.constant 0 : index
    %swap3A_7 = vector.load %arg3[%swap3A, %swap3A_6] : memref<1000x128xf32, #tpu.memory_space<vmem>>, vector<1000x128xf32>
    tpu.vector_store %arg3[%swap3A, %swap3A_6], %dot_general3A_5 {strides = array<i32>} : memref<1000x128xf32, #tpu.memory_space<vmem>>, vector<1000x128xf32>,
    return
  }
  func.func @transform_0(%arg0: i32) -> (i32, i32) {
    %c0_i32 = arith.constant 0 : i32
    %c0_i32_0 = arith.constant 0 : i32
    return %arg0, %c0_i32 : i32, i32
  }
  func.func @transform_1(%arg0: i32) -> (i32, i32) {
    %c0_i32 = arith.constant 0 : i32
    %c0_i32_0 = arith.constant 0 : i32
    %c0_i32_1 = arith.constant 0 : i32
    return %c0_i32, %c0_i32_0 : i32, i32
  }
  func.func @transform_2(%arg0: i32) -> (i32, i32) {
    %c0_i32 = arith.constant 0 : i32
    %c0_i32_0 = arith.constant 0 : i32
    return %arg0, %c0_i32 : i32, i32
  }
}

module attributes {stable_mosaic.version = 14 : i64} {
  func.func @_comb_body(%arg0: i32, %arg1: memref<1x1000x128xf32, #tpu.memory_space<vmem>>, %arg2: memref<1x1000x128xf32, #tpu.memory_space<vmem>>, %arg3: memref<1x128xf32, #tpu.memory_space<vmem>>, %arg4: memref<128x128xf32, #tpu.memory_space<vmem>>, %arg5: memref<1000x128xf32, #tpu.memory_space<vmem>>) attributes {dimension_semantics = [#tpu.dimension_semantics<arbitrary>], iteration_bounds = array<i64: 10>, scalar_prefetch = 0 : i64, scratch_operands = 0 : i64, tpu.core_type = #tpu.core_type<tc>, window_params = [{transform_indices = @transform_0, window_bounds = array<i64: 1, 1000, 128>}, {transform_indices = @transform_1, window_bounds = array<i64: 1, 1000, 128>}, {pipeline_mode = #tpu.pipeline_mode<synchronous>, transform_indices = @transform_2, window_bounds = array<i64: 1, 128>}, {pipeline_mode = #tpu.pipeline_mode<synchronous>, transform_indices = @transform_3, window_bounds = array<i64: 128, 128>}, {transform_indices = @transform_4, window_bounds = array<i64: 1000, 128>}]} {
    %get3A = arith.constant 0 : index
    %get3A_0 = arith.constant 0 : index
    %get3A_1 = arith.constant 0 : index
    %get3A_2 = vector.load %arg1[%get3A, %get3A_0, %get3A_1] : memref<1x1000x128xf32, #tpu.memory_space<vmem>>, vector<1x1000x128xf32>
    %get3A_3 = vector.shape_cast %get3A_2 : vector<1x1000x128xf32> to vector<1000x128xf32>
    %get3A_4 = arith.constant 0 : index
    %get3A_5 = arith.constant 0 : index
    %get3A_6 = arith.constant 0 : index
    %get3A_7 = vector.load %arg2[%get3A_4, %get3A_5, %get3A_6] : memref<1x1000x128xf32, #tpu.memory_space<vmem>>, vector<1x1000x128xf32>
    %get3A_8 = vector.shape_cast %get3A_7 : vector<1x1000x128xf32> to vector<1000x128xf32>
    %add3A = arith.addf %get3A_3, %get3A_8 : vector<1000x128xf32>
    %get3A_9 = arith.constant 0 : index
    %get3A_10 = arith.constant 0 : index
    %get3A_11 = vector.load %arg3[%get3A_9, %get3A_10] : memref<1x128xf32, #tpu.memory_space<vmem>>, vector<1x128xf32>
    %add3A_12 = vector.broadcast %get3A_11 : vector<1x128xf32> to vector<1000x128xf32>
    %add3A_13 = arith.addf %add3A, %add3A_12 : vector<1000x128xf32>
    %max3A = arith.constant 0.000000e+00 : f32
    %max3A_14 = vector.broadcast %max3A : f32 to vector<1000x128xf32>
    %max3A_15 = arith.maximumf %add3A_13, %max3A_14 : vector<1000x128xf32>
    %get3A_16 = arith.constant 0 : index
    %get3A_17 = arith.constant 0 : index
    %get3A_18 = vector.load %arg4[%get3A_16, %get3A_17] : memref<128x128xf32, #tpu.memory_space<vmem>>, vector<128x128xf32>
    %dot_general3A = arith.constant dense<0.000000e+00> : vector<1000x128xf32>
    %dot_general3A_19 = tpu.matmul %max3A_15, %get3A_18, %dot_general3A {dimension_numbers = #tpu.dot_dimension_numbers<[1], [0], [0], [1], [0, 0, 1, 1], [], []>, transpose_lhs_hint = false} : vector<1000x128xf32>, vector<128x128xf32>, vector<1000x128xf32> -> vector<1000x128xf32>
    %swap3A = arith.constant 0 : index
    %swap3A_20 = arith.constant 0 : index
    %swap3A_21 = vector.load %arg5[%swap3A, %swap3A_20] : memref<1000x128xf32, #tpu.memory_space<vmem>>, vector<1000x128xf32>
    tpu.vector_store %arg5[%swap3A, %swap3A_20], %dot_general3A_19 {strides = array<i32>} : memref<1000x128xf32, #tpu.memory_space<vmem>>, vector<1000x128xf32>,
    return
  }
  func.func @transform_0(%arg0: i32) -> (i32, i32, i32) {
    %c0_i32 = arith.constant 0 : i32
    %c0_i32_0 = arith.constant 0 : i32
    %c0_i32_1 = arith.constant 0 : i32
    return %c0_i32, %arg0, %c0_i32_0 : i32, i32, i32
  }
  func.func @transform_1(%arg0: i32) -> (i32, i32, i32) {
    %c1_i32 = arith.constant 1 : i32
    %c0_i32 = arith.constant 0 : i32
    %c0_i32_0 = arith.constant 0 : i32
    return %c1_i32, %arg0, %c0_i32 : i32, i32, i32
  }
  func.func @transform_2(%arg0: i32) -> (i32, i32) {
    %c0_i32 = arith.constant 0 : i32
    %c0_i32_0 = arith.constant 0 : i32
    %c0_i32_1 = arith.constant 0 : i32
    return %c0_i32, %c0_i32_0 : i32, i32
  }
  func.func @transform_3(%arg0: i32) -> (i32, i32) {
    %c0_i32 = arith.constant 0 : i32
    %c0_i32_0 = arith.constant 0 : i32
    %c0_i32_1 = arith.constant 0 : i32
    return %c0_i32, %c0_i32_0 : i32, i32
  }
  func.func @transform_4(%arg0: i32) -> (i32, i32) {
    %c0_i32 = arith.constant 0 : i32
    %c0_i32_0 = arith.constant 0 : i32
    return %arg0, %c0_i32 : i32, i32
  }
}

module attributes {stable_mosaic.version = 14 : i64} {
  func.func @_comb_final_body(%arg0: i32, %arg1: memref<1x1000x128xf32, #tpu.memory_space<vmem>>, %arg2: memref<1x1000x128xf32, #tpu.memory_space<vmem>>, %arg3: memref<1x128xf32, #tpu.memory_space<vmem>>, %arg4: memref<128x128xf32, #tpu.memory_space<vmem>>, %arg5: memref<1x128xf32, #tpu.memory_space<vmem>>, %arg6: memref<1000x128xf32, #tpu.memory_space<vmem>>) attributes {dimension_semantics = [#tpu.dimension_semantics<arbitrary>], iteration_bounds = array<i64: 10>, scalar_prefetch = 0 : i64, scratch_operands = 0 : i64, tpu.core_type = #tpu.core_type<tc>, window_params = [{transform_indices = @transform_0, window_bounds = array<i64: 1, 1000, 128>}, {transform_indices = @transform_1, window_bounds = array<i64: 1, 1000, 128>}, {pipeline_mode = #tpu.pipeline_mode<synchronous>, transform_indices = @transform_2, window_bounds = array<i64: 1, 128>}, {pipeline_mode = #tpu.pipeline_mode<synchronous>, transform_indices = @transform_3, window_bounds = array<i64: 128, 128>}, {pipeline_mode = #tpu.pipeline_mode<synchronous>, transform_indices = @transform_4, window_bounds = array<i64: 1, 128>}, {transform_indices = @transform_5, window_bounds = array<i64: 1000, 128>}]} {
    %get3A = arith.constant 0 : index
    %get3A_0 = arith.constant 0 : index
    %get3A_1 = arith.constant 0 : index
    %get3A_2 = vector.load %arg1[%get3A, %get3A_0, %get3A_1] : memref<1x1000x128xf32, #tpu.memory_space<vmem>>, vector<1x1000x128xf32>
    %get3A_3 = vector.shape_cast %get3A_2 : vector<1x1000x128xf32> to vector<1000x128xf32>
    %get3A_4 = arith.constant 0 : index
    %get3A_5 = arith.constant 0 : index
    %get3A_6 = arith.constant 0 : index
    %get3A_7 = vector.load %arg2[%get3A_4, %get3A_5, %get3A_6] : memref<1x1000x128xf32, #tpu.memory_space<vmem>>, vector<1x1000x128xf32>
    %get3A_8 = vector.shape_cast %get3A_7 : vector<1x1000x128xf32> to vector<1000x128xf32>
    %add3A = arith.addf %get3A_3, %get3A_8 : vector<1000x128xf32>
    %get3A_9 = arith.constant 0 : index
    %get3A_10 = arith.constant 0 : index
    %get3A_11 = vector.load %arg3[%get3A_9, %get3A_10] : memref<1x128xf32, #tpu.memory_space<vmem>>, vector<1x128xf32>
    %add3A_12 = vector.broadcast %get3A_11 : vector<1x128xf32> to vector<1000x128xf32>
    %add3A_13 = arith.addf %add3A, %add3A_12 : vector<1000x128xf32>
    %max3A = arith.constant 0.000000e+00 : f32
    %max3A_14 = vector.broadcast %max3A : f32 to vector<1000x128xf32>
    %max3A_15 = arith.maximumf %add3A_13, %max3A_14 : vector<1000x128xf32>
    %get3A_16 = arith.constant 0 : index
    %get3A_17 = arith.constant 0 : index
    %get3A_18 = vector.load %arg4[%get3A_16, %get3A_17] : memref<128x128xf32, #tpu.memory_space<vmem>>, vector<128x128xf32>
    %dot_general3A = arith.constant dense<0.000000e+00> : vector<1000x128xf32>
    %dot_general3A_19 = tpu.matmul %max3A_15, %get3A_18, %dot_general3A {dimension_numbers = #tpu.dot_dimension_numbers<[1], [0], [0], [1], [0, 0, 1, 1], [], []>, transpose_lhs_hint = false} : vector<1000x128xf32>, vector<128x128xf32>, vector<1000x128xf32> -> vector<1000x128xf32>
    %get3A_20 = arith.constant 0 : index
    %get3A_21 = arith.constant 0 : index
    %get3A_22 = vector.load %arg5[%get3A_20, %get3A_21] : memref<1x128xf32, #tpu.memory_space<vmem>>, vector<1x128xf32>
    %add3A_23 = vector.broadcast %get3A_22 : vector<1x128xf32> to vector<1000x128xf32>
    %add3A_24 = arith.addf %dot_general3A_19, %add3A_23 : vector<1000x128xf32>
    %swap3A = arith.constant 0 : index
    %swap3A_25 = arith.constant 0 : index
    %swap3A_26 = vector.load %arg6[%swap3A, %swap3A_25] : memref<1000x128xf32, #tpu.memory_space<vmem>>, vector<1000x128xf32>
    tpu.vector_store %arg6[%swap3A, %swap3A_25], %add3A_24 {strides = array<i32>} : memref<1000x128xf32, #tpu.memory_space<vmem>>, vector<1000x128xf32>,
    return
  }
  func.func @transform_0(%arg0: i32) -> (i32, i32, i32) {
    %c0_i32 = arith.constant 0 : i32
    %c0_i32_0 = arith.constant 0 : i32
    %c0_i32_1 = arith.constant 0 : i32
    return %c0_i32, %arg0, %c0_i32_0 : i32, i32, i32
  }
  func.func @transform_1(%arg0: i32) -> (i32, i32, i32) {
    %c1_i32 = arith.constant 1 : i32
    %c0_i32 = arith.constant 0 : i32
    %c0_i32_0 = arith.constant 0 : i32
    return %c1_i32, %arg0, %c0_i32 : i32, i32, i32
  }
  func.func @transform_2(%arg0: i32) -> (i32, i32) {
    %c0_i32 = arith.constant 0 : i32
    %c0_i32_0 = arith.constant 0 : i32
    %c0_i32_1 = arith.constant 0 : i32
    return %c0_i32, %c0_i32_0 : i32, i32
  }
  func.func @transform_3(%arg0: i32) -> (i32, i32) {
    %c0_i32 = arith.constant 0 : i32
    %c0_i32_0 = arith.constant 0 : i32
    %c0_i32_1 = arith.constant 0 : i32
    return %c0_i32, %c0_i32_0 : i32, i32
  }
  func.func @transform_4(%arg0: i32) -> (i32, i32) {
    %c0_i32 = arith.constant 0 : i32
    %c0_i32_0 = arith.constant 0 : i32
    %c0_i32_1 = arith.constant 0 : i32
    return %c0_i32, %c0_i32_0 : i32, i32
  }
  func.func @transform_5(%arg0: i32) -> (i32, i32) {
    %c0_i32 = arith.constant 0 : i32
    %c0_i32_0 = arith.constant 0 : i32
    return %arg0, %c0_i32 : i32, i32
  }
}

</mosaic_0001>

<sc_bundles>
// kernel: kernel.10.cloned.1.call-start
scs
__scs_entry_jumppad:
0x0: {  	(pc) =	sbr.rel $0x88, $3  }
0x1: {  	(tag) =	ssettag $0x0;
	lr =	simm.s32 $0x1  }
0x2: {  	[smem:$0x3F99] =	sst lr;
	_ =	strace $0xD0000000  }
0x3: {  	_ = 	snop  }
0x4: {  	_ = 	snop  }
0x5: {  	_ = 	snop  }
0x6: {  	_ = 	snop  }
0x7: {  	_ = 	snop  }
__scs_overlays_trampoline_lowered:
0x8: {  	[smem:$0x3FA8] =	sst s0  }
0x9: {  	[smem:$0x3FA9] =	sst s1  }
0xa: {  	[smem:$0x3FAA] =	sst s2  }
0xb: {  	[smem:$0x3FAB] =	sst s3  }
0xc: {  	[smem:$0x3FAC] =	sst s4  }
0xd: {  	[smem:$0x3FAD] =	sst s5  }
0xe: {  	[smem:$0x3FAE] =	sst s6  }
0xf: {  	[smem:$0x3FAF] =	sst s7  }
0x10: {  	[smem:$0x3FB0] =	sst s8  }
0x11: {  	[smem:$0x3FB1] =	sst s9;
	s0 =	simm.s32 @!p0 $0x0  }
0x12: {  	s1 =	sld [smem:$0x3F97];
	s0 =	simm.s32 @p0 $0x1  }
0x13: {  	[smem:$0x3FB2] =	sst s0;
	s0 =	simm.s32 @!p1 $0x0  }
0x14: {  	s2 =	sld [smem:$0x3F96];
	s0 =	simm.s32 @p1 $0x1  }
0x15: {  	[smem:$0x3FB3] =	sst s0;
	s0 =	simm.s32 @!p2 $0x0  }
0x16: {  	s3 =	sld [smem:$0x3FDB];
	s0 =	simm.s32 @p2 $0x1  }
0x17: {  	s4 =	simm.s32 $0x1BF5;
	[smem:$0x3FB5] =	sst s0  }
0x18: {  	s0 =	sld [smem:$0x3F98];
	_ =	swait.ge [sflag:s4], $0x0  }
0x19: {  	s7 =	sld [smem:$0x3F99]  }
0x1a: {  	s8 =	sadd.s32 $0xFFFFE003, lr  }
0x1b: {  	s9 =	sadd.s32 $0xFFFFFEF7, lr;
	s5 =	simm.s32 $0xFFFFFFFF;
	p2 =	slt.u32 s8, $0xFFFFF086  }
0x1c: {  	p1 =	slt.u32 s9, $0xF7A;
	s5 =	simm.s32 @!p2 $0x0  }
0x1d: {  	s5 =	simm.s32 @p1 $0x1;
	p0 =	seq.s32 s7, s2  }
0x1e: {  	s7 =	smul.u32 @!p0 $0xF7A, s2;
	p2 =	seq.s32 @!p0 s5, $0x0  }
0x1f: {  	s9 =	smul.u32 $0xF7A, s1;
	s8 =	simm.s32 @!p0 $0x1BF5;
	p2 =	por !p2, p0  }
0x20: {  	[sflag:s8] =	ssyncset.s32 @!p0 $0xFFFFF086;
	s6 =	sadd.s32 @!p0 s3, s7;
	s7 =	simm.s32 @!p0 $0x108  }
0x21: {  	s3 =	sadd.s32 s3, s9;
	s6 =	sadd.s32 @!p0 $0x88, s6;
	s7 =	simm.s32 @p2 $0x1082  }
0x22: {  	[simem:s7], [sflag:s8] =	dma.local @!p0 [hbm:s6], $0xF7A  }
0x23: {  	s9 =	sor.u32 $0xD0000000, s2;
	s6 =	simm.s32 $0x108;
	_ =	swait.ge @!p0 [sflag:s8], $0x0  }
0x24: {  	s3 =	sadd.s32 $0x88, s3;
	s6 =	simm.s32 @!p1 $0x1082;
	[sflag:s4] =	ssyncset.s32 $0xFFFFF086  }
0x25: {  	[simem:s6], [sflag:s4] =	dma.local [hbm:s3], $0xF7A  }
0x26: {  	[smem:$0x3F99] =	sst s1;
	(tag) =	ssettag s2;
	_ =	strace s9  }
0x27: {  	s1 =	sld [smem:$0x3FA9]  }
0x28: {  	s2 =	sld [smem:$0x3FAA]  }
0x29: {  	s4 =	sld [smem:$0x3FAC]  }
0x2a: {  	p0 =	seq.s32 s5, $0x0;
	s5 =	sld [smem:$0x3FAD]  }
0x2b: {  	s6 =	sld [smem:$0x3FAE]  }
0x2c: {  	s7 =	sld [smem:$0x3FAF]  }
0x2d: {  	s3 =	simm.s32 $0x108;
	s8 =	sld [smem:$0x3FB0]  }
0x2e: {  	s3 =	simm.s32 @!p0 $0x1082;
	s9 =	sld [smem:$0x3FB1]  }
0x2f: {  	lr =	sadd.s32 s0, s3;
	s0 =	sld [smem:$0x3FA8]  }
0x30: {  	s3 =	sld [smem:$0x3FAB]  }
0x31: {  	[smem:$0x3FB4] =	sst s10  }
0x32: {  	s10 =	sld [smem:$0x3FB2];
	_ =	sdelay $0x3  }
0x33: {  	p0 =	seq.s32 s10, $0x1;
	s10 =	sld [smem:$0x3FB4];
	_ =	sdelay $0x3  }
0x34: {  	[smem:$0x3FB4] =	sst s10  }
0x35: {  	s10 =	sld [smem:$0x3FB3];
	_ =	sdelay $0x3  }
0x36: {  	p1 =	seq.s32 s10, $0x1;
	s10 =	sld [smem:$0x3FB4];
	_ =	sdelay $0x3  }
0x37: {  	[smem:$0x3FB4] =	sst s10  }
0x38: {  	s10 =	sld [smem:$0x3FB5]  }
0x39: {  	_ = 	snop;
	(pc) =	sbr.ind lr, $3  }
0x3a: {  	_ = 	snop  }
0x3b: {  	_ = 	snop  }
0x3c: {  	p2 =	seq.s32 s10, $0x1;
	s10 =	sld [smem:$0x3FB4]  }
0x3d: {  	_ =	shalt  }
0x3e: {  	_ =	shalt  }
0x3f: {  	_ =	shalt  }
0x40: {  	_ =	shalt  }
0x41: {  	_ =	shalt  }
0x42: {  	_ =	shalt  }
0x43: {  	_ =	shalt  }
0x44: {  	_ =	shalt  }
0x45: {  	_ =	shalt  }
0x46: {  	_ =	shalt  }
0x47: {  	_ =	shalt  }
0x48: {  	_ =	shalt  }
0x49: {  	_ =	shalt  }
0x4a: {  	_ =	shalt  }
0x4b: {  	_ =	shalt  }
0x4c: {  	_ =	shalt  }
0x4d: {  	_ =	shalt  }
0x4e: {  	_ =	shalt  }
0x4f: {  	_ =	shalt  }
0x50: {  	_ =	shalt  }
0x51: {  	_ =	shalt  }
0x52: {  	_ =	shalt  }
0x53: {  	_ =	shalt  }
0x54: {  	_ =	shalt  }
0x55: {  	_ =	shalt  }
0x56: {  	_ =	shalt  }
0x57: {  	_ =	shalt  }
0x58: {  	_ =	shalt  }
0x59: {  	_ =	shalt  }
0x5a: {  	_ =	shalt  }
0x5b: {  	_ =	shalt  }
0x5c: {  	_ =	shalt  }
0x5d: {  	_ =	shalt  }
0x5e: {  	_ =	shalt  }
0x5f: {  	_ =	shalt  }
0x60: {  	_ =	shalt  }
0x61: {  	_ =	shalt  }
0x62: {  	_ =	shalt  }
0x63: {  	_ =	shalt  }
0x64: {  	_ =	shalt  }
0x65: {  	_ =	shalt  }
0x66: {  	_ =	shalt  }
0x67: {  	_ =	shalt  }
0x68: {  	_ =	shalt  }
0x69: {  	_ =	shalt  }
0x6a: {  	_ =	shalt  }
0x6b: {  	_ =	shalt  }
0x6c: {  	_ =	shalt  }
0x6d: {  	_ =	shalt  }
0x6e: {  	_ =	shalt  }
0x6f: {  	_ =	shalt  }
0x70: {  	_ =	shalt  }
0x71: {  	_ =	shalt  }
0x72: {  	_ =	shalt  }
0x73: {  	_ =	shalt  }
0x74: {  	_ =	shalt  }
0x75: {  	_ =	shalt  }
0x76: {  	_ =	shalt  }
0x77: {  	_ =	shalt  }
0x78: {  	_ =	shalt  }
0x79: {  	_ =	shalt  }
0x7a: {  	_ =	shalt  }
0x7b: {  	_ =	shalt  }
0x7c: {  	_ =	shalt  }
0x7d: {  	_ =	shalt  }
0x7e: {  	_ =	shalt  }
0x7f: {  	_ =	shalt  }
0x80: {  	_ =	shalt  }
0x81: {  	_ =	shalt  }
0x82: {  	_ =	shalt  }
0x83: {  	_ =	shalt  }
0x84: {  	_ =	shalt  }
0x85: {  	_ =	shalt  }
0x86: {  	_ =	shalt  }
0x87: {  	_ =	shalt  }
.Lfunc_end0:
.L_simem_size_0:
called_computation.1_lowered:
.L_overlay_start_0:
0x88: {  	s2 =	sld [smem:$0x3FD9]  }
0x89: {  	s3 =	sld [smem:$0x3FFE];
	_ =	sdelay $0x1  }
0x8a: {  	s1 =	srdreg.scid  }
0x8b: {  	s0 =	sand.u32 $0x1, s1  }
0x8c: {  	s17 =	sshll.u32 s0, $0xA;
	s2 =	sadd.s32 s3, s2  }
0x8d: {  	s2 =	sadd.s32 s2, s17  }
0x8e: {  	[smem:$0x3FC0] =	sst s2  }
0x8f: {  	_ = 	snop  }
0x90: {  	s2 =	sld [smem:$0x3FD0];
	(tm) =	ssettm $0x1  }
0x91: {  	s18 =	sld [smem:$0x3FFB];
	_ =	sdelay $0x3  }
0x92: {  	_ =	strace s18  }
0x93: {  	s3 =	sld [smem:$0x3FFC];
	_ =	sdelay $0x3  }
0x94: {  	_ =	strace s3  }
0x95: {  	s3 =	sld [smem:$0x3FFD];
	_ =	sdelay $0x3  }
0x96: {  	_ =	strace s3  }
0x97: {  	_ =	strace $0x8FFFFFFF  }
0x98: {  	s19 =	sld [smem:$0x3FDB];
	_ =	sdelay $0x1  }
0x99: {  	s4 =	simm.s32 $_scs_section_size  }
0x9a: {  	s5 =	simm.s32 $_size__tile_overlayer_lowered;
	s6 =	simm.s32 $_tile_overlayer_lowered  }
0x9b: {  	s22 =	simm.s32 $0x1BFF;
	s21 =	sshll.u32 s6, $0x1;
	s3 =	sadd.s32 s4, s19  }
0x9c: {  	s7 =	simm.s32 $0x0;
	s20 =	sshll.u32 s5, $0x1;
	s5 =	sadd.s32 s21, s3  }
0x9d: {  	[timem:s7], [sflag:s22] =	dma.local [hbm:s5], s20  }
0x9e: {  	_ =	swait.ge [sflag:s22], s20  }
0x9f: {  	s4 =	ssub.s32 $0x0, s20;
	[sflag:s22] =	ssyncset.done $0x0  }
0xa0: {  	[sflag:s22] =	ssyncadd.s32 s4;
	_ =	sdelay $0x1  }
0xa1: {  	s23 =	simm.s32 $0x1B8B  }
0xa2: {  	_ =	swait.ge [sflag:s23], $0x1  }
0xa3: {  	[sflag:s23] =	ssyncset.done $0x0  }
0xa4: {  	s25 =	simm.s32 $0x1B8E;
	s24 =	sld [smem:$0x3FFE];
	[sflag:s23] =	ssyncadd.s32 $0xFFFFFFFF  }
0xa5: {  	s26 =	simm.s32 $execute0_lowered;
	[smem:$0x3FD2] =	sst s25  }
0xa6: {  	s5 =	sshll.u32 s26, $0x1;
	_ =	strace $0x80000049;
	[dreg:$0x1] =	wrdreg $0xFFFFFFFF  }
0xa7: {  	s28 =	simm.s32 $_size_execute0_lowered;
	s3 =	sadd.s32 s3, s5;
	[dreg:$0x0] =	wrdreg $0x0  }
0xa8: {  	s5 =	sshll.u32 s28, $0x1;
	[dreg:$0x2] =	wrdreg s3  }
0xa9: {  	[dreg:$0x3] =	wrdreg s5  }
0xaa: {  	[dreg:$0x4] =	wrdreg $0xC0  }
0xab: {  	_ =	task [dreg:s7], $0x5FFFF  }
0xac: {  	[dreg:$0x1] =	wrdreg $0xFFFFFFFF  }
0xad: {  	[dreg:$0x0] =	wrdreg $0x60  }
0xae: {  	[dreg:$0x2] =	wrdreg s2  }
0xaf: {  	[dreg:$0x3] =	wrdreg s24  }
0xb0: {  	[dreg:$0x4] =	wrdreg $0xA0000  }
0xb1: {  	[dreg:$0x5] =	wrdreg $0x9  }
0xb2: {  	_ =	task.clear_ibuf [dreg:s7], $0x6FFFF;
	_ =	strace $0x90000049  }
0xb3: {  	s29 =	simm.s32 $0x9;
	_ =	strace $0x8000004B  }
0xb4: {  	_ =	swait.ge [sflag:s29], $0x1  }
0xb5: {  	[sflag:s29] =	ssyncadd.s32 $0xFFFFFFFF  }
0xb6: {  	_ =	strace $0x9000004B  }
0xb7: {  	_ =	sfence  }
0xb8: {  	s30 =	sld [smem:$0x0];
	_ =	sdelay $0x2  }
0xb9: {  	s31 =	sshll.u32 s1, $0xD;
	s1 =	sshrl.u32 s1, $0x2  }
0xba: {  	s3 =	sand.u32 $0x4000, s31;
	s1 =	sadd.s32 s1, s30  }
0xbb: {  	s0 =	sor.u32 s3, s0;
	s1 =	sshll.u32 s1, $0x11  }
0xbc: {  	s0 =	sor.u32 s1, s0  }
0xbd: {  	s0 =	sadd.s32 $0x8F2B, s0  }
0xbe: {  	[sflag:s0] =	ssyncadd.remote.s32 $0x1  }
0xbf: {  	_ =	sfence.sel $0xFFFF  }
0xc0: {  	[dreg:$0x0] =	wrdreg $0xFFFFFFFF;
	(pc) =	sbr.abs _section_cstart, $3  }
0xc1: {  	[dreg:$0x1] =	wrdreg $0xFFFFFFFF  }
0xc2: {  	_ =	task.clear_ibuf [dreg:s7], $0x2FFFF;
	_ =	strace $0x9FFFFFFF  }
0xc3: {  	(tm) =	ssettm $0x7FFFFFFF  }
tec
execute0_lowered:
.L_overlay_start_1:
0x0: {  	(tag) =	ssettag $0x1  }
0x1: {  	s1 =	rddreg [dreg:$0x0]  }
0x2: {  	s0 =	srdreg.scid;
	s4 =	rddreg [dreg:$0x1]  }
0x3: {  	s15 =	stileid.u32;
	s2 =	rddreg [dreg:$0x2];
	s3 =	simm.s32 $0x0  }
0x4: {  	s31 =	simm.s32 $0x2000;
	s29 =	simm.s32 $0x1800;
	s28 =	simm.s32 $0x1B80  }
0x5: {  	s30 =	simm.s32 $0xC80;
	s0 =	sand.u32 $0x1, s0;
	s5 =	smul.u32 $0xA0, s15  }
0x6: {  	[smem:$0x7FF] =	sst s3;
	s7 =	sadd.s32 $0xBC00, s4;
	s10 =	smul.u32 $0x13C00, s15  }
0x7: {  	s8 =	sadd.s32 $0x1C00, s4;
	s4 =	sadd.s32 $0x15C00, s4;
	s6 =	smul.u32 $0x50, s0  }
0x8: {  	p0 =	seq.s32 s15, $0xF;
	s9 =	ssub.s32 $0x2, s0;
	s0 =	smul.u32 $0x138800, s0  }
0x9: {  	s14 =	sshrl.u32 s9, $0x1;
	s11 =	sadd.s32 $0x8000, s10;
	s5 =	sadd.s32 s6, s5  }
0xa: {  	s12 =	sadd.s32 $0xC000, s10;
	s6 =	ssub.s32 s9, s14;
	s5 =	sshll.u32 s5, $0x4  }
0xb: {  	s9 =	sadd.s32 $0x4000, s10;
	s22 =	sadd.s32 s10, s0;
	s16 =	sadd.s32 s7, s5  }
0xc: {  	s17 =	sadd.s32 s8, s5;
	s13 =	sadd.s32 $0x100, s5;
	[dreg:$0x4] =	wrdreg s16  }
0xd: {  	s23 =	sadd.s32 s0, s9;
	[dreg:$0x5] =	wrdreg s17;
	s16 =	sadd.s32 s7, s13  }
0xe: {  	s14 =	sadd.s32 $0x200, s5;
	s13 =	sadd.s32 s8, s13;
	[dreg:$0x6] =	wrdreg s16  }
0xf: {  	s24 =	sshrl.u32 s22, $0x3;
	s18 =	sadd.s32 s7, s14;
	[dreg:$0x7] =	wrdreg s13  }
0x10: {  	s20 =	sadd.s32 $0x300, s5;
	s19 =	sadd.s32 s8, s14;
	[dreg:$0x8] =	wrdreg s18  }
0x11: {  	s5 =	sadd.s32 $0x400, s5;
	s21 =	sadd.s32 s7, s20;
	[dreg:$0x9] =	wrdreg s19  }
0x12: {  	s22 =	sadd.s32 s11, s2;
	s7 =	sadd.s32 s7, s5;
	[dreg:$0xa] =	wrdreg s21  }
0x13: {  	s25 =	sshrl.u32 s23, $0x3;
	s5 =	sadd.s32 s8, s5;
	[dreg:$0xc] =	wrdreg s7  }
0x14: {  	s23 =	sadd.s32 s12, s2;
	s26 =	sadd.s32 s4, s25;
	[dreg:$0xd] =	wrdreg s5  }
0x15: {  	s13 =	sadd.s32 s8, s20;
	s5 =	sadd.s32 s4, s24;
	[dreg:$0xf] =	wrdreg s26  }
0x16: {  	s7 =	sadd.s32 s0, s11;
	s8 =	sadd.s32 s0, s12;
	s18 =	smul.u32 $0x4F000, s15  }
0x17: {  	s21 =	sadd.s32 s9, s2;
	s24 =	smax.u32 s6, $0x1;
	[dreg:$0xb] =	wrdreg s13  }
0x18: {  	[dreg:$0xe] =	wrdreg s5;
	s5 =	sshrl.u32 s7, $0x3;
	s13 =	sadd.s32 $0x10000, s10  }
0x19: {  	s14 =	sshrl.u32 s8, $0x3;
	s5 =	sadd.s32 s4, s5;
	s16 =	sadd.s32 s0, s13  }
0x1a: {  	[dreg:$0x10] =	wrdreg s5;
	s5 =	sadd.s32 s4, s14;
	s17 =	sshrl.u32 s16, $0x3  }
0x1b: {  	s26 =	sadd.s32 $0x138400, s2;
	[dreg:$0x11] =	wrdreg s5;
	s5 =	sadd.s32 s4, s17  }
0x1c: {  	s6 =	simm.s32 $0x80;
	s11 =	simm.s32 $0x900;
	[dreg:$0x12] =	wrdreg s5  }
0x1d: {  	s0 =	sshrl.u32 s0, $0x3;
	_ =	strace $0x8000004A;
	[dreg:$0x17] =	wrdreg s21  }
0x1e: {  	s12 =	simm.s32 $0x1880;
	s0 =	sadd.s32 s4, s0;
	[dreg:$0x18] =	wrdreg s22  }
0x1f: {  	s7 =	simm.s32 $0x6000;
	s0 =	sadd.s32 $0x27080, s0;
	[dreg:$0x19] =	wrdreg s23  }
0x20: {  	s8 =	simm.s32 $0x1;
	s19 =	sshrl.u32 s18, $0x2;
	[dreg:$0x13] =	wrdreg s0  }
0x21: {  	s10 =	simm.s32 $0x2;
	s20 =	sadd.s32 s19, s2;
	[dreg:$0x14] =	wrdreg s24  }
0x22: {  	s4 =	sadd.s32 s13, s2;
	s25 =	sadd.s32 $0x10000, s20;
	[dreg:$0x1b] =	wrdreg s20  }
0x23: {  	s17 =	simm.s32 $0x4;
	s13 =	simm.s32 $0x0;
	[dreg:$0x16] =	wrdreg s25  }
0x24: {  	s0 =	sshrl.u32 @!p0 s4, $0x3;
	[dreg:$0x1a] =	wrdreg s26;
	s4 =	simm.s32 $0x1000  }
0x25: {  	s20 =	simm.s32 $0xA80;
	s21 =	simm.s32 $0x1A00;
	s22 =	simm.s32 $0xB00  }
0x26: {  	s23 =	simm.s32 $0x1A80;
	s24 =	simm.s32 $0xB80;
	s25 =	simm.s32 $0x1B00  }
0x27: {  	v0 =	vimm.f32 $0.0e+00;
	s26 =	simm.s32 $0xC00;
	[dreg:$0x15] =	wrdreg s0;
	s0 =	simm.s32 $0x3  }
.LBB2_1:
0x28: {  	s14 =	rddreg [dreg:$0x4];
	s19 =	sand.u32 $0xFE00, s3  }
0x29: {  	[tilespmem:s3], [sflag:$0x3] =	stream.linear.gather [hbm4b:s14+s3], $0x800, $0x38;
	[tilespmem:$0x1D900] =	vst v63  }
0x2a: {  	s18 =	rddreg [dreg:$0x5];
	s15 =	sand.u32 $0x70, s3;
	s16 =	sshrl.u32 s19, $0x2  }
0x2b: {  	s14 =	simm.s32 $0x40;
	s16 =	sor.u32 s15, s16;
	s15 =	simm.s32 $0x0  }
0x2c: {  	[tilespmem:s4], [sflag:$0x3] =	stream.linear.gather [hbm4b:s18+s3], $0x800, $0x38;
	[tilespmem:$0x1D900] =	vst v63  }
.LBB2_2:
0x2d: {  	p1 =	sne.s32 s14, $0xFFC0  }
0x2e: {  	[tilespmem:s16+$0x2000] =	vst v0;
	s15 =	sadd.s32 $0x10, s15;
	s16 =	smov.u32 s14;
	s14 =	sadd.s32 $0x40, s14  }
.Ltmp0:
0x2f: {  	(pc) =	sbr.rel @p1 .LBB2_2-.Ltmp0, $4  }
0x30: {  	_ = 	snop  }
0x31: {  	s16 =	sand.u32 $0xFE00, s16  }
0x32: {  	s18 =	sand.u32 $0x70, s15;
	s16 =	sshrl.u32 s16, $0x2  }
0x33: {  	s16 =	sor.u32 s18, s16  }
0x34: {  	[tilespmem:s16+$0x2000] =	vst v0;
	s4 =	rddreg [dreg:$0x1b]  }
0x35: {  	[spmem:s4] =	stream.linear.scatter [tilespmem:s31], [sflag:$0x4], $0x4000, $0x38;
	[tilespmem:$0x1D900] =	vst v63  }
0x36: {  	_ =	swait.ge [sflag:s17], $0x4000  }
0x37: {  	[sflag:s17] =	ssyncset.done $0x0  }
0x38: {  	s18 =	rddreg [dreg:$0x17];
	[sflag:s17] =	ssyncadd.s32 $0xFFFFC000  }
0x39: {  	[spmem:s18] =	stream.linear.scatter [tilespmem:s31], [sflag:$0x4], $0x4000, $0x38;
	[tilespmem:$0x1D900] =	vst v63  }
0x3a: {  	_ =	swait.ge [sflag:s17], $0x4000  }
0x3b: {  	[sflag:s17] =	ssyncset.done $0x0  }
0x3c: {  	s19 =	rddreg [dreg:$0x18];
	[sflag:s17] =	ssyncadd.s32 $0xFFFFC000  }
0x3d: {  	[spmem:s19] =	stream.linear.scatter [tilespmem:s31], [sflag:$0x4], $0x4000, $0x38;
	[tilespmem:$0x1D900] =	vst v63  }
0x3e: {  	_ =	swait.ge [sflag:s17], $0x4000  }
0x3f: {  	[sflag:s17] =	ssyncset.done $0x0  }
0x40: {  	s5 =	rddreg [dreg:$0x19];
	[sflag:s17] =	ssyncadd.s32 $0xFFFFC000  }
0x41: {  	[spmem:s5] =	stream.linear.scatter [tilespmem:s31], [sflag:$0x4], $0x4000, $0x38;
	[tilespmem:$0x1D900] =	vst v63  }
0x42: {  	_ =	swait.ge [sflag:s17], $0x4000  }
0x43: {  	[sflag:s17] =	ssyncset.done $0x0  }
0x44: {  	s14 =	simm.s32 @p0 $0x2000;
	s4 =	rddreg [dreg:$0x1a];
	[sflag:s17] =	ssyncadd.s32 $0xFFFFC000  }
0x45: {  	[spmem:s4] =	stream.linear.scatter @p0 [tilespmem:s14], [sflag:$0x4], $0x400, $0x38;
	[tilespmem:$0x1D900] =	vst v63  }
0x46: {  	s4 =	simm.s32 @p0 $0x4  }
0x47: {  	_ =	swait.ge @p0 [sflag:s4], $0x400  }
0x48: {  	s14 =	simm.s32 @!p0 $0x2000;
	[sflag:s4] =	ssyncset.done @p0 $0x0  }
0x49: {  	s16 =	rddreg [dreg:$0x16];
	[sflag:s4] =	ssyncadd.s32 @p0 $0xFFFFFC00;
	s4 =	simm.s32 @!p0 $0x4  }
0x4a: {  	[spmem:s16] =	stream.linear.scatter @!p0 [tilespmem:s14], [sflag:$0x4], $0x3C00, $0x38;
	[tilespmem:$0x1D900] =	vst v63  }
0x4b: {  	_ =	swait.ge @!p0 [sflag:s4], $0x3C00  }
0x4c: {  	[sflag:s4] =	ssyncset.done @!p0 $0x0  }
0x4d: {  	[sflag:s4] =	ssyncadd.s32 @!p0 $0xFFFFC400  }
0x4e: {  	[bflag:$0x0] =	sbarrier.arrive $0xFFFF  }
0x4f: {  	_ =	swait.ge [sflag:s0], $0x800  }
0x50: {  	[sflag:s0] =	ssyncset.done $0x0  }
0x51: {  	[sflag:s0] =	ssyncadd.s32 $0xFFFFF800  }
0x52: {  	_ =	swait.ge [sflag:s0], $0x800  }
0x53: {  	[sflag:s0] =	ssyncset.done $0x0  }
0x54: {  	s5 =	simm.s32 $0x800;
	s9 =	rddreg [dreg:$0x6];
	[sflag:s0] =	ssyncadd.s32 $0xFFFFF800  }
0x55: {  	[tilespmem:s5], [sflag:$0x3] =	stream.linear.gather [hbm4b:s9+s3], $0x800, $0x38;
	[tilespmem:$0x1D900] =	vst v63  }
0x56: {  	s14 =	rddreg [dreg:$0x7]  }
0x57: {  	[tilespmem:s29], [sflag:$0x3] =	stream.linear.gather [hbm4b:s14+s3], $0x800, $0x38;
	[tilespmem:$0x1D900] =	vst v63  }
0x58: {  	_ = 	snop  }
0x59: {  	[tilespmem:s31], [sflag:$0x1] =	stream.indirect.gather [hbm4b:s1+s6], $0x80, s3, s6, $0xb8;
	[tilespmem:$0x1D900] =	vst v63  }
0x5a: {  	_ = 	snop  }
0x5b: {  	[tilespmem:s7], [sflag:$0x2] =	stream.indirect.gather [hbm4b:s1+s6], $0x80, s6, s6, $0xb8;
	[tilespmem:$0x1D900] =	vst v63  }
0x5c: {  	_ =	swait.ge [sflag:s8], $0x4000  }
0x5d: {  	[sflag:s8] =	ssyncset.done $0x0  }
0x5e: {  	s4 =	simm.s32 $0x1000;
	[sflag:s8] =	ssyncadd.s32 $0xFFFFC000  }
0x5f: {  	[spmem:s2] =	stream.indirect.scatter.add.f32 [tilespmem:s31], [sflag:$0x4], $0x80, s4, s6, $0xb8;
	[tilespmem:$0x1D900] =	vst v63  }
0x60: {  	_ =	swait.ge [sflag:s17], $0x4000  }
0x61: {  	[sflag:s17] =	ssyncset.done $0x0  }
0x62: {  	s9 =	simm.s32 $0x100;
	[sflag:s17] =	ssyncadd.s32 $0xFFFFC000  }
0x63: {  	[tilespmem:s31], [sflag:$0x1] =	stream.indirect.gather [hbm4b:s1+s6], $0x80, s9, s6, $0xb8;
	[tilespmem:$0x1D900] =	vst v63  }
0x64: {  	_ =	swait.ge [sflag:s10], $0x4000  }
0x65: {  	[sflag:s10] =	ssyncset.done $0x0  }
0x66: {  	s15 =	simm.s32 $0x1080;
	[sflag:s10] =	ssyncadd.s32 $0xFFFFC000  }
0x67: {  	[spmem:s2] =	stream.indirect.scatter.add.f32 [tilespmem:s7], [sflag:$0x4], $0x80, s15, s6, $0xb8;
	[tilespmem:$0x1D900] =	vst v63  }
0x68: {  	_ =	swait.ge [sflag:s17], $0x4000  }
0x69: {  	[sflag:s17] =	ssyncset.done $0x0  }
0x6a: {  	s16 =	simm.s32 $0x180;
	[sflag:s17] =	ssyncadd.s32 $0xFFFFC000  }
0x6b: {  	[tilespmem:s7], [sflag:$0x2] =	stream.indirect.gather [hbm4b:s1+s6], $0x80, s16, s6, $0xb8;
	[tilespmem:$0x1D900] =	vst v63  }
0x6c: {  	_ =	swait.ge [sflag:s8], $0x4000  }
0x6d: {  	[sflag:s8] =	ssyncset.done $0x0  }
0x6e: {  	s18 =	simm.s32 $0x1100;
	[sflag:s8] =	ssyncadd.s32 $0xFFFFC000  }
0x6f: {  	[spmem:s2] =	stream.indirect.scatter.add.f32 [tilespmem:s31], [sflag:$0x4], $0x80, s18, s6, $0xb8;
	[tilespmem:$0x1D900] =	vst v63  }
0x70: {  	_ =	swait.ge [sflag:s17], $0x4000  }
0x71: {  	[sflag:s17] =	ssyncset.done $0x0  }
0x72: {  	s19 =	simm.s32 $0x200;
	[sflag:s17] =	ssyncadd.s32 $0xFFFFC000  }
0x73: {  	[tilespmem:s31], [sflag:$0x1] =	stream.indirect.gather [hbm4b:s1+s6], $0x80, s19, s6, $0xb8;
	[tilespmem:$0x1D900] =	vst v63  }
0x74: {  	_ =	swait.ge [sflag:s10], $0x4000  }
0x75: {  	[sflag:s10] =	ssyncset.done $0x0  }
0x76: {  	s14 =	simm.s32 $0x1180;
	[sflag:s10] =	ssyncadd.s32 $0xFFFFC000  }
0x77: {  	[spmem:s2] =	stream.indirect.scatter.add.f32 [tilespmem:s7], [sflag:$0x4], $0x80, s14, s6, $0xb8;
	[tilespmem:$0x1D900] =	vst v63  }
0x78: {  	_ =	swait.ge [sflag:s17], $0x4000  }
0x79: {  	[sflag:s17] =	ssyncset.done $0x0  }
0x7a: {  	s15 =	simm.s32 $0x280;
	[sflag:s17] =	ssyncadd.s32 $0xFFFFC000  }
0x7b: {  	[tilespmem:s7], [sflag:$0x2] =	stream.indirect.gather [hbm4b:s1+s6], $0x80, s15, s6, $0xb8;
	[tilespmem:$0x1D900] =	vst v63  }
0x7c: {  	_ =	swait.ge [sflag:s8], $0x4000  }
0x7d: {  	[sflag:s8] =	ssyncset.done $0x0  }
0x7e: {  	s16 =	simm.s32 $0x1200;
	[sflag:s8] =	ssyncadd.s32 $0xFFFFC000  }
0x7f: {  	[spmem:s2] =	stream.indirect.scatter.add.f32 [tilespmem:s31], [sflag:$0x4], $0x80, s16, s6, $0xb8;
	[tilespmem:$0x1D900] =	vst v63  }
0x80: {  	_ =	swait.ge [sflag:s17], $0x4000  }
0x81: {  	[sflag:s17] =	ssyncset.done $0x0  }
0x82: {  	s18 =	simm.s32 $0x300;
	[sflag:s17] =	ssyncadd.s32 $0xFFFFC000  }
0x83: {  	[tilespmem:s31], [sflag:$0x1] =	stream.indirect.gather [hbm4b:s1+s6], $0x80, s18, s6, $0xb8;
	[tilespmem:$0x1D900] =	vst v63  }
0x84: {  	_ =	swait.ge [sflag:s10], $0x4000  }
0x85: {  	[sflag:s10] =	ssyncset.done $0x0  }
0x86: {  	s19 =	simm.s32 $0x1280;
	[sflag:s10] =	ssyncadd.s32 $0xFFFFC000  }
0x87: {  	[spmem:s2] =	stream.indirect.scatter.add.f32 [tilespmem:s7], [sflag:$0x4], $0x80, s19, s6, $0xb8;
	[tilespmem:$0x1D900] =	vst v63  }
0x88: {  	_ =	swait.ge [sflag:s17], $0x4000  }
0x89: {  	[sflag:s17] =	ssyncset.done $0x0  }
0x8a: {  	s14 =	simm.s32 $0x380;
	[sflag:s17] =	ssyncadd.s32 $0xFFFFC000  }
0x8b: {  	[tilespmem:s7], [sflag:$0x2] =	stream.indirect.gather [hbm4b:s1+s6], $0x80, s14, s6, $0xb8;
	[tilespmem:$0x1D900] =	vst v63  }
0x8c: {  	_ =	swait.ge [sflag:s8], $0x4000  }
0x8d: {  	[sflag:s8] =	ssyncset.done $0x0  }
0x8e: {  	s15 =	simm.s32 $0x1300;
	[sflag:s8] =	ssyncadd.s32 $0xFFFFC000  }
0x8f: {  	[spmem:s2] =	stream.indirect.scatter.add.f32 [tilespmem:s31], [sflag:$0x4], $0x80, s15, s6, $0xb8;
	[tilespmem:$0x1D900] =	vst v63  }
0x90: {  	_ =	swait.ge [sflag:s17], $0x4000  }
0x91: {  	[sflag:s17] =	ssyncset.done $0x0  }
0x92: {  	s16 =	simm.s32 $0x400;
	[sflag:s17] =	ssyncadd.s32 $0xFFFFC000  }
0x93: {  	[tilespmem:s31], [sflag:$0x1] =	stream.indirect.gather [hbm4b:s1+s6], $0x80, s16, s6, $0xb8;
	[tilespmem:$0x1D900] =	vst v63  }
0x94: {  	_ =	swait.ge [sflag:s10], $0x4000  }
0x95: {  	[sflag:s10] =	ssyncset.done $0x0  }
0x96: {  	s18 =	simm.s32 $0x1380;
	[sflag:s10] =	ssyncadd.s32 $0xFFFFC000  }
0x97: {  	[spmem:s2] =	stream.indirect.scatter.add.f32 [tilespmem:s7], [sflag:$0x4], $0x80, s18, s6, $0xb8;
	[tilespmem:$0x1D900] =	vst v63  }
0x98: {  	_ =	swait.ge [sflag:s17], $0x4000  }
0x99: {  	[sflag:s17] =	ssyncset.done $0x0  }
0x9a: {  	s19 =	simm.s32 $0x480;
	[sflag:s17] =	ssyncadd.s32 $0xFFFFC000  }
0x9b: {  	[tilespmem:s7], [sflag:$0x2] =	stream.indirect.gather [hbm4b:s1+s6], $0x80, s19, s6, $0xb8;
	[tilespmem:$0x1D900] =	vst v63  }
0x9c: {  	_ =	swait.ge [sflag:s8], $0x4000  }
0x9d: {  	[sflag:s8] =	ssyncset.done $0x0  }
0x9e: {  	s14 =	simm.s32 $0x1400;
	[sflag:s8] =	ssyncadd.s32 $0xFFFFC000  }
0x9f: {  	[spmem:s2] =	stream.indirect.scatter.add.f32 [tilespmem:s31], [sflag:$0x4], $0x80, s14, s6, $0xb8;
	[tilespmem:$0x1D900] =	vst v63  }
0xa0: {  	_ =	swait.ge [sflag:s17], $0x4000  }
0xa1: {  	[sflag:s17] =	ssyncset.done $0x0  }
0xa2: {  	s15 =	simm.s32 $0x500;
	[sflag:s17] =	ssyncadd.s32 $0xFFFFC000  }
0xa3: {  	[tilespmem:s31], [sflag:$0x1] =	stream.indirect.gather [hbm4b:s1+s6], $0x80, s15, s6, $0xb8;
	[tilespmem:$0x1D900] =	vst v63  }
0xa4: {  	_ =	swait.ge [sflag:s10], $0x4000  }
0xa5: {  	[sflag:s10] =	ssyncset.done $0x0  }
0xa6: {  	s16 =	simm.s32 $0x1480;
	[sflag:s10] =	ssyncadd.s32 $0xFFFFC000  }
0xa7: {  	[spmem:s2] =	stream.indirect.scatter.add.f32 [tilespmem:s7], [sflag:$0x4], $0x80, s16, s6, $0xb8;
	[tilespmem:$0x1D900] =	vst v63  }
0xa8: {  	_ =	swait.ge [sflag:s17], $0x4000  }
0xa9: {  	[sflag:s17] =	ssyncset.done $0x0  }
0xaa: {  	s18 =	simm.s32 $0x580;
	[sflag:s17] =	ssyncadd.s32 $0xFFFFC000  }
0xab: {  	[tilespmem:s7], [sflag:$0x2] =	stream.indirect.gather [hbm4b:s1+s6], $0x80, s18, s6, $0xb8;
	[tilespmem:$0x1D900] =	vst v63  }
0xac: {  	_ =	swait.ge [sflag:s8], $0x4000  }
0xad: {  	[sflag:s8] =	ssyncset.done $0x0  }
0xae: {  	s19 =	simm.s32 $0x1500;
	[sflag:s8] =	ssyncadd.s32 $0xFFFFC000  }
0xaf: {  	[spmem:s2] =	stream.indirect.scatter.add.f32 [tilespmem:s31], [sflag:$0x4], $0x80, s19, s6, $0xb8;
	[tilespmem:$0x1D900] =	vst v63  }
0xb0: {  	_ =	swait.ge [sflag:s17], $0x4000  }
0xb1: {  	[sflag:s17] =	ssyncset.done $0x0  }
0xb2: {  	s14 =	simm.s32 $0x600;
	[sflag:s17] =	ssyncadd.s32 $0xFFFFC000  }
0xb3: {  	[tilespmem:s31], [sflag:$0x1] =	stream.indirect.gather [hbm4b:s1+s6], $0x80, s14, s6, $0xb8;
	[tilespmem:$0x1D900] =	vst v63  }
0xb4: {  	_ =	swait.ge [sflag:s10], $0x4000  }
0xb5: {  	[sflag:s10] =	ssyncset.done $0x0  }
0xb6: {  	s15 =	simm.s32 $0x1580;
	[sflag:s10] =	ssyncadd.s32 $0xFFFFC000  }
0xb7: {  	[spmem:s2] =	stream.indirect.scatter.add.f32 [tilespmem:s7], [sflag:$0x4], $0x80, s15, s6, $0xb8;
	[tilespmem:$0x1D900] =	vst v63  }
0xb8: {  	_ =	swait.ge [sflag:s17], $0x4000  }
0xb9: {  	[sflag:s17] =	ssyncset.done $0x0  }
0xba: {  	s16 =	simm.s32 $0x680;
	[sflag:s17] =	ssyncadd.s32 $0xFFFFC000  }
0xbb: {  	[tilespmem:s7], [sflag:$0x2] =	stream.indirect.gather [hbm4b:s1+s6], $0x80, s16, s6, $0xb8;
	[tilespmem:$0x1D900] =	vst v63  }
0xbc: {  	_ =	swait.ge [sflag:s8], $0x4000  }
0xbd: {  	[sflag:s8] =	ssyncset.done $0x0  }
0xbe: {  	s18 =	simm.s32 $0x1600;
	[sflag:s8] =	ssyncadd.s32 $0xFFFFC000  }
0xbf: {  	[spmem:s2] =	stream.indirect.scatter.add.f32 [tilespmem:s31], [sflag:$0x4], $0x80, s18, s6, $0xb8;
	[tilespmem:$0x1D900] =	vst v63  }
0xc0: {  	_ =	swait.ge [sflag:s17], $0x4000  }
0xc1: {  	[sflag:s17] =	ssyncset.done $0x0  }
0xc2: {  	s19 =	simm.s32 $0x700;
	[sflag:s17] =	ssyncadd.s32 $0xFFFFC000  }
0xc3: {  	[tilespmem:s31], [sflag:$0x1] =	stream.indirect.gather [hbm4b:s1+s6], $0x80, s19, s6, $0xb8;
	[tilespmem:$0x1D900] =	vst v63  }
0xc4: {  	_ =	swait.ge [sflag:s10], $0x4000  }
0xc5: {  	[sflag:s10] =	ssyncset.done $0x0  }
0xc6: {  	s14 =	simm.s32 $0x1680;
	[sflag:s10] =	ssyncadd.s32 $0xFFFFC000  }
0xc7: {  	[spmem:s2] =	stream.indirect.scatter.add.f32 [tilespmem:s7], [sflag:$0x4], $0x80, s14, s6, $0xb8;
	[tilespmem:$0x1D900] =	vst v63  }
0xc8: {  	_ =	swait.ge [sflag:s17], $0x4000  }
0xc9: {  	[sflag:s17] =	ssyncset.done $0x0  }
0xca: {  	s15 =	simm.s32 $0x780;
	[sflag:s17] =	ssyncadd.s32 $0xFFFFC000  }
0xcb: {  	[tilespmem:s7], [sflag:$0x2] =	stream.indirect.gather [hbm4b:s1+s6], $0x80, s15, s6, $0xb8;
	[tilespmem:$0x1D900] =	vst v63  }
0xcc: {  	_ =	swait.ge [sflag:s8], $0x4000  }
0xcd: {  	[sflag:s8] =	ssyncset.done $0x0  }
0xce: {  	s16 =	simm.s32 $0x1700;
	[sflag:s8] =	ssyncadd.s32 $0xFFFFC000  }
0xcf: {  	[spmem:s2] =	stream.indirect.scatter.add.f32 [tilespmem:s31], [sflag:$0x4], $0x80, s16, s6, $0xb8;
	[tilespmem:$0x1D900] =	vst v63  }
0xd0: {  	_ =	swait.ge [sflag:s17], $0x4000  }
0xd1: {  	[sflag:s17] =	ssyncset.done $0x0  }
0xd2: {  	[sflag:s17] =	ssyncadd.s32 $0xFFFFC000  }
0xd3: {  	_ =	swait.ge [sflag:s10], $0x4000  }
0xd4: {  	[sflag:s10] =	ssyncset.done $0x0  }
0xd5: {  	s18 =	simm.s32 $0x1780;
	[sflag:s10] =	ssyncadd.s32 $0xFFFFC000  }
0xd6: {  	[spmem:s2] =	stream.indirect.scatter.add.f32 [tilespmem:s7], [sflag:$0x4], $0x80, s18, s6, $0xb8;
	[tilespmem:$0x1D900] =	vst v63  }
0xd7: {  	_ =	swait.ge [sflag:s17], $0x4000  }
0xd8: {  	[sflag:s17] =	ssyncset.done $0x0  }
0xd9: {  	[sflag:s17] =	ssyncadd.s32 $0xFFFFC000  }
0xda: {  	_ =	swait.ge [sflag:s0], $0x800  }
0xdb: {  	[sflag:s0] =	ssyncset.done $0x0  }
0xdc: {  	[sflag:s0] =	ssyncadd.s32 $0xFFFFF800  }
0xdd: {  	_ =	swait.ge [sflag:s0], $0x800  }
0xde: {  	[sflag:s0] =	ssyncset.done $0x0  }
0xdf: {  	s19 =	rddreg [dreg:$0x8];
	[sflag:s0] =	ssyncadd.s32 $0xFFFFF800  }
0xe0: {  	[tilespmem:s3], [sflag:$0x3] =	stream.linear.gather [hbm4b:s19+s3], $0x800, $0x38;
	[tilespmem:$0x1D900] =	vst v63  }
0xe1: {  	s9 =	rddreg [dreg:$0x9]  }
0xe2: {  	[tilespmem:s4], [sflag:$0x3] =	stream.linear.gather [hbm4b:s9+s3], $0x800, $0x38;
	[tilespmem:$0x1D900] =	vst v63  }
0xe3: {  	_ = 	snop  }
0xe4: {  	[tilespmem:s31], [sflag:$0x1] =	stream.indirect.gather [hbm4b:s1+s6], $0x80, s5, s6, $0xb8;
	[tilespmem:$0x1D900] =	vst v63  }
0xe5: {  	s9 =	simm.s32 $0x880  }
0xe6: {  	[tilespmem:s7], [sflag:$0x2] =	stream.indirect.gather [hbm4b:s1+s6], $0x80, s9, s6, $0xb8;
	[tilespmem:$0x1D900] =	vst v63  }
0xe7: {  	_ =	swait.ge [sflag:s8], $0x4000  }
0xe8: {  	[sflag:s8] =	ssyncset.done $0x0  }
0xe9: {  	[sflag:s8] =	ssyncadd.s32 $0xFFFFC000  }
0xea: {  	[spmem:s2] =	stream.indirect.scatter.add.f32 [tilespmem:s31], [sflag:$0x4], $0x80, s29, s6, $0xb8;
	[tilespmem:$0x1D900] =	vst v63  }
0xeb: {  	_ =	swait.ge [sflag:s17], $0x4000  }
0xec: {  	[sflag:s17] =	ssyncset.done $0x0  }
0xed: {  	[sflag:s17] =	ssyncadd.s32 $0xFFFFC000  }
0xee: {  	[tilespmem:s31], [sflag:$0x1] =	stream.indirect.gather [hbm4b:s1+s6], $0x80, s11, s6, $0xb8;
	[tilespmem:$0x1D900] =	vst v63  }
0xef: {  	_ =	swait.ge [sflag:s10], $0x4000  }
0xf0: {  	[sflag:s10] =	ssyncset.done $0x0  }
0xf1: {  	[sflag:s10] =	ssyncadd.s32 $0xFFFFC000  }
0xf2: {  	[spmem:s2] =	stream.indirect.scatter.add.f32 [tilespmem:s7], [sflag:$0x4], $0x80, s12, s6, $0xb8;
	[tilespmem:$0x1D900] =	vst v63  }
0xf3: {  	_ =	swait.ge [sflag:s17], $0x4000  }
0xf4: {  	[sflag:s17] =	ssyncset.done $0x0  }
0xf5: {  	s14 =	simm.s32 $0x980;
	[sflag:s17] =	ssyncadd.s32 $0xFFFFC000  }
0xf6: {  	[tilespmem:s7], [sflag:$0x2] =	stream.indirect.gather [hbm4b:s1+s6], $0x80, s14, s6, $0xb8;
	[tilespmem:$0x1D900] =	vst v63  }
0xf7: {  	_ =	swait.ge [sflag:s8], $0x4000  }
0xf8: {  	[sflag:s8] =	ssyncset.done $0x0  }
0xf9: {  	s15 =	simm.s32 $0x1900;
	[sflag:s8] =	ssyncadd.s32 $0xFFFFC000  }
0xfa: {  	[spmem:s2] =	stream.indirect.scatter.add.f32 [tilespmem:s31], [sflag:$0x4], $0x80, s15, s6, $0xb8;
	[tilespmem:$0x1D900] =	vst v63  }
0xfb: {  	_ =	swait.ge [sflag:s17], $0x4000  }
0xfc: {  	[sflag:s17] =	ssyncset.done $0x0  }
0xfd: {  	s18 =	simm.s32 $0xA00;
	[sflag:s17] =	ssyncadd.s32 $0xFFFFC000  }
0xfe: {  	[tilespmem:s31], [sflag:$0x1] =	stream.indirect.gather [hbm4b:s1+s6], $0x80, s18, s6, $0xb8;
	[tilespmem:$0x1D900] =	vst v63  }
0xff: {  	_ =	swait.ge [sflag:s10], $0x4000  }
0x100: {  	[sflag:s10] =	ssyncset.done $0x0  }
0x101: {  	s19 =	simm.s32 $0x1980;
	[sflag:s10] =	ssyncadd.s32 $0xFFFFC000  }
0x102: {  	[spmem:s2] =	stream.indirect.scatter.add.f32 [tilespmem:s7], [sflag:$0x4], $0x80, s19, s6, $0xb8;
	[tilespmem:$0x1D900] =	vst v63  }
0x103: {  	_ =	swait.ge [sflag:s17], $0x4000  }
0x104: {  	[sflag:s17] =	ssyncset.done $0x0  }
0x105: {  	[sflag:s17] =	ssyncadd.s32 $0xFFFFC000  }
0x106: {  	[tilespmem:s7], [sflag:$0x2] =	stream.indirect.gather [hbm4b:s1+s6], $0x80, s20, s6, $0xb8;
	[tilespmem:$0x1D900] =	vst v63  }
0x107: {  	_ =	swait.ge [sflag:s8], $0x4000  }
0x108: {  	[sflag:s8] =	ssyncset.done $0x0  }
0x109: {  	[sflag:s8] =	ssyncadd.s32 $0xFFFFC000  }
0x10a: {  	[spmem:s2] =	stream.indirect.scatter.add.f32 [tilespmem:s31], [sflag:$0x4], $0x80, s21, s6, $0xb8;
	[tilespmem:$0x1D900] =	vst v63  }
0x10b: {  	_ =	swait.ge [sflag:s17], $0x4000  }
0x10c: {  	[sflag:s17] =	ssyncset.done $0x0  }
0x10d: {  	[sflag:s17] =	ssyncadd.s32 $0xFFFFC000  }
0x10e: {  	[tilespmem:s31], [sflag:$0x1] =	stream.indirect.gather [hbm4b:s1+s6], $0x80, s22, s6, $0xb8;
	[tilespmem:$0x1D900] =	vst v63  }
0x10f: {  	_ =	swait.ge [sflag:s10], $0x4000  }
0x110: {  	[sflag:s10] =	ssyncset.done $0x0  }
0x111: {  	[sflag:s10] =	ssyncadd.s32 $0xFFFFC000  }
0x112: {  	[spmem:s2] =	stream.indirect.scatter.add.f32 [tilespmem:s7], [sflag:$0x4], $0x80, s23, s6, $0xb8;
	[tilespmem:$0x1D900] =	vst v63  }
0x113: {  	_ =	swait.ge [sflag:s17], $0x4000  }
0x114: {  	[sflag:s17] =	ssyncset.done $0x0  }
0x115: {  	[sflag:s17] =	ssyncadd.s32 $0xFFFFC000  }
0x116: {  	[tilespmem:s7], [sflag:$0x2] =	stream.indirect.gather [hbm4b:s1+s6], $0x80, s24, s6, $0xb8;
	[tilespmem:$0x1D900] =	vst v63  }
0x117: {  	_ =	swait.ge [sflag:s8], $0x4000  }
0x118: {  	[sflag:s8] =	ssyncset.done $0x0  }
0x119: {  	[sflag:s8] =	ssyncadd.s32 $0xFFFFC000  }
0x11a: {  	[spmem:s2] =	stream.indirect.scatter.add.f32 [tilespmem:s31], [sflag:$0x4], $0x80, s25, s6, $0xb8;
	[tilespmem:$0x1D900] =	vst v63  }
0x11b: {  	_ =	swait.ge [sflag:s17], $0x4000  }
0x11c: {  	[sflag:s17] =	ssyncset.done $0x0  }
0x11d: {  	[sflag:s17] =	ssyncadd.s32 $0xFFFFC000  }
0x11e: {  	[tilespmem:s31], [sflag:$0x1] =	stream.indirect.gather [hbm4b:s1+s6], $0x80, s26, s6, $0xb8;
	[tilespmem:$0x1D900] =	vst v63  }
0x11f: {  	_ =	swait.ge [sflag:s10], $0x4000  }
0x120: {  	[sflag:s10] =	ssyncset.done $0x0  }
0x121: {  	[sflag:s10] =	ssyncadd.s32 $0xFFFFC000  }
0x122: {  	[spmem:s2] =	stream.indirect.scatter.add.f32 [tilespmem:s7], [sflag:$0x4], $0x80, s28, s6, $0xb8;
	[tilespmem:$0x1D900] =	vst v63  }
0x123: {  	_ =	swait.ge [sflag:s17], $0x4000  }
0x124: {  	[sflag:s17] =	ssyncset.done $0x0  }
0x125: {  	[sflag:s17] =	ssyncadd.s32 $0xFFFFC000  }
0x126: {  	[tilespmem:s7], [sflag:$0x2] =	stream.indirect.gather [hbm4b:s1+s6], $0x80, s30, s6, $0xb8;
	[tilespmem:$0x1D900] =	vst v63  }
0x127: {  	_ =	swait.ge [sflag:s8], $0x4000  }
0x128: {  	[sflag:s8] =	ssyncset.done $0x0  }
0x129: {  	s16 =	simm.s32 $0x1C00;
	[sflag:s8] =	ssyncadd.s32 $0xFFFFC000  }
0x12a: {  	[spmem:s2] =	stream.indirect.scatter.add.f32 [tilespmem:s31], [sflag:$0x4], $0x80, s16, s6, $0xb8;
	[tilespmem:$0x1D900] =	vst v63  }
0x12b: {  	_ =	swait.ge [sflag:s17], $0x4000  }
0x12c: {  	[sflag:s17] =	ssyncset.done $0x0  }
0x12d: {  	s16 =	simm.s32 $0xD00;
	[sflag:s17] =	ssyncadd.s32 $0xFFFFC000  }
0x12e: {  	[tilespmem:s31], [sflag:$0x1] =	stream.indirect.gather [hbm4b:s1+s6], $0x80, s16, s6, $0xb8;
	[tilespmem:$0x1D900] =	vst v63  }
0x12f: {  	_ =	swait.ge [sflag:s10], $0x4000  }
0x130: {  	[sflag:s10] =	ssyncset.done $0x0  }
0x131: {  	s16 =	simm.s32 $0x1C80;
	[sflag:s10] =	ssyncadd.s32 $0xFFFFC000  }
0x132: {  	[spmem:s2] =	stream.indirect.scatter.add.f32 [tilespmem:s7], [sflag:$0x4], $0x80, s16, s6, $0xb8;
	[tilespmem:$0x1D900] =	vst v63  }
0x133: {  	_ =	swait.ge [sflag:s17], $0x4000  }
0x134: {  	[sflag:s17] =	ssyncset.done $0x0  }
0x135: {  	s16 =	simm.s32 $0xD80;
	[sflag:s17] =	ssyncadd.s32 $0xFFFFC000  }
0x136: {  	[tilespmem:s7], [sflag:$0x2] =	stream.indirect.gather [hbm4b:s1+s6], $0x80, s16, s6, $0xb8;
	[tilespmem:$0x1D900] =	vst v63  }
0x137: {  	_ =	swait.ge [sflag:s8], $0x4000  }
0x138: {  	[sflag:s8] =	ssyncset.done $0x0  }
0x139: {  	s16 =	simm.s32 $0x1D00;
	[sflag:s8] =	ssyncadd.s32 $0xFFFFC000  }
0x13a: {  	[spmem:s2] =	stream.indirect.scatter.add.f32 [tilespmem:s31], [sflag:$0x4], $0x80, s16, s6, $0xb8;
	[tilespmem:$0x1D900] =	vst v63  }
0x13b: {  	_ =	swait.ge [sflag:s17], $0x4000  }
0x13c: {  	[sflag:s17] =	ssyncset.done $0x0  }
0x13d: {  	s16 =	simm.s32 $0xE00;
	[sflag:s17] =	ssyncadd.s32 $0xFFFFC000  }
0x13e: {  	[tilespmem:s31], [sflag:$0x1] =	stream.indirect.gather [hbm4b:s1+s6], $0x80, s16, s6, $0xb8;
	[tilespmem:$0x1D900] =	vst v63  }
0x13f: {  	_ =	swait.ge [sflag:s10], $0x4000  }
0x140: {  	[sflag:s10] =	ssyncset.done $0x0  }
0x141: {  	s16 =	simm.s32 $0x1D80;
	[sflag:s10] =	ssyncadd.s32 $0xFFFFC000  }
0x142: {  	[spmem:s2] =	stream.indirect.scatter.add.f32 [tilespmem:s7], [sflag:$0x4], $0x80, s16, s6, $0xb8;
	[tilespmem:$0x1D900] =	vst v63  }
0x143: {  	_ =	swait.ge [sflag:s17], $0x4000  }
0x144: {  	[sflag:s17] =	ssyncset.done $0x0  }
0x145: {  	s16 =	simm.s32 $0xE80;
	[sflag:s17] =	ssyncadd.s32 $0xFFFFC000  }
0x146: {  	[tilespmem:s7], [sflag:$0x2] =	stream.indirect.gather [hbm4b:s1+s6], $0x80, s16, s6, $0xb8;
	[tilespmem:$0x1D900] =	vst v63  }
0x147: {  	_ =	swait.ge [sflag:s8], $0x4000  }
0x148: {  	[sflag:s8] =	ssyncset.done $0x0  }
0x149: {  	s16 =	simm.s32 $0x1E00;
	[sflag:s8] =	ssyncadd.s32 $0xFFFFC000  }
0x14a: {  	[spmem:s2] =	stream.indirect.scatter.add.f32 [tilespmem:s31], [sflag:$0x4], $0x80, s16, s6, $0xb8;
	[tilespmem:$0x1D900] =	vst v63  }
0x14b: {  	_ =	swait.ge [sflag:s17], $0x4000  }
0x14c: {  	[sflag:s17] =	ssyncset.done $0x0  }
0x14d: {  	s16 =	simm.s32 $0xF00;
	[sflag:s17] =	ssyncadd.s32 $0xFFFFC000  }
0x14e: {  	[tilespmem:s31], [sflag:$0x1] =	stream.indirect.gather [hbm4b:s1+s6], $0x80, s16, s6, $0xb8;
	[tilespmem:$0x1D900] =	vst v63  }
0x14f: {  	_ =	swait.ge [sflag:s10], $0x4000  }
0x150: {  	[sflag:s10] =	ssyncset.done $0x0  }
0x151: {  	s16 =	simm.s32 $0x1E80;
	[sflag:s10] =	ssyncadd.s32 $0xFFFFC000  }
0x152: {  	[spmem:s2] =	stream.indirect.scatter.add.f32 [tilespmem:s7], [sflag:$0x4], $0x80, s16, s6, $0xb8;
	[tilespmem:$0x1D900] =	vst v63  }
0x153: {  	_ =	swait.ge [sflag:s17], $0x4000  }
0x154: {  	[sflag:s17] =	ssyncset.done $0x0  }
0x155: {  	s16 =	simm.s32 $0xF80;
	[sflag:s17] =	ssyncadd.s32 $0xFFFFC000  }
0x156: {  	[tilespmem:s7], [sflag:$0x2] =	stream.indirect.gather [hbm4b:s1+s6], $0x80, s16, s6, $0xb8;
	[tilespmem:$0x1D900] =	vst v63  }
0x157: {  	_ =	swait.ge [sflag:s8], $0x4000  }
0x158: {  	[sflag:s8] =	ssyncset.done $0x0  }
0x159: {  	s16 =	simm.s32 $0x1F00;
	[sflag:s8] =	ssyncadd.s32 $0xFFFFC000  }
0x15a: {  	[spmem:s2] =	stream.indirect.scatter.add.f32 [tilespmem:s31], [sflag:$0x4], $0x80, s16, s6, $0xb8;
	[tilespmem:$0x1D900] =	vst v63  }
0x15b: {  	_ =	swait.ge [sflag:s17], $0x4000  }
0x15c: {  	[sflag:s17] =	ssyncset.done $0x0  }
0x15d: {  	[sflag:s17] =	ssyncadd.s32 $0xFFFFC000  }
0x15e: {  	_ =	swait.ge [sflag:s10], $0x4000  }
0x15f: {  	[sflag:s10] =	ssyncset.done $0x0  }
0x160: {  	s16 =	simm.s32 $0x1F80;
	[sflag:s10] =	ssyncadd.s32 $0xFFFFC000  }
0x161: {  	[spmem:s2] =	stream.indirect.scatter.add.f32 [tilespmem:s7], [sflag:$0x4], $0x80, s16, s6, $0xb8;
	[tilespmem:$0x1D900] =	vst v63  }
0x162: {  	_ =	swait.ge [sflag:s17], $0x4000  }
0x163: {  	[sflag:s17] =	ssyncset.done $0x0  }
0x164: {  	[sflag:s17] =	ssyncadd.s32 $0xFFFFC000  }
0x165: {  	_ =	swait.ge [sflag:s0], $0x800  }
0x166: {  	[sflag:s0] =	ssyncset.done $0x0  }
0x167: {  	[sflag:s0] =	ssyncadd.s32 $0xFFFFF800  }
0x168: {  	_ =	swait.ge [sflag:s0], $0x800  }
0x169: {  	[sflag:s0] =	ssyncset.done $0x0  }
0x16a: {  	s16 =	rddreg [dreg:$0xa];
	[sflag:s0] =	ssyncadd.s32 $0xFFFFF800  }
0x16b: {  	[tilespmem:s5], [sflag:$0x3] =	stream.linear.gather [hbm4b:s16+s3], $0x800, $0x38;
	[tilespmem:$0x1D900] =	vst v63  }
0x16c: {  	s16 =	rddreg [dreg:$0xb]  }
0x16d: {  	[tilespmem:s29], [sflag:$0x3] =	stream.linear.gather [hbm4b:s16+s3], $0x800, $0x38;
	[tilespmem:$0x1D900] =	vst v63  }
0x16e: {  	_ = 	snop  }
0x16f: {  	[tilespmem:s31], [sflag:$0x1] =	stream.indirect.gather [hbm4b:s1+s6], $0x80, s3, s6, $0xb8;
	[tilespmem:$0x1D900] =	vst v63  }
0x170: {  	_ = 	snop  }
0x171: {  	[tilespmem:s7], [sflag:$0x2] =	stream.indirect.gather [hbm4b:s1+s6], $0x80, s6, s6, $0xb8;
	[tilespmem:$0x1D900] =	vst v63  }
0x172: {  	_ =	swait.ge [sflag:s8], $0x4000  }
0x173: {  	[sflag:s8] =	ssyncset.done $0x0  }
0x174: {  	[sflag:s8] =	ssyncadd.s32 $0xFFFFC000  }
0x175: {  	[spmem:s2] =	stream.indirect.scatter.add.f32 [tilespmem:s31], [sflag:$0x4], $0x80, s4, s6, $0xb8;
	[tilespmem:$0x1D900] =	vst v63  }
0x176: {  	_ =	swait.ge [sflag:s17], $0x4000  }
0x177: {  	[sflag:s17] =	ssyncset.done $0x0  }
0x178: {  	s16 =	simm.s32 $0x100;
	[sflag:s17] =	ssyncadd.s32 $0xFFFFC000  }
0x179: {  	[tilespmem:s31], [sflag:$0x1] =	stream.indirect.gather [hbm4b:s1+s6], $0x80, s16, s6, $0xb8;
	[tilespmem:$0x1D900] =	vst v63  }
0x17a: {  	_ =	swait.ge [sflag:s10], $0x4000  }
0x17b: {  	[sflag:s10] =	ssyncset.done $0x0  }
0x17c: {  	s16 =	simm.s32 $0x1080;
	[sflag:s10] =	ssyncadd.s32 $0xFFFFC000  }
0x17d: {  	[spmem:s2] =	stream.indirect.scatter.add.f32 [tilespmem:s7], [sflag:$0x4], $0x80, s16, s6, $0xb8;
	[tilespmem:$0x1D900] =	vst v63  }
0x17e: {  	_ =	swait.ge [sflag:s17], $0x4000  }
0x17f: {  	[sflag:s17] =	ssyncset.done $0x0  }
0x180: {  	s16 =	simm.s32 $0x180;
	[sflag:s17] =	ssyncadd.s32 $0xFFFFC000  }
0x181: {  	[tilespmem:s7], [sflag:$0x2] =	stream.indirect.gather [hbm4b:s1+s6], $0x80, s16, s6, $0xb8;
	[tilespmem:$0x1D900] =	vst v63  }
0x182: {  	_ =	swait.ge [sflag:s8], $0x4000  }
0x183: {  	[sflag:s8] =	ssyncset.done $0x0  }
0x184: {  	s16 =	simm.s32 $0x1100;
	[sflag:s8] =	ssyncadd.s32 $0xFFFFC000  }
0x185: {  	[spmem:s2] =	stream.indirect.scatter.add.f32 [tilespmem:s31], [sflag:$0x4], $0x80, s16, s6, $0xb8;
	[tilespmem:$0x1D900] =	vst v63  }
0x186: {  	_ =	swait.ge [sflag:s17], $0x4000  }
0x187: {  	[sflag:s17] =	ssyncset.done $0x0  }
0x188: {  	s16 =	simm.s32 $0x200;
	[sflag:s17] =	ssyncadd.s32 $0xFFFFC000  }
0x189: {  	[tilespmem:s31], [sflag:$0x1] =	stream.indirect.gather [hbm4b:s1+s6], $0x80, s16, s6, $0xb8;
	[tilespmem:$0x1D900] =	vst v63  }
0x18a: {  	_ =	swait.ge [sflag:s10], $0x4000  }
0x18b: {  	[sflag:s10] =	ssyncset.done $0x0  }
0x18c: {  	s16 =	simm.s32 $0x1180;
	[sflag:s10] =	ssyncadd.s32 $0xFFFFC000  }
0x18d: {  	[spmem:s2] =	stream.indirect.scatter.add.f32 [tilespmem:s7], [sflag:$0x4], $0x80, s16, s6, $0xb8;
	[tilespmem:$0x1D900] =	vst v63  }
0x18e: {  	_ =	swait.ge [sflag:s17], $0x4000  }
0x18f: {  	[sflag:s17] =	ssyncset.done $0x0  }
0x190: {  	s16 =	simm.s32 $0x280;
	[sflag:s17] =	ssyncadd.s32 $0xFFFFC000  }
0x191: {  	[tilespmem:s7], [sflag:$0x2] =	stream.indirect.gather [hbm4b:s1+s6], $0x80, s16, s6, $0xb8;
	[tilespmem:$0x1D900] =	vst v63  }
0x192: {  	_ =	swait.ge [sflag:s8], $0x4000  }
0x193: {  	[sflag:s8] =	ssyncset.done $0x0  }
0x194: {  	s16 =	simm.s32 $0x1200;
	[sflag:s8] =	ssyncadd.s32 $0xFFFFC000  }
0x195: {  	[spmem:s2] =	stream.indirect.scatter.add.f32 [tilespmem:s31], [sflag:$0x4], $0x80, s16, s6, $0xb8;
	[tilespmem:$0x1D900] =	vst v63  }
0x196: {  	_ =	swait.ge [sflag:s17], $0x4000  }
0x197: {  	[sflag:s17] =	ssyncset.done $0x0  }
0x198: {  	s16 =	simm.s32 $0x300;
	[sflag:s17] =	ssyncadd.s32 $0xFFFFC000  }
0x199: {  	[tilespmem:s31], [sflag:$0x1] =	stream.indirect.gather [hbm4b:s1+s6], $0x80, s16, s6, $0xb8;
	[tilespmem:$0x1D900] =	vst v63  }
0x19a: {  	_ =	swait.ge [sflag:s10], $0x4000  }
0x19b: {  	[sflag:s10] =	ssyncset.done $0x0  }
0x19c: {  	s16 =	simm.s32 $0x1280;
	[sflag:s10] =	ssyncadd.s32 $0xFFFFC000  }
0x19d: {  	[spmem:s2] =	stream.indirect.scatter.add.f32 [tilespmem:s7], [sflag:$0x4], $0x80, s16, s6, $0xb8;
	[tilespmem:$0x1D900] =	vst v63  }
0x19e: {  	_ =	swait.ge [sflag:s17], $0x4000  }
0x19f: {  	[sflag:s17] =	ssyncset.done $0x0  }
0x1a0: {  	s16 =	simm.s32 $0x380;
	[sflag:s17] =	ssyncadd.s32 $0xFFFFC000  }
0x1a1: {  	[tilespmem:s7], [sflag:$0x2] =	stream.indirect.gather [hbm4b:s1+s6], $0x80, s16, s6, $0xb8;
	[tilespmem:$0x1D900] =	vst v63  }
0x1a2: {  	_ =	swait.ge [sflag:s8], $0x4000  }
0x1a3: {  	[sflag:s8] =	ssyncset.done $0x0  }
0x1a4: {  	s16 =	simm.s32 $0x1300;
	[sflag:s8] =	ssyncadd.s32 $0xFFFFC000  }
0x1a5: {  	[spmem:s2] =	stream.indirect.scatter.add.f32 [tilespmem:s31], [sflag:$0x4], $0x80, s16, s6, $0xb8;
	[tilespmem:$0x1D900] =	vst v63  }
0x1a6: {  	_ =	swait.ge [sflag:s17], $0x4000  }
0x1a7: {  	[sflag:s17] =	ssyncset.done $0x0  }
0x1a8: {  	s16 =	simm.s32 $0x400;
	[sflag:s17] =	ssyncadd.s32 $0xFFFFC000  }
0x1a9: {  	[tilespmem:s31], [sflag:$0x1] =	stream.indirect.gather [hbm4b:s1+s6], $0x80, s16, s6, $0xb8;
	[tilespmem:$0x1D900] =	vst v63  }
0x1aa: {  	_ =	swait.ge [sflag:s10], $0x4000  }
0x1ab: {  	[sflag:s10] =	ssyncset.done $0x0  }
0x1ac: {  	s16 =	simm.s32 $0x1380;
	[sflag:s10] =	ssyncadd.s32 $0xFFFFC000  }
0x1ad: {  	[spmem:s2] =	stream.indirect.scatter.add.f32 [tilespmem:s7], [sflag:$0x4], $0x80, s16, s6, $0xb8;
	[tilespmem:$0x1D900] =	vst v63  }
0x1ae: {  	_ =	swait.ge [sflag:s17], $0x4000  }
0x1af: {  	[sflag:s17] =	ssyncset.done $0x0  }
0x1b0: {  	s16 =	simm.s32 $0x480;
	[sflag:s17] =	ssyncadd.s32 $0xFFFFC000  }
0x1b1: {  	[tilespmem:s7], [sflag:$0x2] =	stream.indirect.gather [hbm4b:s1+s6], $0x80, s16, s6, $0xb8;
	[tilespmem:$0x1D900] =	vst v63  }
0x1b2: {  	_ =	swait.ge [sflag:s8], $0x4000  }
0x1b3: {  	[sflag:s8] =	ssyncset.done $0x0  }
0x1b4: {  	s16 =	simm.s32 $0x1400;
	[sflag:s8] =	ssyncadd.s32 $0xFFFFC000  }
0x1b5: {  	[spmem:s2] =	stream.indirect.scatter.add.f32 [tilespmem:s31], [sflag:$0x4], $0x80, s16, s6, $0xb8;
	[tilespmem:$0x1D900] =	vst v63  }
0x1b6: {  	_ =	swait.ge [sflag:s17], $0x4000  }
0x1b7: {  	[sflag:s17] =	ssyncset.done $0x0  }
0x1b8: {  	s16 =	simm.s32 $0x500;
	[sflag:s17] =	ssyncadd.s32 $0xFFFFC000  }
0x1b9: {  	[tilespmem:s31], [sflag:$0x1] =	stream.indirect.gather [hbm4b:s1+s6], $0x80, s16, s6, $0xb8;
	[tilespmem:$0x1D900] =	vst v63  }
0x1ba: {  	_ =	swait.ge [sflag:s10], $0x4000  }
0x1bb: {  	[sflag:s10] =	ssyncset.done $0x0  }
0x1bc: {  	s16 =	simm.s32 $0x1480;
	[sflag:s10] =	ssyncadd.s32 $0xFFFFC000  }
0x1bd: {  	[spmem:s2] =	stream.indirect.scatter.add.f32 [tilespmem:s7], [sflag:$0x4], $0x80, s16, s6, $0xb8;
	[tilespmem:$0x1D900] =	vst v63  }
0x1be: {  	_ =	swait.ge [sflag:s17], $0x4000  }
0x1bf: {  	[sflag:s17] =	ssyncset.done $0x0  }
0x1c0: {  	s16 =	simm.s32 $0x580;
	[sflag:s17] =	ssyncadd.s32 $0xFFFFC000  }
0x1c1: {  	[tilespmem:s7], [sflag:$0x2] =	stream.indirect.gather [hbm4b:s1+s6], $0x80, s16, s6, $0xb8;
	[tilespmem:$0x1D900] =	vst v63  }
0x1c2: {  	_ =	swait.ge [sflag:s8], $0x4000  }
0x1c3: {  	[sflag:s8] =	ssyncset.done $0x0  }
0x1c4: {  	s16 =	simm.s32 $0x1500;
	[sflag:s8] =	ssyncadd.s32 $0xFFFFC000  }
0x1c5: {  	[spmem:s2] =	stream.indirect.scatter.add.f32 [tilespmem:s31], [sflag:$0x4], $0x80, s16, s6, $0xb8;
	[tilespmem:$0x1D900] =	vst v63  }
0x1c6: {  	_ =	swait.ge [sflag:s17], $0x4000  }
0x1c7: {  	[sflag:s17] =	ssyncset.done $0x0  }
0x1c8: {  	s16 =	simm.s32 $0x600;
	[sflag:s17] =	ssyncadd.s32 $0xFFFFC000  }
0x1c9: {  	[tilespmem:s31], [sflag:$0x1] =	stream.indirect.gather [hbm4b:s1+s6], $0x80, s16, s6, $0xb8;
	[tilespmem:$0x1D900] =	vst v63  }
0x1ca: {  	_ =	swait.ge [sflag:s10], $0x4000  }
0x1cb: {  	[sflag:s10] =	ssyncset.done $0x0  }
0x1cc: {  	s16 =	simm.s32 $0x1580;
	[sflag:s10] =	ssyncadd.s32 $0xFFFFC000  }
0x1cd: {  	[spmem:s2] =	stream.indirect.scatter.add.f32 [tilespmem:s7], [sflag:$0x4], $0x80, s16, s6, $0xb8;
	[tilespmem:$0x1D900] =	vst v63  }
0x1ce: {  	_ =	swait.ge [sflag:s17], $0x4000  }
0x1cf: {  	[sflag:s17] =	ssyncset.done $0x0  }
0x1d0: {  	s16 =	simm.s32 $0x680;
	[sflag:s17] =	ssyncadd.s32 $0xFFFFC000  }
0x1d1: {  	[tilespmem:s7], [sflag:$0x2] =	stream.indirect.gather [hbm4b:s1+s6], $0x80, s16, s6, $0xb8;
	[tilespmem:$0x1D900] =	vst v63  }
0x1d2: {  	_ =	swait.ge [sflag:s8], $0x4000  }
0x1d3: {  	[sflag:s8] =	ssyncset.done $0x0  }
0x1d4: {  	s16 =	simm.s32 $0x1600;
	[sflag:s8] =	ssyncadd.s32 $0xFFFFC000  }
0x1d5: {  	[spmem:s2] =	stream.indirect.scatter.add.f32 [tilespmem:s31], [sflag:$0x4], $0x80, s16, s6, $0xb8;
	[tilespmem:$0x1D900] =	vst v63  }
0x1d6: {  	_ =	swait.ge [sflag:s17], $0x4000  }
0x1d7: {  	[sflag:s17] =	ssyncset.done $0x0  }
0x1d8: {  	s16 =	simm.s32 $0x700;
	[sflag:s17] =	ssyncadd.s32 $0xFFFFC000  }
0x1d9: {  	[tilespmem:s31], [sflag:$0x1] =	stream.indirect.gather [hbm4b:s1+s6], $0x80, s16, s6, $0xb8;
	[tilespmem:$0x1D900] =	vst v63  }
0x1da: {  	_ =	swait.ge [sflag:s10], $0x4000  }
0x1db: {  	[sflag:s10] =	ssyncset.done $0x0  }
0x1dc: {  	s16 =	simm.s32 $0x1680;
	[sflag:s10] =	ssyncadd.s32 $0xFFFFC000  }
0x1dd: {  	[spmem:s2] =	stream.indirect.scatter.add.f32 [tilespmem:s7], [sflag:$0x4], $0x80, s16, s6, $0xb8;
	[tilespmem:$0x1D900] =	vst v63  }
0x1de: {  	_ =	swait.ge [sflag:s17], $0x4000  }
0x1df: {  	[sflag:s17] =	ssyncset.done $0x0  }
0x1e0: {  	s16 =	simm.s32 $0x780;
	[sflag:s17] =	ssyncadd.s32 $0xFFFFC000  }
0x1e1: {  	[tilespmem:s7], [sflag:$0x2] =	stream.indirect.gather [hbm4b:s1+s6], $0x80, s16, s6, $0xb8;
	[tilespmem:$0x1D900] =	vst v63  }
0x1e2: {  	_ =	swait.ge [sflag:s8], $0x4000  }
0x1e3: {  	[sflag:s8] =	ssyncset.done $0x0  }
0x1e4: {  	s16 =	simm.s32 $0x1700;
	[sflag:s8] =	ssyncadd.s32 $0xFFFFC000  }
0x1e5: {  	[spmem:s2] =	stream.indirect.scatter.add.f32 [tilespmem:s31], [sflag:$0x4], $0x80, s16, s6, $0xb8;
	[tilespmem:$0x1D900] =	vst v63  }
0x1e6: {  	_ =	swait.ge [sflag:s17], $0x4000  }
0x1e7: {  	[sflag:s17] =	ssyncset.done $0x0  }
0x1e8: {  	[sflag:s17] =	ssyncadd.s32 $0xFFFFC000  }
0x1e9: {  	_ =	swait.ge [sflag:s10], $0x4000  }
0x1ea: {  	[sflag:s10] =	ssyncset.done $0x0  }
0x1eb: {  	s16 =	simm.s32 $0x1780;
	[sflag:s10] =	ssyncadd.s32 $0xFFFFC000  }
0x1ec: {  	[spmem:s2] =	stream.indirect.scatter.add.f32 [tilespmem:s7], [sflag:$0x4], $0x80, s16, s6, $0xb8;
	[tilespmem:$0x1D900] =	vst v63  }
0x1ed: {  	_ =	swait.ge [sflag:s17], $0x4000  }
0x1ee: {  	[sflag:s17] =	ssyncset.done $0x0  }
0x1ef: {  	[sflag:s17] =	ssyncadd.s32 $0xFFFFC000  }
0x1f0: {  	_ =	swait.ge [sflag:s0], $0x800  }
0x1f1: {  	[sflag:s0] =	ssyncset.done $0x0  }
0x1f2: {  	[sflag:s0] =	ssyncadd.s32 $0xFFFFF800  }
0x1f3: {  	_ =	swait.ge [sflag:s0], $0x800  }
0x1f4: {  	[sflag:s0] =	ssyncset.done $0x0  }
0x1f5: {  	s16 =	rddreg [dreg:$0xc];
	[sflag:s0] =	ssyncadd.s32 $0xFFFFF800  }
0x1f6: {  	[tilespmem:s3], [sflag:$0x3] =	stream.linear.gather [hbm4b:s16+s3], $0x800, $0x38;
	[tilespmem:$0x1D900] =	vst v63  }
0x1f7: {  	s16 =	rddreg [dreg:$0xd]  }
0x1f8: {  	[tilespmem:s4], [sflag:$0x3] =	stream.linear.gather [hbm4b:s16+s3], $0x800, $0x38;
	[tilespmem:$0x1D900] =	vst v63  }
0x1f9: {  	_ = 	snop  }
0x1fa: {  	[tilespmem:s31], [sflag:$0x1] =	stream.indirect.gather [hbm4b:s1+s6], $0x80, s5, s6, $0xb8;
	[tilespmem:$0x1D900] =	vst v63  }
0x1fb: {  	_ = 	snop  }
0x1fc: {  	[tilespmem:s7], [sflag:$0x2] =	stream.indirect.gather [hbm4b:s1+s6], $0x80, s9, s6, $0xb8;
	[tilespmem:$0x1D900] =	vst v63  }
0x1fd: {  	_ =	swait.ge [sflag:s8], $0x4000  }
0x1fe: {  	[sflag:s8] =	ssyncset.done $0x0  }
0x1ff: {  	[sflag:s8] =	ssyncadd.s32 $0xFFFFC000  }
0x200: {  	[spmem:s2] =	stream.indirect.scatter.add.f32 [tilespmem:s31], [sflag:$0x4], $0x80, s29, s6, $0xb8;
	[tilespmem:$0x1D900] =	vst v63  }
0x201: {  	_ =	swait.ge [sflag:s17], $0x4000  }
0x202: {  	[sflag:s17] =	ssyncset.done $0x0  }
0x203: {  	[sflag:s17] =	ssyncadd.s32 $0xFFFFC000  }
0x204: {  	[tilespmem:s31], [sflag:$0x1] =	stream.indirect.gather [hbm4b:s1+s6], $0x80, s11, s6, $0xb8;
	[tilespmem:$0x1D900] =	vst v63  }
0x205: {  	_ =	swait.ge [sflag:s10], $0x4000  }
0x206: {  	[sflag:s10] =	ssyncset.done $0x0  }
0x207: {  	[sflag:s10] =	ssyncadd.s32 $0xFFFFC000  }
0x208: {  	[spmem:s2] =	stream.indirect.scatter.add.f32 [tilespmem:s7], [sflag:$0x4], $0x80, s12, s6, $0xb8;
	[tilespmem:$0x1D900] =	vst v63  }
0x209: {  	_ =	swait.ge [sflag:s17], $0x4000  }
0x20a: {  	[sflag:s17] =	ssyncset.done $0x0  }
0x20b: {  	[sflag:s17] =	ssyncadd.s32 $0xFFFFC000  }
0x20c: {  	[tilespmem:s7], [sflag:$0x2] =	stream.indirect.gather [hbm4b:s1+s6], $0x80, s14, s6, $0xb8;
	[tilespmem:$0x1D900] =	vst v63  }
0x20d: {  	_ =	swait.ge [sflag:s8], $0x4000  }
0x20e: {  	[sflag:s8] =	ssyncset.done $0x0  }
0x20f: {  	[sflag:s8] =	ssyncadd.s32 $0xFFFFC000  }
0x210: {  	[spmem:s2] =	stream.indirect.scatter.add.f32 [tilespmem:s31], [sflag:$0x4], $0x80, s15, s6, $0xb8;
	[tilespmem:$0x1D900] =	vst v63  }
0x211: {  	_ =	swait.ge [sflag:s17], $0x4000  }
0x212: {  	[sflag:s17] =	ssyncset.done $0x0  }
0x213: {  	[sflag:s17] =	ssyncadd.s32 $0xFFFFC000  }
0x214: {  	[tilespmem:s31], [sflag:$0x1] =	stream.indirect.gather [hbm4b:s1+s6], $0x80, s18, s6, $0xb8;
	[tilespmem:$0x1D900] =	vst v63  }
0x215: {  	_ =	swait.ge [sflag:s10], $0x4000  }
0x216: {  	[sflag:s10] =	ssyncset.done $0x0  }
0x217: {  	[sflag:s10] =	ssyncadd.s32 $0xFFFFC000  }
0x218: {  	[spmem:s2] =	stream.indirect.scatter.add.f32 [tilespmem:s7], [sflag:$0x4], $0x80, s19, s6, $0xb8;
	[tilespmem:$0x1D900] =	vst v63  }
0x219: {  	_ =	swait.ge [sflag:s17], $0x4000  }
0x21a: {  	[sflag:s17] =	ssyncset.done $0x0  }
0x21b: {  	[sflag:s17] =	ssyncadd.s32 $0xFFFFC000  }
0x21c: {  	[tilespmem:s7], [sflag:$0x2] =	stream.indirect.gather [hbm4b:s1+s6], $0x80, s20, s6, $0xb8;
	[tilespmem:$0x1D900] =	vst v63  }
0x21d: {  	_ =	swait.ge [sflag:s8], $0x4000  }
0x21e: {  	[sflag:s8] =	ssyncset.done $0x0  }
0x21f: {  	[sflag:s8] =	ssyncadd.s32 $0xFFFFC000  }
0x220: {  	[spmem:s2] =	stream.indirect.scatter.add.f32 [tilespmem:s31], [sflag:$0x4], $0x80, s21, s6, $0xb8;
	[tilespmem:$0x1D900] =	vst v63  }
0x221: {  	_ =	swait.ge [sflag:s17], $0x4000  }
0x222: {  	[sflag:s17] =	ssyncset.done $0x0  }
0x223: {  	[sflag:s17] =	ssyncadd.s32 $0xFFFFC000  }
0x224: {  	[tilespmem:s31], [sflag:$0x1] =	stream.indirect.gather [hbm4b:s1+s6], $0x80, s22, s6, $0xb8;
	[tilespmem:$0x1D900] =	vst v63  }
0x225: {  	_ =	swait.ge [sflag:s10], $0x4000  }
0x226: {  	[sflag:s10] =	ssyncset.done $0x0  }
0x227: {  	[sflag:s10] =	ssyncadd.s32 $0xFFFFC000  }
0x228: {  	[spmem:s2] =	stream.indirect.scatter.add.f32 [tilespmem:s7], [sflag:$0x4], $0x80, s23, s6, $0xb8;
	[tilespmem:$0x1D900] =	vst v63  }
0x229: {  	_ =	swait.ge [sflag:s17], $0x4000  }
0x22a: {  	[sflag:s17] =	ssyncset.done $0x0  }
0x22b: {  	[sflag:s17] =	ssyncadd.s32 $0xFFFFC000  }
0x22c: {  	[tilespmem:s7], [sflag:$0x2] =	stream.indirect.gather [hbm4b:s1+s6], $0x80, s24, s6, $0xb8;
	[tilespmem:$0x1D900] =	vst v63  }
0x22d: {  	_ =	swait.ge [sflag:s8], $0x4000  }
0x22e: {  	[sflag:s8] =	ssyncset.done $0x0  }
0x22f: {  	[sflag:s8] =	ssyncadd.s32 $0xFFFFC000  }
0x230: {  	[spmem:s2] =	stream.indirect.scatter.add.f32 [tilespmem:s31], [sflag:$0x4], $0x80, s25, s6, $0xb8;
	[tilespmem:$0x1D900] =	vst v63  }
0x231: {  	_ =	swait.ge [sflag:s17], $0x4000  }
0x232: {  	[sflag:s17] =	ssyncset.done $0x0  }
0x233: {  	[sflag:s17] =	ssyncadd.s32 $0xFFFFC000  }
0x234: {  	[tilespmem:s31], [sflag:$0x1] =	stream.indirect.gather [hbm4b:s1+s6], $0x80, s26, s6, $0xb8;
	[tilespmem:$0x1D900] =	vst v63  }
0x235: {  	_ =	swait.ge [sflag:s10], $0x4000  }
0x236: {  	[sflag:s10] =	ssyncset.done $0x0  }
0x237: {  	[sflag:s10] =	ssyncadd.s32 $0xFFFFC000  }
0x238: {  	[spmem:s2] =	stream.indirect.scatter.add.f32 [tilespmem:s7], [sflag:$0x4], $0x80, s28, s6, $0xb8;
	[tilespmem:$0x1D900] =	vst v63  }
0x239: {  	_ =	swait.ge [sflag:s17], $0x4000  }
0x23a: {  	[sflag:s17] =	ssyncset.done $0x0  }
0x23b: {  	[sflag:s17] =	ssyncadd.s32 $0xFFFFC000  }
0x23c: {  	[tilespmem:s7], [sflag:$0x2] =	stream.indirect.gather [hbm4b:s1+s6], $0x80, s30, s6, $0xb8;
	[tilespmem:$0x1D900] =	vst v63  }
0x23d: {  	_ =	swait.ge [sflag:s8], $0x4000  }
0x23e: {  	[sflag:s8] =	ssyncset.done $0x0  }
0x23f: {  	s14 =	simm.s32 $0x1C00;
	[sflag:s8] =	ssyncadd.s32 $0xFFFFC000  }
0x240: {  	[spmem:s2] =	stream.indirect.scatter.add.f32 [tilespmem:s31], [sflag:$0x4], $0x80, s14, s6, $0xb8;
	[tilespmem:$0x1D900] =	vst v63  }
0x241: {  	_ =	swait.ge [sflag:s17], $0x4000  }
0x242: {  	[sflag:s17] =	ssyncset.done $0x0  }
0x243: {  	s15 =	simm.s32 $0xD00;
	[sflag:s17] =	ssyncadd.s32 $0xFFFFC000  }
0x244: {  	[tilespmem:s31], [sflag:$0x1] =	stream.indirect.gather [hbm4b:s1+s6], $0x80, s15, s6, $0xb8;
	[tilespmem:$0x1D900] =	vst v63  }
0x245: {  	_ =	swait.ge [sflag:s10], $0x4000  }
0x246: {  	[sflag:s10] =	ssyncset.done $0x0  }
0x247: {  	s16 =	simm.s32 $0x1C80;
	[sflag:s10] =	ssyncadd.s32 $0xFFFFC000  }
0x248: {  	[spmem:s2] =	stream.indirect.scatter.add.f32 [tilespmem:s7], [sflag:$0x4], $0x80, s16, s6, $0xb8;
	[tilespmem:$0x1D900] =	vst v63  }
0x249: {  	_ =	swait.ge [sflag:s17], $0x4000  }
0x24a: {  	[sflag:s17] =	ssyncset.done $0x0  }
0x24b: {  	s18 =	simm.s32 $0xD80;
	[sflag:s17] =	ssyncadd.s32 $0xFFFFC000  }
0x24c: {  	[tilespmem:s7], [sflag:$0x2] =	stream.indirect.gather [hbm4b:s1+s6], $0x80, s18, s6, $0xb8;
	[tilespmem:$0x1D900] =	vst v63  }
0x24d: {  	_ =	swait.ge [sflag:s8], $0x4000  }
0x24e: {  	[sflag:s8] =	ssyncset.done $0x0  }
0x24f: {  	s19 =	simm.s32 $0x1D00;
	[sflag:s8] =	ssyncadd.s32 $0xFFFFC000  }
0x250: {  	[spmem:s2] =	stream.indirect.scatter.add.f32 [tilespmem:s31], [sflag:$0x4], $0x80, s19, s6, $0xb8;
	[tilespmem:$0x1D900] =	vst v63  }
0x251: {  	_ =	swait.ge [sflag:s17], $0x4000  }
0x252: {  	[sflag:s17] =	ssyncset.done $0x0  }
0x253: {  	s9 =	simm.s32 $0xE00;
	[sflag:s17] =	ssyncadd.s32 $0xFFFFC000  }
0x254: {  	[tilespmem:s31], [sflag:$0x1] =	stream.indirect.gather [hbm4b:s1+s6], $0x80, s9, s6, $0xb8;
	[tilespmem:$0x1D900] =	vst v63  }
0x255: {  	_ =	swait.ge [sflag:s10], $0x4000  }
0x256: {  	[sflag:s10] =	ssyncset.done $0x0  }
0x257: {  	s14 =	simm.s32 $0x1D80;
	[sflag:s10] =	ssyncadd.s32 $0xFFFFC000  }
0x258: {  	[spmem:s2] =	stream.indirect.scatter.add.f32 [tilespmem:s7], [sflag:$0x4], $0x80, s14, s6, $0xb8;
	[tilespmem:$0x1D900] =	vst v63  }
0x259: {  	_ =	swait.ge [sflag:s17], $0x4000  }
0x25a: {  	[sflag:s17] =	ssyncset.done $0x0  }
0x25b: {  	s15 =	simm.s32 $0xE80;
	[sflag:s17] =	ssyncadd.s32 $0xFFFFC000  }
0x25c: {  	[tilespmem:s7], [sflag:$0x2] =	stream.indirect.gather [hbm4b:s1+s6], $0x80, s15, s6, $0xb8;
	[tilespmem:$0x1D900] =	vst v63  }
0x25d: {  	_ =	swait.ge [sflag:s8], $0x4000  }
0x25e: {  	[sflag:s8] =	ssyncset.done $0x0  }
0x25f: {  	s16 =	simm.s32 $0x1E00;
	[sflag:s8] =	ssyncadd.s32 $0xFFFFC000  }
0x260: {  	[spmem:s2] =	stream.indirect.scatter.add.f32 [tilespmem:s31], [sflag:$0x4], $0x80, s16, s6, $0xb8;
	[tilespmem:$0x1D900] =	vst v63  }
0x261: {  	_ =	swait.ge [sflag:s17], $0x4000  }
0x262: {  	[sflag:s17] =	ssyncset.done $0x0  }
0x263: {  	s18 =	simm.s32 $0xF00;
	[sflag:s17] =	ssyncadd.s32 $0xFFFFC000  }
0x264: {  	[tilespmem:s31], [sflag:$0x1] =	stream.indirect.gather [hbm4b:s1+s6], $0x80, s18, s6, $0xb8;
	[tilespmem:$0x1D900] =	vst v63  }
0x265: {  	_ =	swait.ge [sflag:s10], $0x4000  }
0x266: {  	[sflag:s10] =	ssyncset.done $0x0  }
0x267: {  	s19 =	simm.s32 $0x1E80;
	[sflag:s10] =	ssyncadd.s32 $0xFFFFC000  }
0x268: {  	[spmem:s2] =	stream.indirect.scatter.add.f32 [tilespmem:s7], [sflag:$0x4], $0x80, s19, s6, $0xb8;
	[tilespmem:$0x1D900] =	vst v63  }
0x269: {  	_ =	swait.ge [sflag:s17], $0x4000  }
0x26a: {  	[sflag:s17] =	ssyncset.done $0x0  }
0x26b: {  	s9 =	simm.s32 $0xF80;
	[sflag:s17] =	ssyncadd.s32 $0xFFFFC000  }
0x26c: {  	[tilespmem:s7], [sflag:$0x2] =	stream.indirect.gather [hbm4b:s1+s6], $0x80, s9, s6, $0xb8;
	[tilespmem:$0x1D900] =	vst v63  }
0x26d: {  	_ =	swait.ge [sflag:s8], $0x4000  }
0x26e: {  	[sflag:s8] =	ssyncset.done $0x0  }
0x26f: {  	s14 =	simm.s32 $0x1F00;
	[sflag:s8] =	ssyncadd.s32 $0xFFFFC000  }
0x270: {  	[spmem:s2] =	stream.indirect.scatter.add.f32 [tilespmem:s31], [sflag:$0x4], $0x80, s14, s6, $0xb8;
	[tilespmem:$0x1D900] =	vst v63  }
0x271: {  	_ =	swait.ge [sflag:s17], $0x4000  }
0x272: {  	[sflag:s17] =	ssyncset.done $0x0  }
0x273: {  	[sflag:s17] =	ssyncadd.s32 $0xFFFFC000  }
0x274: {  	_ =	swait.ge [sflag:s10], $0x4000  }
0x275: {  	[sflag:s10] =	ssyncset.done $0x0  }
0x276: {  	s15 =	simm.s32 $0x1F80;
	[sflag:s10] =	ssyncadd.s32 $0xFFFFC000  }
0x277: {  	[spmem:s2] =	stream.indirect.scatter.add.f32 [tilespmem:s7], [sflag:$0x4], $0x80, s15, s6, $0xb8;
	[tilespmem:$0x1D900] =	vst v63  }
0x278: {  	_ =	swait.ge [sflag:s17], $0x4000  }
0x279: {  	[sflag:s17] =	ssyncset.done $0x0  }
0x27a: {  	[sflag:s17] =	ssyncadd.s32 $0xFFFFC000  }
0x27b: {  	_ =	swait.ge [sflag:s0], $0x800  }
0x27c: {  	[sflag:s0] =	ssyncset.done $0x0  }
0x27d: {  	[sflag:s0] =	ssyncadd.s32 $0xFFFFF800  }
0x27e: {  	_ =	swait.ge [sflag:s0], $0x800  }
0x27f: {  	[sflag:s0] =	ssyncset.done $0x0  }
0x280: {  	[sflag:s0] =	ssyncadd.s32 $0xFFFFF800  }
0x281: {  	[tilespmem:s31], [sflag:$0x1] =	stream.indirect.gather [hbm4b:s1+s6], $0x80, s3, s6, $0xb8;
	[tilespmem:$0x1D900] =	vst v63  }
0x282: {  	_ = 	snop  }
0x283: {  	[tilespmem:s7], [sflag:$0x2] =	stream.indirect.gather [hbm4b:s1+s6], $0x80, s6, s6, $0xb8;
	[tilespmem:$0x1D900] =	vst v63  }
0x284: {  	_ =	swait.ge [sflag:s8], $0x4000  }
0x285: {  	[sflag:s8] =	ssyncset.done $0x0  }
0x286: {  	s4 =	simm.s32 $0x1000;
	[sflag:s8] =	ssyncadd.s32 $0xFFFFC000  }
0x287: {  	[spmem:s2] =	stream.indirect.scatter.add.f32 [tilespmem:s31], [sflag:$0x4], $0x80, s4, s6, $0xb8;
	[tilespmem:$0x1D900] =	vst v63  }
0x288: {  	_ =	swait.ge [sflag:s17], $0x4000  }
0x289: {  	[sflag:s17] =	ssyncset.done $0x0  }
0x28a: {  	s16 =	simm.s32 $0x100;
	[sflag:s17] =	ssyncadd.s32 $0xFFFFC000  }
0x28b: {  	[tilespmem:s31], [sflag:$0x1] =	stream.indirect.gather [hbm4b:s1+s6], $0x80, s16, s6, $0xb8;
	[tilespmem:$0x1D900] =	vst v63  }
0x28c: {  	_ =	swait.ge [sflag:s10], $0x4000  }
0x28d: {  	[sflag:s10] =	ssyncset.done $0x0  }
0x28e: {  	s18 =	simm.s32 $0x1080;
	[sflag:s10] =	ssyncadd.s32 $0xFFFFC000  }
0x28f: {  	[spmem:s2] =	stream.indirect.scatter.add.f32 [tilespmem:s7], [sflag:$0x4], $0x80, s18, s6, $0xb8;
	[tilespmem:$0x1D900] =	vst v63  }
0x290: {  	_ =	swait.ge [sflag:s17], $0x4000  }
0x291: {  	[sflag:s17] =	ssyncset.done $0x0  }
0x292: {  	s19 =	simm.s32 $0x180;
	[sflag:s17] =	ssyncadd.s32 $0xFFFFC000  }
0x293: {  	[tilespmem:s7], [sflag:$0x2] =	stream.indirect.gather [hbm4b:s1+s6], $0x80, s19, s6, $0xb8;
	[tilespmem:$0x1D900] =	vst v63  }
0x294: {  	_ =	swait.ge [sflag:s8], $0x4000  }
0x295: {  	[sflag:s8] =	ssyncset.done $0x0  }
0x296: {  	s9 =	simm.s32 $0x1100;
	[sflag:s8] =	ssyncadd.s32 $0xFFFFC000  }
0x297: {  	[spmem:s2] =	stream.indirect.scatter.add.f32 [tilespmem:s31], [sflag:$0x4], $0x80, s9, s6, $0xb8;
	[tilespmem:$0x1D900] =	vst v63  }
0x298: {  	_ =	swait.ge [sflag:s17], $0x4000  }
0x299: {  	[sflag:s17] =	ssyncset.done $0x0  }
0x29a: {  	s14 =	simm.s32 $0x200;
	[sflag:s17] =	ssyncadd.s32 $0xFFFFC000  }
0x29b: {  	[tilespmem:s31], [sflag:$0x1] =	stream.indirect.gather [hbm4b:s1+s6], $0x80, s14, s6, $0xb8;
	[tilespmem:$0x1D900] =	vst v63  }
0x29c: {  	_ =	swait.ge [sflag:s10], $0x4000  }
0x29d: {  	[sflag:s10] =	ssyncset.done $0x0  }
0x29e: {  	s15 =	simm.s32 $0x1180;
	[sflag:s10] =	ssyncadd.s32 $0xFFFFC000  }
0x29f: {  	[spmem:s2] =	stream.indirect.scatter.add.f32 [tilespmem:s7], [sflag:$0x4], $0x80, s15, s6, $0xb8;
	[tilespmem:$0x1D900] =	vst v63  }
0x2a0: {  	_ =	swait.ge [sflag:s17], $0x4000  }
0x2a1: {  	[sflag:s17] =	ssyncset.done $0x0  }
0x2a2: {  	s16 =	simm.s32 $0x280;
	[sflag:s17] =	ssyncadd.s32 $0xFFFFC000  }
0x2a3: {  	[tilespmem:s7], [sflag:$0x2] =	stream.indirect.gather [hbm4b:s1+s6], $0x80, s16, s6, $0xb8;
	[tilespmem:$0x1D900] =	vst v63  }
0x2a4: {  	_ =	swait.ge [sflag:s8], $0x4000  }
0x2a5: {  	[sflag:s8] =	ssyncset.done $0x0  }
0x2a6: {  	s18 =	simm.s32 $0x1200;
	[sflag:s8] =	ssyncadd.s32 $0xFFFFC000  }
0x2a7: {  	[spmem:s2] =	stream.indirect.scatter.add.f32 [tilespmem:s31], [sflag:$0x4], $0x80, s18, s6, $0xb8;
	[tilespmem:$0x1D900] =	vst v63  }
0x2a8: {  	_ =	swait.ge [sflag:s17], $0x4000  }
0x2a9: {  	[sflag:s17] =	ssyncset.done $0x0  }
0x2aa: {  	s19 =	simm.s32 $0x300;
	[sflag:s17] =	ssyncadd.s32 $0xFFFFC000  }
0x2ab: {  	[tilespmem:s31], [sflag:$0x1] =	stream.indirect.gather [hbm4b:s1+s6], $0x80, s19, s6, $0xb8;
	[tilespmem:$0x1D900] =	vst v63  }
0x2ac: {  	_ =	swait.ge [sflag:s10], $0x4000  }
0x2ad: {  	[sflag:s10] =	ssyncset.done $0x0  }
0x2ae: {  	s9 =	simm.s32 $0x1280;
	[sflag:s10] =	ssyncadd.s32 $0xFFFFC000  }
0x2af: {  	[spmem:s2] =	stream.indirect.scatter.add.f32 [tilespmem:s7], [sflag:$0x4], $0x80, s9, s6, $0xb8;
	[tilespmem:$0x1D900] =	vst v63  }
0x2b0: {  	_ =	swait.ge [sflag:s17], $0x4000  }
0x2b1: {  	[sflag:s17] =	ssyncset.done $0x0  }
0x2b2: {  	s14 =	simm.s32 $0x380;
	[sflag:s17] =	ssyncadd.s32 $0xFFFFC000  }
0x2b3: {  	[tilespmem:s7], [sflag:$0x2] =	stream.indirect.gather [hbm4b:s1+s6], $0x80, s14, s6, $0xb8;
	[tilespmem:$0x1D900] =	vst v63  }
0x2b4: {  	_ =	swait.ge [sflag:s8], $0x4000  }
0x2b5: {  	[sflag:s8] =	ssyncset.done $0x0  }
0x2b6: {  	s15 =	simm.s32 $0x1300;
	[sflag:s8] =	ssyncadd.s32 $0xFFFFC000  }
0x2b7: {  	[spmem:s2] =	stream.indirect.scatter.add.f32 [tilespmem:s31], [sflag:$0x4], $0x80, s15, s6, $0xb8;
	[tilespmem:$0x1D900] =	vst v63  }
0x2b8: {  	_ =	swait.ge [sflag:s17], $0x4000  }
0x2b9: {  	[sflag:s17] =	ssyncset.done $0x0  }
0x2ba: {  	s16 =	simm.s32 $0x400;
	[sflag:s17] =	ssyncadd.s32 $0xFFFFC000  }
0x2bb: {  	[tilespmem:s31], [sflag:$0x1] =	stream.indirect.gather [hbm4b:s1+s6], $0x80, s16, s6, $0xb8;
	[tilespmem:$0x1D900] =	vst v63  }
0x2bc: {  	_ =	swait.ge [sflag:s10], $0x4000  }
0x2bd: {  	[sflag:s10] =	ssyncset.done $0x0  }
0x2be: {  	s18 =	simm.s32 $0x1380;
	[sflag:s10] =	ssyncadd.s32 $0xFFFFC000  }
0x2bf: {  	[spmem:s2] =	stream.indirect.scatter.add.f32 [tilespmem:s7], [sflag:$0x4], $0x80, s18, s6, $0xb8;
	[tilespmem:$0x1D900] =	vst v63  }
0x2c0: {  	_ =	swait.ge [sflag:s17], $0x4000  }
0x2c1: {  	[sflag:s17] =	ssyncset.done $0x0  }
0x2c2: {  	s19 =	simm.s32 $0x480;
	[sflag:s17] =	ssyncadd.s32 $0xFFFFC000  }
0x2c3: {  	[tilespmem:s7], [sflag:$0x2] =	stream.indirect.gather [hbm4b:s1+s6], $0x80, s19, s6, $0xb8;
	[tilespmem:$0x1D900] =	vst v63  }
0x2c4: {  	_ =	swait.ge [sflag:s8], $0x4000  }
0x2c5: {  	[sflag:s8] =	ssyncset.done $0x0  }
0x2c6: {  	s9 =	simm.s32 $0x1400;
	[sflag:s8] =	ssyncadd.s32 $0xFFFFC000  }
0x2c7: {  	[spmem:s2] =	stream.indirect.scatter.add.f32 [tilespmem:s31], [sflag:$0x4], $0x80, s9, s6, $0xb8;
	[tilespmem:$0x1D900] =	vst v63  }
0x2c8: {  	_ =	swait.ge [sflag:s17], $0x4000  }
0x2c9: {  	[sflag:s17] =	ssyncset.done $0x0  }
0x2ca: {  	s14 =	simm.s32 $0x500;
	[sflag:s17] =	ssyncadd.s32 $0xFFFFC000  }
0x2cb: {  	[tilespmem:s31], [sflag:$0x1] =	stream.indirect.gather [hbm4b:s1+s6], $0x80, s14, s6, $0xb8;
	[tilespmem:$0x1D900] =	vst v63  }
0x2cc: {  	_ =	swait.ge [sflag:s10], $0x4000  }
0x2cd: {  	[sflag:s10] =	ssyncset.done $0x0  }
0x2ce: {  	s15 =	simm.s32 $0x1480;
	[sflag:s10] =	ssyncadd.s32 $0xFFFFC000  }
0x2cf: {  	[spmem:s2] =	stream.indirect.scatter.add.f32 [tilespmem:s7], [sflag:$0x4], $0x80, s15, s6, $0xb8;
	[tilespmem:$0x1D900] =	vst v63  }
0x2d0: {  	_ =	swait.ge [sflag:s17], $0x4000  }
0x2d1: {  	[sflag:s17] =	ssyncset.done $0x0  }
0x2d2: {  	s16 =	simm.s32 $0x580;
	[sflag:s17] =	ssyncadd.s32 $0xFFFFC000  }
0x2d3: {  	[tilespmem:s7], [sflag:$0x2] =	stream.indirect.gather [hbm4b:s1+s6], $0x80, s16, s6, $0xb8;
	[tilespmem:$0x1D900] =	vst v63  }
0x2d4: {  	_ =	swait.ge [sflag:s8], $0x4000  }
0x2d5: {  	[sflag:s8] =	ssyncset.done $0x0  }
0x2d6: {  	s18 =	simm.s32 $0x1500;
	[sflag:s8] =	ssyncadd.s32 $0xFFFFC000  }
0x2d7: {  	[spmem:s2] =	stream.indirect.scatter.add.f32 [tilespmem:s31], [sflag:$0x4], $0x80, s18, s6, $0xb8;
	[tilespmem:$0x1D900] =	vst v63  }
0x2d8: {  	_ =	swait.ge [sflag:s17], $0x4000  }
0x2d9: {  	[sflag:s17] =	ssyncset.done $0x0  }
0x2da: {  	s19 =	simm.s32 $0x600;
	[sflag:s17] =	ssyncadd.s32 $0xFFFFC000  }
0x2db: {  	[tilespmem:s31], [sflag:$0x1] =	stream.indirect.gather [hbm4b:s1+s6], $0x80, s19, s6, $0xb8;
	[tilespmem:$0x1D900] =	vst v63  }
0x2dc: {  	_ =	swait.ge [sflag:s10], $0x4000  }
0x2dd: {  	[sflag:s10] =	ssyncset.done $0x0  }
0x2de: {  	s9 =	simm.s32 $0x1580;
	[sflag:s10] =	ssyncadd.s32 $0xFFFFC000  }
0x2df: {  	[spmem:s2] =	stream.indirect.scatter.add.f32 [tilespmem:s7], [sflag:$0x4], $0x80, s9, s6, $0xb8;
	[tilespmem:$0x1D900] =	vst v63  }
0x2e0: {  	_ =	swait.ge [sflag:s17], $0x4000  }
0x2e1: {  	[sflag:s17] =	ssyncset.done $0x0  }
0x2e2: {  	s14 =	simm.s32 $0x680;
	[sflag:s17] =	ssyncadd.s32 $0xFFFFC000  }
0x2e3: {  	[tilespmem:s7], [sflag:$0x2] =	stream.indirect.gather [hbm4b:s1+s6], $0x80, s14, s6, $0xb8;
	[tilespmem:$0x1D900] =	vst v63  }
0x2e4: {  	_ =	swait.ge [sflag:s8], $0x4000  }
0x2e5: {  	[sflag:s8] =	ssyncset.done $0x0  }
0x2e6: {  	s15 =	simm.s32 $0x1600;
	[sflag:s8] =	ssyncadd.s32 $0xFFFFC000  }
0x2e7: {  	[spmem:s2] =	stream.indirect.scatter.add.f32 [tilespmem:s31], [sflag:$0x4], $0x80, s15, s6, $0xb8;
	[tilespmem:$0x1D900] =	vst v63  }
0x2e8: {  	_ =	swait.ge [sflag:s17], $0x4000  }
0x2e9: {  	[sflag:s17] =	ssyncset.done $0x0  }
0x2ea: {  	s16 =	simm.s32 $0x700;
	[sflag:s17] =	ssyncadd.s32 $0xFFFFC000  }
0x2eb: {  	[tilespmem:s31], [sflag:$0x1] =	stream.indirect.gather [hbm4b:s1+s6], $0x80, s16, s6, $0xb8;
	[tilespmem:$0x1D900] =	vst v63  }
0x2ec: {  	_ =	swait.ge [sflag:s10], $0x4000  }
0x2ed: {  	[sflag:s10] =	ssyncset.done $0x0  }
0x2ee: {  	s18 =	simm.s32 $0x1680;
	[sflag:s10] =	ssyncadd.s32 $0xFFFFC000  }
0x2ef: {  	[spmem:s2] =	stream.indirect.scatter.add.f32 [tilespmem:s7], [sflag:$0x4], $0x80, s18, s6, $0xb8;
	[tilespmem:$0x1D900] =	vst v63  }
0x2f0: {  	_ =	swait.ge [sflag:s17], $0x4000  }
0x2f1: {  	[sflag:s17] =	ssyncset.done $0x0  }
0x2f2: {  	s19 =	simm.s32 $0x780;
	[sflag:s17] =	ssyncadd.s32 $0xFFFFC000  }
0x2f3: {  	[tilespmem:s7], [sflag:$0x2] =	stream.indirect.gather [hbm4b:s1+s6], $0x80, s19, s6, $0xb8;
	[tilespmem:$0x1D900] =	vst v63  }
0x2f4: {  	_ =	swait.ge [sflag:s8], $0x4000  }
0x2f5: {  	[sflag:s8] =	ssyncset.done $0x0  }
0x2f6: {  	s9 =	simm.s32 $0x1700;
	[sflag:s8] =	ssyncadd.s32 $0xFFFFC000  }
0x2f7: {  	[spmem:s2] =	stream.indirect.scatter.add.f32 [tilespmem:s31], [sflag:$0x4], $0x80, s9, s6, $0xb8;
	[tilespmem:$0x1D900] =	vst v63  }
0x2f8: {  	_ =	swait.ge [sflag:s17], $0x4000  }
0x2f9: {  	[sflag:s17] =	ssyncset.done $0x0  }
0x2fa: {  	[sflag:s17] =	ssyncadd.s32 $0xFFFFC000  }
0x2fb: {  	_ =	swait.ge [sflag:s10], $0x4000  }
0x2fc: {  	[sflag:s10] =	ssyncset.done $0x0  }
0x2fd: {  	s14 =	simm.s32 $0x1780;
	[sflag:s10] =	ssyncadd.s32 $0xFFFFC000  }
0x2fe: {  	[spmem:s2] =	stream.indirect.scatter.add.f32 [tilespmem:s7], [sflag:$0x4], $0x80, s14, s6, $0xb8;
	[tilespmem:$0x1D900] =	vst v63  }
0x2ff: {  	_ =	swait.ge [sflag:s17], $0x4000  }
0x300: {  	[sflag:s17] =	ssyncset.done $0x0  }
0x301: {  	[sflag:s17] =	ssyncadd.s32 $0xFFFFC000  }
0x302: {  	s15 =	stileid.u32;
	[bflag:$0x0] =	sbarrier.arrive $0xFFFF  }
0x303: {  	s16 =	sshll.u32 s15, $0x6;
	s18 =	rddreg [dreg:$0x1b]  }
0x304: {  	s16 =	sor.u32 $0x1C04, s16;
	s5 =	rddreg [dreg:$0xe];
	s19 =	sshrl.u32 s18, $0x3  }
0x305: {  	[hbm:s5], [sflag:s16] =	dma.local [spmem:s19], $0x800  }
0x306: {  	_ =	swait.ge [sflag:s17], $0x800  }
0x307: {  	[sflag:s17] =	ssyncset.done $0x0;
	s9 =	rddreg [dreg:$0x17]  }
0x308: {  	s15 =	rddreg [dreg:$0xf];
	[sflag:s17] =	ssyncadd.s32 $0xFFFFF800;
	s14 =	sshrl.u32 s9, $0x3  }
0x309: {  	[hbm:s15], [sflag:s16] =	dma.local [spmem:s14], $0x800  }
0x30a: {  	_ =	swait.ge [sflag:s17], $0x800  }
0x30b: {  	[sflag:s17] =	ssyncset.done $0x0;
	s18 =	rddreg [dreg:$0x18]  }
0x30c: {  	s5 =	rddreg [dreg:$0x10];
	[sflag:s17] =	ssyncadd.s32 $0xFFFFF800;
	s19 =	sshrl.u32 s18, $0x3  }
0x30d: {  	[hbm:s5], [sflag:s16] =	dma.local [spmem:s19], $0x800  }
0x30e: {  	_ =	swait.ge [sflag:s17], $0x800  }
0x30f: {  	[sflag:s17] =	ssyncset.done $0x0;
	s9 =	rddreg [dreg:$0x19]  }
0x310: {  	s15 =	rddreg [dreg:$0x11];
	[sflag:s17] =	ssyncadd.s32 $0xFFFFF800;
	s14 =	sshrl.u32 s9, $0x3  }
0x311: {  	[hbm:s15], [sflag:s16] =	dma.local [spmem:s14], $0x800  }
0x312: {  	_ =	swait.ge [sflag:s17], $0x800  }
0x313: {  	s5 =	rddreg [dreg:$0x1a]  }
0x314: {  	[sflag:s17] =	ssyncset.done $0x0;
	s19 =	rddreg [dreg:$0x13]  }
0x315: {  	[sflag:s17] =	ssyncadd.s32 $0xFFFFF800;
	s18 =	sshrl.u32 @p0 s5, $0x3;
	s5 =	simm.s32 @p0 $0x4  }
0x316: {  	[hbm:s19], [sflag:s16] =	dma.local @p0 [spmem:s18], $0x80  }
0x317: {  	_ =	swait.ge @p0 [sflag:s5], $0x80  }
0x318: {  	[sflag:s5] =	ssyncset.done @p0 $0x0;
	s15 =	rddreg [dreg:$0x12]  }
0x319: {  	s18 =	rddreg [dreg:$0x15];
	[sflag:s5] =	ssyncadd.s32 @p0 $0xFFFFFF80;
	s5 =	simm.s32 @!p0 $0x4  }
0x31a: {  	[hbm:s15], [sflag:s16] =	dma.local @!p0 [spmem:s18], $0x780  }
0x31b: {  	_ =	swait.ge @!p0 [sflag:s5], $0x780  }
0x31c: {  	s13 =	sadd.s32 $0x1, s13;
	s19 =	rddreg [dreg:$0x14]  }
0x31d: {  	p1 =	sne.s32 s13, s19  }
.Ltmp1:
0x31e: {  	_ = 	snop;
	(pc) =	sbr.rel @p1 .LBB2_1-.Ltmp1, $3  }
0x31f: {  	_ =	sdelay $0x1  }
0x320: {  	[sflag:s5] =	ssyncset.done @!p0 $0x0;
	s5 =	simm.s32 @!p0 $0x4  }
0x321: {  	[sflag:s5] =	ssyncadd.s32 @!p0 $0xFFFFF880  }
0x322: {  	_ =	sfence.sel $0x180000  }
0x323: {  	[bflag:$0x0] =	sbarrier.arrive $0xFFFF  }
0x324: {  	_ =	strace $0x9000004A  }
0x325: {  	s0 =	stileid.u32;
	[bflag:$0x2] =	sbarrier.arrive $0xFFFF  }
0x326: {  	p0 =	sne.s32 s0, $0x0;
	s0 =	rddreg [dreg:$0x3]  }
0x327: {  	s0 =	sadd.s32 @!p0 $0x100000, s0  }
0x328: {  	[sflag:s0] =	ssyncadd.tile.s32 @!p0 $0x1;
	_ =	shalt  }
.Lfunc_end2:
_tile_overlayer_lowered:
.L_overlay_start_2:
0x329: {  	(tag) =	ssettag $0x2  }
0x32a: {  	s0 =	rddreg [dreg:$0x0];
	s2 =	stileid.u32  }
0x32b: {  	s1 =	rddreg [dreg:$0x1];
	p0 =	sne.s32 s2, $0x0  }
0x32c: {  	s3 =	rddreg [dreg:$0x2];
	[bflag:$0x3] =	sbarrier.arrive $0xFFFF;
	s2 =	simm.s32 @!p0 $0x1C04  }
0x32d: {  	[timem:s3], [sflag:s2] =	dma.local @!p0 [hbm:s0], s1  }
0x32e: {  	s0 =	simm.s32 @!p0 $0x4  }
0x32f: {  	_ =	swait.ge @!p0 [sflag:s0], s1  }
0x330: {  	s1 =	ssub.s32 @!p0 $0x0, s1;
	[sflag:s0] =	ssyncset.done @!p0 $0x0  }
0x331: {  	[sflag:s0] =	ssyncadd.s32 @!p0 s1  }
0x332: {  	[bflag:$0x3] =	sbarrier.arrive $0xFFFF  }
0x333: {  	_ =	shalt  }

// kernel: kernel.7.cloned.1.call-start
scs
__scs_entry_jumppad:
0x0: {  	(pc) =	sbr.rel $0x88, $3  }
0x1: {  	(tag) =	ssettag $0x0;
	lr =	simm.s32 $0x1  }
0x2: {  	[smem:$0x3F99] =	sst lr;
	_ =	strace $0xD0000000  }
0x3: {  	_ = 	snop  }
0x4: {  	_ = 	snop  }
0x5: {  	_ = 	snop  }
0x6: {  	_ = 	snop  }
0x7: {  	_ = 	snop  }
__scs_overlays_trampoline_lowered:
0x8: {  	[smem:$0x3FA8] =	sst s0  }
0x9: {  	[smem:$0x3FA9] =	sst s1  }
0xa: {  	[smem:$0x3FAA] =	sst s2  }
0xb: {  	[smem:$0x3FAB] =	sst s3  }
0xc: {  	[smem:$0x3FAC] =	sst s4  }
0xd: {  	[smem:$0x3FAD] =	sst s5  }
0xe: {  	[smem:$0x3FAE] =	sst s6  }
0xf: {  	[smem:$0x3FAF] =	sst s7  }
0x10: {  	[smem:$0x3FB0] =	sst s8  }
0x11: {  	[smem:$0x3FB1] =	sst s9;
	s0 =	simm.s32 @!p0 $0x0  }
0x12: {  	s1 =	sld [smem:$0x3F97];
	s0 =	simm.s32 @p0 $0x1  }
0x13: {  	[smem:$0x3FB2] =	sst s0;
	s0 =	simm.s32 @!p1 $0x0  }
0x14: {  	s2 =	sld [smem:$0x3F96];
	s0 =	simm.s32 @p1 $0x1  }
0x15: {  	[smem:$0x3FB3] =	sst s0;
	s0 =	simm.s32 @!p2 $0x0  }
0x16: {  	s3 =	sld [smem:$0x3FDB];
	s0 =	simm.s32 @p2 $0x1  }
0x17: {  	s4 =	simm.s32 $0x1BF5;
	[smem:$0x3FB5] =	sst s0  }
0x18: {  	s0 =	sld [smem:$0x3F98];
	_ =	swait.ge [sflag:s4], $0x0  }
0x19: {  	s7 =	sld [smem:$0x3F99]  }
0x1a: {  	s8 =	sadd.s32 $0xFFFFE003, lr  }
0x1b: {  	s9 =	sadd.s32 $0xFFFFFEF7, lr;
	s5 =	simm.s32 $0xFFFFFFFF;
	p2 =	slt.u32 s8, $0xFFFFF086  }
0x1c: {  	p1 =	slt.u32 s9, $0xF7A;
	s5 =	simm.s32 @!p2 $0x0  }
0x1d: {  	s5 =	simm.s32 @p1 $0x1;
	p0 =	seq.s32 s7, s2  }
0x1e: {  	s7 =	smul.u32 @!p0 $0xF7A, s2;
	p2 =	seq.s32 @!p0 s5, $0x0  }
0x1f: {  	s9 =	smul.u32 $0xF7A, s1;
	s8 =	simm.s32 @!p0 $0x1BF5;
	p2 =	por !p2, p0  }
0x20: {  	[sflag:s8] =	ssyncset.s32 @!p0 $0xFFFFF086;
	s6 =	sadd.s32 @!p0 s3, s7;
	s7 =	simm.s32 @!p0 $0x108  }
0x21: {  	s3 =	sadd.s32 s3, s9;
	s6 =	sadd.s32 @!p0 $0x88, s6;
	s7 =	simm.s32 @p2 $0x1082  }
0x22: {  	[simem:s7], [sflag:s8] =	dma.local @!p0 [hbm:s6], $0xF7A  }
0x23: {  	s9 =	sor.u32 $0xD0000000, s2;
	s6 =	simm.s32 $0x108;
	_ =	swait.ge @!p0 [sflag:s8], $0x0  }
0x24: {  	s3 =	sadd.s32 $0x88, s3;
	s6 =	simm.s32 @!p1 $0x1082;
	[sflag:s4] =	ssyncset.s32 $0xFFFFF086  }
0x25: {  	[simem:s6], [sflag:s4] =	dma.local [hbm:s3], $0xF7A  }
0x26: {  	[smem:$0x3F99] =	sst s1;
	(tag) =	ssettag s2;
	_ =	strace s9  }
0x27: {  	s1 =	sld [smem:$0x3FA9]  }
0x28: {  	s2 =	sld [smem:$0x3FAA]  }
0x29: {  	s4 =	sld [smem:$0x3FAC]  }
0x2a: {  	p0 =	seq.s32 s5, $0x0;
	s5 =	sld [smem:$0x3FAD]  }
0x2b: {  	s6 =	sld [smem:$0x3FAE]  }
0x2c: {  	s7 =	sld [smem:$0x3FAF]  }
0x2d: {  	s3 =	simm.s32 $0x108;
	s8 =	sld [smem:$0x3FB0]  }
0x2e: {  	s3 =	simm.s32 @!p0 $0x1082;
	s9 =	sld [smem:$0x3FB1]  }
0x2f: {  	lr =	sadd.s32 s0, s3;
	s0 =	sld [smem:$0x3FA8]  }
0x30: {  	s3 =	sld [smem:$0x3FAB]  }
0x31: {  	[smem:$0x3FB4] =	sst s10  }
0x32: {  	s10 =	sld [smem:$0x3FB2];
	_ =	sdelay $0x3  }
0x33: {  	p0 =	seq.s32 s10, $0x1;
	s10 =	sld [smem:$0x3FB4];
	_ =	sdelay $0x3  }
0x34: {  	[smem:$0x3FB4] =	sst s10  }
0x35: {  	s10 =	sld [smem:$0x3FB3];
	_ =	sdelay $0x3  }
0x36: {  	p1 =	seq.s32 s10, $0x1;
	s10 =	sld [smem:$0x3FB4];
	_ =	sdelay $0x3  }
0x37: {  	[smem:$0x3FB4] =	sst s10  }
0x38: {  	s10 =	sld [smem:$0x3FB5]  }
0x39: {  	_ = 	snop;
	(pc) =	sbr.ind lr, $3  }
0x3a: {  	_ = 	snop  }
0x3b: {  	_ = 	snop  }
0x3c: {  	p2 =	seq.s32 s10, $0x1;
	s10 =	sld [smem:$0x3FB4]  }
0x3d: {  	_ =	shalt  }
0x3e: {  	_ =	shalt  }
0x3f: {  	_ =	shalt  }
0x40: {  	_ =	shalt  }
0x41: {  	_ =	shalt  }
0x42: {  	_ =	shalt  }
0x43: {  	_ =	shalt  }
0x44: {  	_ =	shalt  }
0x45: {  	_ =	shalt  }
0x46: {  	_ =	shalt  }
0x47: {  	_ =	shalt  }
0x48: {  	_ =	shalt  }
0x49: {  	_ =	shalt  }
0x4a: {  	_ =	shalt  }
0x4b: {  	_ =	shalt  }
0x4c: {  	_ =	shalt  }
0x4d: {  	_ =	shalt  }
0x4e: {  	_ =	shalt  }
0x4f: {  	_ =	shalt  }
0x50: {  	_ =	shalt  }
0x51: {  	_ =	shalt  }
0x52: {  	_ =	shalt  }
0x53: {  	_ =	shalt  }
0x54: {  	_ =	shalt  }
0x55: {  	_ =	shalt  }
0x56: {  	_ =	shalt  }
0x57: {  	_ =	shalt  }
0x58: {  	_ =	shalt  }
0x59: {  	_ =	shalt  }
0x5a: {  	_ =	shalt  }
0x5b: {  	_ =	shalt  }
0x5c: {  	_ =	shalt  }
0x5d: {  	_ =	shalt  }
0x5e: {  	_ =	shalt  }
0x5f: {  	_ =	shalt  }
0x60: {  	_ =	shalt  }
0x61: {  	_ =	shalt  }
0x62: {  	_ =	shalt  }
0x63: {  	_ =	shalt  }
0x64: {  	_ =	shalt  }
0x65: {  	_ =	shalt  }
0x66: {  	_ =	shalt  }
0x67: {  	_ =	shalt  }
0x68: {  	_ =	shalt  }
0x69: {  	_ =	shalt  }
0x6a: {  	_ =	shalt  }
0x6b: {  	_ =	shalt  }
0x6c: {  	_ =	shalt  }
0x6d: {  	_ =	shalt  }
0x6e: {  	_ =	shalt  }
0x6f: {  	_ =	shalt  }
0x70: {  	_ =	shalt  }
0x71: {  	_ =	shalt  }
0x72: {  	_ =	shalt  }
0x73: {  	_ =	shalt  }
0x74: {  	_ =	shalt  }
0x75: {  	_ =	shalt  }
0x76: {  	_ =	shalt  }
0x77: {  	_ =	shalt  }
0x78: {  	_ =	shalt  }
0x79: {  	_ =	shalt  }
0x7a: {  	_ =	shalt  }
0x7b: {  	_ =	shalt  }
0x7c: {  	_ =	shalt  }
0x7d: {  	_ =	shalt  }
0x7e: {  	_ =	shalt  }
0x7f: {  	_ =	shalt  }
0x80: {  	_ =	shalt  }
0x81: {  	_ =	shalt  }
0x82: {  	_ =	shalt  }
0x83: {  	_ =	shalt  }
0x84: {  	_ =	shalt  }
0x85: {  	_ =	shalt  }
0x86: {  	_ =	shalt  }
0x87: {  	_ =	shalt  }
.Lfunc_end0:
.L_simem_size_0:
called_computation_lowered:
.L_overlay_start_0:
0x88: {  	s2 =	sld [smem:$0x3FD9]  }
0x89: {  	s3 =	sld [smem:$0x3FFE];
	_ =	sdelay $0x1  }
0x8a: {  	s1 =	srdreg.scid  }
0x8b: {  	s0 =	sand.u32 $0x1, s1  }
0x8c: {  	s17 =	sshll.u32 s0, $0xA;
	s2 =	sadd.s32 s3, s2  }
0x8d: {  	s2 =	sadd.s32 s2, s17  }
0x8e: {  	[smem:$0x3FC0] =	sst s2  }
0x8f: {  	_ = 	snop  }
0x90: {  	s2 =	sld [smem:$0x3FD0];
	(tm) =	ssettm $0x1  }
0x91: {  	s18 =	sld [smem:$0x3FFB];
	_ =	sdelay $0x3  }
0x92: {  	_ =	strace s18  }
0x93: {  	s3 =	sld [smem:$0x3FFC];
	_ =	sdelay $0x3  }
0x94: {  	_ =	strace s3  }
0x95: {  	s3 =	sld [smem:$0x3FFD];
	_ =	sdelay $0x3  }
0x96: {  	_ =	strace s3  }
0x97: {  	_ =	strace $0x8FFFFFFF  }
0x98: {  	s19 =	sld [smem:$0x3FDB];
	_ =	sdelay $0x1  }
0x99: {  	s4 =	simm.s32 $_scs_section_size  }
0x9a: {  	s5 =	simm.s32 $_size__tile_overlayer_lowered;
	s6 =	simm.s32 $_tile_overlayer_lowered  }
0x9b: {  	s22 =	simm.s32 $0x1BFF;
	s21 =	sshll.u32 s6, $0x1;
	s3 =	sadd.s32 s4, s19  }
0x9c: {  	s7 =	simm.s32 $0x0;
	s20 =	sshll.u32 s5, $0x1;
	s5 =	sadd.s32 s21, s3  }
0x9d: {  	[timem:s7], [sflag:s22] =	dma.local [hbm:s5], s20  }
0x9e: {  	_ =	swait.ge [sflag:s22], s20  }
0x9f: {  	s4 =	ssub.s32 $0x0, s20;
	[sflag:s22] =	ssyncset.done $0x0  }
0xa0: {  	[sflag:s22] =	ssyncadd.s32 s4;
	_ =	sdelay $0x1  }
0xa1: {  	s23 =	simm.s32 $0x1B8B  }
0xa2: {  	_ =	swait.ge [sflag:s23], $0x1  }
0xa3: {  	[sflag:s23] =	ssyncset.done $0x0  }
0xa4: {  	s25 =	simm.s32 $0x1B8E;
	s24 =	sld [smem:$0x3FFE];
	[sflag:s23] =	ssyncadd.s32 $0xFFFFFFFF  }
0xa5: {  	s26 =	simm.s32 $execute0_lowered;
	[smem:$0x3FD2] =	sst s25  }
0xa6: {  	s5 =	sshll.u32 s26, $0x1;
	_ =	strace $0x80000046;
	[dreg:$0x1] =	wrdreg $0xFFFFFFFF  }
0xa7: {  	s28 =	simm.s32 $_size_execute0_lowered;
	s3 =	sadd.s32 s3, s5;
	[dreg:$0x0] =	wrdreg $0x0  }
0xa8: {  	s5 =	sshll.u32 s28, $0x1;
	[dreg:$0x2] =	wrdreg s3  }
0xa9: {  	[dreg:$0x3] =	wrdreg s5  }
0xaa: {  	[dreg:$0x4] =	wrdreg $0xC0  }
0xab: {  	_ =	task [dreg:s7], $0x5FFFF  }
0xac: {  	[dreg:$0x1] =	wrdreg $0xFFFFFFFF  }
0xad: {  	[dreg:$0x0] =	wrdreg $0x60  }
0xae: {  	[dreg:$0x2] =	wrdreg s2  }
0xaf: {  	[dreg:$0x3] =	wrdreg s24  }
0xb0: {  	[dreg:$0x4] =	wrdreg $0xA0000  }
0xb1: {  	[dreg:$0x5] =	wrdreg $0x9  }
0xb2: {  	_ =	task.clear_ibuf [dreg:s7], $0x6FFFF;
	_ =	strace $0x90000046  }
0xb3: {  	s29 =	simm.s32 $0x9;
	_ =	strace $0x80000048  }
0xb4: {  	_ =	swait.ge [sflag:s29], $0x1  }
0xb5: {  	[sflag:s29] =	ssyncadd.s32 $0xFFFFFFFF  }
0xb6: {  	_ =	strace $0x90000048  }
0xb7: {  	_ =	sfence  }
0xb8: {  	s30 =	sld [smem:$0x0];
	_ =	sdelay $0x2  }
0xb9: {  	s31 =	sshll.u32 s1, $0xD;
	s1 =	sshrl.u32 s1, $0x2  }
0xba: {  	s3 =	sand.u32 $0x4000, s31;
	s1 =	sadd.s32 s1, s30  }
0xbb: {  	s0 =	sor.u32 s3, s0;
	s1 =	sshll.u32 s1, $0x11  }
0xbc: {  	s0 =	sor.u32 s1, s0  }
0xbd: {  	s0 =	sadd.s32 $0x8F2B, s0  }
0xbe: {  	[sflag:s0] =	ssyncadd.remote.s32 $0x1  }
0xbf: {  	_ =	sfence.sel $0xFFFF  }
0xc0: {  	[dreg:$0x0] =	wrdreg $0xFFFFFFFF;
	(pc) =	sbr.abs _section_cstart, $3  }
0xc1: {  	[dreg:$0x1] =	wrdreg $0xFFFFFFFF  }
0xc2: {  	_ =	task.clear_ibuf [dreg:s7], $0x2FFFF;
	_ =	strace $0x9FFFFFFF  }
0xc3: {  	(tm) =	ssettm $0x7FFFFFFF  }
tec
execute0_lowered:
.L_overlay_start_1:
0x0: {  	(tag) =	ssettag $0x1  }
0x1: {  	s1 =	rddreg [dreg:$0x0]  }
0x2: {  	s0 =	srdreg.scid;
	s4 =	rddreg [dreg:$0x1]  }
0x3: {  	s15 =	stileid.u32;
	s2 =	rddreg [dreg:$0x2];
	s3 =	simm.s32 $0x0  }
0x4: {  	s31 =	simm.s32 $0x2000;
	s29 =	simm.s32 $0x1800;
	s28 =	simm.s32 $0x1B80  }
0x5: {  	s30 =	simm.s32 $0xC80;
	s0 =	sand.u32 $0x1, s0;
	s5 =	smul.u32 $0xA0, s15  }
0x6: {  	[smem:$0x7FF] =	sst s3;
	s7 =	sadd.s32 $0xBC00, s4;
	s10 =	smul.u32 $0x13C00, s15  }
0x7: {  	s8 =	sadd.s32 $0x1C00, s4;
	s4 =	sadd.s32 $0x15C00, s4;
	s6 =	smul.u32 $0x50, s0  }
0x8: {  	p0 =	seq.s32 s15, $0xF;
	s9 =	ssub.s32 $0x2, s0;
	s0 =	smul.u32 $0x138800, s0  }
0x9: {  	s14 =	sshrl.u32 s9, $0x1;
	s11 =	sadd.s32 $0x8000, s10;
	s5 =	sadd.s32 s6, s5  }
0xa: {  	s12 =	sadd.s32 $0xC000, s10;
	s6 =	ssub.s32 s9, s14;
	s5 =	sshll.u32 s5, $0x4  }
0xb: {  	s9 =	sadd.s32 $0x4000, s10;
	s22 =	sadd.s32 s10, s0;
	s16 =	sadd.s32 s7, s5  }
0xc: {  	s17 =	sadd.s32 s8, s5;
	s13 =	sadd.s32 $0x100, s5;
	[dreg:$0x4] =	wrdreg s16  }
0xd: {  	s23 =	sadd.s32 s0, s9;
	[dreg:$0x5] =	wrdreg s17;
	s16 =	sadd.s32 s7, s13  }
0xe: {  	s14 =	sadd.s32 $0x200, s5;
	s13 =	sadd.s32 s8, s13;
	[dreg:$0x6] =	wrdreg s16  }
0xf: {  	s24 =	sshrl.u32 s22, $0x3;
	s18 =	sadd.s32 s7, s14;
	[dreg:$0x7] =	wrdreg s13  }
0x10: {  	s20 =	sadd.s32 $0x300, s5;
	s19 =	sadd.s32 s8, s14;
	[dreg:$0x8] =	wrdreg s18  }
0x11: {  	s5 =	sadd.s32 $0x400, s5;
	s21 =	sadd.s32 s7, s20;
	[dreg:$0x9] =	wrdreg s19  }
0x12: {  	s22 =	sadd.s32 s11, s2;
	s7 =	sadd.s32 s7, s5;
	[dreg:$0xa] =	wrdreg s21  }
0x13: {  	s25 =	sshrl.u32 s23, $0x3;
	s5 =	sadd.s32 s8, s5;
	[dreg:$0xc] =	wrdreg s7  }
0x14: {  	s23 =	sadd.s32 s12, s2;
	s26 =	sadd.s32 s4, s25;
	[dreg:$0xd] =	wrdreg s5  }
0x15: {  	s13 =	sadd.s32 s8, s20;
	s5 =	sadd.s32 s4, s24;
	[dreg:$0xf] =	wrdreg s26  }
0x16: {  	s7 =	sadd.s32 s0, s11;
	s8 =	sadd.s32 s0, s12;
	s18 =	smul.u32 $0x4F000, s15  }
0x17: {  	s21 =	sadd.s32 s9, s2;
	s24 =	smax.u32 s6, $0x1;
	[dreg:$0xb] =	wrdreg s13  }
0x18: {  	[dreg:$0xe] =	wrdreg s5;
	s5 =	sshrl.u32 s7, $0x3;
	s13 =	sadd.s32 $0x10000, s10  }
0x19: {  	s14 =	sshrl.u32 s8, $0x3;
	s5 =	sadd.s32 s4, s5;
	s16 =	sadd.s32 s0, s13  }
0x1a: {  	[dreg:$0x10] =	wrdreg s5;
	s5 =	sadd.s32 s4, s14;
	s17 =	sshrl.u32 s16, $0x3  }
0x1b: {  	s26 =	sadd.s32 $0x138400, s2;
	[dreg:$0x11] =	wrdreg s5;
	s5 =	sadd.s32 s4, s17  }
0x1c: {  	s6 =	simm.s32 $0x80;
	s11 =	simm.s32 $0x900;
	[dreg:$0x12] =	wrdreg s5  }
0x1d: {  	s0 =	sshrl.u32 s0, $0x3;
	_ =	strace $0x80000047;
	[dreg:$0x17] =	wrdreg s21  }
0x1e: {  	s12 =	simm.s32 $0x1880;
	s0 =	sadd.s32 s4, s0;
	[dreg:$0x18] =	wrdreg s22  }
0x1f: {  	s7 =	simm.s32 $0x6000;
	s0 =	sadd.s32 $0x27080, s0;
	[dreg:$0x19] =	wrdreg s23  }
0x20: {  	s8 =	simm.s32 $0x1;
	s19 =	sshrl.u32 s18, $0x2;
	[dreg:$0x13] =	wrdreg s0  }
0x21: {  	s10 =	simm.s32 $0x2;
	s20 =	sadd.s32 s19, s2;
	[dreg:$0x14] =	wrdreg s24  }
0x22: {  	s4 =	sadd.s32 s13, s2;
	s25 =	sadd.s32 $0x10000, s20;
	[dreg:$0x1b] =	wrdreg s20  }
0x23: {  	s17 =	simm.s32 $0x4;
	s13 =	simm.s32 $0x0;
	[dreg:$0x16] =	wrdreg s25  }
0x24: {  	s0 =	sshrl.u32 @!p0 s4, $0x3;
	[dreg:$0x1a] =	wrdreg s26;
	s4 =	simm.s32 $0x1000  }
0x25: {  	s20 =	simm.s32 $0xA80;
	s21 =	simm.s32 $0x1A00;
	s22 =	simm.s32 $0xB00  }
0x26: {  	s23 =	simm.s32 $0x1A80;
	s24 =	simm.s32 $0xB80;
	s25 =	simm.s32 $0x1B00  }
0x27: {  	v0 =	vimm.f32 $0.0e+00;
	s26 =	simm.s32 $0xC00;
	[dreg:$0x15] =	wrdreg s0;
	s0 =	simm.s32 $0x3  }
.LBB2_1:
0x28: {  	s14 =	rddreg [dreg:$0x4];
	s19 =	sand.u32 $0xFE00, s3  }
0x29: {  	[tilespmem:s3], [sflag:$0x3] =	stream.linear.gather [hbm4b:s14+s3], $0x800, $0x38;
	[tilespmem:$0x1D900] =	vst v63  }
0x2a: {  	s18 =	rddreg [dreg:$0x5];
	s15 =	sand.u32 $0x70, s3;
	s16 =	sshrl.u32 s19, $0x2  }
0x2b: {  	s14 =	simm.s32 $0x40;
	s16 =	sor.u32 s15, s16;
	s15 =	simm.s32 $0x0  }
0x2c: {  	[tilespmem:s4], [sflag:$0x3] =	stream.linear.gather [hbm4b:s18+s3], $0x800, $0x38;
	[tilespmem:$0x1D900] =	vst v63  }
.LBB2_2:
0x2d: {  	p1 =	sne.s32 s14, $0xFFC0  }
0x2e: {  	[tilespmem:s16+$0x2000] =	vst v0;
	s15 =	sadd.s32 $0x10, s15;
	s16 =	smov.u32 s14;
	s14 =	sadd.s32 $0x40, s14  }
.Ltmp0:
0x2f: {  	(pc) =	sbr.rel @p1 .LBB2_2-.Ltmp0, $4  }
0x30: {  	_ = 	snop  }
0x31: {  	s16 =	sand.u32 $0xFE00, s16  }
0x32: {  	s18 =	sand.u32 $0x70, s15;
	s16 =	sshrl.u32 s16, $0x2  }
0x33: {  	s16 =	sor.u32 s18, s16  }
0x34: {  	[tilespmem:s16+$0x2000] =	vst v0;
	s4 =	rddreg [dreg:$0x1b]  }
0x35: {  	[spmem:s4] =	stream.linear.scatter [tilespmem:s31], [sflag:$0x4], $0x4000, $0x38;
	[tilespmem:$0x1D900] =	vst v63  }
0x36: {  	_ =	swait.ge [sflag:s17], $0x4000  }
0x37: {  	[sflag:s17] =	ssyncset.done $0x0  }
0x38: {  	s18 =	rddreg [dreg:$0x17];
	[sflag:s17] =	ssyncadd.s32 $0xFFFFC000  }
0x39: {  	[spmem:s18] =	stream.linear.scatter [tilespmem:s31], [sflag:$0x4], $0x4000, $0x38;
	[tilespmem:$0x1D900] =	vst v63  }
0x3a: {  	_ =	swait.ge [sflag:s17], $0x4000  }
0x3b: {  	[sflag:s17] =	ssyncset.done $0x0  }
0x3c: {  	s19 =	rddreg [dreg:$0x18];
	[sflag:s17] =	ssyncadd.s32 $0xFFFFC000  }
0x3d: {  	[spmem:s19] =	stream.linear.scatter [tilespmem:s31], [sflag:$0x4], $0x4000, $0x38;
	[tilespmem:$0x1D900] =	vst v63  }
0x3e: {  	_ =	swait.ge [sflag:s17], $0x4000  }
0x3f: {  	[sflag:s17] =	ssyncset.done $0x0  }
0x40: {  	s5 =	rddreg [dreg:$0x19];
	[sflag:s17] =	ssyncadd.s32 $0xFFFFC000  }
0x41: {  	[spmem:s5] =	stream.linear.scatter [tilespmem:s31], [sflag:$0x4], $0x4000, $0x38;
	[tilespmem:$0x1D900] =	vst v63  }
0x42: {  	_ =	swait.ge [sflag:s17], $0x4000  }
0x43: {  	[sflag:s17] =	ssyncset.done $0x0  }
0x44: {  	s14 =	simm.s32 @p0 $0x2000;
	s4 =	rddreg [dreg:$0x1a];
	[sflag:s17] =	ssyncadd.s32 $0xFFFFC000  }
0x45: {  	[spmem:s4] =	stream.linear.scatter @p0 [tilespmem:s14], [sflag:$0x4], $0x400, $0x38;
	[tilespmem:$0x1D900] =	vst v63  }
0x46: {  	s4 =	simm.s32 @p0 $0x4  }
0x47: {  	_ =	swait.ge @p0 [sflag:s4], $0x400  }
0x48: {  	s14 =	simm.s32 @!p0 $0x2000;
	[sflag:s4] =	ssyncset.done @p0 $0x0  }
0x49: {  	s16 =	rddreg [dreg:$0x16];
	[sflag:s4] =	ssyncadd.s32 @p0 $0xFFFFFC00;
	s4 =	simm.s32 @!p0 $0x4  }
0x4a: {  	[spmem:s16] =	stream.linear.scatter @!p0 [tilespmem:s14], [sflag:$0x4], $0x3C00, $0x38;
	[tilespmem:$0x1D900] =	vst v63  }
0x4b: {  	_ =	swait.ge @!p0 [sflag:s4], $0x3C00  }
0x4c: {  	[sflag:s4] =	ssyncset.done @!p0 $0x0  }
0x4d: {  	[sflag:s4] =	ssyncadd.s32 @!p0 $0xFFFFC400  }
0x4e: {  	[bflag:$0x0] =	sbarrier.arrive $0xFFFF  }
0x4f: {  	_ =	swait.ge [sflag:s0], $0x800  }
0x50: {  	[sflag:s0] =	ssyncset.done $0x0  }
0x51: {  	[sflag:s0] =	ssyncadd.s32 $0xFFFFF800  }
0x52: {  	_ =	swait.ge [sflag:s0], $0x800  }
0x53: {  	[sflag:s0] =	ssyncset.done $0x0  }
0x54: {  	s5 =	simm.s32 $0x800;
	s9 =	rddreg [dreg:$0x6];
	[sflag:s0] =	ssyncadd.s32 $0xFFFFF800  }
0x55: {  	[tilespmem:s5], [sflag:$0x3] =	stream.linear.gather [hbm4b:s9+s3], $0x800, $0x38;
	[tilespmem:$0x1D900] =	vst v63  }
0x56: {  	s14 =	rddreg [dreg:$0x7]  }
0x57: {  	[tilespmem:s29], [sflag:$0x3] =	stream.linear.gather [hbm4b:s14+s3], $0x800, $0x38;
	[tilespmem:$0x1D900] =	vst v63  }
0x58: {  	_ = 	snop  }
0x59: {  	[tilespmem:s31], [sflag:$0x1] =	stream.indirect.gather [hbm4b:s1+s6], $0x80, s3, s6, $0xb8;
	[tilespmem:$0x1D900] =	vst v63  }
0x5a: {  	_ = 	snop  }
0x5b: {  	[tilespmem:s7], [sflag:$0x2] =	stream.indirect.gather [hbm4b:s1+s6], $0x80, s6, s6, $0xb8;
	[tilespmem:$0x1D900] =	vst v63  }
0x5c: {  	_ =	swait.ge [sflag:s8], $0x4000  }
0x5d: {  	[sflag:s8] =	ssyncset.done $0x0  }
0x5e: {  	s4 =	simm.s32 $0x1000;
	[sflag:s8] =	ssyncadd.s32 $0xFFFFC000  }
0x5f: {  	[spmem:s2] =	stream.indirect.scatter.add.f32 [tilespmem:s31], [sflag:$0x4], $0x80, s4, s6, $0xb8;
	[tilespmem:$0x1D900] =	vst v63  }
0x60: {  	_ =	swait.ge [sflag:s17], $0x4000  }
0x61: {  	[sflag:s17] =	ssyncset.done $0x0  }
0x62: {  	s9 =	simm.s32 $0x100;
	[sflag:s17] =	ssyncadd.s32 $0xFFFFC000  }
0x63: {  	[tilespmem:s31], [sflag:$0x1] =	stream.indirect.gather [hbm4b:s1+s6], $0x80, s9, s6, $0xb8;
	[tilespmem:$0x1D900] =	vst v63  }
0x64: {  	_ =	swait.ge [sflag:s10], $0x4000  }
0x65: {  	[sflag:s10] =	ssyncset.done $0x0  }
0x66: {  	s15 =	simm.s32 $0x1080;
	[sflag:s10] =	ssyncadd.s32 $0xFFFFC000  }
0x67: {  	[spmem:s2] =	stream.indirect.scatter.add.f32 [tilespmem:s7], [sflag:$0x4], $0x80, s15, s6, $0xb8;
	[tilespmem:$0x1D900] =	vst v63  }
0x68: {  	_ =	swait.ge [sflag:s17], $0x4000  }
0x69: {  	[sflag:s17] =	ssyncset.done $0x0  }
0x6a: {  	s16 =	simm.s32 $0x180;
	[sflag:s17] =	ssyncadd.s32 $0xFFFFC000  }
0x6b: {  	[tilespmem:s7], [sflag:$0x2] =	stream.indirect.gather [hbm4b:s1+s6], $0x80, s16, s6, $0xb8;
	[tilespmem:$0x1D900] =	vst v63  }
0x6c: {  	_ =	swait.ge [sflag:s8], $0x4000  }
0x6d: {  	[sflag:s8] =	ssyncset.done $0x0  }
0x6e: {  	s18 =	simm.s32 $0x1100;
	[sflag:s8] =	ssyncadd.s32 $0xFFFFC000  }
0x6f: {  	[spmem:s2] =	stream.indirect.scatter.add.f32 [tilespmem:s31], [sflag:$0x4], $0x80, s18, s6, $0xb8;
	[tilespmem:$0x1D900] =	vst v63  }
0x70: {  	_ =	swait.ge [sflag:s17], $0x4000  }
0x71: {  	[sflag:s17] =	ssyncset.done $0x0  }
0x72: {  	s19 =	simm.s32 $0x200;
	[sflag:s17] =	ssyncadd.s32 $0xFFFFC000  }
0x73: {  	[tilespmem:s31], [sflag:$0x1] =	stream.indirect.gather [hbm4b:s1+s6], $0x80, s19, s6, $0xb8;
	[tilespmem:$0x1D900] =	vst v63  }
0x74: {  	_ =	swait.ge [sflag:s10], $0x4000  }
0x75: {  	[sflag:s10] =	ssyncset.done $0x0  }
0x76: {  	s14 =	simm.s32 $0x1180;
	[sflag:s10] =	ssyncadd.s32 $0xFFFFC000  }
0x77: {  	[spmem:s2] =	stream.indirect.scatter.add.f32 [tilespmem:s7], [sflag:$0x4], $0x80, s14, s6, $0xb8;
	[tilespmem:$0x1D900] =	vst v63  }
0x78: {  	_ =	swait.ge [sflag:s17], $0x4000  }
0x79: {  	[sflag:s17] =	ssyncset.done $0x0  }
0x7a: {  	s15 =	simm.s32 $0x280;
	[sflag:s17] =	ssyncadd.s32 $0xFFFFC000  }
0x7b: {  	[tilespmem:s7], [sflag:$0x2] =	stream.indirect.gather [hbm4b:s1+s6], $0x80, s15, s6, $0xb8;
	[tilespmem:$0x1D900] =	vst v63  }
0x7c: {  	_ =	swait.ge [sflag:s8], $0x4000  }
0x7d: {  	[sflag:s8] =	ssyncset.done $0x0  }
0x7e: {  	s16 =	simm.s32 $0x1200;
	[sflag:s8] =	ssyncadd.s32 $0xFFFFC000  }
0x7f: {  	[spmem:s2] =	stream.indirect.scatter.add.f32 [tilespmem:s31], [sflag:$0x4], $0x80, s16, s6, $0xb8;
	[tilespmem:$0x1D900] =	vst v63  }
0x80: {  	_ =	swait.ge [sflag:s17], $0x4000  }
0x81: {  	[sflag:s17] =	ssyncset.done $0x0  }
0x82: {  	s18 =	simm.s32 $0x300;
	[sflag:s17] =	ssyncadd.s32 $0xFFFFC000  }
0x83: {  	[tilespmem:s31], [sflag:$0x1] =	stream.indirect.gather [hbm4b:s1+s6], $0x80, s18, s6, $0xb8;
	[tilespmem:$0x1D900] =	vst v63  }
0x84: {  	_ =	swait.ge [sflag:s10], $0x4000  }
0x85: {  	[sflag:s10] =	ssyncset.done $0x0  }
0x86: {  	s19 =	simm.s32 $0x1280;
	[sflag:s10] =	ssyncadd.s32 $0xFFFFC000  }
0x87: {  	[spmem:s2] =	stream.indirect.scatter.add.f32 [tilespmem:s7], [sflag:$0x4], $0x80, s19, s6, $0xb8;
	[tilespmem:$0x1D900] =	vst v63  }
0x88: {  	_ =	swait.ge [sflag:s17], $0x4000  }
0x89: {  	[sflag:s17] =	ssyncset.done $0x0  }
0x8a: {  	s14 =	simm.s32 $0x380;
	[sflag:s17] =	ssyncadd.s32 $0xFFFFC000  }
0x8b: {  	[tilespmem:s7], [sflag:$0x2] =	stream.indirect.gather [hbm4b:s1+s6], $0x80, s14, s6, $0xb8;
	[tilespmem:$0x1D900] =	vst v63  }
0x8c: {  	_ =	swait.ge [sflag:s8], $0x4000  }
0x8d: {  	[sflag:s8] =	ssyncset.done $0x0  }
0x8e: {  	s15 =	simm.s32 $0x1300;
	[sflag:s8] =	ssyncadd.s32 $0xFFFFC000  }
0x8f: {  	[spmem:s2] =	stream.indirect.scatter.add.f32 [tilespmem:s31], [sflag:$0x4], $0x80, s15, s6, $0xb8;
	[tilespmem:$0x1D900] =	vst v63  }
0x90: {  	_ =	swait.ge [sflag:s17], $0x4000  }
0x91: {  	[sflag:s17] =	ssyncset.done $0x0  }
0x92: {  	s16 =	simm.s32 $0x400;
	[sflag:s17] =	ssyncadd.s32 $0xFFFFC000  }
0x93: {  	[tilespmem:s31], [sflag:$0x1] =	stream.indirect.gather [hbm4b:s1+s6], $0x80, s16, s6, $0xb8;
	[tilespmem:$0x1D900] =	vst v63  }
0x94: {  	_ =	swait.ge [sflag:s10], $0x4000  }
0x95: {  	[sflag:s10] =	ssyncset.done $0x0  }
0x96: {  	s18 =	simm.s32 $0x1380;
	[sflag:s10] =	ssyncadd.s32 $0xFFFFC000  }
0x97: {  	[spmem:s2] =	stream.indirect.scatter.add.f32 [tilespmem:s7], [sflag:$0x4], $0x80, s18, s6, $0xb8;
	[tilespmem:$0x1D900] =	vst v63  }
0x98: {  	_ =	swait.ge [sflag:s17], $0x4000  }
0x99: {  	[sflag:s17] =	ssyncset.done $0x0  }
0x9a: {  	s19 =	simm.s32 $0x480;
	[sflag:s17] =	ssyncadd.s32 $0xFFFFC000  }
0x9b: {  	[tilespmem:s7], [sflag:$0x2] =	stream.indirect.gather [hbm4b:s1+s6], $0x80, s19, s6, $0xb8;
	[tilespmem:$0x1D900] =	vst v63  }
0x9c: {  	_ =	swait.ge [sflag:s8], $0x4000  }
0x9d: {  	[sflag:s8] =	ssyncset.done $0x0  }
0x9e: {  	s14 =	simm.s32 $0x1400;
	[sflag:s8] =	ssyncadd.s32 $0xFFFFC000  }
0x9f: {  	[spmem:s2] =	stream.indirect.scatter.add.f32 [tilespmem:s31], [sflag:$0x4], $0x80, s14, s6, $0xb8;
	[tilespmem:$0x1D900] =	vst v63  }
0xa0: {  	_ =	swait.ge [sflag:s17], $0x4000  }
0xa1: {  	[sflag:s17] =	ssyncset.done $0x0  }
0xa2: {  	s15 =	simm.s32 $0x500;
	[sflag:s17] =	ssyncadd.s32 $0xFFFFC000  }
0xa3: {  	[tilespmem:s31], [sflag:$0x1] =	stream.indirect.gather [hbm4b:s1+s6], $0x80, s15, s6, $0xb8;
	[tilespmem:$0x1D900] =	vst v63  }
0xa4: {  	_ =	swait.ge [sflag:s10], $0x4000  }
0xa5: {  	[sflag:s10] =	ssyncset.done $0x0  }
0xa6: {  	s16 =	simm.s32 $0x1480;
	[sflag:s10] =	ssyncadd.s32 $0xFFFFC000  }
0xa7: {  	[spmem:s2] =	stream.indirect.scatter.add.f32 [tilespmem:s7], [sflag:$0x4], $0x80, s16, s6, $0xb8;
	[tilespmem:$0x1D900] =	vst v63  }
0xa8: {  	_ =	swait.ge [sflag:s17], $0x4000  }
0xa9: {  	[sflag:s17] =	ssyncset.done $0x0  }
0xaa: {  	s18 =	simm.s32 $0x580;
	[sflag:s17] =	ssyncadd.s32 $0xFFFFC000  }
0xab: {  	[tilespmem:s7], [sflag:$0x2] =	stream.indirect.gather [hbm4b:s1+s6], $0x80, s18, s6, $0xb8;
	[tilespmem:$0x1D900] =	vst v63  }
0xac: {  	_ =	swait.ge [sflag:s8], $0x4000  }
0xad: {  	[sflag:s8] =	ssyncset.done $0x0  }
0xae: {  	s19 =	simm.s32 $0x1500;
	[sflag:s8] =	ssyncadd.s32 $0xFFFFC000  }
0xaf: {  	[spmem:s2] =	stream.indirect.scatter.add.f32 [tilespmem:s31], [sflag:$0x4], $0x80, s19, s6, $0xb8;
	[tilespmem:$0x1D900] =	vst v63  }
0xb0: {  	_ =	swait.ge [sflag:s17], $0x4000  }
0xb1: {  	[sflag:s17] =	ssyncset.done $0x0  }
0xb2: {  	s14 =	simm.s32 $0x600;
	[sflag:s17] =	ssyncadd.s32 $0xFFFFC000  }
0xb3: {  	[tilespmem:s31], [sflag:$0x1] =	stream.indirect.gather [hbm4b:s1+s6], $0x80, s14, s6, $0xb8;
	[tilespmem:$0x1D900] =	vst v63  }
0xb4: {  	_ =	swait.ge [sflag:s10], $0x4000  }
0xb5: {  	[sflag:s10] =	ssyncset.done $0x0  }
0xb6: {  	s15 =	simm.s32 $0x1580;
	[sflag:s10] =	ssyncadd.s32 $0xFFFFC000  }
0xb7: {  	[spmem:s2] =	stream.indirect.scatter.add.f32 [tilespmem:s7], [sflag:$0x4], $0x80, s15, s6, $0xb8;
	[tilespmem:$0x1D900] =	vst v63  }
0xb8: {  	_ =	swait.ge [sflag:s17], $0x4000  }
0xb9: {  	[sflag:s17] =	ssyncset.done $0x0  }
0xba: {  	s16 =	simm.s32 $0x680;
	[sflag:s17] =	ssyncadd.s32 $0xFFFFC000  }
0xbb: {  	[tilespmem:s7], [sflag:$0x2] =	stream.indirect.gather [hbm4b:s1+s6], $0x80, s16, s6, $0xb8;
	[tilespmem:$0x1D900] =	vst v63  }
0xbc: {  	_ =	swait.ge [sflag:s8], $0x4000  }
0xbd: {  	[sflag:s8] =	ssyncset.done $0x0  }
0xbe: {  	s18 =	simm.s32 $0x1600;
	[sflag:s8] =	ssyncadd.s32 $0xFFFFC000  }
0xbf: {  	[spmem:s2] =	stream.indirect.scatter.add.f32 [tilespmem:s31], [sflag:$0x4], $0x80, s18, s6, $0xb8;
	[tilespmem:$0x1D900] =	vst v63  }
0xc0: {  	_ =	swait.ge [sflag:s17], $0x4000  }
0xc1: {  	[sflag:s17] =	ssyncset.done $0x0  }
0xc2: {  	s19 =	simm.s32 $0x700;
	[sflag:s17] =	ssyncadd.s32 $0xFFFFC000  }
0xc3: {  	[tilespmem:s31], [sflag:$0x1] =	stream.indirect.gather [hbm4b:s1+s6], $0x80, s19, s6, $0xb8;
	[tilespmem:$0x1D900] =	vst v63  }
0xc4: {  	_ =	swait.ge [sflag:s10], $0x4000  }
0xc5: {  	[sflag:s10] =	ssyncset.done $0x0  }
0xc6: {  	s14 =	simm.s32 $0x1680;
	[sflag:s10] =	ssyncadd.s32 $0xFFFFC000  }
0xc7: {  	[spmem:s2] =	stream.indirect.scatter.add.f32 [tilespmem:s7], [sflag:$0x4], $0x80, s14, s6, $0xb8;
	[tilespmem:$0x1D900] =	vst v63  }
0xc8: {  	_ =	swait.ge [sflag:s17], $0x4000  }
0xc9: {  	[sflag:s17] =	ssyncset.done $0x0  }
0xca: {  	s15 =	simm.s32 $0x780;
	[sflag:s17] =	ssyncadd.s32 $0xFFFFC000  }
0xcb: {  	[tilespmem:s7], [sflag:$0x2] =	stream.indirect.gather [hbm4b:s1+s6], $0x80, s15, s6, $0xb8;
	[tilespmem:$0x1D900] =	vst v63  }
0xcc: {  	_ =	swait.ge [sflag:s8], $0x4000  }
0xcd: {  	[sflag:s8] =	ssyncset.done $0x0  }
0xce: {  	s16 =	simm.s32 $0x1700;
	[sflag:s8] =	ssyncadd.s32 $0xFFFFC000  }
0xcf: {  	[spmem:s2] =	stream.indirect.scatter.add.f32 [tilespmem:s31], [sflag:$0x4], $0x80, s16, s6, $0xb8;
	[tilespmem:$0x1D900] =	vst v63  }
0xd0: {  	_ =	swait.ge [sflag:s17], $0x4000  }
0xd1: {  	[sflag:s17] =	ssyncset.done $0x0  }
0xd2: {  	[sflag:s17] =	ssyncadd.s32 $0xFFFFC000  }
0xd3: {  	_ =	swait.ge [sflag:s10], $0x4000  }
0xd4: {  	[sflag:s10] =	ssyncset.done $0x0  }
0xd5: {  	s18 =	simm.s32 $0x1780;
	[sflag:s10] =	ssyncadd.s32 $0xFFFFC000  }
0xd6: {  	[spmem:s2] =	stream.indirect.scatter.add.f32 [tilespmem:s7], [sflag:$0x4], $0x80, s18, s6, $0xb8;
	[tilespmem:$0x1D900] =	vst v63  }
0xd7: {  	_ =	swait.ge [sflag:s17], $0x4000  }
0xd8: {  	[sflag:s17] =	ssyncset.done $0x0  }
0xd9: {  	[sflag:s17] =	ssyncadd.s32 $0xFFFFC000  }
0xda: {  	_ =	swait.ge [sflag:s0], $0x800  }
0xdb: {  	[sflag:s0] =	ssyncset.done $0x0  }
0xdc: {  	[sflag:s0] =	ssyncadd.s32 $0xFFFFF800  }
0xdd: {  	_ =	swait.ge [sflag:s0], $0x800  }
0xde: {  	[sflag:s0] =	ssyncset.done $0x0  }
0xdf: {  	s19 =	rddreg [dreg:$0x8];
	[sflag:s0] =	ssyncadd.s32 $0xFFFFF800  }
0xe0: {  	[tilespmem:s3], [sflag:$0x3] =	stream.linear.gather [hbm4b:s19+s3], $0x800, $0x38;
	[tilespmem:$0x1D900] =	vst v63  }
0xe1: {  	s9 =	rddreg [dreg:$0x9]  }
0xe2: {  	[tilespmem:s4], [sflag:$0x3] =	stream.linear.gather [hbm4b:s9+s3], $0x800, $0x38;
	[tilespmem:$0x1D900] =	vst v63  }
0xe3: {  	_ = 	snop  }
0xe4: {  	[tilespmem:s31], [sflag:$0x1] =	stream.indirect.gather [hbm4b:s1+s6], $0x80, s5, s6, $0xb8;
	[tilespmem:$0x1D900] =	vst v63  }
0xe5: {  	s9 =	simm.s32 $0x880  }
0xe6: {  	[tilespmem:s7], [sflag:$0x2] =	stream.indirect.gather [hbm4b:s1+s6], $0x80, s9, s6, $0xb8;
	[tilespmem:$0x1D900] =	vst v63  }
0xe7: {  	_ =	swait.ge [sflag:s8], $0x4000  }
0xe8: {  	[sflag:s8] =	ssyncset.done $0x0  }
0xe9: {  	[sflag:s8] =	ssyncadd.s32 $0xFFFFC000  }
0xea: {  	[spmem:s2] =	stream.indirect.scatter.add.f32 [tilespmem:s31], [sflag:$0x4], $0x80, s29, s6, $0xb8;
	[tilespmem:$0x1D900] =	vst v63  }
0xeb: {  	_ =	swait.ge [sflag:s17], $0x4000  }
0xec: {  	[sflag:s17] =	ssyncset.done $0x0  }
0xed: {  	[sflag:s17] =	ssyncadd.s32 $0xFFFFC000  }
0xee: {  	[tilespmem:s31], [sflag:$0x1] =	stream.indirect.gather [hbm4b:s1+s6], $0x80, s11, s6, $0xb8;
	[tilespmem:$0x1D900] =	vst v63  }
0xef: {  	_ =	swait.ge [sflag:s10], $0x4000  }
0xf0: {  	[sflag:s10] =	ssyncset.done $0x0  }
0xf1: {  	[sflag:s10] =	ssyncadd.s32 $0xFFFFC000  }
0xf2: {  	[spmem:s2] =	stream.indirect.scatter.add.f32 [tilespmem:s7], [sflag:$0x4], $0x80, s12, s6, $0xb8;
	[tilespmem:$0x1D900] =	vst v63  }
0xf3: {  	_ =	swait.ge [sflag:s17], $0x4000  }
0xf4: {  	[sflag:s17] =	ssyncset.done $0x0  }
0xf5: {  	s14 =	simm.s32 $0x980;
	[sflag:s17] =	ssyncadd.s32 $0xFFFFC000  }
0xf6: {  	[tilespmem:s7], [sflag:$0x2] =	stream.indirect.gather [hbm4b:s1+s6], $0x80, s14, s6, $0xb8;
	[tilespmem:$0x1D900] =	vst v63  }
0xf7: {  	_ =	swait.ge [sflag:s8], $0x4000  }
0xf8: {  	[sflag:s8] =	ssyncset.done $0x0  }
0xf9: {  	s15 =	simm.s32 $0x1900;
	[sflag:s8] =	ssyncadd.s32 $0xFFFFC000  }
0xfa: {  	[spmem:s2] =	stream.indirect.scatter.add.f32 [tilespmem:s31], [sflag:$0x4], $0x80, s15, s6, $0xb8;
	[tilespmem:$0x1D900] =	vst v63  }
0xfb: {  	_ =	swait.ge [sflag:s17], $0x4000  }
0xfc: {  	[sflag:s17] =	ssyncset.done $0x0  }
0xfd: {  	s18 =	simm.s32 $0xA00;
	[sflag:s17] =	ssyncadd.s32 $0xFFFFC000  }
0xfe: {  	[tilespmem:s31], [sflag:$0x1] =	stream.indirect.gather [hbm4b:s1+s6], $0x80, s18, s6, $0xb8;
	[tilespmem:$0x1D900] =	vst v63  }
0xff: {  	_ =	swait.ge [sflag:s10], $0x4000  }
0x100: {  	[sflag:s10] =	ssyncset.done $0x0  }
0x101: {  	s19 =	simm.s32 $0x1980;
	[sflag:s10] =	ssyncadd.s32 $0xFFFFC000  }
0x102: {  	[spmem:s2] =	stream.indirect.scatter.add.f32 [tilespmem:s7], [sflag:$0x4], $0x80, s19, s6, $0xb8;
	[tilespmem:$0x1D900] =	vst v63  }
0x103: {  	_ =	swait.ge [sflag:s17], $0x4000  }
0x104: {  	[sflag:s17] =	ssyncset.done $0x0  }
0x105: {  	[sflag:s17] =	ssyncadd.s32 $0xFFFFC000  }
0x106: {  	[tilespmem:s7], [sflag:$0x2] =	stream.indirect.gather [hbm4b:s1+s6], $0x80, s20, s6, $0xb8;
	[tilespmem:$0x1D900] =	vst v63  }
0x107: {  	_ =	swait.ge [sflag:s8], $0x4000  }
0x108: {  	[sflag:s8] =	ssyncset.done $0x0  }
0x109: {  	[sflag:s8] =	ssyncadd.s32 $0xFFFFC000  }
0x10a: {  	[spmem:s2] =	stream.indirect.scatter.add.f32 [tilespmem:s31], [sflag:$0x4], $0x80, s21, s6, $0xb8;
	[tilespmem:$0x1D900] =	vst v63  }
0x10b: {  	_ =	swait.ge [sflag:s17], $0x4000  }
0x10c: {  	[sflag:s17] =	ssyncset.done $0x0  }
0x10d: {  	[sflag:s17] =	ssyncadd.s32 $0xFFFFC000  }
0x10e: {  	[tilespmem:s31], [sflag:$0x1] =	stream.indirect.gather [hbm4b:s1+s6], $0x80, s22, s6, $0xb8;
	[tilespmem:$0x1D900] =	vst v63  }
0x10f: {  	_ =	swait.ge [sflag:s10], $0x4000  }
0x110: {  	[sflag:s10] =	ssyncset.done $0x0  }
0x111: {  	[sflag:s10] =	ssyncadd.s32 $0xFFFFC000  }
0x112: {  	[spmem:s2] =	stream.indirect.scatter.add.f32 [tilespmem:s7], [sflag:$0x4], $0x80, s23, s6, $0xb8;
	[tilespmem:$0x1D900] =	vst v63  }
0x113: {  	_ =	swait.ge [sflag:s17], $0x4000  }
0x114: {  	[sflag:s17] =	ssyncset.done $0x0  }
0x115: {  	[sflag:s17] =	ssyncadd.s32 $0xFFFFC000  }
0x116: {  	[tilespmem:s7], [sflag:$0x2] =	stream.indirect.gather [hbm4b:s1+s6], $0x80, s24, s6, $0xb8;
	[tilespmem:$0x1D900] =	vst v63  }
0x117: {  	_ =	swait.ge [sflag:s8], $0x4000  }
0x118: {  	[sflag:s8] =	ssyncset.done $0x0  }
0x119: {  	[sflag:s8] =	ssyncadd.s32 $0xFFFFC000  }
0x11a: {  	[spmem:s2] =	stream.indirect.scatter.add.f32 [tilespmem:s31], [sflag:$0x4], $0x80, s25, s6, $0xb8;
	[tilespmem:$0x1D900] =	vst v63  }
0x11b: {  	_ =	swait.ge [sflag:s17], $0x4000  }
0x11c: {  	[sflag:s17] =	ssyncset.done $0x0  }
0x11d: {  	[sflag:s17] =	ssyncadd.s32 $0xFFFFC000  }
0x11e: {  	[tilespmem:s31], [sflag:$0x1] =	stream.indirect.gather [hbm4b:s1+s6], $0x80, s26, s6, $0xb8;
	[tilespmem:$0x1D900] =	vst v63  }
0x11f: {  	_ =	swait.ge [sflag:s10], $0x4000  }
0x120: {  	[sflag:s10] =	ssyncset.done $0x0  }
0x121: {  	[sflag:s10] =	ssyncadd.s32 $0xFFFFC000  }
0x122: {  	[spmem:s2] =	stream.indirect.scatter.add.f32 [tilespmem:s7], [sflag:$0x4], $0x80, s28, s6, $0xb8;
	[tilespmem:$0x1D900] =	vst v63  }
0x123: {  	_ =	swait.ge [sflag:s17], $0x4000  }
0x124: {  	[sflag:s17] =	ssyncset.done $0x0  }
0x125: {  	[sflag:s17] =	ssyncadd.s32 $0xFFFFC000  }
0x126: {  	[tilespmem:s7], [sflag:$0x2] =	stream.indirect.gather [hbm4b:s1+s6], $0x80, s30, s6, $0xb8;
	[tilespmem:$0x1D900] =	vst v63  }
0x127: {  	_ =	swait.ge [sflag:s8], $0x4000  }
0x128: {  	[sflag:s8] =	ssyncset.done $0x0  }
0x129: {  	s16 =	simm.s32 $0x1C00;
	[sflag:s8] =	ssyncadd.s32 $0xFFFFC000  }
0x12a: {  	[spmem:s2] =	stream.indirect.scatter.add.f32 [tilespmem:s31], [sflag:$0x4], $0x80, s16, s6, $0xb8;
	[tilespmem:$0x1D900] =	vst v63  }
0x12b: {  	_ =	swait.ge [sflag:s17], $0x4000  }
0x12c: {  	[sflag:s17] =	ssyncset.done $0x0  }
0x12d: {  	s16 =	simm.s32 $0xD00;
	[sflag:s17] =	ssyncadd.s32 $0xFFFFC000  }
0x12e: {  	[tilespmem:s31], [sflag:$0x1] =	stream.indirect.gather [hbm4b:s1+s6], $0x80, s16, s6, $0xb8;
	[tilespmem:$0x1D900] =	vst v63  }
0x12f: {  	_ =	swait.ge [sflag:s10], $0x4000  }
0x130: {  	[sflag:s10] =	ssyncset.done $0x0  }
0x131: {  	s16 =	simm.s32 $0x1C80;
	[sflag:s10] =	ssyncadd.s32 $0xFFFFC000  }
0x132: {  	[spmem:s2] =	stream.indirect.scatter.add.f32 [tilespmem:s7], [sflag:$0x4], $0x80, s16, s6, $0xb8;
	[tilespmem:$0x1D900] =	vst v63  }
0x133: {  	_ =	swait.ge [sflag:s17], $0x4000  }
0x134: {  	[sflag:s17] =	ssyncset.done $0x0  }
0x135: {  	s16 =	simm.s32 $0xD80;
	[sflag:s17] =	ssyncadd.s32 $0xFFFFC000  }
0x136: {  	[tilespmem:s7], [sflag:$0x2] =	stream.indirect.gather [hbm4b:s1+s6], $0x80, s16, s6, $0xb8;
	[tilespmem:$0x1D900] =	vst v63  }
0x137: {  	_ =	swait.ge [sflag:s8], $0x4000  }
0x138: {  	[sflag:s8] =	ssyncset.done $0x0  }
0x139: {  	s16 =	simm.s32 $0x1D00;
	[sflag:s8] =	ssyncadd.s32 $0xFFFFC000  }
0x13a: {  	[spmem:s2] =	stream.indirect.scatter.add.f32 [tilespmem:s31], [sflag:$0x4], $0x80, s16, s6, $0xb8;
	[tilespmem:$0x1D900] =	vst v63  }
0x13b: {  	_ =	swait.ge [sflag:s17], $0x4000  }
0x13c: {  	[sflag:s17] =	ssyncset.done $0x0  }
0x13d: {  	s16 =	simm.s32 $0xE00;
	[sflag:s17] =	ssyncadd.s32 $0xFFFFC000  }
0x13e: {  	[tilespmem:s31], [sflag:$0x1] =	stream.indirect.gather [hbm4b:s1+s6], $0x80, s16, s6, $0xb8;
	[tilespmem:$0x1D900] =	vst v63  }
0x13f: {  	_ =	swait.ge [sflag:s10], $0x4000  }
0x140: {  	[sflag:s10] =	ssyncset.done $0x0  }
0x141: {  	s16 =	simm.s32 $0x1D80;
	[sflag:s10] =	ssyncadd.s32 $0xFFFFC000  }
0x142: {  	[spmem:s2] =	stream.indirect.scatter.add.f32 [tilespmem:s7], [sflag:$0x4], $0x80, s16, s6, $0xb8;
	[tilespmem:$0x1D900] =	vst v63  }
0x143: {  	_ =	swait.ge [sflag:s17], $0x4000  }
0x144: {  	[sflag:s17] =	ssyncset.done $0x0  }
0x145: {  	s16 =	simm.s32 $0xE80;
	[sflag:s17] =	ssyncadd.s32 $0xFFFFC000  }
0x146: {  	[tilespmem:s7], [sflag:$0x2] =	stream.indirect.gather [hbm4b:s1+s6], $0x80, s16, s6, $0xb8;
	[tilespmem:$0x1D900] =	vst v63  }
0x147: {  	_ =	swait.ge [sflag:s8], $0x4000  }
0x148: {  	[sflag:s8] =	ssyncset.done $0x0  }
0x149: {  	s16 =	simm.s32 $0x1E00;
	[sflag:s8] =	ssyncadd.s32 $0xFFFFC000  }
0x14a: {  	[spmem:s2] =	stream.indirect.scatter.add.f32 [tilespmem:s31], [sflag:$0x4], $0x80, s16, s6, $0xb8;
	[tilespmem:$0x1D900] =	vst v63  }
0x14b: {  	_ =	swait.ge [sflag:s17], $0x4000  }
0x14c: {  	[sflag:s17] =	ssyncset.done $0x0  }
0x14d: {  	s16 =	simm.s32 $0xF00;
	[sflag:s17] =	ssyncadd.s32 $0xFFFFC000  }
0x14e: {  	[tilespmem:s31], [sflag:$0x1] =	stream.indirect.gather [hbm4b:s1+s6], $0x80, s16, s6, $0xb8;
	[tilespmem:$0x1D900] =	vst v63  }
0x14f: {  	_ =	swait.ge [sflag:s10], $0x4000  }
0x150: {  	[sflag:s10] =	ssyncset.done $0x0  }
0x151: {  	s16 =	simm.s32 $0x1E80;
	[sflag:s10] =	ssyncadd.s32 $0xFFFFC000  }
0x152: {  	[spmem:s2] =	stream.indirect.scatter.add.f32 [tilespmem:s7], [sflag:$0x4], $0x80, s16, s6, $0xb8;
	[tilespmem:$0x1D900] =	vst v63  }
0x153: {  	_ =	swait.ge [sflag:s17], $0x4000  }
0x154: {  	[sflag:s17] =	ssyncset.done $0x0  }
0x155: {  	s16 =	simm.s32 $0xF80;
	[sflag:s17] =	ssyncadd.s32 $0xFFFFC000  }
0x156: {  	[tilespmem:s7], [sflag:$0x2] =	stream.indirect.gather [hbm4b:s1+s6], $0x80, s16, s6, $0xb8;
	[tilespmem:$0x1D900] =	vst v63  }
0x157: {  	_ =	swait.ge [sflag:s8], $0x4000  }
0x158: {  	[sflag:s8] =	ssyncset.done $0x0  }
0x159: {  	s16 =	simm.s32 $0x1F00;
	[sflag:s8] =	ssyncadd.s32 $0xFFFFC000  }
0x15a: {  	[spmem:s2] =	stream.indirect.scatter.add.f32 [tilespmem:s31], [sflag:$0x4], $0x80, s16, s6, $0xb8;
	[tilespmem:$0x1D900] =	vst v63  }
0x15b: {  	_ =	swait.ge [sflag:s17], $0x4000  }
0x15c: {  	[sflag:s17] =	ssyncset.done $0x0  }
0x15d: {  	[sflag:s17] =	ssyncadd.s32 $0xFFFFC000  }
0x15e: {  	_ =	swait.ge [sflag:s10], $0x4000  }
0x15f: {  	[sflag:s10] =	ssyncset.done $0x0  }
0x160: {  	s16 =	simm.s32 $0x1F80;
	[sflag:s10] =	ssyncadd.s32 $0xFFFFC000  }
0x161: {  	[spmem:s2] =	stream.indirect.scatter.add.f32 [tilespmem:s7], [sflag:$0x4], $0x80, s16, s6, $0xb8;
	[tilespmem:$0x1D900] =	vst v63  }
0x162: {  	_ =	swait.ge [sflag:s17], $0x4000  }
0x163: {  	[sflag:s17] =	ssyncset.done $0x0  }
0x164: {  	[sflag:s17] =	ssyncadd.s32 $0xFFFFC000  }
0x165: {  	_ =	swait.ge [sflag:s0], $0x800  }
0x166: {  	[sflag:s0] =	ssyncset.done $0x0  }
0x167: {  	[sflag:s0] =	ssyncadd.s32 $0xFFFFF800  }
0x168: {  	_ =	swait.ge [sflag:s0], $0x800  }
0x169: {  	[sflag:s0] =	ssyncset.done $0x0  }
0x16a: {  	s16 =	rddreg [dreg:$0xa];
	[sflag:s0] =	ssyncadd.s32 $0xFFFFF800  }
0x16b: {  	[tilespmem:s5], [sflag:$0x3] =	stream.linear.gather [hbm4b:s16+s3], $0x800, $0x38;
	[tilespmem:$0x1D900] =	vst v63  }
0x16c: {  	s16 =	rddreg [dreg:$0xb]  }
0x16d: {  	[tilespmem:s29], [sflag:$0x3] =	stream.linear.gather [hbm4b:s16+s3], $0x800, $0x38;
	[tilespmem:$0x1D900] =	vst v63  }
0x16e: {  	_ = 	snop  }
0x16f: {  	[tilespmem:s31], [sflag:$0x1] =	stream.indirect.gather [hbm4b:s1+s6], $0x80, s3, s6, $0xb8;
	[tilespmem:$0x1D900] =	vst v63  }
0x170: {  	_ = 	snop  }
0x171: {  	[tilespmem:s7], [sflag:$0x2] =	stream.indirect.gather [hbm4b:s1+s6], $0x80, s6, s6, $0xb8;
	[tilespmem:$0x1D900] =	vst v63  }
0x172: {  	_ =	swait.ge [sflag:s8], $0x4000  }
0x173: {  	[sflag:s8] =	ssyncset.done $0x0  }
0x174: {  	[sflag:s8] =	ssyncadd.s32 $0xFFFFC000  }
0x175: {  	[spmem:s2] =	stream.indirect.scatter.add.f32 [tilespmem:s31], [sflag:$0x4], $0x80, s4, s6, $0xb8;
	[tilespmem:$0x1D900] =	vst v63  }
0x176: {  	_ =	swait.ge [sflag:s17], $0x4000  }
0x177: {  	[sflag:s17] =	ssyncset.done $0x0  }
0x178: {  	s16 =	simm.s32 $0x100;
	[sflag:s17] =	ssyncadd.s32 $0xFFFFC000  }
0x179: {  	[tilespmem:s31], [sflag:$0x1] =	stream.indirect.gather [hbm4b:s1+s6], $0x80, s16, s6, $0xb8;
	[tilespmem:$0x1D900] =	vst v63  }
0x17a: {  	_ =	swait.ge [sflag:s10], $0x4000  }
0x17b: {  	[sflag:s10] =	ssyncset.done $0x0  }
0x17c: {  	s16 =	simm.s32 $0x1080;
	[sflag:s10] =	ssyncadd.s32 $0xFFFFC000  }
0x17d: {  	[spmem:s2] =	stream.indirect.scatter.add.f32 [tilespmem:s7], [sflag:$0x4], $0x80, s16, s6, $0xb8;
	[tilespmem:$0x1D900] =	vst v63  }
0x17e: {  	_ =	swait.ge [sflag:s17], $0x4000  }
0x17f: {  	[sflag:s17] =	ssyncset.done $0x0  }
0x180: {  	s16 =	simm.s32 $0x180;
	[sflag:s17] =	ssyncadd.s32 $0xFFFFC000  }
0x181: {  	[tilespmem:s7], [sflag:$0x2] =	stream.indirect.gather [hbm4b:s1+s6], $0x80, s16, s6, $0xb8;
	[tilespmem:$0x1D900] =	vst v63  }
0x182: {  	_ =	swait.ge [sflag:s8], $0x4000  }
0x183: {  	[sflag:s8] =	ssyncset.done $0x0  }
0x184: {  	s16 =	simm.s32 $0x1100;
	[sflag:s8] =	ssyncadd.s32 $0xFFFFC000  }
0x185: {  	[spmem:s2] =	stream.indirect.scatter.add.f32 [tilespmem:s31], [sflag:$0x4], $0x80, s16, s6, $0xb8;
	[tilespmem:$0x1D900] =	vst v63  }
0x186: {  	_ =	swait.ge [sflag:s17], $0x4000  }
0x187: {  	[sflag:s17] =	ssyncset.done $0x0  }
0x188: {  	s16 =	simm.s32 $0x200;
	[sflag:s17] =	ssyncadd.s32 $0xFFFFC000  }
0x189: {  	[tilespmem:s31], [sflag:$0x1] =	stream.indirect.gather [hbm4b:s1+s6], $0x80, s16, s6, $0xb8;
	[tilespmem:$0x1D900] =	vst v63  }
0x18a: {  	_ =	swait.ge [sflag:s10], $0x4000  }
0x18b: {  	[sflag:s10] =	ssyncset.done $0x0  }
0x18c: {  	s16 =	simm.s32 $0x1180;
	[sflag:s10] =	ssyncadd.s32 $0xFFFFC000  }
0x18d: {  	[spmem:s2] =	stream.indirect.scatter.add.f32 [tilespmem:s7], [sflag:$0x4], $0x80, s16, s6, $0xb8;
	[tilespmem:$0x1D900] =	vst v63  }
0x18e: {  	_ =	swait.ge [sflag:s17], $0x4000  }
0x18f: {  	[sflag:s17] =	ssyncset.done $0x0  }
0x190: {  	s16 =	simm.s32 $0x280;
	[sflag:s17] =	ssyncadd.s32 $0xFFFFC000  }
0x191: {  	[tilespmem:s7], [sflag:$0x2] =	stream.indirect.gather [hbm4b:s1+s6], $0x80, s16, s6, $0xb8;
	[tilespmem:$0x1D900] =	vst v63  }
0x192: {  	_ =	swait.ge [sflag:s8], $0x4000  }
0x193: {  	[sflag:s8] =	ssyncset.done $0x0  }
0x194: {  	s16 =	simm.s32 $0x1200;
	[sflag:s8] =	ssyncadd.s32 $0xFFFFC000  }
0x195: {  	[spmem:s2] =	stream.indirect.scatter.add.f32 [tilespmem:s31], [sflag:$0x4], $0x80, s16, s6, $0xb8;
	[tilespmem:$0x1D900] =	vst v63  }
0x196: {  	_ =	swait.ge [sflag:s17], $0x4000  }
0x197: {  	[sflag:s17] =	ssyncset.done $0x0  }
0x198: {  	s16 =	simm.s32 $0x300;
	[sflag:s17] =	ssyncadd.s32 $0xFFFFC000  }
0x199: {  	[tilespmem:s31], [sflag:$0x1] =	stream.indirect.gather [hbm4b:s1+s6], $0x80, s16, s6, $0xb8;
	[tilespmem:$0x1D900] =	vst v63  }
0x19a: {  	_ =	swait.ge [sflag:s10], $0x4000  }
0x19b: {  	[sflag:s10] =	ssyncset.done $0x0  }
0x19c: {  	s16 =	simm.s32 $0x1280;
	[sflag:s10] =	ssyncadd.s32 $0xFFFFC000  }
0x19d: {  	[spmem:s2] =	stream.indirect.scatter.add.f32 [tilespmem:s7], [sflag:$0x4], $0x80, s16, s6, $0xb8;
	[tilespmem:$0x1D900] =	vst v63  }
0x19e: {  	_ =	swait.ge [sflag:s17], $0x4000  }
0x19f: {  	[sflag:s17] =	ssyncset.done $0x0  }
0x1a0: {  	s16 =	simm.s32 $0x380;
	[sflag:s17] =	ssyncadd.s32 $0xFFFFC000  }
0x1a1: {  	[tilespmem:s7], [sflag:$0x2] =	stream.indirect.gather [hbm4b:s1+s6], $0x80, s16, s6, $0xb8;
	[tilespmem:$0x1D900] =	vst v63  }
0x1a2: {  	_ =	swait.ge [sflag:s8], $0x4000  }
0x1a3: {  	[sflag:s8] =	ssyncset.done $0x0  }
0x1a4: {  	s16 =	simm.s32 $0x1300;
	[sflag:s8] =	ssyncadd.s32 $0xFFFFC000  }
0x1a5: {  	[spmem:s2] =	stream.indirect.scatter.add.f32 [tilespmem:s31], [sflag:$0x4], $0x80, s16, s6, $0xb8;
	[tilespmem:$0x1D900] =	vst v63  }
0x1a6: {  	_ =	swait.ge [sflag:s17], $0x4000  }
0x1a7: {  	[sflag:s17] =	ssyncset.done $0x0  }
0x1a8: {  	s16 =	simm.s32 $0x400;
	[sflag:s17] =	ssyncadd.s32 $0xFFFFC000  }
0x1a9: {  	[tilespmem:s31], [sflag:$0x1] =	stream.indirect.gather [hbm4b:s1+s6], $0x80, s16, s6, $0xb8;
	[tilespmem:$0x1D900] =	vst v63  }
0x1aa: {  	_ =	swait.ge [sflag:s10], $0x4000  }
0x1ab: {  	[sflag:s10] =	ssyncset.done $0x0  }
0x1ac: {  	s16 =	simm.s32 $0x1380;
	[sflag:s10] =	ssyncadd.s32 $0xFFFFC000  }
0x1ad: {  	[spmem:s2] =	stream.indirect.scatter.add.f32 [tilespmem:s7], [sflag:$0x4], $0x80, s16, s6, $0xb8;
	[tilespmem:$0x1D900] =	vst v63  }
0x1ae: {  	_ =	swait.ge [sflag:s17], $0x4000  }
0x1af: {  	[sflag:s17] =	ssyncset.done $0x0  }
0x1b0: {  	s16 =	simm.s32 $0x480;
	[sflag:s17] =	ssyncadd.s32 $0xFFFFC000  }
0x1b1: {  	[tilespmem:s7], [sflag:$0x2] =	stream.indirect.gather [hbm4b:s1+s6], $0x80, s16, s6, $0xb8;
	[tilespmem:$0x1D900] =	vst v63  }
0x1b2: {  	_ =	swait.ge [sflag:s8], $0x4000  }
0x1b3: {  	[sflag:s8] =	ssyncset.done $0x0  }
0x1b4: {  	s16 =	simm.s32 $0x1400;
	[sflag:s8] =	ssyncadd.s32 $0xFFFFC000  }
0x1b5: {  	[spmem:s2] =	stream.indirect.scatter.add.f32 [tilespmem:s31], [sflag:$0x4], $0x80, s16, s6, $0xb8;
	[tilespmem:$0x1D900] =	vst v63  }
0x1b6: {  	_ =	swait.ge [sflag:s17], $0x4000  }
0x1b7: {  	[sflag:s17] =	ssyncset.done $0x0  }
0x1b8: {  	s16 =	simm.s32 $0x500;
	[sflag:s17] =	ssyncadd.s32 $0xFFFFC000  }
0x1b9: {  	[tilespmem:s31], [sflag:$0x1] =	stream.indirect.gather [hbm4b:s1+s6], $0x80, s16, s6, $0xb8;
	[tilespmem:$0x1D900] =	vst v63  }
0x1ba: {  	_ =	swait.ge [sflag:s10], $0x4000  }
0x1bb: {  	[sflag:s10] =	ssyncset.done $0x0  }
0x1bc: {  	s16 =	simm.s32 $0x1480;
	[sflag:s10] =	ssyncadd.s32 $0xFFFFC000  }
0x1bd: {  	[spmem:s2] =	stream.indirect.scatter.add.f32 [tilespmem:s7], [sflag:$0x4], $0x80, s16, s6, $0xb8;
	[tilespmem:$0x1D900] =	vst v63  }
0x1be: {  	_ =	swait.ge [sflag:s17], $0x4000  }
0x1bf: {  	[sflag:s17] =	ssyncset.done $0x0  }
0x1c0: {  	s16 =	simm.s32 $0x580;
	[sflag:s17] =	ssyncadd.s32 $0xFFFFC000  }
0x1c1: {  	[tilespmem:s7], [sflag:$0x2] =	stream.indirect.gather [hbm4b:s1+s6], $0x80, s16, s6, $0xb8;
	[tilespmem:$0x1D900] =	vst v63  }
0x1c2: {  	_ =	swait.ge [sflag:s8], $0x4000  }
0x1c3: {  	[sflag:s8] =	ssyncset.done $0x0  }
0x1c4: {  	s16 =	simm.s32 $0x1500;
	[sflag:s8] =	ssyncadd.s32 $0xFFFFC000  }
0x1c5: {  	[spmem:s2] =	stream.indirect.scatter.add.f32 [tilespmem:s31], [sflag:$0x4], $0x80, s16, s6, $0xb8;
	[tilespmem:$0x1D900] =	vst v63  }
0x1c6: {  	_ =	swait.ge [sflag:s17], $0x4000  }
0x1c7: {  	[sflag:s17] =	ssyncset.done $0x0  }
0x1c8: {  	s16 =	simm.s32 $0x600;
	[sflag:s17] =	ssyncadd.s32 $0xFFFFC000  }
0x1c9: {  	[tilespmem:s31], [sflag:$0x1] =	stream.indirect.gather [hbm4b:s1+s6], $0x80, s16, s6, $0xb8;
	[tilespmem:$0x1D900] =	vst v63  }
0x1ca: {  	_ =	swait.ge [sflag:s10], $0x4000  }
0x1cb: {  	[sflag:s10] =	ssyncset.done $0x0  }
0x1cc: {  	s16 =	simm.s32 $0x1580;
	[sflag:s10] =	ssyncadd.s32 $0xFFFFC000  }
0x1cd: {  	[spmem:s2] =	stream.indirect.scatter.add.f32 [tilespmem:s7], [sflag:$0x4], $0x80, s16, s6, $0xb8;
	[tilespmem:$0x1D900] =	vst v63  }
0x1ce: {  	_ =	swait.ge [sflag:s17], $0x4000  }
0x1cf: {  	[sflag:s17] =	ssyncset.done $0x0  }
0x1d0: {  	s16 =	simm.s32 $0x680;
	[sflag:s17] =	ssyncadd.s32 $0xFFFFC000  }
0x1d1: {  	[tilespmem:s7], [sflag:$0x2] =	stream.indirect.gather [hbm4b:s1+s6], $0x80, s16, s6, $0xb8;
	[tilespmem:$0x1D900] =	vst v63  }
0x1d2: {  	_ =	swait.ge [sflag:s8], $0x4000  }
0x1d3: {  	[sflag:s8] =	ssyncset.done $0x0  }
0x1d4: {  	s16 =	simm.s32 $0x1600;
	[sflag:s8] =	ssyncadd.s32 $0xFFFFC000  }
0x1d5: {  	[spmem:s2] =	stream.indirect.scatter.add.f32 [tilespmem:s31], [sflag:$0x4], $0x80, s16, s6, $0xb8;
	[tilespmem:$0x1D900] =	vst v63  }
0x1d6: {  	_ =	swait.ge [sflag:s17], $0x4000  }
0x1d7: {  	[sflag:s17] =	ssyncset.done $0x0  }
0x1d8: {  	s16 =	simm.s32 $0x700;
	[sflag:s17] =	ssyncadd.s32 $0xFFFFC000  }
0x1d9: {  	[tilespmem:s31], [sflag:$0x1] =	stream.indirect.gather [hbm4b:s1+s6], $0x80, s16, s6, $0xb8;
	[tilespmem:$0x1D900] =	vst v63  }
0x1da: {  	_ =	swait.ge [sflag:s10], $0x4000  }
0x1db: {  	[sflag:s10] =	ssyncset.done $0x0  }
0x1dc: {  	s16 =	simm.s32 $0x1680;
	[sflag:s10] =	ssyncadd.s32 $0xFFFFC000  }
0x1dd: {  	[spmem:s2] =	stream.indirect.scatter.add.f32 [tilespmem:s7], [sflag:$0x4], $0x80, s16, s6, $0xb8;
	[tilespmem:$0x1D900] =	vst v63  }
0x1de: {  	_ =	swait.ge [sflag:s17], $0x4000  }
0x1df: {  	[sflag:s17] =	ssyncset.done $0x0  }
0x1e0: {  	s16 =	simm.s32 $0x780;
	[sflag:s17] =	ssyncadd.s32 $0xFFFFC000  }
0x1e1: {  	[tilespmem:s7], [sflag:$0x2] =	stream.indirect.gather [hbm4b:s1+s6], $0x80, s16, s6, $0xb8;
	[tilespmem:$0x1D900] =	vst v63  }
0x1e2: {  	_ =	swait.ge [sflag:s8], $0x4000  }
0x1e3: {  	[sflag:s8] =	ssyncset.done $0x0  }
0x1e4: {  	s16 =	simm.s32 $0x1700;
	[sflag:s8] =	ssyncadd.s32 $0xFFFFC000  }
0x1e5: {  	[spmem:s2] =	stream.indirect.scatter.add.f32 [tilespmem:s31], [sflag:$0x4], $0x80, s16, s6, $0xb8;
	[tilespmem:$0x1D900] =	vst v63  }
0x1e6: {  	_ =	swait.ge [sflag:s17], $0x4000  }
0x1e7: {  	[sflag:s17] =	ssyncset.done $0x0  }
0x1e8: {  	[sflag:s17] =	ssyncadd.s32 $0xFFFFC000  }
0x1e9: {  	_ =	swait.ge [sflag:s10], $0x4000  }
0x1ea: {  	[sflag:s10] =	ssyncset.done $0x0  }
0x1eb: {  	s16 =	simm.s32 $0x1780;
	[sflag:s10] =	ssyncadd.s32 $0xFFFFC000  }
0x1ec: {  	[spmem:s2] =	stream.indirect.scatter.add.f32 [tilespmem:s7], [sflag:$0x4], $0x80, s16, s6, $0xb8;
	[tilespmem:$0x1D900] =	vst v63  }
0x1ed: {  	_ =	swait.ge [sflag:s17], $0x4000  }
0x1ee: {  	[sflag:s17] =	ssyncset.done $0x0  }
0x1ef: {  	[sflag:s17] =	ssyncadd.s32 $0xFFFFC000  }
0x1f0: {  	_ =	swait.ge [sflag:s0], $0x800  }
0x1f1: {  	[sflag:s0] =	ssyncset.done $0x0  }
0x1f2: {  	[sflag:s0] =	ssyncadd.s32 $0xFFFFF800  }
0x1f3: {  	_ =	swait.ge [sflag:s0], $0x800  }
0x1f4: {  	[sflag:s0] =	ssyncset.done $0x0  }
0x1f5: {  	s16 =	rddreg [dreg:$0xc];
	[sflag:s0] =	ssyncadd.s32 $0xFFFFF800  }
0x1f6: {  	[tilespmem:s3], [sflag:$0x3] =	stream.linear.gather [hbm4b:s16+s3], $0x800, $0x38;
	[tilespmem:$0x1D900] =	vst v63  }
0x1f7: {  	s16 =	rddreg [dreg:$0xd]  }
0x1f8: {  	[tilespmem:s4], [sflag:$0x3] =	stream.linear.gather [hbm4b:s16+s3], $0x800, $0x38;
	[tilespmem:$0x1D900] =	vst v63  }
0x1f9: {  	_ = 	snop  }
0x1fa: {  	[tilespmem:s31], [sflag:$0x1] =	stream.indirect.gather [hbm4b:s1+s6], $0x80, s5, s6, $0xb8;
	[tilespmem:$0x1D900] =	vst v63  }
0x1fb: {  	_ = 	snop  }
0x1fc: {  	[tilespmem:s7], [sflag:$0x2] =	stream.indirect.gather [hbm4b:s1+s6], $0x80, s9, s6, $0xb8;
	[tilespmem:$0x1D900] =	vst v63  }
0x1fd: {  	_ =	swait.ge [sflag:s8], $0x4000  }
0x1fe: {  	[sflag:s8] =	ssyncset.done $0x0  }
0x1ff: {  	[sflag:s8] =	ssyncadd.s32 $0xFFFFC000  }
0x200: {  	[spmem:s2] =	stream.indirect.scatter.add.f32 [tilespmem:s31], [sflag:$0x4], $0x80, s29, s6, $0xb8;
	[tilespmem:$0x1D900] =	vst v63  }
0x201: {  	_ =	swait.ge [sflag:s17], $0x4000  }
0x202: {  	[sflag:s17] =	ssyncset.done $0x0  }
0x203: {  	[sflag:s17] =	ssyncadd.s32 $0xFFFFC000  }
0x204: {  	[tilespmem:s31], [sflag:$0x1] =	stream.indirect.gather [hbm4b:s1+s6], $0x80, s11, s6, $0xb8;
	[tilespmem:$0x1D900] =	vst v63  }
0x205: {  	_ =	swait.ge [sflag:s10], $0x4000  }
0x206: {  	[sflag:s10] =	ssyncset.done $0x0  }
0x207: {  	[sflag:s10] =	ssyncadd.s32 $0xFFFFC000  }
0x208: {  	[spmem:s2] =	stream.indirect.scatter.add.f32 [tilespmem:s7], [sflag:$0x4], $0x80, s12, s6, $0xb8;
	[tilespmem:$0x1D900] =	vst v63  }
0x209: {  	_ =	swait.ge [sflag:s17], $0x4000  }
0x20a: {  	[sflag:s17] =	ssyncset.done $0x0  }
0x20b: {  	[sflag:s17] =	ssyncadd.s32 $0xFFFFC000  }
0x20c: {  	[tilespmem:s7], [sflag:$0x2] =	stream.indirect.gather [hbm4b:s1+s6], $0x80, s14, s6, $0xb8;
	[tilespmem:$0x1D900] =	vst v63  }
0x20d: {  	_ =	swait.ge [sflag:s8], $0x4000  }
0x20e: {  	[sflag:s8] =	ssyncset.done $0x0  }
0x20f: {  	[sflag:s8] =	ssyncadd.s32 $0xFFFFC000  }
0x210: {  	[spmem:s2] =	stream.indirect.scatter.add.f32 [tilespmem:s31], [sflag:$0x4], $0x80, s15, s6, $0xb8;
	[tilespmem:$0x1D900] =	vst v63  }
0x211: {  	_ =	swait.ge [sflag:s17], $0x4000  }
0x212: {  	[sflag:s17] =	ssyncset.done $0x0  }
0x213: {  	[sflag:s17] =	ssyncadd.s32 $0xFFFFC000  }
0x214: {  	[tilespmem:s31], [sflag:$0x1] =	stream.indirect.gather [hbm4b:s1+s6], $0x80, s18, s6, $0xb8;
	[tilespmem:$0x1D900] =	vst v63  }
0x215: {  	_ =	swait.ge [sflag:s10], $0x4000  }
0x216: {  	[sflag:s10] =	ssyncset.done $0x0  }
0x217: {  	[sflag:s10] =	ssyncadd.s32 $0xFFFFC000  }
0x218: {  	[spmem:s2] =	stream.indirect.scatter.add.f32 [tilespmem:s7], [sflag:$0x4], $0x80, s19, s6, $0xb8;
	[tilespmem:$0x1D900] =	vst v63  }
0x219: {  	_ =	swait.ge [sflag:s17], $0x4000  }
0x21a: {  	[sflag:s17] =	ssyncset.done $0x0  }
0x21b: {  	[sflag:s17] =	ssyncadd.s32 $0xFFFFC000  }
0x21c: {  	[tilespmem:s7], [sflag:$0x2] =	stream.indirect.gather [hbm4b:s1+s6], $0x80, s20, s6, $0xb8;
	[tilespmem:$0x1D900] =	vst v63  }
0x21d: {  	_ =	swait.ge [sflag:s8], $0x4000  }
0x21e: {  	[sflag:s8] =	ssyncset.done $0x0  }
0x21f: {  	[sflag:s8] =	ssyncadd.s32 $0xFFFFC000  }
0x220: {  	[spmem:s2] =	stream.indirect.scatter.add.f32 [tilespmem:s31], [sflag:$0x4], $0x80, s21, s6, $0xb8;
	[tilespmem:$0x1D900] =	vst v63  }
0x221: {  	_ =	swait.ge [sflag:s17], $0x4000  }
0x222: {  	[sflag:s17] =	ssyncset.done $0x0  }
0x223: {  	[sflag:s17] =	ssyncadd.s32 $0xFFFFC000  }
0x224: {  	[tilespmem:s31], [sflag:$0x1] =	stream.indirect.gather [hbm4b:s1+s6], $0x80, s22, s6, $0xb8;
	[tilespmem:$0x1D900] =	vst v63  }
0x225: {  	_ =	swait.ge [sflag:s10], $0x4000  }
0x226: {  	[sflag:s10] =	ssyncset.done $0x0  }
0x227: {  	[sflag:s10] =	ssyncadd.s32 $0xFFFFC000  }
0x228: {  	[spmem:s2] =	stream.indirect.scatter.add.f32 [tilespmem:s7], [sflag:$0x4], $0x80, s23, s6, $0xb8;
	[tilespmem:$0x1D900] =	vst v63  }
0x229: {  	_ =	swait.ge [sflag:s17], $0x4000  }
0x22a: {  	[sflag:s17] =	ssyncset.done $0x0  }
0x22b: {  	[sflag:s17] =	ssyncadd.s32 $0xFFFFC000  }
0x22c: {  	[tilespmem:s7], [sflag:$0x2] =	stream.indirect.gather [hbm4b:s1+s6], $0x80, s24, s6, $0xb8;
	[tilespmem:$0x1D900] =	vst v63  }
0x22d: {  	_ =	swait.ge [sflag:s8], $0x4000  }
0x22e: {  	[sflag:s8] =	ssyncset.done $0x0  }
0x22f: {  	[sflag:s8] =	ssyncadd.s32 $0xFFFFC000  }
0x230: {  	[spmem:s2] =	stream.indirect.scatter.add.f32 [tilespmem:s31], [sflag:$0x4], $0x80, s25, s6, $0xb8;
	[tilespmem:$0x1D900] =	vst v63  }
0x231: {  	_ =	swait.ge [sflag:s17], $0x4000  }
0x232: {  	[sflag:s17] =	ssyncset.done $0x0  }
0x233: {  	[sflag:s17] =	ssyncadd.s32 $0xFFFFC000  }
0x234: {  	[tilespmem:s31], [sflag:$0x1] =	stream.indirect.gather [hbm4b:s1+s6], $0x80, s26, s6, $0xb8;
	[tilespmem:$0x1D900] =	vst v63  }
0x235: {  	_ =	swait.ge [sflag:s10], $0x4000  }
0x236: {  	[sflag:s10] =	ssyncset.done $0x0  }
0x237: {  	[sflag:s10] =	ssyncadd.s32 $0xFFFFC000  }
0x238: {  	[spmem:s2] =	stream.indirect.scatter.add.f32 [tilespmem:s7], [sflag:$0x4], $0x80, s28, s6, $0xb8;
	[tilespmem:$0x1D900] =	vst v63  }
0x239: {  	_ =	swait.ge [sflag:s17], $0x4000  }
0x23a: {  	[sflag:s17] =	ssyncset.done $0x0  }
0x23b: {  	[sflag:s17] =	ssyncadd.s32 $0xFFFFC000  }
0x23c: {  	[tilespmem:s7], [sflag:$0x2] =	stream.indirect.gather [hbm4b:s1+s6], $0x80, s30, s6, $0xb8;
	[tilespmem:$0x1D900] =	vst v63  }
0x23d: {  	_ =	swait.ge [sflag:s8], $0x4000  }
0x23e: {  	[sflag:s8] =	ssyncset.done $0x0  }
0x23f: {  	s14 =	simm.s32 $0x1C00;
	[sflag:s8] =	ssyncadd.s32 $0xFFFFC000  }
0x240: {  	[spmem:s2] =	stream.indirect.scatter.add.f32 [tilespmem:s31], [sflag:$0x4], $0x80, s14, s6, $0xb8;
	[tilespmem:$0x1D900] =	vst v63  }
0x241: {  	_ =	swait.ge [sflag:s17], $0x4000  }
0x242: {  	[sflag:s17] =	ssyncset.done $0x0  }
0x243: {  	s15 =	simm.s32 $0xD00;
	[sflag:s17] =	ssyncadd.s32 $0xFFFFC000  }
0x244: {  	[tilespmem:s31], [sflag:$0x1] =	stream.indirect.gather [hbm4b:s1+s6], $0x80, s15, s6, $0xb8;
	[tilespmem:$0x1D900] =	vst v63  }
0x245: {  	_ =	swait.ge [sflag:s10], $0x4000  }
0x246: {  	[sflag:s10] =	ssyncset.done $0x0  }
0x247: {  	s16 =	simm.s32 $0x1C80;
	[sflag:s10] =	ssyncadd.s32 $0xFFFFC000  }
0x248: {  	[spmem:s2] =	stream.indirect.scatter.add.f32 [tilespmem:s7], [sflag:$0x4], $0x80, s16, s6, $0xb8;
	[tilespmem:$0x1D900] =	vst v63  }
0x249: {  	_ =	swait.ge [sflag:s17], $0x4000  }
0x24a: {  	[sflag:s17] =	ssyncset.done $0x0  }
0x24b: {  	s18 =	simm.s32 $0xD80;
	[sflag:s17] =	ssyncadd.s32 $0xFFFFC000  }
0x24c: {  	[tilespmem:s7], [sflag:$0x2] =	stream.indirect.gather [hbm4b:s1+s6], $0x80, s18, s6, $0xb8;
	[tilespmem:$0x1D900] =	vst v63  }
0x24d: {  	_ =	swait.ge [sflag:s8], $0x4000  }
0x24e: {  	[sflag:s8] =	ssyncset.done $0x0  }
0x24f: {  	s19 =	simm.s32 $0x1D00;
	[sflag:s8] =	ssyncadd.s32 $0xFFFFC000  }
0x250: {  	[spmem:s2] =	stream.indirect.scatter.add.f32 [tilespmem:s31], [sflag:$0x4], $0x80, s19, s6, $0xb8;
	[tilespmem:$0x1D900] =	vst v63  }
0x251: {  	_ =	swait.ge [sflag:s17], $0x4000  }
0x252: {  	[sflag:s17] =	ssyncset.done $0x0  }
0x253: {  	s9 =	simm.s32 $0xE00;
	[sflag:s17] =	ssyncadd.s32 $0xFFFFC000  }
0x254: {  	[tilespmem:s31], [sflag:$0x1] =	stream.indirect.gather [hbm4b:s1+s6], $0x80, s9, s6, $0xb8;
	[tilespmem:$0x1D900] =	vst v63  }
0x255: {  	_ =	swait.ge [sflag:s10], $0x4000  }
0x256: {  	[sflag:s10] =	ssyncset.done $0x0  }
0x257: {  	s14 =	simm.s32 $0x1D80;
	[sflag:s10] =	ssyncadd.s32 $0xFFFFC000  }
0x258: {  	[spmem:s2] =	stream.indirect.scatter.add.f32 [tilespmem:s7], [sflag:$0x4], $0x80, s14, s6, $0xb8;
	[tilespmem:$0x1D900] =	vst v63  }
0x259: {  	_ =	swait.ge [sflag:s17], $0x4000  }
0x25a: {  	[sflag:s17] =	ssyncset.done $0x0  }
0x25b: {  	s15 =	simm.s32 $0xE80;
	[sflag:s17] =	ssyncadd.s32 $0xFFFFC000  }
0x25c: {  	[tilespmem:s7], [sflag:$0x2] =	stream.indirect.gather [hbm4b:s1+s6], $0x80, s15, s6, $0xb8;
	[tilespmem:$0x1D900] =	vst v63  }
0x25d: {  	_ =	swait.ge [sflag:s8], $0x4000  }
0x25e: {  	[sflag:s8] =	ssyncset.done $0x0  }
0x25f: {  	s16 =	simm.s32 $0x1E00;
	[sflag:s8] =	ssyncadd.s32 $0xFFFFC000  }
0x260: {  	[spmem:s2] =	stream.indirect.scatter.add.f32 [tilespmem:s31], [sflag:$0x4], $0x80, s16, s6, $0xb8;
	[tilespmem:$0x1D900] =	vst v63  }
0x261: {  	_ =	swait.ge [sflag:s17], $0x4000  }
0x262: {  	[sflag:s17] =	ssyncset.done $0x0  }
0x263: {  	s18 =	simm.s32 $0xF00;
	[sflag:s17] =	ssyncadd.s32 $0xFFFFC000  }
0x264: {  	[tilespmem:s31], [sflag:$0x1] =	stream.indirect.gather [hbm4b:s1+s6], $0x80, s18, s6, $0xb8;
	[tilespmem:$0x1D900] =	vst v63  }
0x265: {  	_ =	swait.ge [sflag:s10], $0x4000  }
0x266: {  	[sflag:s10] =	ssyncset.done $0x0  }
0x267: {  	s19 =	simm.s32 $0x1E80;
	[sflag:s10] =	ssyncadd.s32 $0xFFFFC000  }
0x268: {  	[spmem:s2] =	stream.indirect.scatter.add.f32 [tilespmem:s7], [sflag:$0x4], $0x80, s19, s6, $0xb8;
	[tilespmem:$0x1D900] =	vst v63  }
0x269: {  	_ =	swait.ge [sflag:s17], $0x4000  }
0x26a: {  	[sflag:s17] =	ssyncset.done $0x0  }
0x26b: {  	s9 =	simm.s32 $0xF80;
	[sflag:s17] =	ssyncadd.s32 $0xFFFFC000  }
0x26c: {  	[tilespmem:s7], [sflag:$0x2] =	stream.indirect.gather [hbm4b:s1+s6], $0x80, s9, s6, $0xb8;
	[tilespmem:$0x1D900] =	vst v63  }
0x26d: {  	_ =	swait.ge [sflag:s8], $0x4000  }
0x26e: {  	[sflag:s8] =	ssyncset.done $0x0  }
0x26f: {  	s14 =	simm.s32 $0x1F00;
	[sflag:s8] =	ssyncadd.s32 $0xFFFFC000  }
0x270: {  	[spmem:s2] =	stream.indirect.scatter.add.f32 [tilespmem:s31], [sflag:$0x4], $0x80, s14, s6, $0xb8;
	[tilespmem:$0x1D900] =	vst v63  }
0x271: {  	_ =	swait.ge [sflag:s17], $0x4000  }
0x272: {  	[sflag:s17] =	ssyncset.done $0x0  }
0x273: {  	[sflag:s17] =	ssyncadd.s32 $0xFFFFC000  }
0x274: {  	_ =	swait.ge [sflag:s10], $0x4000  }
0x275: {  	[sflag:s10] =	ssyncset.done $0x0  }
0x276: {  	s15 =	simm.s32 $0x1F80;
	[sflag:s10] =	ssyncadd.s32 $0xFFFFC000  }
0x277: {  	[spmem:s2] =	stream.indirect.scatter.add.f32 [tilespmem:s7], [sflag:$0x4], $0x80, s15, s6, $0xb8;
	[tilespmem:$0x1D900] =	vst v63  }
0x278: {  	_ =	swait.ge [sflag:s17], $0x4000  }
0x279: {  	[sflag:s17] =	ssyncset.done $0x0  }
0x27a: {  	[sflag:s17] =	ssyncadd.s32 $0xFFFFC000  }
0x27b: {  	_ =	swait.ge [sflag:s0], $0x800  }
0x27c: {  	[sflag:s0] =	ssyncset.done $0x0  }
0x27d: {  	[sflag:s0] =	ssyncadd.s32 $0xFFFFF800  }
0x27e: {  	_ =	swait.ge [sflag:s0], $0x800  }
0x27f: {  	[sflag:s0] =	ssyncset.done $0x0  }
0x280: {  	[sflag:s0] =	ssyncadd.s32 $0xFFFFF800  }
0x281: {  	[tilespmem:s31], [sflag:$0x1] =	stream.indirect.gather [hbm4b:s1+s6], $0x80, s3, s6, $0xb8;
	[tilespmem:$0x1D900] =	vst v63  }
0x282: {  	_ = 	snop  }
0x283: {  	[tilespmem:s7], [sflag:$0x2] =	stream.indirect.gather [hbm4b:s1+s6], $0x80, s6, s6, $0xb8;
	[tilespmem:$0x1D900] =	vst v63  }
0x284: {  	_ =	swait.ge [sflag:s8], $0x4000  }
0x285: {  	[sflag:s8] =	ssyncset.done $0x0  }
0x286: {  	s4 =	simm.s32 $0x1000;
	[sflag:s8] =	ssyncadd.s32 $0xFFFFC000  }
0x287: {  	[spmem:s2] =	stream.indirect.scatter.add.f32 [tilespmem:s31], [sflag:$0x4], $0x80, s4, s6, $0xb8;
	[tilespmem:$0x1D900] =	vst v63  }
0x288: {  	_ =	swait.ge [sflag:s17], $0x4000  }
0x289: {  	[sflag:s17] =	ssyncset.done $0x0  }
0x28a: {  	s16 =	simm.s32 $0x100;
	[sflag:s17] =	ssyncadd.s32 $0xFFFFC000  }
0x28b: {  	[tilespmem:s31], [sflag:$0x1] =	stream.indirect.gather [hbm4b:s1+s6], $0x80, s16, s6, $0xb8;
	[tilespmem:$0x1D900] =	vst v63  }
0x28c: {  	_ =	swait.ge [sflag:s10], $0x4000  }
0x28d: {  	[sflag:s10] =	ssyncset.done $0x0  }
0x28e: {  	s18 =	simm.s32 $0x1080;
	[sflag:s10] =	ssyncadd.s32 $0xFFFFC000  }
0x28f: {  	[spmem:s2] =	stream.indirect.scatter.add.f32 [tilespmem:s7], [sflag:$0x4], $0x80, s18, s6, $0xb8;
	[tilespmem:$0x1D900] =	vst v63  }
0x290: {  	_ =	swait.ge [sflag:s17], $0x4000  }
0x291: {  	[sflag:s17] =	ssyncset.done $0x0  }
0x292: {  	s19 =	simm.s32 $0x180;
	[sflag:s17] =	ssyncadd.s32 $0xFFFFC000  }
0x293: {  	[tilespmem:s7], [sflag:$0x2] =	stream.indirect.gather [hbm4b:s1+s6], $0x80, s19, s6, $0xb8;
	[tilespmem:$0x1D900] =	vst v63  }
0x294: {  	_ =	swait.ge [sflag:s8], $0x4000  }
0x295: {  	[sflag:s8] =	ssyncset.done $0x0  }
0x296: {  	s9 =	simm.s32 $0x1100;
	[sflag:s8] =	ssyncadd.s32 $0xFFFFC000  }
0x297: {  	[spmem:s2] =	stream.indirect.scatter.add.f32 [tilespmem:s31], [sflag:$0x4], $0x80, s9, s6, $0xb8;
	[tilespmem:$0x1D900] =	vst v63  }
0x298: {  	_ =	swait.ge [sflag:s17], $0x4000  }
0x299: {  	[sflag:s17] =	ssyncset.done $0x0  }
0x29a: {  	s14 =	simm.s32 $0x200;
	[sflag:s17] =	ssyncadd.s32 $0xFFFFC000  }
0x29b: {  	[tilespmem:s31], [sflag:$0x1] =	stream.indirect.gather [hbm4b:s1+s6], $0x80, s14, s6, $0xb8;
	[tilespmem:$0x1D900] =	vst v63  }
0x29c: {  	_ =	swait.ge [sflag:s10], $0x4000  }
0x29d: {  	[sflag:s10] =	ssyncset.done $0x0  }
0x29e: {  	s15 =	simm.s32 $0x1180;
	[sflag:s10] =	ssyncadd.s32 $0xFFFFC000  }
0x29f: {  	[spmem:s2] =	stream.indirect.scatter.add.f32 [tilespmem:s7], [sflag:$0x4], $0x80, s15, s6, $0xb8;
	[tilespmem:$0x1D900] =	vst v63  }
0x2a0: {  	_ =	swait.ge [sflag:s17], $0x4000  }
0x2a1: {  	[sflag:s17] =	ssyncset.done $0x0  }
0x2a2: {  	s16 =	simm.s32 $0x280;
	[sflag:s17] =	ssyncadd.s32 $0xFFFFC000  }
0x2a3: {  	[tilespmem:s7], [sflag:$0x2] =	stream.indirect.gather [hbm4b:s1+s6], $0x80, s16, s6, $0xb8;
	[tilespmem:$0x1D900] =	vst v63  }
0x2a4: {  	_ =	swait.ge [sflag:s8], $0x4000  }
0x2a5: {  	[sflag:s8] =	ssyncset.done $0x0  }
0x2a6: {  	s18 =	simm.s32 $0x1200;
	[sflag:s8] =	ssyncadd.s32 $0xFFFFC000  }
0x2a7: {  	[spmem:s2] =	stream.indirect.scatter.add.f32 [tilespmem:s31], [sflag:$0x4], $0x80, s18, s6, $0xb8;
	[tilespmem:$0x1D900] =	vst v63  }
0x2a8: {  	_ =	swait.ge [sflag:s17], $0x4000  }
0x2a9: {  	[sflag:s17] =	ssyncset.done $0x0  }
0x2aa: {  	s19 =	simm.s32 $0x300;
	[sflag:s17] =	ssyncadd.s32 $0xFFFFC000  }
0x2ab: {  	[tilespmem:s31], [sflag:$0x1] =	stream.indirect.gather [hbm4b:s1+s6], $0x80, s19, s6, $0xb8;
	[tilespmem:$0x1D900] =	vst v63  }
0x2ac: {  	_ =	swait.ge [sflag:s10], $0x4000  }
0x2ad: {  	[sflag:s10] =	ssyncset.done $0x0  }
0x2ae: {  	s9 =	simm.s32 $0x1280;
	[sflag:s10] =	ssyncadd.s32 $0xFFFFC000  }
0x2af: {  	[spmem:s2] =	stream.indirect.scatter.add.f32 [tilespmem:s7], [sflag:$0x4], $0x80, s9, s6, $0xb8;
	[tilespmem:$0x1D900] =	vst v63  }
0x2b0: {  	_ =	swait.ge [sflag:s17], $0x4000  }
0x2b1: {  	[sflag:s17] =	ssyncset.done $0x0  }
0x2b2: {  	s14 =	simm.s32 $0x380;
	[sflag:s17] =	ssyncadd.s32 $0xFFFFC000  }
0x2b3: {  	[tilespmem:s7], [sflag:$0x2] =	stream.indirect.gather [hbm4b:s1+s6], $0x80, s14, s6, $0xb8;
	[tilespmem:$0x1D900] =	vst v63  }
0x2b4: {  	_ =	swait.ge [sflag:s8], $0x4000  }
0x2b5: {  	[sflag:s8] =	ssyncset.done $0x0  }
0x2b6: {  	s15 =	simm.s32 $0x1300;
	[sflag:s8] =	ssyncadd.s32 $0xFFFFC000  }
0x2b7: {  	[spmem:s2] =	stream.indirect.scatter.add.f32 [tilespmem:s31], [sflag:$0x4], $0x80, s15, s6, $0xb8;
	[tilespmem:$0x1D900] =	vst v63  }
0x2b8: {  	_ =	swait.ge [sflag:s17], $0x4000  }
0x2b9: {  	[sflag:s17] =	ssyncset.done $0x0  }
0x2ba: {  	s16 =	simm.s32 $0x400;
	[sflag:s17] =	ssyncadd.s32 $0xFFFFC000  }
0x2bb: {  	[tilespmem:s31], [sflag:$0x1] =	stream.indirect.gather [hbm4b:s1+s6], $0x80, s16, s6, $0xb8;
	[tilespmem:$0x1D900] =	vst v63  }
0x2bc: {  	_ =	swait.ge [sflag:s10], $0x4000  }
0x2bd: {  	[sflag:s10] =	ssyncset.done $0x0  }
0x2be: {  	s18 =	simm.s32 $0x1380;
	[sflag:s10] =	ssyncadd.s32 $0xFFFFC000  }
0x2bf: {  	[spmem:s2] =	stream.indirect.scatter.add.f32 [tilespmem:s7], [sflag:$0x4], $0x80, s18, s6, $0xb8;
	[tilespmem:$0x1D900] =	vst v63  }
0x2c0: {  	_ =	swait.ge [sflag:s17], $0x4000  }
0x2c1: {  	[sflag:s17] =	ssyncset.done $0x0  }
0x2c2: {  	s19 =	simm.s32 $0x480;
	[sflag:s17] =	ssyncadd.s32 $0xFFFFC000  }
0x2c3: {  	[tilespmem:s7], [sflag:$0x2] =	stream.indirect.gather [hbm4b:s1+s6], $0x80, s19, s6, $0xb8;
	[tilespmem:$0x1D900] =	vst v63  }
0x2c4: {  	_ =	swait.ge [sflag:s8], $0x4000  }
0x2c5: {  	[sflag:s8] =	ssyncset.done $0x0  }
0x2c6: {  	s9 =	simm.s32 $0x1400;
	[sflag:s8] =	ssyncadd.s32 $0xFFFFC000  }
0x2c7: {  	[spmem:s2] =	stream.indirect.scatter.add.f32 [tilespmem:s31], [sflag:$0x4], $0x80, s9, s6, $0xb8;
	[tilespmem:$0x1D900] =	vst v63  }
0x2c8: {  	_ =	swait.ge [sflag:s17], $0x4000  }
0x2c9: {  	[sflag:s17] =	ssyncset.done $0x0  }
0x2ca: {  	s14 =	simm.s32 $0x500;
	[sflag:s17] =	ssyncadd.s32 $0xFFFFC000  }
0x2cb: {  	[tilespmem:s31], [sflag:$0x1] =	stream.indirect.gather [hbm4b:s1+s6], $0x80, s14, s6, $0xb8;
	[tilespmem:$0x1D900] =	vst v63  }
0x2cc: {  	_ =	swait.ge [sflag:s10], $0x4000  }
0x2cd: {  	[sflag:s10] =	ssyncset.done $0x0  }
0x2ce: {  	s15 =	simm.s32 $0x1480;
	[sflag:s10] =	ssyncadd.s32 $0xFFFFC000  }
0x2cf: {  	[spmem:s2] =	stream.indirect.scatter.add.f32 [tilespmem:s7], [sflag:$0x4], $0x80, s15, s6, $0xb8;
	[tilespmem:$0x1D900] =	vst v63  }
0x2d0: {  	_ =	swait.ge [sflag:s17], $0x4000  }
0x2d1: {  	[sflag:s17] =	ssyncset.done $0x0  }
0x2d2: {  	s16 =	simm.s32 $0x580;
	[sflag:s17] =	ssyncadd.s32 $0xFFFFC000  }
0x2d3: {  	[tilespmem:s7], [sflag:$0x2] =	stream.indirect.gather [hbm4b:s1+s6], $0x80, s16, s6, $0xb8;
	[tilespmem:$0x1D900] =	vst v63  }
0x2d4: {  	_ =	swait.ge [sflag:s8], $0x4000  }
0x2d5: {  	[sflag:s8] =	ssyncset.done $0x0  }
0x2d6: {  	s18 =	simm.s32 $0x1500;
	[sflag:s8] =	ssyncadd.s32 $0xFFFFC000  }
0x2d7: {  	[spmem:s2] =	stream.indirect.scatter.add.f32 [tilespmem:s31], [sflag:$0x4], $0x80, s18, s6, $0xb8;
	[tilespmem:$0x1D900] =	vst v63  }
0x2d8: {  	_ =	swait.ge [sflag:s17], $0x4000  }
0x2d9: {  	[sflag:s17] =	ssyncset.done $0x0  }
0x2da: {  	s19 =	simm.s32 $0x600;
	[sflag:s17] =	ssyncadd.s32 $0xFFFFC000  }
0x2db: {  	[tilespmem:s31], [sflag:$0x1] =	stream.indirect.gather [hbm4b:s1+s6], $0x80, s19, s6, $0xb8;
	[tilespmem:$0x1D900] =	vst v63  }
0x2dc: {  	_ =	swait.ge [sflag:s10], $0x4000  }
0x2dd: {  	[sflag:s10] =	ssyncset.done $0x0  }
0x2de: {  	s9 =	simm.s32 $0x1580;
	[sflag:s10] =	ssyncadd.s32 $0xFFFFC000  }
0x2df: {  	[spmem:s2] =	stream.indirect.scatter.add.f32 [tilespmem:s7], [sflag:$0x4], $0x80, s9, s6, $0xb8;
	[tilespmem:$0x1D900] =	vst v63  }
0x2e0: {  	_ =	swait.ge [sflag:s17], $0x4000  }
0x2e1: {  	[sflag:s17] =	ssyncset.done $0x0  }
0x2e2: {  	s14 =	simm.s32 $0x680;
	[sflag:s17] =	ssyncadd.s32 $0xFFFFC000  }
0x2e3: {  	[tilespmem:s7], [sflag:$0x2] =	stream.indirect.gather [hbm4b:s1+s6], $0x80, s14, s6, $0xb8;
	[tilespmem:$0x1D900] =	vst v63  }
0x2e4: {  	_ =	swait.ge [sflag:s8], $0x4000  }
0x2e5: {  	[sflag:s8] =	ssyncset.done $0x0  }
0x2e6: {  	s15 =	simm.s32 $0x1600;
	[sflag:s8] =	ssyncadd.s32 $0xFFFFC000  }
0x2e7: {  	[spmem:s2] =	stream.indirect.scatter.add.f32 [tilespmem:s31], [sflag:$0x4], $0x80, s15, s6, $0xb8;
	[tilespmem:$0x1D900] =	vst v63  }
0x2e8: {  	_ =	swait.ge [sflag:s17], $0x4000  }
0x2e9: {  	[sflag:s17] =	ssyncset.done $0x0  }
0x2ea: {  	s16 =	simm.s32 $0x700;
	[sflag:s17] =	ssyncadd.s32 $0xFFFFC000  }
0x2eb: {  	[tilespmem:s31], [sflag:$0x1] =	stream.indirect.gather [hbm4b:s1+s6], $0x80, s16, s6, $0xb8;
	[tilespmem:$0x1D900] =	vst v63  }
0x2ec: {  	_ =	swait.ge [sflag:s10], $0x4000  }
0x2ed: {  	[sflag:s10] =	ssyncset.done $0x0  }
0x2ee: {  	s18 =	simm.s32 $0x1680;
	[sflag:s10] =	ssyncadd.s32 $0xFFFFC000  }
0x2ef: {  	[spmem:s2] =	stream.indirect.scatter.add.f32 [tilespmem:s7], [sflag:$0x4], $0x80, s18, s6, $0xb8;
	[tilespmem:$0x1D900] =	vst v63  }
0x2f0: {  	_ =	swait.ge [sflag:s17], $0x4000  }
0x2f1: {  	[sflag:s17] =	ssyncset.done $0x0  }
0x2f2: {  	s19 =	simm.s32 $0x780;
	[sflag:s17] =	ssyncadd.s32 $0xFFFFC000  }
0x2f3: {  	[tilespmem:s7], [sflag:$0x2] =	stream.indirect.gather [hbm4b:s1+s6], $0x80, s19, s6, $0xb8;
	[tilespmem:$0x1D900] =	vst v63  }
0x2f4: {  	_ =	swait.ge [sflag:s8], $0x4000  }
0x2f5: {  	[sflag:s8] =	ssyncset.done $0x0  }
0x2f6: {  	s9 =	simm.s32 $0x1700;
	[sflag:s8] =	ssyncadd.s32 $0xFFFFC000  }
0x2f7: {  	[spmem:s2] =	stream.indirect.scatter.add.f32 [tilespmem:s31], [sflag:$0x4], $0x80, s9, s6, $0xb8;
	[tilespmem:$0x1D900] =	vst v63  }
0x2f8: {  	_ =	swait.ge [sflag:s17], $0x4000  }
0x2f9: {  	[sflag:s17] =	ssyncset.done $0x0  }
0x2fa: {  	[sflag:s17] =	ssyncadd.s32 $0xFFFFC000  }
0x2fb: {  	_ =	swait.ge [sflag:s10], $0x4000  }
0x2fc: {  	[sflag:s10] =	ssyncset.done $0x0  }
0x2fd: {  	s14 =	simm.s32 $0x1780;
	[sflag:s10] =	ssyncadd.s32 $0xFFFFC000  }
0x2fe: {  	[spmem:s2] =	stream.indirect.scatter.add.f32 [tilespmem:s7], [sflag:$0x4], $0x80, s14, s6, $0xb8;
	[tilespmem:$0x1D900] =	vst v63  }
0x2ff: {  	_ =	swait.ge [sflag:s17], $0x4000  }
0x300: {  	[sflag:s17] =	ssyncset.done $0x0  }
0x301: {  	[sflag:s17] =	ssyncadd.s32 $0xFFFFC000  }
0x302: {  	s15 =	stileid.u32;
	[bflag:$0x0] =	sbarrier.arrive $0xFFFF  }
0x303: {  	s16 =	sshll.u32 s15, $0x6;
	s18 =	rddreg [dreg:$0x1b]  }
0x304: {  	s16 =	sor.u32 $0x1C04, s16;
	s5 =	rddreg [dreg:$0xe];
	s19 =	sshrl.u32 s18, $0x3  }
0x305: {  	[hbm:s5], [sflag:s16] =	dma.local [spmem:s19], $0x800  }
0x306: {  	_ =	swait.ge [sflag:s17], $0x800  }
0x307: {  	[sflag:s17] =	ssyncset.done $0x0;
	s9 =	rddreg [dreg:$0x17]  }
0x308: {  	s15 =	rddreg [dreg:$0xf];
	[sflag:s17] =	ssyncadd.s32 $0xFFFFF800;
	s14 =	sshrl.u32 s9, $0x3  }
0x309: {  	[hbm:s15], [sflag:s16] =	dma.local [spmem:s14], $0x800  }
0x30a: {  	_ =	swait.ge [sflag:s17], $0x800  }
0x30b: {  	[sflag:s17] =	ssyncset.done $0x0;
	s18 =	rddreg [dreg:$0x18]  }
0x30c: {  	s5 =	rddreg [dreg:$0x10];
	[sflag:s17] =	ssyncadd.s32 $0xFFFFF800;
	s19 =	sshrl.u32 s18, $0x3  }
0x30d: {  	[hbm:s5], [sflag:s16] =	dma.local [spmem:s19], $0x800  }
0x30e: {  	_ =	swait.ge [sflag:s17], $0x800  }
0x30f: {  	[sflag:s17] =	ssyncset.done $0x0;
	s9 =	rddreg [dreg:$0x19]  }
0x310: {  	s15 =	rddreg [dreg:$0x11];
	[sflag:s17] =	ssyncadd.s32 $0xFFFFF800;
	s14 =	sshrl.u32 s9, $0x3  }
0x311: {  	[hbm:s15], [sflag:s16] =	dma.local [spmem:s14], $0x800  }
0x312: {  	_ =	swait.ge [sflag:s17], $0x800  }
0x313: {  	s5 =	rddreg [dreg:$0x1a]  }
0x314: {  	[sflag:s17] =	ssyncset.done $0x0;
	s19 =	rddreg [dreg:$0x13]  }
0x315: {  	[sflag:s17] =	ssyncadd.s32 $0xFFFFF800;
	s18 =	sshrl.u32 @p0 s5, $0x3;
	s5 =	simm.s32 @p0 $0x4  }
0x316: {  	[hbm:s19], [sflag:s16] =	dma.local @p0 [spmem:s18], $0x80  }
0x317: {  	_ =	swait.ge @p0 [sflag:s5], $0x80  }
0x318: {  	[sflag:s5] =	ssyncset.done @p0 $0x0;
	s15 =	rddreg [dreg:$0x12]  }
0x319: {  	s18 =	rddreg [dreg:$0x15];
	[sflag:s5] =	ssyncadd.s32 @p0 $0xFFFFFF80;
	s5 =	simm.s32 @!p0 $0x4  }
0x31a: {  	[hbm:s15], [sflag:s16] =	dma.local @!p0 [spmem:s18], $0x780  }
0x31b: {  	_ =	swait.ge @!p0 [sflag:s5], $0x780  }
0x31c: {  	s13 =	sadd.s32 $0x1, s13;
	s19 =	rddreg [dreg:$0x14]  }
0x31d: {  	p1 =	sne.s32 s13, s19  }
.Ltmp1:
0x31e: {  	_ = 	snop;
	(pc) =	sbr.rel @p1 .LBB2_1-.Ltmp1, $3  }
0x31f: {  	_ =	sdelay $0x1  }
0x320: {  	[sflag:s5] =	ssyncset.done @!p0 $0x0;
	s5 =	simm.s32 @!p0 $0x4  }
0x321: {  	[sflag:s5] =	ssyncadd.s32 @!p0 $0xFFFFF880  }
0x322: {  	_ =	sfence.sel $0x180000  }
0x323: {  	[bflag:$0x0] =	sbarrier.arrive $0xFFFF  }
0x324: {  	_ =	strace $0x90000047  }
0x325: {  	s0 =	stileid.u32;
	[bflag:$0x2] =	sbarrier.arrive $0xFFFF  }
0x326: {  	p0 =	sne.s32 s0, $0x0;
	s0 =	rddreg [dreg:$0x3]  }
0x327: {  	s0 =	sadd.s32 @!p0 $0x100000, s0  }
0x328: {  	[sflag:s0] =	ssyncadd.tile.s32 @!p0 $0x1;
	_ =	shalt  }
.Lfunc_end2:
_tile_overlayer_lowered:
.L_overlay_start_2:
0x329: {  	(tag) =	ssettag $0x2  }
0x32a: {  	s0 =	rddreg [dreg:$0x0];
	s2 =	stileid.u32  }
0x32b: {  	s1 =	rddreg [dreg:$0x1];
	p0 =	sne.s32 s2, $0x0  }
0x32c: {  	s3 =	rddreg [dreg:$0x2];
	[bflag:$0x3] =	sbarrier.arrive $0xFFFF;
	s2 =	simm.s32 @!p0 $0x1C04  }
0x32d: {  	[timem:s3], [sflag:s2] =	dma.local @!p0 [hbm:s0], s1  }
0x32e: {  	s0 =	simm.s32 @!p0 $0x4  }
0x32f: {  	_ =	swait.ge @!p0 [sflag:s0], s1  }
0x330: {  	s1 =	ssub.s32 @!p0 $0x0, s1;
	[sflag:s0] =	ssyncset.done @!p0 $0x0  }
0x331: {  	[sflag:s0] =	ssyncadd.s32 @!p0 s1  }
0x332: {  	[bflag:$0x3] =	sbarrier.arrive $0xFFFF  }
0x333: {  	_ =	shalt  }

</sc_bundles>
